<compile_context>
chip_gen: v7x
topology: tpu7x:2x2x1
jax: 0.10.2.dev20260603
libtpu: 0.0.44.dev20260713+nightly
codegen_flags: <defaults>
</compile_context>

<pallas_src>
import functools

import jax
import jax.numpy as jnp
from jax import lax
from jax.experimental import pallas as pl
from jax.experimental.pallas import tpu as pltpu
from jax.experimental.pallas import tpu_sc as plsc

_EPS = 1e-5

_NC = 2
_NS = 16
_NW = _NC * _NS
_CH = 80
_RPT = 632
_BT = 1000

_HI = lax.Precision.HIGHEST


def _tile_copy(s, src_at, dst_at, n):
    tail = n - (_NS - 1) * _RPT

    @pl.when(s < _NS - 1)
    def _():
        pltpu.sync_copy(src_at(s * _RPT, _RPT), dst_at(s * _RPT, _RPT))

    @pl.when(s == _NS - 1)
    def _():
        pltpu.sync_copy(src_at((_NS - 1) * _RPT, tail),
                        dst_at((_NS - 1) * _RPT, tail))


def _make_agg(n, e, d):
    epw = e // _NW
    nch = epw // _CH
    mesh = plsc.VectorSubcoreMesh(core_axis_name="c", subcore_axis_name="s")

    @functools.partial(
        pl.kernel,
        mesh=mesh,
        out_type=jax.ShapeDtypeStruct((_NC * n, d), jnp.float32),
        scratch_types=[
            pltpu.VMEM((epw,), jnp.int32),
            pltpu.VMEM((nch, _CH), jnp.int32),
            pltpu.VMEM((_CH, d), jnp.float32),
            pltpu.VMEM((_CH, d), jnp.float32),
            pltpu.VMEM_SHARED((n, d), jnp.float32),
            pltpu.SemaphoreType.DMA,
            pltpu.SemaphoreType.DMA,
        ],
    )
    def agg(table_hbm, pk_hbm, out_hbm,
            si_v, di_v, rows0, rows1, acc_sh, sem0, sem1):
        c = lax.axis_index("c")
        s = lax.axis_index("s")
        w = c * _NS + s
        pltpu.sync_copy(pk_hbm.at[pl.ds(w * epw, epw)], si_v)

        def unrow(r, carry):
            for j in range(_CH // 16):
                off = r * _CH + 16 * j
                v = si_v[pl.ds(off, 16)]
                di_v[r, pl.ds(16 * j, 16)] = lax.shift_right_logical(v, 14)
                si_v[pl.ds(off, 16)] = lax.bitwise_and(v, 16383)
            return carry

        lax.fori_loop(0, nch, unrow, 0)

        z16 = jnp.zeros((16,), jnp.float32)

        def zrow(r, carry):
            for j in range(d // 16):
                rows0[r, pl.ds(16 * j, 16)] = z16
            return carry

        lax.fori_loop(0, _CH, zrow, 0)
        base_r = s * _RPT

        @pl.when(s < _NS - 1)
        def _():
            for m in range(_RPT // _CH):
                pltpu.sync_copy(rows0, acc_sh.at[pl.ds(base_r + m * _CH, _CH)])
            rem = _RPT % _CH
            if rem:
                pltpu.sync_copy(rows0.at[pl.ds(0, rem)],
                                acc_sh.at[pl.ds(base_r + _RPT - rem, rem)])

        @pl.when(s == _NS - 1)
        def _():
            tail = n - (_NS - 1) * _RPT
            for m in range(tail // _CH):
                pltpu.sync_copy(rows0, acc_sh.at[pl.ds(base_r + m * _CH, _CH)])
            rem = tail % _CH
            if rem:
                pltpu.sync_copy(rows0.at[pl.ds(0, rem)],
                                acc_sh.at[pl.ds(base_r + tail - rem, rem)])

        plsc.subcore_barrier()

        def start(k, buf, sem):
            pltpu.async_copy(table_hbm.at[si_v.at[pl.ds(k * _CH, _CH)]],
                             buf, sem)

        def wait(buf, sem):
            pltpu.make_async_copy(table_hbm.at[pl.ds(0, _CH)], buf, sem).wait()

        def scatter(k, buf):
            pltpu.sync_copy(buf, acc_sh.at[di_v.at[k]], add=True)

        start(0, rows0, sem0)

        def body(i, carry):
            k0 = 2 * i
            start(k0 + 1, rows1, sem1)
            wait(rows0, sem0)
            scatter(k0, rows0)
            start(k0 + 2, rows0, sem0)
            wait(rows1, sem1)
            scatter(k0 + 1, rows1)
            return carry

        lax.fori_loop(0, (nch - 1) // 2, body, 0)
        wait(rows0, sem0)
        scatter(nch - 1, rows0)
        plsc.subcore_barrier()
        _tile_copy(s, lambda o, l: acc_sh.at[pl.ds(o, l)],
                   lambda o, l: out_hbm.at[pl.ds(c * n + o, l)], n)

    return agg


def _make_count(n, e):
    epw = e // _NW
    nch = epw // _CH
    mesh = plsc.VectorSubcoreMesh(core_axis_name="c", subcore_axis_name="s")

    @functools.partial(
        pl.kernel,
        mesh=mesh,
        out_type=jax.ShapeDtypeStruct((_NC * n, 128), jnp.float32),
        scratch_types=[
            pltpu.VMEM((_CH,), jnp.int32),
            pltpu.VMEM((_CH, 128), jnp.float32),
            pltpu.VMEM_SHARED((n, 128), jnp.float32),
        ],
    )
    def cnt_k(dst_hbm, ones_hbm, zero_hbm, out_hbm, dst_v, ones_v, acc_sh):
        c = lax.axis_index("c")
        s = lax.axis_index("s")
        pltpu.sync_copy(ones_hbm, ones_v)
        _tile_copy(s, lambda o, l: zero_hbm.at[pl.ds(0, l)],
                   lambda o, l: acc_sh.at[pl.ds(o, l)], n)
        plsc.subcore_barrier()
        base = (c * _NS + s) * epw

        def body(i, carry):
            off = base + i * _CH
            pltpu.sync_copy(dst_hbm.at[pl.ds(off, _CH)], dst_v)
            pltpu.sync_copy(ones_v, acc_sh.at[dst_v], add=True)
            return carry

        lax.fori_loop(0, nch, body, 0)
        plsc.subcore_barrier()
        _tile_copy(s, lambda o, l: acc_sh.at[pl.ds(o, l)],
                   lambda o, l: out_hbm.at[pl.ds(c * n + o, l)], n)

    return cnt_k


def _tc_inv(cnt_ref, inv_ref):
    c = cnt_ref[0, :, 0:1] + cnt_ref[1, :, 0:1]
    inv_ref[...] = 1.0 / jnp.maximum(c, 1.0)


def _prep_inv(cntp, n):
    c3 = cntp.reshape(2, n, 128)
    return pl.pallas_call(
        _tc_inv,
        grid=(n // _BT,),
        in_specs=[pl.BlockSpec((2, _BT, 128), lambda i: (0, i, 0))],
        out_specs=pl.BlockSpec((_BT, 1), lambda i: (i, 0)),
        out_shape=jax.ShapeDtypeStruct((n, 1), jnp.float32),
    )(c3)


def _tc_mm(p_ref, inv_ref, h_ref, wl_ref, wr_ref, b_ref, u_ref, st_ref):
    i = pl.program_id(0)
    a = (p_ref[0] + p_ref[1]) * inv_ref[...]
    t = (jnp.dot(a, wl_ref[...], preferred_element_type=jnp.float32,
                 precision=_HI)
         + jnp.dot(h_ref[...], wr_ref[...], preferred_element_type=jnp.float32,
                   precision=_HI)
         + b_ref[...])
    t = jnp.maximum(t, 0.0)
    u_ref[...] = t
    s1 = jnp.sum(t, axis=0, keepdims=True)
    s2 = jnp.sum(t * t, axis=0, keepdims=True)

    @pl.when(i == 0)
    def _():
        st_ref[0:1, :] = s1
        st_ref[1:2, :] = s2

    @pl.when(i > 0)
    def _():
        st_ref[0:1, :] = st_ref[0:1, :] + s1
        st_ref[1:2, :] = st_ref[1:2, :] + s2


def _make_tc_bn(n):
    inv_n = 1.0 / n

    def _tc_bn(u_ref, st_ref, g_ref, be_ref, o_ref):
        m = st_ref[0:1, :] * inv_n
        v = st_ref[1:2, :] * inv_n - m * m
        o_ref[...] = ((u_ref[...] - m) / jnp.sqrt(v + _EPS) * g_ref[...]
                      + be_ref[...])

    return _tc_bn


def _tc_fin(p_ref, inv_ref, h_ref, wl_ref, wr_ref, b_ref, o_ref):
    a = (p_ref[0] + p_ref[1]) * inv_ref[...]
    t = (jnp.dot(a, wl_ref[...], preferred_element_type=jnp.float32,
                 precision=_HI)
         + jnp.dot(h_ref[...], wr_ref[...], preferred_element_type=jnp.float32,
                   precision=_HI)
         + b_ref[...])
    t = t - jnp.max(t, axis=1, keepdims=True)
    o_ref[...] = t - jnp.log(jnp.sum(jnp.exp(t), axis=1, keepdims=True))


def _dense_hidden(p, inv, h, wl, wr, b, g, be):
    n, d = h.shape
    nb = n // _BT
    p3 = p.reshape(2, n, d)
    u, st = pl.pallas_call(
        _tc_mm,
        grid=(nb,),
        in_specs=[
            pl.BlockSpec((2, _BT, d), lambda i: (0, i, 0)),
            pl.BlockSpec((_BT, 1), lambda i: (i, 0)),
            pl.BlockSpec((_BT, d), lambda i: (i, 0)),
            pl.BlockSpec((d, d), lambda i: (0, 0)),
            pl.BlockSpec((d, d), lambda i: (0, 0)),
            pl.BlockSpec((1, d), lambda i: (0, 0)),
        ],
        out_specs=[
            pl.BlockSpec((_BT, d), lambda i: (i, 0)),
            pl.BlockSpec((8, d), lambda i: (0, 0)),
        ],
        out_shape=[
            jax.ShapeDtypeStruct((n, d), jnp.float32),
            jax.ShapeDtypeStruct((8, d), jnp.float32),
        ],
    )(p3, inv, h, wl, wr, b.reshape(1, -1))
    return pl.pallas_call(
        _make_tc_bn(n),
        grid=(nb,),
        in_specs=[
            pl.BlockSpec((_BT, d), lambda i: (i, 0)),
            pl.BlockSpec((8, d), lambda i: (0, 0)),
            pl.BlockSpec((1, d), lambda i: (0, 0)),
            pl.BlockSpec((1, d), lambda i: (0, 0)),
        ],
        out_specs=pl.BlockSpec((_BT, d), lambda i: (i, 0)),
        out_shape=jax.ShapeDtypeStruct((n, d), jnp.float32),
    )(u, st, g.reshape(1, -1), be.reshape(1, -1))


def _dense_final(p, inv, h, wl, wr, b):
    n, d = h.shape
    cc = wl.shape[1]
    nb = n // _BT
    p3 = p.reshape(2, n, d)
    return pl.pallas_call(
        _tc_fin,
        grid=(nb,),
        in_specs=[
            pl.BlockSpec((2, _BT, d), lambda i: (0, i, 0)),
            pl.BlockSpec((_BT, 1), lambda i: (i, 0)),
            pl.BlockSpec((_BT, d), lambda i: (i, 0)),
            pl.BlockSpec((d, cc), lambda i: (0, 0)),
            pl.BlockSpec((d, cc), lambda i: (0, 0)),
            pl.BlockSpec((1, cc), lambda i: (0, 0)),
        ],
        out_specs=pl.BlockSpec((_BT, cc), lambda i: (i, 0)),
        out_shape=jax.ShapeDtypeStruct((n, cc), jnp.float32),
    )(p3, inv, h, wl, wr, b.reshape(1, -1))


def kernel(x, edge_index, layer_idx, Wlp, Wrp, bp, g_top, b_top,
           Wl0, Wr0, bb0, g0, be0,
           Wl1, Wr1, bb1, g1, be1,
           Wl2, Wr2, bb2, g2, be2,
           Wlf, Wrf, bf):
    n, d = x.shape
    e = edge_index.shape[1]
    src = edge_index[0].astype(jnp.int32)
    dst = edge_index[1].astype(jnp.int32)

    zero_d = jnp.zeros((_RPT, d), jnp.float32)
    ones_c = jnp.ones((_CH, 128), jnp.float32)

    agg = _make_agg(n, e, d)
    cntp = _make_count(n, e)(dst, ones_c, zero_d)
    inv = _prep_inv(cntp, n)

    pk3 = (dst << 14) | src

    p = agg(x, pk3)
    h = _dense_hidden(p, inv, x, Wlp, Wrp, bp, g_top, b_top)
    for i, (wl, wr, bb, g, be) in enumerate([
            (Wl0, Wr0, bb0, g0, be0),
            (Wl1, Wr1, bb1, g1, be1),
            (Wl2, Wr2, bb2, g2, be2)]):
        p = agg(h, pk3)
        h_new = _dense_hidden(p, inv, h, wl, wr, bb, g, be)
        h = jnp.where(jnp.asarray(i, jnp.int32) <= layer_idx, h_new, h)

    p = agg(h, pk3)
    return _dense_final(p, inv, h, Wlf, Wrf, bf)

# --- scband reference (transcript-rebuilt; emitter-appended) ---
"""Pipeline reference for scband-gsage-inc-6073083756548 (READ-ONLY COPY).

The authoritative reference and input builder live on the scoring server;
editing this copy changes nothing except your own understanding.
"""

import jax, jax.numpy as jnp
import numpy as np

N = 10000
E = 320000
D = 128
C = 40
EPS = 1e-5


def _sage(x, src, dst, Wl, Wr, b):
    # SAGEConv with mean aggregation: out = mean_neighbors(x) @ Wl + x @ Wr + b
    msg = x[src]
    agg = jax.ops.segment_sum(msg, dst, num_segments=x.shape[0])
    cnt = jax.ops.segment_sum(jnp.ones(src.shape, x.dtype), dst, num_segments=x.shape[0])
    agg = agg / jnp.maximum(cnt, 1.0)[:, None]
    return agg @ Wl + x @ Wr + b


def _bnorm(x, g, b):
    m = jnp.mean(x, axis=0)
    v = jnp.var(x, axis=0)
    return (x - m) / jnp.sqrt(v + EPS) * g + b


def setup_inputs(seed: int = 0) -> dict:
    key = jax.random.key(seed)
    ks = [jax.random.fold_in(key, i) for i in range(64)]
    inp = {}
    inp['x'] = jax.random.normal(ks[0], (N, D), dtype=jnp.float32)
    inp['edge_index'] = jax.random.randint(ks[1], (2, E), 0, N)
    inp['layer_idx'] = 2
    s = 0.05
    # proj layer
    inp['Wlp'] = jax.random.normal(ks[2], (D, D), dtype=jnp.float32) * s
    inp['Wrp'] = jax.random.normal(ks[3], (D, D), dtype=jnp.float32) * s
    inp['bp'] = jnp.zeros((D,), dtype=jnp.float32)
    inp['g_top'] = jnp.ones((D,), dtype=jnp.float32)
    inp['b_top'] = jnp.zeros((D,), dtype=jnp.float32)
    # 3 hidden GSageSubModules
    for l in range(3):
        inp[f'Wl{l}'] = jax.random.normal(ks[4 + 4 * l], (D, D), dtype=jnp.float32) * s
        inp[f'Wr{l}'] = jax.random.normal(ks[5 + 4 * l], (D, D), dtype=jnp.float32) * s
        inp[f'bb{l}'] = jnp.zeros((D,), dtype=jnp.float32)
        inp[f'g{l}'] = jnp.ones((D,), dtype=jnp.float32)
        inp[f'be{l}'] = jnp.zeros((D,), dtype=jnp.float32)
    # final layer
    inp['Wlf'] = jax.random.normal(ks[20], (D, C), dtype=jnp.float32) * s
    inp['Wrf'] = jax.random.normal(ks[21], (D, C), dtype=jnp.float32) * s
    inp['bf'] = jnp.zeros((C,), dtype=jnp.float32)
    return inp


def reference(x, edge_index, layer_idx, Wlp, Wrp, bp, g_top, b_top,
              Wl0, Wr0, bb0, g0, be0,
              Wl1, Wr1, bb1, g1, be1,
              Wl2, Wr2, bb2, g2, be2,
              Wlf, Wrf, bf):
    src = edge_index[0]
    dst = edge_index[1]
    h = _sage(x, src, dst, Wlp, Wrp, bp)
    h = jax.nn.relu(h)
    h = _bnorm(h, g_top, b_top)
    layers = [(Wl0, Wr0, bb0, g0, be0), (Wl1, Wr1, bb1, g1, be1), (Wl2, Wr2, bb2, g2, be2)]
    for idx, (Wl, Wr, bb, g, be) in enumerate(layers):
        h_new = _sage(h, src, dst, Wl, Wr, bb)
        h_new = jax.nn.relu(h_new)
        h_new = _bnorm(h_new, g, be)
        h = jnp.where(idx <= layer_idx, h_new, h)
    out = _sage(h, src, dst, Wlf, Wrf, bf)
    return jax.nn.log_softmax(out, axis=1)

if __name__ == "__main__":
    import jax
    _d = setup_inputs()
    print(jax.jit(kernel)(*tuple(_d.values())))

</pallas_src>

<mosaic_0001>
#map = affine_map<(d0, d1) -> (0, 0)>
#map1 = affine_map<(d0, d1) -> (0)>
module attributes {stable_mosaic.version = 14 : i64} {
  func.func @agg(%arg0: i32, %arg1: i32, %arg2: memref<10000x128xf32, #tpu.memory_space<hbm>>, %arg3: memref<320000xi32, #tpu.memory_space<hbm>>, %arg4: memref<20000x128xf32, #tpu.memory_space<hbm>>, %arg5: memref<10000xi32, #tpu.memory_space<vmem>>, %arg6: memref<125x80xi32, #tpu.memory_space<vmem>>, %arg7: memref<80x128xf32, #tpu.memory_space<vmem>>, %arg8: memref<80x128xf32, #tpu.memory_space<vmem>>, %arg9: memref<10000x128xf32, #tpu.memory_space<vmem_shared>>, %arg10: memref<!tpu.dma_semaphore, #tpu.memory_space<semaphore_mem>>, %arg11: memref<!tpu.dma_semaphore, #tpu.memory_space<semaphore_mem>>) attributes {dimension_semantics = [#tpu.dimension_semantics<core_parallel>, #tpu.dimension_semantics<subcore_parallel>], iteration_bounds = array<i64: 2, 16>, scalar_prefetch = 0 : i64, scratch_operands = 7 : i64, tpu.core_type = #tpu.core_type<sc_vector_subcore>, window_params = [{transform_indices = #map}, {transform_indices = #map1}, {transform_indices = #map}]} {
    %mul3A = arith.constant 16 : i32
    %mul3A_0 = arith.muli %arg0, %mul3A : i32
    %add3A = arith.addi %mul3A_0, %arg1 : i32
    %mul3A_1 = arith.constant 10000 : i32
    %mul3A_2 = arith.muli %add3A, %mul3A_1 : i32
    "tpu.region"() ({
      %run_scoped3A_49 = tpu.sem_alloc : memref<!tpu.dma_semaphore, #tpu.memory_space<semaphore_mem>>
      %dma_start3A_50 = tpu.memref_slice %arg3[%mul3A_2] : memref<320000xi32, #tpu.memory_space<hbm>> -> memref<10000xi32, #tpu.memory_space<hbm>>
      %dma_start3A_51 = tpu.memref_slice %arg3[%mul3A_2] : memref<320000xi32, #tpu.memory_space<hbm>> -> memref<10000xi32, #tpu.memory_space<hbm>>
      tpu.enqueue_dma source(%dma_start3A_51 : memref<10000xi32, #tpu.memory_space<hbm>>) target(%arg5 : memref<10000xi32, #tpu.memory_space<vmem>>) target_semaphore(%run_scoped3A_49 : memref<!tpu.dma_semaphore, #tpu.memory_space<semaphore_mem>>)
      %dma_wait3A_52 = tpu.memref_slice %arg3[%mul3A_2] : memref<320000xi32, #tpu.memory_space<hbm>> -> memref<10000xi32, #tpu.memory_space<hbm>>
      %dma_wait3A_53 = tpu.memref_slice %arg3[%mul3A_2] : memref<320000xi32, #tpu.memory_space<hbm>> -> memref<10000xi32, #tpu.memory_space<hbm>>
      tpu.wait_dma2 semaphore(%run_scoped3A_49 : memref<!tpu.dma_semaphore, #tpu.memory_space<semaphore_mem>>) src(%dma_wait3A_53 : memref<10000xi32, #tpu.memory_space<hbm>>) dst(%arg5 : memref<10000xi32, #tpu.memory_space<vmem>>)
      tpu.yield
    }) : () -> ()
    %scan3A = arith.constant 0 : i32
    %scan3A_3 = arith.constant 0 : i32
    %scan3A_4 = arith.constant 125 : i32
    %scan3A_5 = arith.addi %scan3A_3, %scan3A_4 : i32
    %scan3A_6 = arith.constant 1 : i32
    scf.for %scan3A_49 = %scan3A_3 to %scan3A_5 step %scan3A_6  : i32 {
      %mul3A_50 = arith.constant 80 : i32
      %mul3A_51 = arith.muli %scan3A_49, %mul3A_50 : i32
      %add3A_52 = arith.constant 0 : i32
      %add3A_53 = arith.addi %mul3A_51, %add3A_52 : i32
      %get3A = arith.index_cast %add3A_53 : i32 to index
      %get3A_54 = tpu.vector_load %arg5[%get3A] {strides = array<i32>} : memref<10000xi32, #tpu.memory_space<vmem>>, vector<16xi32>,
      %get3A_55 = vector.shape_cast %get3A_54 : vector<16xi32> to vector<16xi32>
      %shift_right_logical3A = arith.constant 14 : i32
      %shift_right_logical3A_56 = vector.broadcast %shift_right_logical3A : i32 to vector<16xi32>
      %shift_right_logical3A_57 = arith.shrui %get3A_55, %shift_right_logical3A_56 : vector<16xi32>
      %swap3A = arith.index_cast %scan3A_49 : i32 to index
      %swap3A_58 = arith.constant 0 : index
      %swap3A_59 = tpu.vector_load %arg6[%swap3A, %swap3A_58] {strides = array<i32>} : memref<125x80xi32, #tpu.memory_space<vmem>>, vector<1x16xi32>,
      %swap3A_60 = vector.shape_cast %swap3A_59 : vector<1x16xi32> to vector<16xi32>
      %swap3A_61 = vector.shape_cast %shift_right_logical3A_57 : vector<16xi32> to vector<1x16xi32>
      tpu.vector_store %arg6[%swap3A, %swap3A_58], %swap3A_61 {strides = array<i32>} : memref<125x80xi32, #tpu.memory_space<vmem>>, vector<1x16xi32>,
      %and3A = arith.constant 16383 : i32
      %and3A_62 = vector.broadcast %and3A : i32 to vector<16xi32>
      %and3A_63 = arith.andi %get3A_55, %and3A_62 : vector<16xi32>
      %swap3A_64 = arith.index_cast %add3A_53 : i32 to index
      %swap3A_65 = tpu.vector_load %arg5[%swap3A_64] {strides = array<i32>} : memref<10000xi32, #tpu.memory_space<vmem>>, vector<16xi32>,
      %swap3A_66 = vector.shape_cast %swap3A_65 : vector<16xi32> to vector<16xi32>
      %swap3A_67 = vector.shape_cast %and3A_63 : vector<16xi32> to vector<16xi32>
      tpu.vector_store %arg5[%swap3A_64], %swap3A_67 {strides = array<i32>} : memref<10000xi32, #tpu.memory_space<vmem>>, vector<16xi32>,
      %mul3A_68 = arith.constant 80 : i32
      %mul3A_69 = arith.muli %scan3A_49, %mul3A_68 : i32
      %add3A_70 = arith.constant 16 : i32
      %add3A_71 = arith.addi %mul3A_69, %add3A_70 : i32
      %get3A_72 = arith.index_cast %add3A_71 : i32 to index
      %get3A_73 = tpu.vector_load %arg5[%get3A_72] {strides = array<i32>} : memref<10000xi32, #tpu.memory_space<vmem>>, vector<16xi32>,
      %get3A_74 = vector.shape_cast %get3A_73 : vector<16xi32> to vector<16xi32>
      %shift_right_logical3A_75 = arith.constant 14 : i32
      %shift_right_logical3A_76 = vector.broadcast %shift_right_logical3A_75 : i32 to vector<16xi32>
      %shift_right_logical3A_77 = arith.shrui %get3A_74, %shift_right_logical3A_76 : vector<16xi32>
      %swap3A_78 = arith.index_cast %scan3A_49 : i32 to index
      %swap3A_79 = arith.constant 16 : index
      %swap3A_80 = tpu.vector_load %arg6[%swap3A_78, %swap3A_79] {strides = array<i32>} : memref<125x80xi32, #tpu.memory_space<vmem>>, vector<1x16xi32>,
      %swap3A_81 = vector.shape_cast %swap3A_80 : vector<1x16xi32> to vector<16xi32>
      %swap3A_82 = vector.shape_cast %shift_right_logical3A_77 : vector<16xi32> to vector<1x16xi32>
      tpu.vector_store %arg6[%swap3A_78, %swap3A_79], %swap3A_82 {strides = array<i32>} : memref<125x80xi32, #tpu.memory_space<vmem>>, vector<1x16xi32>,
      %and3A_83 = arith.constant 16383 : i32
      %and3A_84 = vector.broadcast %and3A_83 : i32 to vector<16xi32>
      %and3A_85 = arith.andi %get3A_74, %and3A_84 : vector<16xi32>
      %swap3A_86 = arith.index_cast %add3A_71 : i32 to index
      %swap3A_87 = tpu.vector_load %arg5[%swap3A_86] {strides = array<i32>} : memref<10000xi32, #tpu.memory_space<vmem>>, vector<16xi32>,
      %swap3A_88 = vector.shape_cast %swap3A_87 : vector<16xi32> to vector<16xi32>
      %swap3A_89 = vector.shape_cast %and3A_85 : vector<16xi32> to vector<16xi32>
      tpu.vector_store %arg5[%swap3A_86], %swap3A_89 {strides = array<i32>} : memref<10000xi32, #tpu.memory_space<vmem>>, vector<16xi32>,
      %mul3A_90 = arith.constant 80 : i32
      %mul3A_91 = arith.muli %scan3A_49, %mul3A_90 : i32
      %add3A_92 = arith.constant 32 : i32
      %add3A_93 = arith.addi %mul3A_91, %add3A_92 : i32
      %get3A_94 = arith.index_cast %add3A_93 : i32 to index
      %get3A_95 = tpu.vector_load %arg5[%get3A_94] {strides = array<i32>} : memref<10000xi32, #tpu.memory_space<vmem>>, vector<16xi32>,
      %get3A_96 = vector.shape_cast %get3A_95 : vector<16xi32> to vector<16xi32>
      %shift_right_logical3A_97 = arith.constant 14 : i32
      %shift_right_logical3A_98 = vector.broadcast %shift_right_logical3A_97 : i32 to vector<16xi32>
      %shift_right_logical3A_99 = arith.shrui %get3A_96, %shift_right_logical3A_98 : vector<16xi32>
      %swap3A_100 = arith.index_cast %scan3A_49 : i32 to index
      %swap3A_101 = arith.constant 32 : index
      %swap3A_102 = tpu.vector_load %arg6[%swap3A_100, %swap3A_101] {strides = array<i32>} : memref<125x80xi32, #tpu.memory_space<vmem>>, vector<1x16xi32>,
      %swap3A_103 = vector.shape_cast %swap3A_102 : vector<1x16xi32> to vector<16xi32>
      %swap3A_104 = vector.shape_cast %shift_right_logical3A_99 : vector<16xi32> to vector<1x16xi32>
      tpu.vector_store %arg6[%swap3A_100, %swap3A_101], %swap3A_104 {strides = array<i32>} : memref<125x80xi32, #tpu.memory_space<vmem>>, vector<1x16xi32>,
      %and3A_105 = arith.constant 16383 : i32
      %and3A_106 = vector.broadcast %and3A_105 : i32 to vector<16xi32>
      %and3A_107 = arith.andi %get3A_96, %and3A_106 : vector<16xi32>
      %swap3A_108 = arith.index_cast %add3A_93 : i32 to index
      %swap3A_109 = tpu.vector_load %arg5[%swap3A_108] {strides = array<i32>} : memref<10000xi32, #tpu.memory_space<vmem>>, vector<16xi32>,
      %swap3A_110 = vector.shape_cast %swap3A_109 : vector<16xi32> to vector<16xi32>
      %swap3A_111 = vector.shape_cast %and3A_107 : vector<16xi32> to vector<16xi32>
      tpu.vector_store %arg5[%swap3A_108], %swap3A_111 {strides = array<i32>} : memref<10000xi32, #tpu.memory_space<vmem>>, vector<16xi32>,
      %mul3A_112 = arith.constant 80 : i32
      %mul3A_113 = arith.muli %scan3A_49, %mul3A_112 : i32
      %add3A_114 = arith.constant 48 : i32
      %add3A_115 = arith.addi %mul3A_113, %add3A_114 : i32
      %get3A_116 = arith.index_cast %add3A_115 : i32 to index
      %get3A_117 = tpu.vector_load %arg5[%get3A_116] {strides = array<i32>} : memref<10000xi32, #tpu.memory_space<vmem>>, vector<16xi32>,
      %get3A_118 = vector.shape_cast %get3A_117 : vector<16xi32> to vector<16xi32>
      %shift_right_logical3A_119 = arith.constant 14 : i32
      %shift_right_logical3A_120 = vector.broadcast %shift_right_logical3A_119 : i32 to vector<16xi32>
      %shift_right_logical3A_121 = arith.shrui %get3A_118, %shift_right_logical3A_120 : vector<16xi32>
      %swap3A_122 = arith.index_cast %scan3A_49 : i32 to index
      %swap3A_123 = arith.constant 48 : index
      %swap3A_124 = tpu.vector_load %arg6[%swap3A_122, %swap3A_123] {strides = array<i32>} : memref<125x80xi32, #tpu.memory_space<vmem>>, vector<1x16xi32>,
      %swap3A_125 = vector.shape_cast %swap3A_124 : vector<1x16xi32> to vector<16xi32>
      %swap3A_126 = vector.shape_cast %shift_right_logical3A_121 : vector<16xi32> to vector<1x16xi32>
      tpu.vector_store %arg6[%swap3A_122, %swap3A_123], %swap3A_126 {strides = array<i32>} : memref<125x80xi32, #tpu.memory_space<vmem>>, vector<1x16xi32>,
      %and3A_127 = arith.constant 16383 : i32
      %and3A_128 = vector.broadcast %and3A_127 : i32 to vector<16xi32>
      %and3A_129 = arith.andi %get3A_118, %and3A_128 : vector<16xi32>
      %swap3A_130 = arith.index_cast %add3A_115 : i32 to index
      %swap3A_131 = tpu.vector_load %arg5[%swap3A_130] {strides = array<i32>} : memref<10000xi32, #tpu.memory_space<vmem>>, vector<16xi32>,
      %swap3A_132 = vector.shape_cast %swap3A_131 : vector<16xi32> to vector<16xi32>
      %swap3A_133 = vector.shape_cast %and3A_129 : vector<16xi32> to vector<16xi32>
      tpu.vector_store %arg5[%swap3A_130], %swap3A_133 {strides = array<i32>} : memref<10000xi32, #tpu.memory_space<vmem>>, vector<16xi32>,
      %mul3A_134 = arith.constant 80 : i32
      %mul3A_135 = arith.muli %scan3A_49, %mul3A_134 : i32
      %add3A_136 = arith.constant 64 : i32
      %add3A_137 = arith.addi %mul3A_135, %add3A_136 : i32
      %get3A_138 = arith.index_cast %add3A_137 : i32 to index
      %get3A_139 = tpu.vector_load %arg5[%get3A_138] {strides = array<i32>} : memref<10000xi32, #tpu.memory_space<vmem>>, vector<16xi32>,
      %get3A_140 = vector.shape_cast %get3A_139 : vector<16xi32> to vector<16xi32>
      %shift_right_logical3A_141 = arith.constant 14 : i32
      %shift_right_logical3A_142 = vector.broadcast %shift_right_logical3A_141 : i32 to vector<16xi32>
      %shift_right_logical3A_143 = arith.shrui %get3A_140, %shift_right_logical3A_142 : vector<16xi32>
      %swap3A_144 = arith.index_cast %scan3A_49 : i32 to index
      %swap3A_145 = arith.constant 64 : index
      %swap3A_146 = tpu.vector_load %arg6[%swap3A_144, %swap3A_145] {strides = array<i32>} : memref<125x80xi32, #tpu.memory_space<vmem>>, vector<1x16xi32>,
      %swap3A_147 = vector.shape_cast %swap3A_146 : vector<1x16xi32> to vector<16xi32>
      %swap3A_148 = vector.shape_cast %shift_right_logical3A_143 : vector<16xi32> to vector<1x16xi32>
      tpu.vector_store %arg6[%swap3A_144, %swap3A_145], %swap3A_148 {strides = array<i32>} : memref<125x80xi32, #tpu.memory_space<vmem>>, vector<1x16xi32>,
      %and3A_149 = arith.constant 16383 : i32
      %and3A_150 = vector.broadcast %and3A_149 : i32 to vector<16xi32>
      %and3A_151 = arith.andi %get3A_140, %and3A_150 : vector<16xi32>
      %swap3A_152 = arith.index_cast %add3A_137 : i32 to index
      %swap3A_153 = tpu.vector_load %arg5[%swap3A_152] {strides = array<i32>} : memref<10000xi32, #tpu.memory_space<vmem>>, vector<16xi32>,
      %swap3A_154 = vector.shape_cast %swap3A_153 : vector<16xi32> to vector<16xi32>
      %swap3A_155 = vector.shape_cast %and3A_151 : vector<16xi32> to vector<16xi32>
      tpu.vector_store %arg5[%swap3A_152], %swap3A_155 {strides = array<i32>} : memref<10000xi32, #tpu.memory_space<vmem>>, vector<16xi32>,
    }
    %scan3A_7 = arith.constant 125 : i32
    %broadcast_in_dim3A = arith.constant 0.000000e+00 : f32
    %broadcast_in_dim3A_8 = vector.broadcast %broadcast_in_dim3A : f32 to vector<16xf32>
    %scan3A_9 = arith.constant 0 : i32
    %scan3A_10 = arith.constant 0 : i32
    %scan3A_11 = arith.constant 80 : i32
    %scan3A_12 = arith.addi %scan3A_10, %scan3A_11 : i32
    %scan3A_13 = arith.constant 1 : i32
    scf.for %scan3A_49 = %scan3A_10 to %scan3A_12 step %scan3A_13  : i32 {
      %swap3A = arith.index_cast %scan3A_49 : i32 to index
      %swap3A_50 = arith.constant 0 : index
      %swap3A_51 = tpu.vector_load %arg7[%swap3A, %swap3A_50] {strides = array<i32>} : memref<80x128xf32, #tpu.memory_space<vmem>>, vector<1x16xf32>,
      %swap3A_52 = vector.shape_cast %swap3A_51 : vector<1x16xf32> to vector<16xf32>
      %swap3A_53 = vector.shape_cast %broadcast_in_dim3A_8 : vector<16xf32> to vector<1x16xf32>
      tpu.vector_store %arg7[%swap3A, %swap3A_50], %swap3A_53 {strides = array<i32>} : memref<80x128xf32, #tpu.memory_space<vmem>>, vector<1x16xf32>,
      %swap3A_54 = arith.index_cast %scan3A_49 : i32 to index
      %swap3A_55 = arith.constant 16 : index
      %swap3A_56 = tpu.vector_load %arg7[%swap3A_54, %swap3A_55] {strides = array<i32>} : memref<80x128xf32, #tpu.memory_space<vmem>>, vector<1x16xf32>,
      %swap3A_57 = vector.shape_cast %swap3A_56 : vector<1x16xf32> to vector<16xf32>
      %swap3A_58 = vector.shape_cast %broadcast_in_dim3A_8 : vector<16xf32> to vector<1x16xf32>
      tpu.vector_store %arg7[%swap3A_54, %swap3A_55], %swap3A_58 {strides = array<i32>} : memref<80x128xf32, #tpu.memory_space<vmem>>, vector<1x16xf32>,
      %swap3A_59 = arith.index_cast %scan3A_49 : i32 to index
      %swap3A_60 = arith.constant 32 : index
      %swap3A_61 = tpu.vector_load %arg7[%swap3A_59, %swap3A_60] {strides = array<i32>} : memref<80x128xf32, #tpu.memory_space<vmem>>, vector<1x16xf32>,
      %swap3A_62 = vector.shape_cast %swap3A_61 : vector<1x16xf32> to vector<16xf32>
      %swap3A_63 = vector.shape_cast %broadcast_in_dim3A_8 : vector<16xf32> to vector<1x16xf32>
      tpu.vector_store %arg7[%swap3A_59, %swap3A_60], %swap3A_63 {strides = array<i32>} : memref<80x128xf32, #tpu.memory_space<vmem>>, vector<1x16xf32>,
      %swap3A_64 = arith.index_cast %scan3A_49 : i32 to index
      %swap3A_65 = arith.constant 48 : index
      %swap3A_66 = tpu.vector_load %arg7[%swap3A_64, %swap3A_65] {strides = array<i32>} : memref<80x128xf32, #tpu.memory_space<vmem>>, vector<1x16xf32>,
      %swap3A_67 = vector.shape_cast %swap3A_66 : vector<1x16xf32> to vector<16xf32>
      %swap3A_68 = vector.shape_cast %broadcast_in_dim3A_8 : vector<16xf32> to vector<1x16xf32>
      tpu.vector_store %arg7[%swap3A_64, %swap3A_65], %swap3A_68 {strides = array<i32>} : memref<80x128xf32, #tpu.memory_space<vmem>>, vector<1x16xf32>,
      %swap3A_69 = arith.index_cast %scan3A_49 : i32 to index
      %swap3A_70 = arith.constant 64 : index
      %swap3A_71 = tpu.vector_load %arg7[%swap3A_69, %swap3A_70] {strides = array<i32>} : memref<80x128xf32, #tpu.memory_space<vmem>>, vector<1x16xf32>,
      %swap3A_72 = vector.shape_cast %swap3A_71 : vector<1x16xf32> to vector<16xf32>
      %swap3A_73 = vector.shape_cast %broadcast_in_dim3A_8 : vector<16xf32> to vector<1x16xf32>
      tpu.vector_store %arg7[%swap3A_69, %swap3A_70], %swap3A_73 {strides = array<i32>} : memref<80x128xf32, #tpu.memory_space<vmem>>, vector<1x16xf32>,
      %swap3A_74 = arith.index_cast %scan3A_49 : i32 to index
      %swap3A_75 = arith.constant 80 : index
      %swap3A_76 = tpu.vector_load %arg7[%swap3A_74, %swap3A_75] {strides = array<i32>} : memref<80x128xf32, #tpu.memory_space<vmem>>, vector<1x16xf32>,
      %swap3A_77 = vector.shape_cast %swap3A_76 : vector<1x16xf32> to vector<16xf32>
      %swap3A_78 = vector.shape_cast %broadcast_in_dim3A_8 : vector<16xf32> to vector<1x16xf32>
      tpu.vector_store %arg7[%swap3A_74, %swap3A_75], %swap3A_78 {strides = array<i32>} : memref<80x128xf32, #tpu.memory_space<vmem>>, vector<1x16xf32>,
      %swap3A_79 = arith.index_cast %scan3A_49 : i32 to index
      %swap3A_80 = arith.constant 96 : index
      %swap3A_81 = tpu.vector_load %arg7[%swap3A_79, %swap3A_80] {strides = array<i32>} : memref<80x128xf32, #tpu.memory_space<vmem>>, vector<1x16xf32>,
      %swap3A_82 = vector.shape_cast %swap3A_81 : vector<1x16xf32> to vector<16xf32>
      %swap3A_83 = vector.shape_cast %broadcast_in_dim3A_8 : vector<16xf32> to vector<1x16xf32>
      tpu.vector_store %arg7[%swap3A_79, %swap3A_80], %swap3A_83 {strides = array<i32>} : memref<80x128xf32, #tpu.memory_space<vmem>>, vector<1x16xf32>,
      %swap3A_84 = arith.index_cast %scan3A_49 : i32 to index
      %swap3A_85 = arith.constant 112 : index
      %swap3A_86 = tpu.vector_load %arg7[%swap3A_84, %swap3A_85] {strides = array<i32>} : memref<80x128xf32, #tpu.memory_space<vmem>>, vector<1x16xf32>,
      %swap3A_87 = vector.shape_cast %swap3A_86 : vector<1x16xf32> to vector<16xf32>
      %swap3A_88 = vector.shape_cast %broadcast_in_dim3A_8 : vector<16xf32> to vector<1x16xf32>
      tpu.vector_store %arg7[%swap3A_84, %swap3A_85], %swap3A_88 {strides = array<i32>} : memref<80x128xf32, #tpu.memory_space<vmem>>, vector<1x16xf32>,
    }
    %scan3A_14 = arith.constant 80 : i32
    %mul3A_15 = arith.constant 632 : i32
    %mul3A_16 = arith.muli %arg1, %mul3A_15 : i32
    %lt3A = arith.constant 15 : i32
    %lt3A_17 = arith.cmpi slt, %arg1, %lt3A : i32
    %convert_element_type3A = arith.extui %lt3A_17 : i1 to i32
    %cond3A = arith.constant 0 : i32
    %cond3A_18 = arith.cmpi ne, %convert_element_type3A, %cond3A : i32
    scf.if %cond3A_18 {
      %add3A_49 = arith.constant 0 : i32
      %add3A_50 = arith.addi %mul3A_16, %add3A_49 : i32
      "tpu.region"() ({
        %run_scoped3A_66 = tpu.sem_alloc : memref<!tpu.dma_semaphore, #tpu.memory_space<semaphore_mem>>
        %dma_start3A_67 = arith.constant 0 : i32
        %dma_start3A_68 = tpu.memref_slice %arg9[%add3A_50, %dma_start3A_67] : memref<10000x128xf32, #tpu.memory_space<vmem_shared>> -> memref<80x128xf32, #tpu.memory_space<vmem_shared>>
        %dma_start3A_69 = arith.constant 0 : i32
        %dma_start3A_70 = tpu.memref_slice %arg9[%add3A_50, %dma_start3A_69] : memref<10000x128xf32, #tpu.memory_space<vmem_shared>> -> memref<80x128xf32, #tpu.memory_space<vmem_shared>>
        tpu.enqueue_dma source(%arg7 : memref<80x128xf32, #tpu.memory_space<vmem>>) target(%dma_start3A_70 : memref<80x128xf32, #tpu.memory_space<vmem_shared>>) target_semaphore(%run_scoped3A_66 : memref<!tpu.dma_semaphore, #tpu.memory_space<semaphore_mem>>)
        %dma_wait3A_71 = arith.constant 0 : i32
        %dma_wait3A_72 = tpu.memref_slice %arg9[%add3A_50, %dma_wait3A_71] : memref<10000x128xf32, #tpu.memory_space<vmem_shared>> -> memref<80x128xf32, #tpu.memory_space<vmem_shared>>
        %dma_wait3A_73 = arith.constant 0 : i32
        %dma_wait3A_74 = tpu.memref_slice %arg9[%add3A_50, %dma_wait3A_73] : memref<10000x128xf32, #tpu.memory_space<vmem_shared>> -> memref<80x128xf32, #tpu.memory_space<vmem_shared>>
        tpu.wait_dma2 semaphore(%run_scoped3A_66 : memref<!tpu.dma_semaphore, #tpu.memory_space<semaphore_mem>>) src(%arg7 : memref<80x128xf32, #tpu.memory_space<vmem>>) dst(%dma_wait3A_74 : memref<80x128xf32, #tpu.memory_space<vmem_shared>>)
        tpu.yield
      }) : () -> ()
      %add3A_51 = arith.constant 80 : i32
      %add3A_52 = arith.addi %mul3A_16, %add3A_51 : i32
      "tpu.region"() ({
        %run_scoped3A_66 = tpu.sem_alloc : memref<!tpu.dma_semaphore, #tpu.memory_space<semaphore_mem>>
        %dma_start3A_67 = arith.constant 0 : i32
        %dma_start3A_68 = tpu.memref_slice %arg9[%add3A_52, %dma_start3A_67] : memref<10000x128xf32, #tpu.memory_space<vmem_shared>> -> memref<80x128xf32, #tpu.memory_space<vmem_shared>>
        %dma_start3A_69 = arith.constant 0 : i32
        %dma_start3A_70 = tpu.memref_slice %arg9[%add3A_52, %dma_start3A_69] : memref<10000x128xf32, #tpu.memory_space<vmem_shared>> -> memref<80x128xf32, #tpu.memory_space<vmem_shared>>
        tpu.enqueue_dma source(%arg7 : memref<80x128xf32, #tpu.memory_space<vmem>>) target(%dma_start3A_70 : memref<80x128xf32, #tpu.memory_space<vmem_shared>>) target_semaphore(%run_scoped3A_66 : memref<!tpu.dma_semaphore, #tpu.memory_space<semaphore_mem>>)
        %dma_wait3A_71 = arith.constant 0 : i32
        %dma_wait3A_72 = tpu.memref_slice %arg9[%add3A_52, %dma_wait3A_71] : memref<10000x128xf32, #tpu.memory_space<vmem_shared>> -> memref<80x128xf32, #tpu.memory_space<vmem_shared>>
        %dma_wait3A_73 = arith.constant 0 : i32
        %dma_wait3A_74 = tpu.memref_slice %arg9[%add3A_52, %dma_wait3A_73] : memref<10000x128xf32, #tpu.memory_space<vmem_shared>> -> memref<80x128xf32, #tpu.memory_space<vmem_shared>>
        tpu.wait_dma2 semaphore(%run_scoped3A_66 : memref<!tpu.dma_semaphore, #tpu.memory_space<semaphore_mem>>) src(%arg7 : memref<80x128xf32, #tpu.memory_space<vmem>>) dst(%dma_wait3A_74 : memref<80x128xf32, #tpu.memory_space<vmem_shared>>)
        tpu.yield
      }) : () -> ()
      %add3A_53 = arith.constant 160 : i32
      %add3A_54 = arith.addi %mul3A_16, %add3A_53 : i32
      "tpu.region"() ({
        %run_scoped3A_66 = tpu.sem_alloc : memref<!tpu.dma_semaphore, #tpu.memory_space<semaphore_mem>>
        %dma_start3A_67 = arith.constant 0 : i32
        %dma_start3A_68 = tpu.memref_slice %arg9[%add3A_54, %dma_start3A_67] : memref<10000x128xf32, #tpu.memory_space<vmem_shared>> -> memref<80x128xf32, #tpu.memory_space<vmem_shared>>
        %dma_start3A_69 = arith.constant 0 : i32
        %dma_start3A_70 = tpu.memref_slice %arg9[%add3A_54, %dma_start3A_69] : memref<10000x128xf32, #tpu.memory_space<vmem_shared>> -> memref<80x128xf32, #tpu.memory_space<vmem_shared>>
        tpu.enqueue_dma source(%arg7 : memref<80x128xf32, #tpu.memory_space<vmem>>) target(%dma_start3A_70 : memref<80x128xf32, #tpu.memory_space<vmem_shared>>) target_semaphore(%run_scoped3A_66 : memref<!tpu.dma_semaphore, #tpu.memory_space<semaphore_mem>>)
        %dma_wait3A_71 = arith.constant 0 : i32
        %dma_wait3A_72 = tpu.memref_slice %arg9[%add3A_54, %dma_wait3A_71] : memref<10000x128xf32, #tpu.memory_space<vmem_shared>> -> memref<80x128xf32, #tpu.memory_space<vmem_shared>>
        %dma_wait3A_73 = arith.constant 0 : i32
        %dma_wait3A_74 = tpu.memref_slice %arg9[%add3A_54, %dma_wait3A_73] : memref<10000x128xf32, #tpu.memory_space<vmem_shared>> -> memref<80x128xf32, #tpu.memory_space<vmem_shared>>
        tpu.wait_dma2 semaphore(%run_scoped3A_66 : memref<!tpu.dma_semaphore, #tpu.memory_space<semaphore_mem>>) src(%arg7 : memref<80x128xf32, #tpu.memory_space<vmem>>) dst(%dma_wait3A_74 : memref<80x128xf32, #tpu.memory_space<vmem_shared>>)
        tpu.yield
      }) : () -> ()
      %add3A_55 = arith.constant 240 : i32
      %add3A_56 = arith.addi %mul3A_16, %add3A_55 : i32
      "tpu.region"() ({
        %run_scoped3A_66 = tpu.sem_alloc : memref<!tpu.dma_semaphore, #tpu.memory_space<semaphore_mem>>
        %dma_start3A_67 = arith.constant 0 : i32
        %dma_start3A_68 = tpu.memref_slice %arg9[%add3A_56, %dma_start3A_67] : memref<10000x128xf32, #tpu.memory_space<vmem_shared>> -> memref<80x128xf32, #tpu.memory_space<vmem_shared>>
        %dma_start3A_69 = arith.constant 0 : i32
        %dma_start3A_70 = tpu.memref_slice %arg9[%add3A_56, %dma_start3A_69] : memref<10000x128xf32, #tpu.memory_space<vmem_shared>> -> memref<80x128xf32, #tpu.memory_space<vmem_shared>>
        tpu.enqueue_dma source(%arg7 : memref<80x128xf32, #tpu.memory_space<vmem>>) target(%dma_start3A_70 : memref<80x128xf32, #tpu.memory_space<vmem_shared>>) target_semaphore(%run_scoped3A_66 : memref<!tpu.dma_semaphore, #tpu.memory_space<semaphore_mem>>)
        %dma_wait3A_71 = arith.constant 0 : i32
        %dma_wait3A_72 = tpu.memref_slice %arg9[%add3A_56, %dma_wait3A_71] : memref<10000x128xf32, #tpu.memory_space<vmem_shared>> -> memref<80x128xf32, #tpu.memory_space<vmem_shared>>
        %dma_wait3A_73 = arith.constant 0 : i32
        %dma_wait3A_74 = tpu.memref_slice %arg9[%add3A_56, %dma_wait3A_73] : memref<10000x128xf32, #tpu.memory_space<vmem_shared>> -> memref<80x128xf32, #tpu.memory_space<vmem_shared>>
        tpu.wait_dma2 semaphore(%run_scoped3A_66 : memref<!tpu.dma_semaphore, #tpu.memory_space<semaphore_mem>>) src(%arg7 : memref<80x128xf32, #tpu.memory_space<vmem>>) dst(%dma_wait3A_74 : memref<80x128xf32, #tpu.memory_space<vmem_shared>>)
        tpu.yield
      }) : () -> ()
      %add3A_57 = arith.constant 320 : i32
      %add3A_58 = arith.addi %mul3A_16, %add3A_57 : i32
      "tpu.region"() ({
        %run_scoped3A_66 = tpu.sem_alloc : memref<!tpu.dma_semaphore, #tpu.memory_space<semaphore_mem>>
        %dma_start3A_67 = arith.constant 0 : i32
        %dma_start3A_68 = tpu.memref_slice %arg9[%add3A_58, %dma_start3A_67] : memref<10000x128xf32, #tpu.memory_space<vmem_shared>> -> memref<80x128xf32, #tpu.memory_space<vmem_shared>>
        %dma_start3A_69 = arith.constant 0 : i32
        %dma_start3A_70 = tpu.memref_slice %arg9[%add3A_58, %dma_start3A_69] : memref<10000x128xf32, #tpu.memory_space<vmem_shared>> -> memref<80x128xf32, #tpu.memory_space<vmem_shared>>
        tpu.enqueue_dma source(%arg7 : memref<80x128xf32, #tpu.memory_space<vmem>>) target(%dma_start3A_70 : memref<80x128xf32, #tpu.memory_space<vmem_shared>>) target_semaphore(%run_scoped3A_66 : memref<!tpu.dma_semaphore, #tpu.memory_space<semaphore_mem>>)
        %dma_wait3A_71 = arith.constant 0 : i32
        %dma_wait3A_72 = tpu.memref_slice %arg9[%add3A_58, %dma_wait3A_71] : memref<10000x128xf32, #tpu.memory_space<vmem_shared>> -> memref<80x128xf32, #tpu.memory_space<vmem_shared>>
        %dma_wait3A_73 = arith.constant 0 : i32
        %dma_wait3A_74 = tpu.memref_slice %arg9[%add3A_58, %dma_wait3A_73] : memref<10000x128xf32, #tpu.memory_space<vmem_shared>> -> memref<80x128xf32, #tpu.memory_space<vmem_shared>>
        tpu.wait_dma2 semaphore(%run_scoped3A_66 : memref<!tpu.dma_semaphore, #tpu.memory_space<semaphore_mem>>) src(%arg7 : memref<80x128xf32, #tpu.memory_space<vmem>>) dst(%dma_wait3A_74 : memref<80x128xf32, #tpu.memory_space<vmem_shared>>)
        tpu.yield
      }) : () -> ()
      %add3A_59 = arith.constant 400 : i32
      %add3A_60 = arith.addi %mul3A_16, %add3A_59 : i32
      "tpu.region"() ({
        %run_scoped3A_66 = tpu.sem_alloc : memref<!tpu.dma_semaphore, #tpu.memory_space<semaphore_mem>>
        %dma_start3A_67 = arith.constant 0 : i32
        %dma_start3A_68 = tpu.memref_slice %arg9[%add3A_60, %dma_start3A_67] : memref<10000x128xf32, #tpu.memory_space<vmem_shared>> -> memref<80x128xf32, #tpu.memory_space<vmem_shared>>
        %dma_start3A_69 = arith.constant 0 : i32
        %dma_start3A_70 = tpu.memref_slice %arg9[%add3A_60, %dma_start3A_69] : memref<10000x128xf32, #tpu.memory_space<vmem_shared>> -> memref<80x128xf32, #tpu.memory_space<vmem_shared>>
        tpu.enqueue_dma source(%arg7 : memref<80x128xf32, #tpu.memory_space<vmem>>) target(%dma_start3A_70 : memref<80x128xf32, #tpu.memory_space<vmem_shared>>) target_semaphore(%run_scoped3A_66 : memref<!tpu.dma_semaphore, #tpu.memory_space<semaphore_mem>>)
        %dma_wait3A_71 = arith.constant 0 : i32
        %dma_wait3A_72 = tpu.memref_slice %arg9[%add3A_60, %dma_wait3A_71] : memref<10000x128xf32, #tpu.memory_space<vmem_shared>> -> memref<80x128xf32, #tpu.memory_space<vmem_shared>>
        %dma_wait3A_73 = arith.constant 0 : i32
        %dma_wait3A_74 = tpu.memref_slice %arg9[%add3A_60, %dma_wait3A_73] : memref<10000x128xf32, #tpu.memory_space<vmem_shared>> -> memref<80x128xf32, #tpu.memory_space<vmem_shared>>
        tpu.wait_dma2 semaphore(%run_scoped3A_66 : memref<!tpu.dma_semaphore, #tpu.memory_space<semaphore_mem>>) src(%arg7 : memref<80x128xf32, #tpu.memory_space<vmem>>) dst(%dma_wait3A_74 : memref<80x128xf32, #tpu.memory_space<vmem_shared>>)
        tpu.yield
      }) : () -> ()
      %add3A_61 = arith.constant 480 : i32
      %add3A_62 = arith.addi %mul3A_16, %add3A_61 : i32
      "tpu.region"() ({
        %run_scoped3A_66 = tpu.sem_alloc : memref<!tpu.dma_semaphore, #tpu.memory_space<semaphore_mem>>
        %dma_start3A_67 = arith.constant 0 : i32
        %dma_start3A_68 = tpu.memref_slice %arg9[%add3A_62, %dma_start3A_67] : memref<10000x128xf32, #tpu.memory_space<vmem_shared>> -> memref<80x128xf32, #tpu.memory_space<vmem_shared>>
        %dma_start3A_69 = arith.constant 0 : i32
        %dma_start3A_70 = tpu.memref_slice %arg9[%add3A_62, %dma_start3A_69] : memref<10000x128xf32, #tpu.memory_space<vmem_shared>> -> memref<80x128xf32, #tpu.memory_space<vmem_shared>>
        tpu.enqueue_dma source(%arg7 : memref<80x128xf32, #tpu.memory_space<vmem>>) target(%dma_start3A_70 : memref<80x128xf32, #tpu.memory_space<vmem_shared>>) target_semaphore(%run_scoped3A_66 : memref<!tpu.dma_semaphore, #tpu.memory_space<semaphore_mem>>)
        %dma_wait3A_71 = arith.constant 0 : i32
        %dma_wait3A_72 = tpu.memref_slice %arg9[%add3A_62, %dma_wait3A_71] : memref<10000x128xf32, #tpu.memory_space<vmem_shared>> -> memref<80x128xf32, #tpu.memory_space<vmem_shared>>
        %dma_wait3A_73 = arith.constant 0 : i32
        %dma_wait3A_74 = tpu.memref_slice %arg9[%add3A_62, %dma_wait3A_73] : memref<10000x128xf32, #tpu.memory_space<vmem_shared>> -> memref<80x128xf32, #tpu.memory_space<vmem_shared>>
        tpu.wait_dma2 semaphore(%run_scoped3A_66 : memref<!tpu.dma_semaphore, #tpu.memory_space<semaphore_mem>>) src(%arg7 : memref<80x128xf32, #tpu.memory_space<vmem>>) dst(%dma_wait3A_74 : memref<80x128xf32, #tpu.memory_space<vmem_shared>>)
        tpu.yield
      }) : () -> ()
      %add3A_63 = arith.constant 632 : i32
      %add3A_64 = arith.addi %mul3A_16, %add3A_63 : i32
      %sub3A = arith.constant 72 : i32
      %sub3A_65 = arith.subi %add3A_64, %sub3A : i32
      "tpu.region"() ({
        %run_scoped3A_66 = tpu.sem_alloc : memref<!tpu.dma_semaphore, #tpu.memory_space<semaphore_mem>>
        %dma_start3A_67 = arith.constant 0 : i32
        %dma_start3A_68 = arith.constant 0 : i32
        %dma_start3A_69 = tpu.memref_slice %arg7[%dma_start3A_67, %dma_start3A_68] : memref<80x128xf32, #tpu.memory_space<vmem>> -> memref<72x128xf32, #tpu.memory_space<vmem>>
        %dma_start3A_70 = arith.constant 0 : i32
        %dma_start3A_71 = tpu.memref_slice %arg9[%sub3A_65, %dma_start3A_70] : memref<10000x128xf32, #tpu.memory_space<vmem_shared>> -> memref<72x128xf32, #tpu.memory_space<vmem_shared>>
        %dma_start3A_72 = arith.constant 0 : i32
        %dma_start3A_73 = tpu.memref_slice %arg9[%sub3A_65, %dma_start3A_72] : memref<10000x128xf32, #tpu.memory_space<vmem_shared>> -> memref<72x128xf32, #tpu.memory_space<vmem_shared>>
        %dma_start3A_74 = arith.constant 0 : i32
        %dma_start3A_75 = arith.constant 0 : i32
        %dma_start3A_76 = tpu.memref_slice %arg7[%dma_start3A_74, %dma_start3A_75] : memref<80x128xf32, #tpu.memory_space<vmem>> -> memref<72x128xf32, #tpu.memory_space<vmem>>
        tpu.enqueue_dma source(%dma_start3A_76 : memref<72x128xf32, #tpu.memory_space<vmem>>) target(%dma_start3A_73 : memref<72x128xf32, #tpu.memory_space<vmem_shared>>) target_semaphore(%run_scoped3A_66 : memref<!tpu.dma_semaphore, #tpu.memory_space<semaphore_mem>>)
        %dma_wait3A_77 = arith.constant 0 : i32
        %dma_wait3A_78 = arith.constant 0 : i32
        %dma_wait3A_79 = tpu.memref_slice %arg7[%dma_wait3A_77, %dma_wait3A_78] : memref<80x128xf32, #tpu.memory_space<vmem>> -> memref<72x128xf32, #tpu.memory_space<vmem>>
        %dma_wait3A_80 = arith.constant 0 : i32
        %dma_wait3A_81 = tpu.memref_slice %arg9[%sub3A_65, %dma_wait3A_80] : memref<10000x128xf32, #tpu.memory_space<vmem_shared>> -> memref<72x128xf32, #tpu.memory_space<vmem_shared>>
        %dma_wait3A_82 = arith.constant 0 : i32
        %dma_wait3A_83 = tpu.memref_slice %arg9[%sub3A_65, %dma_wait3A_82] : memref<10000x128xf32, #tpu.memory_space<vmem_shared>> -> memref<72x128xf32, #tpu.memory_space<vmem_shared>>
        %dma_wait3A_84 = arith.constant 0 : i32
        %dma_wait3A_85 = arith.constant 0 : i32
        %dma_wait3A_86 = tpu.memref_slice %arg7[%dma_wait3A_84, %dma_wait3A_85] : memref<80x128xf32, #tpu.memory_space<vmem>> -> memref<72x128xf32, #tpu.memory_space<vmem>>
        tpu.wait_dma2 semaphore(%run_scoped3A_66 : memref<!tpu.dma_semaphore, #tpu.memory_space<semaphore_mem>>) src(%dma_wait3A_86 : memref<72x128xf32, #tpu.memory_space<vmem>>) dst(%dma_wait3A_83 : memref<72x128xf32, #tpu.memory_space<vmem_shared>>)
        tpu.yield
      }) : () -> ()
    } else {
    }
    %eq3A = arith.constant 15 : i32
    %eq3A_19 = arith.cmpi eq, %arg1, %eq3A : i32
    %convert_element_type3A_20 = arith.extui %eq3A_19 : i1 to i32
    %cond3A_21 = arith.constant 0 : i32
    %cond3A_22 = arith.cmpi ne, %convert_element_type3A_20, %cond3A_21 : i32
    scf.if %cond3A_22 {
      %add3A_49 = arith.constant 0 : i32
      %add3A_50 = arith.addi %mul3A_16, %add3A_49 : i32
      "tpu.region"() ({
        %run_scoped3A_64 = tpu.sem_alloc : memref<!tpu.dma_semaphore, #tpu.memory_space<semaphore_mem>>
        %dma_start3A_65 = arith.constant 0 : i32
        %dma_start3A_66 = tpu.memref_slice %arg9[%add3A_50, %dma_start3A_65] : memref<10000x128xf32, #tpu.memory_space<vmem_shared>> -> memref<80x128xf32, #tpu.memory_space<vmem_shared>>
        %dma_start3A_67 = arith.constant 0 : i32
        %dma_start3A_68 = tpu.memref_slice %arg9[%add3A_50, %dma_start3A_67] : memref<10000x128xf32, #tpu.memory_space<vmem_shared>> -> memref<80x128xf32, #tpu.memory_space<vmem_shared>>
        tpu.enqueue_dma source(%arg7 : memref<80x128xf32, #tpu.memory_space<vmem>>) target(%dma_start3A_68 : memref<80x128xf32, #tpu.memory_space<vmem_shared>>) target_semaphore(%run_scoped3A_64 : memref<!tpu.dma_semaphore, #tpu.memory_space<semaphore_mem>>)
        %dma_wait3A_69 = arith.constant 0 : i32
        %dma_wait3A_70 = tpu.memref_slice %arg9[%add3A_50, %dma_wait3A_69] : memref<10000x128xf32, #tpu.memory_space<vmem_shared>> -> memref<80x128xf32, #tpu.memory_space<vmem_shared>>
        %dma_wait3A_71 = arith.constant 0 : i32
        %dma_wait3A_72 = tpu.memref_slice %arg9[%add3A_50, %dma_wait3A_71] : memref<10000x128xf32, #tpu.memory_space<vmem_shared>> -> memref<80x128xf32, #tpu.memory_space<vmem_shared>>
        tpu.wait_dma2 semaphore(%run_scoped3A_64 : memref<!tpu.dma_semaphore, #tpu.memory_space<semaphore_mem>>) src(%arg7 : memref<80x128xf32, #tpu.memory_space<vmem>>) dst(%dma_wait3A_72 : memref<80x128xf32, #tpu.memory_space<vmem_shared>>)
        tpu.yield
      }) : () -> ()
      %add3A_51 = arith.constant 80 : i32
      %add3A_52 = arith.addi %mul3A_16, %add3A_51 : i32
      "tpu.region"() ({
        %run_scoped3A_64 = tpu.sem_alloc : memref<!tpu.dma_semaphore, #tpu.memory_space<semaphore_mem>>
        %dma_start3A_65 = arith.constant 0 : i32
        %dma_start3A_66 = tpu.memref_slice %arg9[%add3A_52, %dma_start3A_65] : memref<10000x128xf32, #tpu.memory_space<vmem_shared>> -> memref<80x128xf32, #tpu.memory_space<vmem_shared>>
        %dma_start3A_67 = arith.constant 0 : i32
        %dma_start3A_68 = tpu.memref_slice %arg9[%add3A_52, %dma_start3A_67] : memref<10000x128xf32, #tpu.memory_space<vmem_shared>> -> memref<80x128xf32, #tpu.memory_space<vmem_shared>>
        tpu.enqueue_dma source(%arg7 : memref<80x128xf32, #tpu.memory_space<vmem>>) target(%dma_start3A_68 : memref<80x128xf32, #tpu.memory_space<vmem_shared>>) target_semaphore(%run_scoped3A_64 : memref<!tpu.dma_semaphore, #tpu.memory_space<semaphore_mem>>)
        %dma_wait3A_69 = arith.constant 0 : i32
        %dma_wait3A_70 = tpu.memref_slice %arg9[%add3A_52, %dma_wait3A_69] : memref<10000x128xf32, #tpu.memory_space<vmem_shared>> -> memref<80x128xf32, #tpu.memory_space<vmem_shared>>
        %dma_wait3A_71 = arith.constant 0 : i32
        %dma_wait3A_72 = tpu.memref_slice %arg9[%add3A_52, %dma_wait3A_71] : memref<10000x128xf32, #tpu.memory_space<vmem_shared>> -> memref<80x128xf32, #tpu.memory_space<vmem_shared>>
        tpu.wait_dma2 semaphore(%run_scoped3A_64 : memref<!tpu.dma_semaphore, #tpu.memory_space<semaphore_mem>>) src(%arg7 : memref<80x128xf32, #tpu.memory_space<vmem>>) dst(%dma_wait3A_72 : memref<80x128xf32, #tpu.memory_space<vmem_shared>>)
        tpu.yield
      }) : () -> ()
      %add3A_53 = arith.constant 160 : i32
      %add3A_54 = arith.addi %mul3A_16, %add3A_53 : i32
      "tpu.region"() ({
        %run_scoped3A_64 = tpu.sem_alloc : memref<!tpu.dma_semaphore, #tpu.memory_space<semaphore_mem>>
        %dma_start3A_65 = arith.constant 0 : i32
        %dma_start3A_66 = tpu.memref_slice %arg9[%add3A_54, %dma_start3A_65] : memref<10000x128xf32, #tpu.memory_space<vmem_shared>> -> memref<80x128xf32, #tpu.memory_space<vmem_shared>>
        %dma_start3A_67 = arith.constant 0 : i32
        %dma_start3A_68 = tpu.memref_slice %arg9[%add3A_54, %dma_start3A_67] : memref<10000x128xf32, #tpu.memory_space<vmem_shared>> -> memref<80x128xf32, #tpu.memory_space<vmem_shared>>
        tpu.enqueue_dma source(%arg7 : memref<80x128xf32, #tpu.memory_space<vmem>>) target(%dma_start3A_68 : memref<80x128xf32, #tpu.memory_space<vmem_shared>>) target_semaphore(%run_scoped3A_64 : memref<!tpu.dma_semaphore, #tpu.memory_space<semaphore_mem>>)
        %dma_wait3A_69 = arith.constant 0 : i32
        %dma_wait3A_70 = tpu.memref_slice %arg9[%add3A_54, %dma_wait3A_69] : memref<10000x128xf32, #tpu.memory_space<vmem_shared>> -> memref<80x128xf32, #tpu.memory_space<vmem_shared>>
        %dma_wait3A_71 = arith.constant 0 : i32
        %dma_wait3A_72 = tpu.memref_slice %arg9[%add3A_54, %dma_wait3A_71] : memref<10000x128xf32, #tpu.memory_space<vmem_shared>> -> memref<80x128xf32, #tpu.memory_space<vmem_shared>>
        tpu.wait_dma2 semaphore(%run_scoped3A_64 : memref<!tpu.dma_semaphore, #tpu.memory_space<semaphore_mem>>) src(%arg7 : memref<80x128xf32, #tpu.memory_space<vmem>>) dst(%dma_wait3A_72 : memref<80x128xf32, #tpu.memory_space<vmem_shared>>)
        tpu.yield
      }) : () -> ()
      %add3A_55 = arith.constant 240 : i32
      %add3A_56 = arith.addi %mul3A_16, %add3A_55 : i32
      "tpu.region"() ({
        %run_scoped3A_64 = tpu.sem_alloc : memref<!tpu.dma_semaphore, #tpu.memory_space<semaphore_mem>>
        %dma_start3A_65 = arith.constant 0 : i32
        %dma_start3A_66 = tpu.memref_slice %arg9[%add3A_56, %dma_start3A_65] : memref<10000x128xf32, #tpu.memory_space<vmem_shared>> -> memref<80x128xf32, #tpu.memory_space<vmem_shared>>
        %dma_start3A_67 = arith.constant 0 : i32
        %dma_start3A_68 = tpu.memref_slice %arg9[%add3A_56, %dma_start3A_67] : memref<10000x128xf32, #tpu.memory_space<vmem_shared>> -> memref<80x128xf32, #tpu.memory_space<vmem_shared>>
        tpu.enqueue_dma source(%arg7 : memref<80x128xf32, #tpu.memory_space<vmem>>) target(%dma_start3A_68 : memref<80x128xf32, #tpu.memory_space<vmem_shared>>) target_semaphore(%run_scoped3A_64 : memref<!tpu.dma_semaphore, #tpu.memory_space<semaphore_mem>>)
        %dma_wait3A_69 = arith.constant 0 : i32
        %dma_wait3A_70 = tpu.memref_slice %arg9[%add3A_56, %dma_wait3A_69] : memref<10000x128xf32, #tpu.memory_space<vmem_shared>> -> memref<80x128xf32, #tpu.memory_space<vmem_shared>>
        %dma_wait3A_71 = arith.constant 0 : i32
        %dma_wait3A_72 = tpu.memref_slice %arg9[%add3A_56, %dma_wait3A_71] : memref<10000x128xf32, #tpu.memory_space<vmem_shared>> -> memref<80x128xf32, #tpu.memory_space<vmem_shared>>
        tpu.wait_dma2 semaphore(%run_scoped3A_64 : memref<!tpu.dma_semaphore, #tpu.memory_space<semaphore_mem>>) src(%arg7 : memref<80x128xf32, #tpu.memory_space<vmem>>) dst(%dma_wait3A_72 : memref<80x128xf32, #tpu.memory_space<vmem_shared>>)
        tpu.yield
      }) : () -> ()
      %add3A_57 = arith.constant 320 : i32
      %add3A_58 = arith.addi %mul3A_16, %add3A_57 : i32
      "tpu.region"() ({
        %run_scoped3A_64 = tpu.sem_alloc : memref<!tpu.dma_semaphore, #tpu.memory_space<semaphore_mem>>
        %dma_start3A_65 = arith.constant 0 : i32
        %dma_start3A_66 = tpu.memref_slice %arg9[%add3A_58, %dma_start3A_65] : memref<10000x128xf32, #tpu.memory_space<vmem_shared>> -> memref<80x128xf32, #tpu.memory_space<vmem_shared>>
        %dma_start3A_67 = arith.constant 0 : i32
        %dma_start3A_68 = tpu.memref_slice %arg9[%add3A_58, %dma_start3A_67] : memref<10000x128xf32, #tpu.memory_space<vmem_shared>> -> memref<80x128xf32, #tpu.memory_space<vmem_shared>>
        tpu.enqueue_dma source(%arg7 : memref<80x128xf32, #tpu.memory_space<vmem>>) target(%dma_start3A_68 : memref<80x128xf32, #tpu.memory_space<vmem_shared>>) target_semaphore(%run_scoped3A_64 : memref<!tpu.dma_semaphore, #tpu.memory_space<semaphore_mem>>)
        %dma_wait3A_69 = arith.constant 0 : i32
        %dma_wait3A_70 = tpu.memref_slice %arg9[%add3A_58, %dma_wait3A_69] : memref<10000x128xf32, #tpu.memory_space<vmem_shared>> -> memref<80x128xf32, #tpu.memory_space<vmem_shared>>
        %dma_wait3A_71 = arith.constant 0 : i32
        %dma_wait3A_72 = tpu.memref_slice %arg9[%add3A_58, %dma_wait3A_71] : memref<10000x128xf32, #tpu.memory_space<vmem_shared>> -> memref<80x128xf32, #tpu.memory_space<vmem_shared>>
        tpu.wait_dma2 semaphore(%run_scoped3A_64 : memref<!tpu.dma_semaphore, #tpu.memory_space<semaphore_mem>>) src(%arg7 : memref<80x128xf32, #tpu.memory_space<vmem>>) dst(%dma_wait3A_72 : memref<80x128xf32, #tpu.memory_space<vmem_shared>>)
        tpu.yield
      }) : () -> ()
      %add3A_59 = arith.constant 400 : i32
      %add3A_60 = arith.addi %mul3A_16, %add3A_59 : i32
      "tpu.region"() ({
        %run_scoped3A_64 = tpu.sem_alloc : memref<!tpu.dma_semaphore, #tpu.memory_space<semaphore_mem>>
        %dma_start3A_65 = arith.constant 0 : i32
        %dma_start3A_66 = tpu.memref_slice %arg9[%add3A_60, %dma_start3A_65] : memref<10000x128xf32, #tpu.memory_space<vmem_shared>> -> memref<80x128xf32, #tpu.memory_space<vmem_shared>>
        %dma_start3A_67 = arith.constant 0 : i32
        %dma_start3A_68 = tpu.memref_slice %arg9[%add3A_60, %dma_start3A_67] : memref<10000x128xf32, #tpu.memory_space<vmem_shared>> -> memref<80x128xf32, #tpu.memory_space<vmem_shared>>
        tpu.enqueue_dma source(%arg7 : memref<80x128xf32, #tpu.memory_space<vmem>>) target(%dma_start3A_68 : memref<80x128xf32, #tpu.memory_space<vmem_shared>>) target_semaphore(%run_scoped3A_64 : memref<!tpu.dma_semaphore, #tpu.memory_space<semaphore_mem>>)
        %dma_wait3A_69 = arith.constant 0 : i32
        %dma_wait3A_70 = tpu.memref_slice %arg9[%add3A_60, %dma_wait3A_69] : memref<10000x128xf32, #tpu.memory_space<vmem_shared>> -> memref<80x128xf32, #tpu.memory_space<vmem_shared>>
        %dma_wait3A_71 = arith.constant 0 : i32
        %dma_wait3A_72 = tpu.memref_slice %arg9[%add3A_60, %dma_wait3A_71] : memref<10000x128xf32, #tpu.memory_space<vmem_shared>> -> memref<80x128xf32, #tpu.memory_space<vmem_shared>>
        tpu.wait_dma2 semaphore(%run_scoped3A_64 : memref<!tpu.dma_semaphore, #tpu.memory_space<semaphore_mem>>) src(%arg7 : memref<80x128xf32, #tpu.memory_space<vmem>>) dst(%dma_wait3A_72 : memref<80x128xf32, #tpu.memory_space<vmem_shared>>)
        tpu.yield
      }) : () -> ()
      %add3A_61 = arith.constant 520 : i32
      %add3A_62 = arith.addi %mul3A_16, %add3A_61 : i32
      %sub3A = arith.constant 40 : i32
      %sub3A_63 = arith.subi %add3A_62, %sub3A : i32
      "tpu.region"() ({
        %run_scoped3A_64 = tpu.sem_alloc : memref<!tpu.dma_semaphore, #tpu.memory_space<semaphore_mem>>
        %dma_start3A_65 = arith.constant 0 : i32
        %dma_start3A_66 = arith.constant 0 : i32
        %dma_start3A_67 = tpu.memref_slice %arg7[%dma_start3A_65, %dma_start3A_66] : memref<80x128xf32, #tpu.memory_space<vmem>> -> memref<40x128xf32, #tpu.memory_space<vmem>>
        %dma_start3A_68 = arith.constant 0 : i32
        %dma_start3A_69 = tpu.memref_slice %arg9[%sub3A_63, %dma_start3A_68] : memref<10000x128xf32, #tpu.memory_space<vmem_shared>> -> memref<40x128xf32, #tpu.memory_space<vmem_shared>>
        %dma_start3A_70 = arith.constant 0 : i32
        %dma_start3A_71 = tpu.memref_slice %arg9[%sub3A_63, %dma_start3A_70] : memref<10000x128xf32, #tpu.memory_space<vmem_shared>> -> memref<40x128xf32, #tpu.memory_space<vmem_shared>>
        %dma_start3A_72 = arith.constant 0 : i32
        %dma_start3A_73 = arith.constant 0 : i32
        %dma_start3A_74 = tpu.memref_slice %arg7[%dma_start3A_72, %dma_start3A_73] : memref<80x128xf32, #tpu.memory_space<vmem>> -> memref<40x128xf32, #tpu.memory_space<vmem>>
        tpu.enqueue_dma source(%dma_start3A_74 : memref<40x128xf32, #tpu.memory_space<vmem>>) target(%dma_start3A_71 : memref<40x128xf32, #tpu.memory_space<vmem_shared>>) target_semaphore(%run_scoped3A_64 : memref<!tpu.dma_semaphore, #tpu.memory_space<semaphore_mem>>)
        %dma_wait3A_75 = arith.constant 0 : i32
        %dma_wait3A_76 = arith.constant 0 : i32
        %dma_wait3A_77 = tpu.memref_slice %arg7[%dma_wait3A_75, %dma_wait3A_76] : memref<80x128xf32, #tpu.memory_space<vmem>> -> memref<40x128xf32, #tpu.memory_space<vmem>>
        %dma_wait3A_78 = arith.constant 0 : i32
        %dma_wait3A_79 = tpu.memref_slice %arg9[%sub3A_63, %dma_wait3A_78] : memref<10000x128xf32, #tpu.memory_space<vmem_shared>> -> memref<40x128xf32, #tpu.memory_space<vmem_shared>>
        %dma_wait3A_80 = arith.constant 0 : i32
        %dma_wait3A_81 = tpu.memref_slice %arg9[%sub3A_63, %dma_wait3A_80] : memref<10000x128xf32, #tpu.memory_space<vmem_shared>> -> memref<40x128xf32, #tpu.memory_space<vmem_shared>>
        %dma_wait3A_82 = arith.constant 0 : i32
        %dma_wait3A_83 = arith.constant 0 : i32
        %dma_wait3A_84 = tpu.memref_slice %arg7[%dma_wait3A_82, %dma_wait3A_83] : memref<80x128xf32, #tpu.memory_space<vmem>> -> memref<40x128xf32, #tpu.memory_space<vmem>>
        tpu.wait_dma2 semaphore(%run_scoped3A_64 : memref<!tpu.dma_semaphore, #tpu.memory_space<semaphore_mem>>) src(%dma_wait3A_84 : memref<40x128xf32, #tpu.memory_space<vmem>>) dst(%dma_wait3A_81 : memref<40x128xf32, #tpu.memory_space<vmem_shared>>)
        tpu.yield
      }) : () -> ()
    } else {
    }
    %barrier3A = arith.constant 0 : index
    tpu.barrier barrier_id(%barrier3A)
    %dma_start3A = arith.constant 0 : i32
    %dma_start3A_23 = tpu.memref_slice %arg5[%dma_start3A] : memref<10000xi32, #tpu.memory_space<vmem>> -> memref<80xi32, #tpu.memory_space<vmem>>
    %dma_start3A_24 = arith.constant 0 : i32
    %dma_start3A_25 = arith.constant 0 : i32
    %dma_start3A_26 = tpu.memref_slice %arg2[%dma_start3A_24, %dma_start3A_25] : memref<10000x128xf32, #tpu.memory_space<hbm>> -> memref<10000x128xf32, #tpu.memory_space<hbm>>
    tpu.enqueue_indirect_dma source(%dma_start3A_26 : memref<10000x128xf32, #tpu.memory_space<hbm>>) target(%arg7 : memref<80x128xf32, #tpu.memory_space<vmem>>) offsets(%dma_start3A_23 : memref<80xi32, #tpu.memory_space<vmem>>) semaphore(%arg10 : memref<!tpu.dma_semaphore, #tpu.memory_space<semaphore_mem>>)
    %scan3A_27 = arith.constant 0 : i32
    %scan3A_28 = arith.constant 0 : i32
    %scan3A_29 = arith.constant 62 : i32
    %scan3A_30 = arith.addi %scan3A_28, %scan3A_29 : i32
    %scan3A_31 = arith.constant 1 : i32
    scf.for %scan3A_49 = %scan3A_28 to %scan3A_30 step %scan3A_31  : i32 {
      %mul3A_50 = arith.constant 2 : i32
      %mul3A_51 = arith.muli %mul3A_50, %scan3A_49 : i32
      %add3A_52 = arith.constant 1 : i32
      %add3A_53 = arith.addi %mul3A_51, %add3A_52 : i32
      %mul3A_54 = arith.constant 80 : i32
      %mul3A_55 = arith.muli %add3A_53, %mul3A_54 : i32
      %dma_start3A_56 = tpu.memref_slice %arg5[%mul3A_55] : memref<10000xi32, #tpu.memory_space<vmem>> -> memref<80xi32, #tpu.memory_space<vmem>>
      %dma_start3A_57 = arith.constant 0 : i32
      %dma_start3A_58 = arith.constant 0 : i32
      %dma_start3A_59 = tpu.memref_slice %arg2[%dma_start3A_57, %dma_start3A_58] : memref<10000x128xf32, #tpu.memory_space<hbm>> -> memref<10000x128xf32, #tpu.memory_space<hbm>>
      tpu.enqueue_indirect_dma source(%dma_start3A_59 : memref<10000x128xf32, #tpu.memory_space<hbm>>) target(%arg8 : memref<80x128xf32, #tpu.memory_space<vmem>>) offsets(%dma_start3A_56 : memref<80xi32, #tpu.memory_space<vmem>>) semaphore(%arg11 : memref<!tpu.dma_semaphore, #tpu.memory_space<semaphore_mem>>)
      %dma_wait3A_60 = arith.constant 0 : i32
      %dma_wait3A_61 = arith.constant 0 : i32
      %dma_wait3A_62 = tpu.memref_slice %arg2[%dma_wait3A_60, %dma_wait3A_61] : memref<10000x128xf32, #tpu.memory_space<hbm>> -> memref<80x128xf32, #tpu.memory_space<hbm>>
      %dma_wait3A_63 = arith.constant 0 : i32
      %dma_wait3A_64 = arith.constant 0 : i32
      %dma_wait3A_65 = tpu.memref_slice %arg2[%dma_wait3A_63, %dma_wait3A_64] : memref<10000x128xf32, #tpu.memory_space<hbm>> -> memref<80x128xf32, #tpu.memory_space<hbm>>
      tpu.wait_dma2 semaphore(%arg10 : memref<!tpu.dma_semaphore, #tpu.memory_space<semaphore_mem>>) src(%dma_wait3A_65 : memref<80x128xf32, #tpu.memory_space<hbm>>) dst(%arg7 : memref<80x128xf32, #tpu.memory_space<vmem>>)
      "tpu.region"() ({
        %run_scoped3A_82 = tpu.sem_alloc : memref<!tpu.dma_semaphore, #tpu.memory_space<semaphore_mem>>
        %dma_start3A_83 = arith.constant 0 : i32
        %dma_start3A_84 = tpu.memref_slice %arg6[%mul3A_51, %dma_start3A_83] : memref<125x80xi32, #tpu.memory_space<vmem>> -> memref<1x80xi32, #tpu.memory_space<vmem>>
        %dma_start3A_85 = tpu.memref_squeeze %dma_start3A_84 : memref<1x80xi32, #tpu.memory_space<vmem>> -> memref<80xi32, #tpu.memory_space<vmem>>
        %dma_start3A_86 = arith.constant 0 : i32
        %dma_start3A_87 = arith.constant 0 : i32
        %dma_start3A_88 = tpu.memref_slice %arg9[%dma_start3A_86, %dma_start3A_87] : memref<10000x128xf32, #tpu.memory_space<vmem_shared>> -> memref<10000x128xf32, #tpu.memory_space<vmem_shared>>
        tpu.enqueue_indirect_dma source(%arg7 : memref<80x128xf32, #tpu.memory_space<vmem>>) target(%dma_start3A_88 : memref<10000x128xf32, #tpu.memory_space<vmem_shared>>) offsets(%dma_start3A_85 : memref<80xi32, #tpu.memory_space<vmem>>) semaphore(%run_scoped3A_82 : memref<!tpu.dma_semaphore, #tpu.memory_space<semaphore_mem>>) {add = true}
        %dma_wait3A_89 = arith.constant 0 : i32
        %dma_wait3A_90 = tpu.memref_slice %arg6[%mul3A_51, %dma_wait3A_89] : memref<125x80xi32, #tpu.memory_space<vmem>> -> memref<1x80xi32, #tpu.memory_space<vmem>>
        %dma_wait3A_91 = tpu.memref_squeeze %dma_wait3A_90 : memref<1x80xi32, #tpu.memory_space<vmem>> -> memref<80xi32, #tpu.memory_space<vmem>>
        %dma_wait3A_92 = arith.constant 0 : i32
        %dma_wait3A_93 = arith.constant 0 : i32
        %dma_wait3A_94 = tpu.memref_slice %arg9[%dma_wait3A_92, %dma_wait3A_93] : memref<10000x128xf32, #tpu.memory_space<vmem_shared>> -> memref<10000x128xf32, #tpu.memory_space<vmem_shared>>
        tpu.wait_indirect_dma semaphore(%run_scoped3A_82 : memref<!tpu.dma_semaphore, #tpu.memory_space<semaphore_mem>>) src(%arg7 : memref<80x128xf32, #tpu.memory_space<vmem>>) dst(%dma_wait3A_94 : memref<10000x128xf32, #tpu.memory_space<vmem_shared>>)
        tpu.yield
      }) : () -> ()
      %add3A_66 = arith.constant 2 : i32
      %add3A_67 = arith.addi %mul3A_51, %add3A_66 : i32
      %mul3A_68 = arith.constant 80 : i32
      %mul3A_69 = arith.muli %add3A_67, %mul3A_68 : i32
      %dma_start3A_70 = tpu.memref_slice %arg5[%mul3A_69] : memref<10000xi32, #tpu.memory_space<vmem>> -> memref<80xi32, #tpu.memory_space<vmem>>
      %dma_start3A_71 = arith.constant 0 : i32
      %dma_start3A_72 = arith.constant 0 : i32
      %dma_start3A_73 = tpu.memref_slice %arg2[%dma_start3A_71, %dma_start3A_72] : memref<10000x128xf32, #tpu.memory_space<hbm>> -> memref<10000x128xf32, #tpu.memory_space<hbm>>
      tpu.enqueue_indirect_dma source(%dma_start3A_73 : memref<10000x128xf32, #tpu.memory_space<hbm>>) target(%arg7 : memref<80x128xf32, #tpu.memory_space<vmem>>) offsets(%dma_start3A_70 : memref<80xi32, #tpu.memory_space<vmem>>) semaphore(%arg10 : memref<!tpu.dma_semaphore, #tpu.memory_space<semaphore_mem>>)
      %dma_wait3A_74 = arith.constant 0 : i32
      %dma_wait3A_75 = arith.constant 0 : i32
      %dma_wait3A_76 = tpu.memref_slice %arg2[%dma_wait3A_74, %dma_wait3A_75] : memref<10000x128xf32, #tpu.memory_space<hbm>> -> memref<80x128xf32, #tpu.memory_space<hbm>>
      %dma_wait3A_77 = arith.constant 0 : i32
      %dma_wait3A_78 = arith.constant 0 : i32
      %dma_wait3A_79 = tpu.memref_slice %arg2[%dma_wait3A_77, %dma_wait3A_78] : memref<10000x128xf32, #tpu.memory_space<hbm>> -> memref<80x128xf32, #tpu.memory_space<hbm>>
      tpu.wait_dma2 semaphore(%arg11 : memref<!tpu.dma_semaphore, #tpu.memory_space<semaphore_mem>>) src(%dma_wait3A_79 : memref<80x128xf32, #tpu.memory_space<hbm>>) dst(%arg8 : memref<80x128xf32, #tpu.memory_space<vmem>>)
      %add3A_80 = arith.constant 1 : i32
      %add3A_81 = arith.addi %mul3A_51, %add3A_80 : i32
      "tpu.region"() ({
        %run_scoped3A_82 = tpu.sem_alloc : memref<!tpu.dma_semaphore, #tpu.memory_space<semaphore_mem>>
        %dma_start3A_83 = arith.constant 0 : i32
        %dma_start3A_84 = tpu.memref_slice %arg6[%add3A_81, %dma_start3A_83] : memref<125x80xi32, #tpu.memory_space<vmem>> -> memref<1x80xi32, #tpu.memory_space<vmem>>
        %dma_start3A_85 = tpu.memref_squeeze %dma_start3A_84 : memref<1x80xi32, #tpu.memory_space<vmem>> -> memref<80xi32, #tpu.memory_space<vmem>>
        %dma_start3A_86 = arith.constant 0 : i32
        %dma_start3A_87 = arith.constant 0 : i32
        %dma_start3A_88 = tpu.memref_slice %arg9[%dma_start3A_86, %dma_start3A_87] : memref<10000x128xf32, #tpu.memory_space<vmem_shared>> -> memref<10000x128xf32, #tpu.memory_space<vmem_shared>>
        tpu.enqueue_indirect_dma source(%arg8 : memref<80x128xf32, #tpu.memory_space<vmem>>) target(%dma_start3A_88 : memref<10000x128xf32, #tpu.memory_space<vmem_shared>>) offsets(%dma_start3A_85 : memref<80xi32, #tpu.memory_space<vmem>>) semaphore(%run_scoped3A_82 : memref<!tpu.dma_semaphore, #tpu.memory_space<semaphore_mem>>) {add = true}
        %dma_wait3A_89 = arith.constant 0 : i32
        %dma_wait3A_90 = tpu.memref_slice %arg6[%add3A_81, %dma_wait3A_89] : memref<125x80xi32, #tpu.memory_space<vmem>> -> memref<1x80xi32, #tpu.memory_space<vmem>>
        %dma_wait3A_91 = tpu.memref_squeeze %dma_wait3A_90 : memref<1x80xi32, #tpu.memory_space<vmem>> -> memref<80xi32, #tpu.memory_space<vmem>>
        %dma_wait3A_92 = arith.constant 0 : i32
        %dma_wait3A_93 = arith.constant 0 : i32
        %dma_wait3A_94 = tpu.memref_slice %arg9[%dma_wait3A_92, %dma_wait3A_93] : memref<10000x128xf32, #tpu.memory_space<vmem_shared>> -> memref<10000x128xf32, #tpu.memory_space<vmem_shared>>
        tpu.wait_indirect_dma semaphore(%run_scoped3A_82 : memref<!tpu.dma_semaphore, #tpu.memory_space<semaphore_mem>>) src(%arg8 : memref<80x128xf32, #tpu.memory_space<vmem>>) dst(%dma_wait3A_94 : memref<10000x128xf32, #tpu.memory_space<vmem_shared>>)
        tpu.yield
      }) : () -> ()
    }
    %scan3A_32 = arith.constant 62 : i32
    %dma_wait3A = arith.constant 0 : i32
    %dma_wait3A_33 = arith.constant 0 : i32
    %dma_wait3A_34 = tpu.memref_slice %arg2[%dma_wait3A, %dma_wait3A_33] : memref<10000x128xf32, #tpu.memory_space<hbm>> -> memref<80x128xf32, #tpu.memory_space<hbm>>
    %dma_wait3A_35 = arith.constant 0 : i32
    %dma_wait3A_36 = arith.constant 0 : i32
    %dma_wait3A_37 = tpu.memref_slice %arg2[%dma_wait3A_35, %dma_wait3A_36] : memref<10000x128xf32, #tpu.memory_space<hbm>> -> memref<80x128xf32, #tpu.memory_space<hbm>>
    tpu.wait_dma2 semaphore(%arg10 : memref<!tpu.dma_semaphore, #tpu.memory_space<semaphore_mem>>) src(%dma_wait3A_37 : memref<80x128xf32, #tpu.memory_space<hbm>>) dst(%arg7 : memref<80x128xf32, #tpu.memory_space<vmem>>)
    %run_scoped3A = arith.constant 124 : i32
    "tpu.region"() ({
      %run_scoped3A_49 = tpu.sem_alloc : memref<!tpu.dma_semaphore, #tpu.memory_space<semaphore_mem>>
      %dma_start3A_50 = arith.constant 0 : i32
      %dma_start3A_51 = tpu.memref_slice %arg6[%run_scoped3A, %dma_start3A_50] : memref<125x80xi32, #tpu.memory_space<vmem>> -> memref<1x80xi32, #tpu.memory_space<vmem>>
      %dma_start3A_52 = tpu.memref_squeeze %dma_start3A_51 : memref<1x80xi32, #tpu.memory_space<vmem>> -> memref<80xi32, #tpu.memory_space<vmem>>
      %dma_start3A_53 = arith.constant 0 : i32
      %dma_start3A_54 = arith.constant 0 : i32
      %dma_start3A_55 = tpu.memref_slice %arg9[%dma_start3A_53, %dma_start3A_54] : memref<10000x128xf32, #tpu.memory_space<vmem_shared>> -> memref<10000x128xf32, #tpu.memory_space<vmem_shared>>
      tpu.enqueue_indirect_dma source(%arg7 : memref<80x128xf32, #tpu.memory_space<vmem>>) target(%dma_start3A_55 : memref<10000x128xf32, #tpu.memory_space<vmem_shared>>) offsets(%dma_start3A_52 : memref<80xi32, #tpu.memory_space<vmem>>) semaphore(%run_scoped3A_49 : memref<!tpu.dma_semaphore, #tpu.memory_space<semaphore_mem>>) {add = true}
      %dma_wait3A_56 = arith.constant 0 : i32
      %dma_wait3A_57 = tpu.memref_slice %arg6[%run_scoped3A, %dma_wait3A_56] : memref<125x80xi32, #tpu.memory_space<vmem>> -> memref<1x80xi32, #tpu.memory_space<vmem>>
      %dma_wait3A_58 = tpu.memref_squeeze %dma_wait3A_57 : memref<1x80xi32, #tpu.memory_space<vmem>> -> memref<80xi32, #tpu.memory_space<vmem>>
      %dma_wait3A_59 = arith.constant 0 : i32
      %dma_wait3A_60 = arith.constant 0 : i32
      %dma_wait3A_61 = tpu.memref_slice %arg9[%dma_wait3A_59, %dma_wait3A_60] : memref<10000x128xf32, #tpu.memory_space<vmem_shared>> -> memref<10000x128xf32, #tpu.memory_space<vmem_shared>>
      tpu.wait_indirect_dma semaphore(%run_scoped3A_49 : memref<!tpu.dma_semaphore, #tpu.memory_space<semaphore_mem>>) src(%arg7 : memref<80x128xf32, #tpu.memory_space<vmem>>) dst(%dma_wait3A_61 : memref<10000x128xf32, #tpu.memory_space<vmem_shared>>)
      tpu.yield
    }) : () -> ()
    %barrier3A_38 = arith.constant 0 : index
    tpu.barrier barrier_id(%barrier3A_38)
    %lt3A_39 = arith.constant 15 : i32
    %lt3A_40 = arith.cmpi slt, %arg1, %lt3A_39 : i32
    %convert_element_type3A_41 = arith.extui %lt3A_40 : i1 to i32
    %cond3A_42 = arith.constant 0 : i32
    %cond3A_43 = arith.cmpi ne, %convert_element_type3A_41, %cond3A_42 : i32
    scf.if %cond3A_43 {
      %mul3A_49 = arith.constant 632 : i32
      %mul3A_50 = arith.muli %arg1, %mul3A_49 : i32
      %mul3A_51 = arith.constant 632 : i32
      %mul3A_52 = arith.muli %arg1, %mul3A_51 : i32
      %mul3A_53 = arith.constant 10000 : i32
      %mul3A_54 = arith.muli %arg0, %mul3A_53 : i32
      %add3A_55 = arith.addi %mul3A_54, %mul3A_52 : i32
      "tpu.region"() ({
        %run_scoped3A_56 = tpu.sem_alloc : memref<!tpu.dma_semaphore, #tpu.memory_space<semaphore_mem>>
        %dma_start3A_57 = arith.constant 0 : i32
        %dma_start3A_58 = tpu.memref_slice %arg4[%add3A_55, %dma_start3A_57] : memref<20000x128xf32, #tpu.memory_space<hbm>> -> memref<632x128xf32, #tpu.memory_space<hbm>>
        %dma_start3A_59 = arith.constant 0 : i32
        %dma_start3A_60 = tpu.memref_slice %arg9[%mul3A_50, %dma_start3A_59] : memref<10000x128xf32, #tpu.memory_space<vmem_shared>> -> memref<632x128xf32, #tpu.memory_space<vmem_shared>>
        tpu.enqueue_dma source(%dma_start3A_60 : memref<632x128xf32, #tpu.memory_space<vmem_shared>>) target(%dma_start3A_58 : memref<632x128xf32, #tpu.memory_space<hbm>>) target_semaphore(%run_scoped3A_56 : memref<!tpu.dma_semaphore, #tpu.memory_space<semaphore_mem>>)
        %dma_wait3A_61 = arith.constant 0 : i32
        %dma_wait3A_62 = tpu.memref_slice %arg4[%add3A_55, %dma_wait3A_61] : memref<20000x128xf32, #tpu.memory_space<hbm>> -> memref<632x128xf32, #tpu.memory_space<hbm>>
        %dma_wait3A_63 = arith.constant 0 : i32
        %dma_wait3A_64 = tpu.memref_slice %arg9[%mul3A_50, %dma_wait3A_63] : memref<10000x128xf32, #tpu.memory_space<vmem_shared>> -> memref<632x128xf32, #tpu.memory_space<vmem_shared>>
        tpu.wait_dma2 semaphore(%run_scoped3A_56 : memref<!tpu.dma_semaphore, #tpu.memory_space<semaphore_mem>>) src(%dma_wait3A_64 : memref<632x128xf32, #tpu.memory_space<vmem_shared>>) dst(%dma_wait3A_62 : memref<632x128xf32, #tpu.memory_space<hbm>>)
        tpu.yield
      }) : () -> ()
    } else {
    }
    %eq3A_44 = arith.constant 15 : i32
    %eq3A_45 = arith.cmpi eq, %arg1, %eq3A_44 : i32
    %convert_element_type3A_46 = arith.extui %eq3A_45 : i1 to i32
    %cond3A_47 = arith.constant 0 : i32
    %cond3A_48 = arith.cmpi ne, %convert_element_type3A_46, %cond3A_47 : i32
    scf.if %cond3A_48 {
      %mul3A_49 = arith.constant 10000 : i32
      %mul3A_50 = arith.muli %arg0, %mul3A_49 : i32
      %add3A_51 = arith.constant 9480 : i32
      %add3A_52 = arith.addi %mul3A_50, %add3A_51 : i32
      "tpu.region"() ({
        %run_scoped3A_53 = tpu.sem_alloc : memref<!tpu.dma_semaphore, #tpu.memory_space<semaphore_mem>>
        %dma_start3A_54 = arith.constant 0 : i32
        %dma_start3A_55 = tpu.memref_slice %arg4[%add3A_52, %dma_start3A_54] : memref<20000x128xf32, #tpu.memory_space<hbm>> -> memref<520x128xf32, #tpu.memory_space<hbm>>
        %dma_start3A_56 = arith.constant 9480 : i32
        %dma_start3A_57 = arith.constant 0 : i32
        %dma_start3A_58 = tpu.memref_slice %arg9[%dma_start3A_56, %dma_start3A_57] : memref<10000x128xf32, #tpu.memory_space<vmem_shared>> -> memref<520x128xf32, #tpu.memory_space<vmem_shared>>
        tpu.enqueue_dma source(%dma_start3A_58 : memref<520x128xf32, #tpu.memory_space<vmem_shared>>) target(%dma_start3A_55 : memref<520x128xf32, #tpu.memory_space<hbm>>) target_semaphore(%run_scoped3A_53 : memref<!tpu.dma_semaphore, #tpu.memory_space<semaphore_mem>>)
        %dma_wait3A_59 = arith.constant 0 : i32
        %dma_wait3A_60 = tpu.memref_slice %arg4[%add3A_52, %dma_wait3A_59] : memref<20000x128xf32, #tpu.memory_space<hbm>> -> memref<520x128xf32, #tpu.memory_space<hbm>>
        %dma_wait3A_61 = arith.constant 9480 : i32
        %dma_wait3A_62 = arith.constant 0 : i32
        %dma_wait3A_63 = tpu.memref_slice %arg9[%dma_wait3A_61, %dma_wait3A_62] : memref<10000x128xf32, #tpu.memory_space<vmem_shared>> -> memref<520x128xf32, #tpu.memory_space<vmem_shared>>
        tpu.wait_dma2 semaphore(%run_scoped3A_53 : memref<!tpu.dma_semaphore, #tpu.memory_space<semaphore_mem>>) src(%dma_wait3A_63 : memref<520x128xf32, #tpu.memory_space<vmem_shared>>) dst(%dma_wait3A_60 : memref<520x128xf32, #tpu.memory_space<hbm>>)
        tpu.yield
      }) : () -> ()
    } else {
    }
    return
  }
}

#map = affine_map<(d0, d1) -> (0)>
#map1 = affine_map<(d0, d1) -> (0, 0)>
module attributes {stable_mosaic.version = 14 : i64} {
  func.func @cnt_k(%arg0: i32, %arg1: i32, %arg2: memref<320000xi32, #tpu.memory_space<hbm>>, %arg3: memref<80x128xf32, #tpu.memory_space<hbm>>, %arg4: memref<632x128xf32, #tpu.memory_space<hbm>>, %arg5: memref<20000x128xf32, #tpu.memory_space<hbm>>, %arg6: memref<80xi32, #tpu.memory_space<vmem>>, %arg7: memref<80x128xf32, #tpu.memory_space<vmem>>, %arg8: memref<10000x128xf32, #tpu.memory_space<vmem_shared>>) attributes {dimension_semantics = [#tpu.dimension_semantics<core_parallel>, #tpu.dimension_semantics<subcore_parallel>], iteration_bounds = array<i64: 2, 16>, scalar_prefetch = 0 : i64, scratch_operands = 3 : i64, tpu.core_type = #tpu.core_type<sc_vector_subcore>, window_params = [{transform_indices = #map}, {transform_indices = #map1}, {transform_indices = #map1}, {transform_indices = #map1}]} {
    "tpu.region"() ({
      %run_scoped3A = tpu.sem_alloc : memref<!tpu.dma_semaphore, #tpu.memory_space<semaphore_mem>>
      tpu.enqueue_dma source(%arg3 : memref<80x128xf32, #tpu.memory_space<hbm>>) target(%arg7 : memref<80x128xf32, #tpu.memory_space<vmem>>) target_semaphore(%run_scoped3A : memref<!tpu.dma_semaphore, #tpu.memory_space<semaphore_mem>>)
      tpu.wait_dma2 semaphore(%run_scoped3A : memref<!tpu.dma_semaphore, #tpu.memory_space<semaphore_mem>>) src(%arg3 : memref<80x128xf32, #tpu.memory_space<hbm>>) dst(%arg7 : memref<80x128xf32, #tpu.memory_space<vmem>>)
      tpu.yield
    }) : () -> ()
    %lt3A = arith.constant 15 : i32
    %lt3A_0 = arith.cmpi slt, %arg1, %lt3A : i32
    %convert_element_type3A = arith.extui %lt3A_0 : i1 to i32
    %cond3A = arith.constant 0 : i32
    %cond3A_1 = arith.cmpi ne, %convert_element_type3A, %cond3A : i32
    scf.if %cond3A_1 {
      %mul3A_25 = arith.constant 632 : i32
      %mul3A_26 = arith.muli %arg1, %mul3A_25 : i32
      %mul3A_27 = arith.constant 632 : i32
      %mul3A_28 = arith.muli %arg1, %mul3A_27 : i32
      "tpu.region"() ({
        %run_scoped3A = tpu.sem_alloc : memref<!tpu.dma_semaphore, #tpu.memory_space<semaphore_mem>>
        %dma_start3A = arith.constant 0 : i32
        %dma_start3A_29 = tpu.memref_slice %arg8[%mul3A_28, %dma_start3A] : memref<10000x128xf32, #tpu.memory_space<vmem_shared>> -> memref<632x128xf32, #tpu.memory_space<vmem_shared>>
        %dma_start3A_30 = arith.constant 0 : i32
        %dma_start3A_31 = arith.constant 0 : i32
        %dma_start3A_32 = tpu.memref_slice %arg4[%dma_start3A_30, %dma_start3A_31] : memref<632x128xf32, #tpu.memory_space<hbm>> -> memref<632x128xf32, #tpu.memory_space<hbm>>
        tpu.enqueue_dma source(%dma_start3A_32 : memref<632x128xf32, #tpu.memory_space<hbm>>) target(%dma_start3A_29 : memref<632x128xf32, #tpu.memory_space<vmem_shared>>) target_semaphore(%run_scoped3A : memref<!tpu.dma_semaphore, #tpu.memory_space<semaphore_mem>>)
        %dma_wait3A = arith.constant 0 : i32
        %dma_wait3A_33 = tpu.memref_slice %arg8[%mul3A_28, %dma_wait3A] : memref<10000x128xf32, #tpu.memory_space<vmem_shared>> -> memref<632x128xf32, #tpu.memory_space<vmem_shared>>
        %dma_wait3A_34 = arith.constant 0 : i32
        %dma_wait3A_35 = arith.constant 0 : i32
        %dma_wait3A_36 = tpu.memref_slice %arg4[%dma_wait3A_34, %dma_wait3A_35] : memref<632x128xf32, #tpu.memory_space<hbm>> -> memref<632x128xf32, #tpu.memory_space<hbm>>
        tpu.wait_dma2 semaphore(%run_scoped3A : memref<!tpu.dma_semaphore, #tpu.memory_space<semaphore_mem>>) src(%dma_wait3A_36 : memref<632x128xf32, #tpu.memory_space<hbm>>) dst(%dma_wait3A_33 : memref<632x128xf32, #tpu.memory_space<vmem_shared>>)
        tpu.yield
      }) : () -> ()
    } else {
    }
    %eq3A = arith.constant 15 : i32
    %eq3A_2 = arith.cmpi eq, %arg1, %eq3A : i32
    %convert_element_type3A_3 = arith.extui %eq3A_2 : i1 to i32
    %cond3A_4 = arith.constant 0 : i32
    %cond3A_5 = arith.cmpi ne, %convert_element_type3A_3, %cond3A_4 : i32
    scf.if %cond3A_5 {
      "tpu.region"() ({
        %run_scoped3A = tpu.sem_alloc : memref<!tpu.dma_semaphore, #tpu.memory_space<semaphore_mem>>
        %dma_start3A = arith.constant 9480 : i32
        %dma_start3A_25 = arith.constant 0 : i32
        %dma_start3A_26 = tpu.memref_slice %arg8[%dma_start3A, %dma_start3A_25] : memref<10000x128xf32, #tpu.memory_space<vmem_shared>> -> memref<520x128xf32, #tpu.memory_space<vmem_shared>>
        %dma_start3A_27 = arith.constant 0 : i32
        %dma_start3A_28 = arith.constant 0 : i32
        %dma_start3A_29 = tpu.memref_slice %arg4[%dma_start3A_27, %dma_start3A_28] : memref<632x128xf32, #tpu.memory_space<hbm>> -> memref<520x128xf32, #tpu.memory_space<hbm>>
        tpu.enqueue_dma source(%dma_start3A_29 : memref<520x128xf32, #tpu.memory_space<hbm>>) target(%dma_start3A_26 : memref<520x128xf32, #tpu.memory_space<vmem_shared>>) target_semaphore(%run_scoped3A : memref<!tpu.dma_semaphore, #tpu.memory_space<semaphore_mem>>)
        %dma_wait3A = arith.constant 9480 : i32
        %dma_wait3A_30 = arith.constant 0 : i32
        %dma_wait3A_31 = tpu.memref_slice %arg8[%dma_wait3A, %dma_wait3A_30] : memref<10000x128xf32, #tpu.memory_space<vmem_shared>> -> memref<520x128xf32, #tpu.memory_space<vmem_shared>>
        %dma_wait3A_32 = arith.constant 0 : i32
        %dma_wait3A_33 = arith.constant 0 : i32
        %dma_wait3A_34 = tpu.memref_slice %arg4[%dma_wait3A_32, %dma_wait3A_33] : memref<632x128xf32, #tpu.memory_space<hbm>> -> memref<520x128xf32, #tpu.memory_space<hbm>>
        tpu.wait_dma2 semaphore(%run_scoped3A : memref<!tpu.dma_semaphore, #tpu.memory_space<semaphore_mem>>) src(%dma_wait3A_34 : memref<520x128xf32, #tpu.memory_space<hbm>>) dst(%dma_wait3A_31 : memref<520x128xf32, #tpu.memory_space<vmem_shared>>)
        tpu.yield
      }) : () -> ()
    } else {
    }
    %barrier3A = arith.constant 0 : index
    tpu.barrier barrier_id(%barrier3A)
    %mul3A = arith.constant 16 : i32
    %mul3A_6 = arith.muli %arg0, %mul3A : i32
    %add3A = arith.addi %mul3A_6, %arg1 : i32
    %mul3A_7 = arith.constant 10000 : i32
    %mul3A_8 = arith.muli %add3A, %mul3A_7 : i32
    %scan3A = arith.constant 0 : i32
    %scan3A_9 = arith.constant 0 : i32
    %scan3A_10 = arith.constant 125 : i32
    %scan3A_11 = arith.addi %scan3A_9, %scan3A_10 : i32
    %scan3A_12 = arith.constant 1 : i32
    scf.for %scan3A_25 = %scan3A_9 to %scan3A_11 step %scan3A_12  : i32 {
      %mul3A_26 = arith.constant 80 : i32
      %mul3A_27 = arith.muli %scan3A_25, %mul3A_26 : i32
      %add3A_28 = arith.addi %mul3A_8, %mul3A_27 : i32
      "tpu.region"() ({
        %run_scoped3A = tpu.sem_alloc : memref<!tpu.dma_semaphore, #tpu.memory_space<semaphore_mem>>
        %dma_start3A = tpu.memref_slice %arg2[%add3A_28] : memref<320000xi32, #tpu.memory_space<hbm>> -> memref<80xi32, #tpu.memory_space<hbm>>
        %dma_start3A_29 = tpu.memref_slice %arg2[%add3A_28] : memref<320000xi32, #tpu.memory_space<hbm>> -> memref<80xi32, #tpu.memory_space<hbm>>
        tpu.enqueue_dma source(%dma_start3A_29 : memref<80xi32, #tpu.memory_space<hbm>>) target(%arg6 : memref<80xi32, #tpu.memory_space<vmem>>) target_semaphore(%run_scoped3A : memref<!tpu.dma_semaphore, #tpu.memory_space<semaphore_mem>>)
        %dma_wait3A = tpu.memref_slice %arg2[%add3A_28] : memref<320000xi32, #tpu.memory_space<hbm>> -> memref<80xi32, #tpu.memory_space<hbm>>
        %dma_wait3A_30 = tpu.memref_slice %arg2[%add3A_28] : memref<320000xi32, #tpu.memory_space<hbm>> -> memref<80xi32, #tpu.memory_space<hbm>>
        tpu.wait_dma2 semaphore(%run_scoped3A : memref<!tpu.dma_semaphore, #tpu.memory_space<semaphore_mem>>) src(%dma_wait3A_30 : memref<80xi32, #tpu.memory_space<hbm>>) dst(%arg6 : memref<80xi32, #tpu.memory_space<vmem>>)
        tpu.yield
      }) : () -> ()
      "tpu.region"() ({
        %run_scoped3A = tpu.sem_alloc : memref<!tpu.dma_semaphore, #tpu.memory_space<semaphore_mem>>
        %dma_start3A = arith.constant 0 : i32
        %dma_start3A_29 = arith.constant 0 : i32
        %dma_start3A_30 = tpu.memref_slice %arg8[%dma_start3A, %dma_start3A_29] : memref<10000x128xf32, #tpu.memory_space<vmem_shared>> -> memref<10000x128xf32, #tpu.memory_space<vmem_shared>>
        tpu.enqueue_indirect_dma source(%arg7 : memref<80x128xf32, #tpu.memory_space<vmem>>) target(%dma_start3A_30 : memref<10000x128xf32, #tpu.memory_space<vmem_shared>>) offsets(%arg6 : memref<80xi32, #tpu.memory_space<vmem>>) semaphore(%run_scoped3A : memref<!tpu.dma_semaphore, #tpu.memory_space<semaphore_mem>>) {add = true}
        %dma_wait3A = arith.constant 0 : i32
        %dma_wait3A_31 = arith.constant 0 : i32
        %dma_wait3A_32 = tpu.memref_slice %arg8[%dma_wait3A, %dma_wait3A_31] : memref<10000x128xf32, #tpu.memory_space<vmem_shared>> -> memref<10000x128xf32, #tpu.memory_space<vmem_shared>>
        tpu.wait_indirect_dma semaphore(%run_scoped3A : memref<!tpu.dma_semaphore, #tpu.memory_space<semaphore_mem>>) src(%arg7 : memref<80x128xf32, #tpu.memory_space<vmem>>) dst(%dma_wait3A_32 : memref<10000x128xf32, #tpu.memory_space<vmem_shared>>)
        tpu.yield
      }) : () -> ()
    }
    %scan3A_13 = arith.constant 125 : i32
    %barrier3A_14 = arith.constant 0 : index
    tpu.barrier barrier_id(%barrier3A_14)
    %lt3A_15 = arith.constant 15 : i32
    %lt3A_16 = arith.cmpi slt, %arg1, %lt3A_15 : i32
    %convert_element_type3A_17 = arith.extui %lt3A_16 : i1 to i32
    %cond3A_18 = arith.constant 0 : i32
    %cond3A_19 = arith.cmpi ne, %convert_element_type3A_17, %cond3A_18 : i32
    scf.if %cond3A_19 {
      %mul3A_25 = arith.constant 632 : i32
      %mul3A_26 = arith.muli %arg1, %mul3A_25 : i32
      %mul3A_27 = arith.constant 632 : i32
      %mul3A_28 = arith.muli %arg1, %mul3A_27 : i32
      %mul3A_29 = arith.constant 10000 : i32
      %mul3A_30 = arith.muli %arg0, %mul3A_29 : i32
      %add3A_31 = arith.addi %mul3A_30, %mul3A_28 : i32
      "tpu.region"() ({
        %run_scoped3A = tpu.sem_alloc : memref<!tpu.dma_semaphore, #tpu.memory_space<semaphore_mem>>
        %dma_start3A = arith.constant 0 : i32
        %dma_start3A_32 = tpu.memref_slice %arg5[%add3A_31, %dma_start3A] : memref<20000x128xf32, #tpu.memory_space<hbm>> -> memref<632x128xf32, #tpu.memory_space<hbm>>
        %dma_start3A_33 = arith.constant 0 : i32
        %dma_start3A_34 = tpu.memref_slice %arg8[%mul3A_26, %dma_start3A_33] : memref<10000x128xf32, #tpu.memory_space<vmem_shared>> -> memref<632x128xf32, #tpu.memory_space<vmem_shared>>
        tpu.enqueue_dma source(%dma_start3A_34 : memref<632x128xf32, #tpu.memory_space<vmem_shared>>) target(%dma_start3A_32 : memref<632x128xf32, #tpu.memory_space<hbm>>) target_semaphore(%run_scoped3A : memref<!tpu.dma_semaphore, #tpu.memory_space<semaphore_mem>>)
        %dma_wait3A = arith.constant 0 : i32
        %dma_wait3A_35 = tpu.memref_slice %arg5[%add3A_31, %dma_wait3A] : memref<20000x128xf32, #tpu.memory_space<hbm>> -> memref<632x128xf32, #tpu.memory_space<hbm>>
        %dma_wait3A_36 = arith.constant 0 : i32
        %dma_wait3A_37 = tpu.memref_slice %arg8[%mul3A_26, %dma_wait3A_36] : memref<10000x128xf32, #tpu.memory_space<vmem_shared>> -> memref<632x128xf32, #tpu.memory_space<vmem_shared>>
        tpu.wait_dma2 semaphore(%run_scoped3A : memref<!tpu.dma_semaphore, #tpu.memory_space<semaphore_mem>>) src(%dma_wait3A_37 : memref<632x128xf32, #tpu.memory_space<vmem_shared>>) dst(%dma_wait3A_35 : memref<632x128xf32, #tpu.memory_space<hbm>>)
        tpu.yield
      }) : () -> ()
    } else {
    }
    %eq3A_20 = arith.constant 15 : i32
    %eq3A_21 = arith.cmpi eq, %arg1, %eq3A_20 : i32
    %convert_element_type3A_22 = arith.extui %eq3A_21 : i1 to i32
    %cond3A_23 = arith.constant 0 : i32
    %cond3A_24 = arith.cmpi ne, %convert_element_type3A_22, %cond3A_23 : i32
    scf.if %cond3A_24 {
      %mul3A_25 = arith.constant 10000 : i32
      %mul3A_26 = arith.muli %arg0, %mul3A_25 : i32
      %add3A_27 = arith.constant 9480 : i32
      %add3A_28 = arith.addi %mul3A_26, %add3A_27 : i32
      "tpu.region"() ({
        %run_scoped3A = tpu.sem_alloc : memref<!tpu.dma_semaphore, #tpu.memory_space<semaphore_mem>>
        %dma_start3A = arith.constant 0 : i32
        %dma_start3A_29 = tpu.memref_slice %arg5[%add3A_28, %dma_start3A] : memref<20000x128xf32, #tpu.memory_space<hbm>> -> memref<520x128xf32, #tpu.memory_space<hbm>>
        %dma_start3A_30 = arith.constant 9480 : i32
        %dma_start3A_31 = arith.constant 0 : i32
        %dma_start3A_32 = tpu.memref_slice %arg8[%dma_start3A_30, %dma_start3A_31] : memref<10000x128xf32, #tpu.memory_space<vmem_shared>> -> memref<520x128xf32, #tpu.memory_space<vmem_shared>>
        tpu.enqueue_dma source(%dma_start3A_32 : memref<520x128xf32, #tpu.memory_space<vmem_shared>>) target(%dma_start3A_29 : memref<520x128xf32, #tpu.memory_space<hbm>>) target_semaphore(%run_scoped3A : memref<!tpu.dma_semaphore, #tpu.memory_space<semaphore_mem>>)
        %dma_wait3A = arith.constant 0 : i32
        %dma_wait3A_33 = tpu.memref_slice %arg5[%add3A_28, %dma_wait3A] : memref<20000x128xf32, #tpu.memory_space<hbm>> -> memref<520x128xf32, #tpu.memory_space<hbm>>
        %dma_wait3A_34 = arith.constant 9480 : i32
        %dma_wait3A_35 = arith.constant 0 : i32
        %dma_wait3A_36 = tpu.memref_slice %arg8[%dma_wait3A_34, %dma_wait3A_35] : memref<10000x128xf32, #tpu.memory_space<vmem_shared>> -> memref<520x128xf32, #tpu.memory_space<vmem_shared>>
        tpu.wait_dma2 semaphore(%run_scoped3A : memref<!tpu.dma_semaphore, #tpu.memory_space<semaphore_mem>>) src(%dma_wait3A_36 : memref<520x128xf32, #tpu.memory_space<vmem_shared>>) dst(%dma_wait3A_33 : memref<520x128xf32, #tpu.memory_space<hbm>>)
        tpu.yield
      }) : () -> ()
    } else {
    }
    return
  }
}

#map = affine_map<(d0, d1) -> (0, 0)>
#map1 = affine_map<(d0, d1) -> (0)>
module attributes {stable_mosaic.version = 14 : i64} {
  func.func @agg(%arg0: i32, %arg1: i32, %arg2: memref<10000x128xf32, #tpu.memory_space<hbm>>, %arg3: memref<320000xi32, #tpu.memory_space<hbm>>, %arg4: memref<20000x128xf32, #tpu.memory_space<hbm>>, %arg5: memref<10000xi32, #tpu.memory_space<vmem>>, %arg6: memref<125x80xi32, #tpu.memory_space<vmem>>, %arg7: memref<80x128xf32, #tpu.memory_space<vmem>>, %arg8: memref<80x128xf32, #tpu.memory_space<vmem>>, %arg9: memref<10000x128xf32, #tpu.memory_space<vmem_shared>>, %arg10: memref<!tpu.dma_semaphore, #tpu.memory_space<semaphore_mem>>, %arg11: memref<!tpu.dma_semaphore, #tpu.memory_space<semaphore_mem>>) attributes {dimension_semantics = [#tpu.dimension_semantics<core_parallel>, #tpu.dimension_semantics<subcore_parallel>], iteration_bounds = array<i64: 2, 16>, scalar_prefetch = 0 : i64, scratch_operands = 7 : i64, tpu.core_type = #tpu.core_type<sc_vector_subcore>, window_params = [{transform_indices = #map}, {transform_indices = #map1}, {transform_indices = #map}]} {
    %mul3A = arith.constant 16 : i32
    %mul3A_0 = arith.muli %arg0, %mul3A : i32
    %add3A = arith.addi %mul3A_0, %arg1 : i32
    %mul3A_1 = arith.constant 10000 : i32
    %mul3A_2 = arith.muli %add3A, %mul3A_1 : i32
    "tpu.region"() ({
      %run_scoped3A_49 = tpu.sem_alloc : memref<!tpu.dma_semaphore, #tpu.memory_space<semaphore_mem>>
      %dma_start3A_50 = tpu.memref_slice %arg3[%mul3A_2] : memref<320000xi32, #tpu.memory_space<hbm>> -> memref<10000xi32, #tpu.memory_space<hbm>>
      %dma_start3A_51 = tpu.memref_slice %arg3[%mul3A_2] : memref<320000xi32, #tpu.memory_space<hbm>> -> memref<10000xi32, #tpu.memory_space<hbm>>
      tpu.enqueue_dma source(%dma_start3A_51 : memref<10000xi32, #tpu.memory_space<hbm>>) target(%arg5 : memref<10000xi32, #tpu.memory_space<vmem>>) target_semaphore(%run_scoped3A_49 : memref<!tpu.dma_semaphore, #tpu.memory_space<semaphore_mem>>)
      %dma_wait3A_52 = tpu.memref_slice %arg3[%mul3A_2] : memref<320000xi32, #tpu.memory_space<hbm>> -> memref<10000xi32, #tpu.memory_space<hbm>>
      %dma_wait3A_53 = tpu.memref_slice %arg3[%mul3A_2] : memref<320000xi32, #tpu.memory_space<hbm>> -> memref<10000xi32, #tpu.memory_space<hbm>>
      tpu.wait_dma2 semaphore(%run_scoped3A_49 : memref<!tpu.dma_semaphore, #tpu.memory_space<semaphore_mem>>) src(%dma_wait3A_53 : memref<10000xi32, #tpu.memory_space<hbm>>) dst(%arg5 : memref<10000xi32, #tpu.memory_space<vmem>>)
      tpu.yield
    }) : () -> ()
    %scan3A = arith.constant 0 : i32
    %scan3A_3 = arith.constant 0 : i32
    %scan3A_4 = arith.constant 125 : i32
    %scan3A_5 = arith.addi %scan3A_3, %scan3A_4 : i32
    %scan3A_6 = arith.constant 1 : i32
    scf.for %scan3A_49 = %scan3A_3 to %scan3A_5 step %scan3A_6  : i32 {
      %mul3A_50 = arith.constant 80 : i32
      %mul3A_51 = arith.muli %scan3A_49, %mul3A_50 : i32
      %add3A_52 = arith.constant 0 : i32
      %add3A_53 = arith.addi %mul3A_51, %add3A_52 : i32
      %get3A = arith.index_cast %add3A_53 : i32 to index
      %get3A_54 = tpu.vector_load %arg5[%get3A] {strides = array<i32>} : memref<10000xi32, #tpu.memory_space<vmem>>, vector<16xi32>,
      %get3A_55 = vector.shape_cast %get3A_54 : vector<16xi32> to vector<16xi32>
      %shift_right_logical3A = arith.constant 14 : i32
      %shift_right_logical3A_56 = vector.broadcast %shift_right_logical3A : i32 to vector<16xi32>
      %shift_right_logical3A_57 = arith.shrui %get3A_55, %shift_right_logical3A_56 : vector<16xi32>
      %swap3A = arith.index_cast %scan3A_49 : i32 to index
      %swap3A_58 = arith.constant 0 : index
      %swap3A_59 = tpu.vector_load %arg6[%swap3A, %swap3A_58] {strides = array<i32>} : memref<125x80xi32, #tpu.memory_space<vmem>>, vector<1x16xi32>,
      %swap3A_60 = vector.shape_cast %swap3A_59 : vector<1x16xi32> to vector<16xi32>
      %swap3A_61 = vector.shape_cast %shift_right_logical3A_57 : vector<16xi32> to vector<1x16xi32>
      tpu.vector_store %arg6[%swap3A, %swap3A_58], %swap3A_61 {strides = array<i32>} : memref<125x80xi32, #tpu.memory_space<vmem>>, vector<1x16xi32>,
      %and3A = arith.constant 16383 : i32
      %and3A_62 = vector.broadcast %and3A : i32 to vector<16xi32>
      %and3A_63 = arith.andi %get3A_55, %and3A_62 : vector<16xi32>
      %swap3A_64 = arith.index_cast %add3A_53 : i32 to index
      %swap3A_65 = tpu.vector_load %arg5[%swap3A_64] {strides = array<i32>} : memref<10000xi32, #tpu.memory_space<vmem>>, vector<16xi32>,
      %swap3A_66 = vector.shape_cast %swap3A_65 : vector<16xi32> to vector<16xi32>
      %swap3A_67 = vector.shape_cast %and3A_63 : vector<16xi32> to vector<16xi32>
      tpu.vector_store %arg5[%swap3A_64], %swap3A_67 {strides = array<i32>} : memref<10000xi32, #tpu.memory_space<vmem>>, vector<16xi32>,
      %mul3A_68 = arith.constant 80 : i32
      %mul3A_69 = arith.muli %scan3A_49, %mul3A_68 : i32
      %add3A_70 = arith.constant 16 : i32
      %add3A_71 = arith.addi %mul3A_69, %add3A_70 : i32
      %get3A_72 = arith.index_cast %add3A_71 : i32 to index
      %get3A_73 = tpu.vector_load %arg5[%get3A_72] {strides = array<i32>} : memref<10000xi32, #tpu.memory_space<vmem>>, vector<16xi32>,
      %get3A_74 = vector.shape_cast %get3A_73 : vector<16xi32> to vector<16xi32>
      %shift_right_logical3A_75 = arith.constant 14 : i32
      %shift_right_logical3A_76 = vector.broadcast %shift_right_logical3A_75 : i32 to vector<16xi32>
      %shift_right_logical3A_77 = arith.shrui %get3A_74, %shift_right_logical3A_76 : vector<16xi32>
      %swap3A_78 = arith.index_cast %scan3A_49 : i32 to index
      %swap3A_79 = arith.constant 16 : index
      %swap3A_80 = tpu.vector_load %arg6[%swap3A_78, %swap3A_79] {strides = array<i32>} : memref<125x80xi32, #tpu.memory_space<vmem>>, vector<1x16xi32>,
      %swap3A_81 = vector.shape_cast %swap3A_80 : vector<1x16xi32> to vector<16xi32>
      %swap3A_82 = vector.shape_cast %shift_right_logical3A_77 : vector<16xi32> to vector<1x16xi32>
      tpu.vector_store %arg6[%swap3A_78, %swap3A_79], %swap3A_82 {strides = array<i32>} : memref<125x80xi32, #tpu.memory_space<vmem>>, vector<1x16xi32>,
      %and3A_83 = arith.constant 16383 : i32
      %and3A_84 = vector.broadcast %and3A_83 : i32 to vector<16xi32>
      %and3A_85 = arith.andi %get3A_74, %and3A_84 : vector<16xi32>
      %swap3A_86 = arith.index_cast %add3A_71 : i32 to index
      %swap3A_87 = tpu.vector_load %arg5[%swap3A_86] {strides = array<i32>} : memref<10000xi32, #tpu.memory_space<vmem>>, vector<16xi32>,
      %swap3A_88 = vector.shape_cast %swap3A_87 : vector<16xi32> to vector<16xi32>
      %swap3A_89 = vector.shape_cast %and3A_85 : vector<16xi32> to vector<16xi32>
      tpu.vector_store %arg5[%swap3A_86], %swap3A_89 {strides = array<i32>} : memref<10000xi32, #tpu.memory_space<vmem>>, vector<16xi32>,
      %mul3A_90 = arith.constant 80 : i32
      %mul3A_91 = arith.muli %scan3A_49, %mul3A_90 : i32
      %add3A_92 = arith.constant 32 : i32
      %add3A_93 = arith.addi %mul3A_91, %add3A_92 : i32
      %get3A_94 = arith.index_cast %add3A_93 : i32 to index
      %get3A_95 = tpu.vector_load %arg5[%get3A_94] {strides = array<i32>} : memref<10000xi32, #tpu.memory_space<vmem>>, vector<16xi32>,
      %get3A_96 = vector.shape_cast %get3A_95 : vector<16xi32> to vector<16xi32>
      %shift_right_logical3A_97 = arith.constant 14 : i32
      %shift_right_logical3A_98 = vector.broadcast %shift_right_logical3A_97 : i32 to vector<16xi32>
      %shift_right_logical3A_99 = arith.shrui %get3A_96, %shift_right_logical3A_98 : vector<16xi32>
      %swap3A_100 = arith.index_cast %scan3A_49 : i32 to index
      %swap3A_101 = arith.constant 32 : index
      %swap3A_102 = tpu.vector_load %arg6[%swap3A_100, %swap3A_101] {strides = array<i32>} : memref<125x80xi32, #tpu.memory_space<vmem>>, vector<1x16xi32>,
      %swap3A_103 = vector.shape_cast %swap3A_102 : vector<1x16xi32> to vector<16xi32>
      %swap3A_104 = vector.shape_cast %shift_right_logical3A_99 : vector<16xi32> to vector<1x16xi32>
      tpu.vector_store %arg6[%swap3A_100, %swap3A_101], %swap3A_104 {strides = array<i32>} : memref<125x80xi32, #tpu.memory_space<vmem>>, vector<1x16xi32>,
      %and3A_105 = arith.constant 16383 : i32
      %and3A_106 = vector.broadcast %and3A_105 : i32 to vector<16xi32>
      %and3A_107 = arith.andi %get3A_96, %and3A_106 : vector<16xi32>
      %swap3A_108 = arith.index_cast %add3A_93 : i32 to index
      %swap3A_109 = tpu.vector_load %arg5[%swap3A_108] {strides = array<i32>} : memref<10000xi32, #tpu.memory_space<vmem>>, vector<16xi32>,
      %swap3A_110 = vector.shape_cast %swap3A_109 : vector<16xi32> to vector<16xi32>
      %swap3A_111 = vector.shape_cast %and3A_107 : vector<16xi32> to vector<16xi32>
      tpu.vector_store %arg5[%swap3A_108], %swap3A_111 {strides = array<i32>} : memref<10000xi32, #tpu.memory_space<vmem>>, vector<16xi32>,
      %mul3A_112 = arith.constant 80 : i32
      %mul3A_113 = arith.muli %scan3A_49, %mul3A_112 : i32
      %add3A_114 = arith.constant 48 : i32
      %add3A_115 = arith.addi %mul3A_113, %add3A_114 : i32
      %get3A_116 = arith.index_cast %add3A_115 : i32 to index
      %get3A_117 = tpu.vector_load %arg5[%get3A_116] {strides = array<i32>} : memref<10000xi32, #tpu.memory_space<vmem>>, vector<16xi32>,
      %get3A_118 = vector.shape_cast %get3A_117 : vector<16xi32> to vector<16xi32>
      %shift_right_logical3A_119 = arith.constant 14 : i32
      %shift_right_logical3A_120 = vector.broadcast %shift_right_logical3A_119 : i32 to vector<16xi32>
      %shift_right_logical3A_121 = arith.shrui %get3A_118, %shift_right_logical3A_120 : vector<16xi32>
      %swap3A_122 = arith.index_cast %scan3A_49 : i32 to index
      %swap3A_123 = arith.constant 48 : index
      %swap3A_124 = tpu.vector_load %arg6[%swap3A_122, %swap3A_123] {strides = array<i32>} : memref<125x80xi32, #tpu.memory_space<vmem>>, vector<1x16xi32>,
      %swap3A_125 = vector.shape_cast %swap3A_124 : vector<1x16xi32> to vector<16xi32>
      %swap3A_126 = vector.shape_cast %shift_right_logical3A_121 : vector<16xi32> to vector<1x16xi32>
      tpu.vector_store %arg6[%swap3A_122, %swap3A_123], %swap3A_126 {strides = array<i32>} : memref<125x80xi32, #tpu.memory_space<vmem>>, vector<1x16xi32>,
      %and3A_127 = arith.constant 16383 : i32
      %and3A_128 = vector.broadcast %and3A_127 : i32 to vector<16xi32>
      %and3A_129 = arith.andi %get3A_118, %and3A_128 : vector<16xi32>
      %swap3A_130 = arith.index_cast %add3A_115 : i32 to index
      %swap3A_131 = tpu.vector_load %arg5[%swap3A_130] {strides = array<i32>} : memref<10000xi32, #tpu.memory_space<vmem>>, vector<16xi32>,
      %swap3A_132 = vector.shape_cast %swap3A_131 : vector<16xi32> to vector<16xi32>
      %swap3A_133 = vector.shape_cast %and3A_129 : vector<16xi32> to vector<16xi32>
      tpu.vector_store %arg5[%swap3A_130], %swap3A_133 {strides = array<i32>} : memref<10000xi32, #tpu.memory_space<vmem>>, vector<16xi32>,
      %mul3A_134 = arith.constant 80 : i32
      %mul3A_135 = arith.muli %scan3A_49, %mul3A_134 : i32
      %add3A_136 = arith.constant 64 : i32
      %add3A_137 = arith.addi %mul3A_135, %add3A_136 : i32
      %get3A_138 = arith.index_cast %add3A_137 : i32 to index
      %get3A_139 = tpu.vector_load %arg5[%get3A_138] {strides = array<i32>} : memref<10000xi32, #tpu.memory_space<vmem>>, vector<16xi32>,
      %get3A_140 = vector.shape_cast %get3A_139 : vector<16xi32> to vector<16xi32>
      %shift_right_logical3A_141 = arith.constant 14 : i32
      %shift_right_logical3A_142 = vector.broadcast %shift_right_logical3A_141 : i32 to vector<16xi32>
      %shift_right_logical3A_143 = arith.shrui %get3A_140, %shift_right_logical3A_142 : vector<16xi32>
      %swap3A_144 = arith.index_cast %scan3A_49 : i32 to index
      %swap3A_145 = arith.constant 64 : index
      %swap3A_146 = tpu.vector_load %arg6[%swap3A_144, %swap3A_145] {strides = array<i32>} : memref<125x80xi32, #tpu.memory_space<vmem>>, vector<1x16xi32>,
      %swap3A_147 = vector.shape_cast %swap3A_146 : vector<1x16xi32> to vector<16xi32>
      %swap3A_148 = vector.shape_cast %shift_right_logical3A_143 : vector<16xi32> to vector<1x16xi32>
      tpu.vector_store %arg6[%swap3A_144, %swap3A_145], %swap3A_148 {strides = array<i32>} : memref<125x80xi32, #tpu.memory_space<vmem>>, vector<1x16xi32>,
      %and3A_149 = arith.constant 16383 : i32
      %and3A_150 = vector.broadcast %and3A_149 : i32 to vector<16xi32>
      %and3A_151 = arith.andi %get3A_140, %and3A_150 : vector<16xi32>
      %swap3A_152 = arith.index_cast %add3A_137 : i32 to index
      %swap3A_153 = tpu.vector_load %arg5[%swap3A_152] {strides = array<i32>} : memref<10000xi32, #tpu.memory_space<vmem>>, vector<16xi32>,
      %swap3A_154 = vector.shape_cast %swap3A_153 : vector<16xi32> to vector<16xi32>
      %swap3A_155 = vector.shape_cast %and3A_151 : vector<16xi32> to vector<16xi32>
      tpu.vector_store %arg5[%swap3A_152], %swap3A_155 {strides = array<i32>} : memref<10000xi32, #tpu.memory_space<vmem>>, vector<16xi32>,
    }
    %scan3A_7 = arith.constant 125 : i32
    %broadcast_in_dim3A = arith.constant 0.000000e+00 : f32
    %broadcast_in_dim3A_8 = vector.broadcast %broadcast_in_dim3A : f32 to vector<16xf32>
    %scan3A_9 = arith.constant 0 : i32
    %scan3A_10 = arith.constant 0 : i32
    %scan3A_11 = arith.constant 80 : i32
    %scan3A_12 = arith.addi %scan3A_10, %scan3A_11 : i32
    %scan3A_13 = arith.constant 1 : i32
    scf.for %scan3A_49 = %scan3A_10 to %scan3A_12 step %scan3A_13  : i32 {
      %swap3A = arith.index_cast %scan3A_49 : i32 to index
      %swap3A_50 = arith.constant 0 : index
      %swap3A_51 = tpu.vector_load %arg7[%swap3A, %swap3A_50] {strides = array<i32>} : memref<80x128xf32, #tpu.memory_space<vmem>>, vector<1x16xf32>,
      %swap3A_52 = vector.shape_cast %swap3A_51 : vector<1x16xf32> to vector<16xf32>
      %swap3A_53 = vector.shape_cast %broadcast_in_dim3A_8 : vector<16xf32> to vector<1x16xf32>
      tpu.vector_store %arg7[%swap3A, %swap3A_50], %swap3A_53 {strides = array<i32>} : memref<80x128xf32, #tpu.memory_space<vmem>>, vector<1x16xf32>,
      %swap3A_54 = arith.index_cast %scan3A_49 : i32 to index
      %swap3A_55 = arith.constant 16 : index
      %swap3A_56 = tpu.vector_load %arg7[%swap3A_54, %swap3A_55] {strides = array<i32>} : memref<80x128xf32, #tpu.memory_space<vmem>>, vector<1x16xf32>,
      %swap3A_57 = vector.shape_cast %swap3A_56 : vector<1x16xf32> to vector<16xf32>
      %swap3A_58 = vector.shape_cast %broadcast_in_dim3A_8 : vector<16xf32> to vector<1x16xf32>
      tpu.vector_store %arg7[%swap3A_54, %swap3A_55], %swap3A_58 {strides = array<i32>} : memref<80x128xf32, #tpu.memory_space<vmem>>, vector<1x16xf32>,
      %swap3A_59 = arith.index_cast %scan3A_49 : i32 to index
      %swap3A_60 = arith.constant 32 : index
      %swap3A_61 = tpu.vector_load %arg7[%swap3A_59, %swap3A_60] {strides = array<i32>} : memref<80x128xf32, #tpu.memory_space<vmem>>, vector<1x16xf32>,
      %swap3A_62 = vector.shape_cast %swap3A_61 : vector<1x16xf32> to vector<16xf32>
      %swap3A_63 = vector.shape_cast %broadcast_in_dim3A_8 : vector<16xf32> to vector<1x16xf32>
      tpu.vector_store %arg7[%swap3A_59, %swap3A_60], %swap3A_63 {strides = array<i32>} : memref<80x128xf32, #tpu.memory_space<vmem>>, vector<1x16xf32>,
      %swap3A_64 = arith.index_cast %scan3A_49 : i32 to index
      %swap3A_65 = arith.constant 48 : index
      %swap3A_66 = tpu.vector_load %arg7[%swap3A_64, %swap3A_65] {strides = array<i32>} : memref<80x128xf32, #tpu.memory_space<vmem>>, vector<1x16xf32>,
      %swap3A_67 = vector.shape_cast %swap3A_66 : vector<1x16xf32> to vector<16xf32>
      %swap3A_68 = vector.shape_cast %broadcast_in_dim3A_8 : vector<16xf32> to vector<1x16xf32>
      tpu.vector_store %arg7[%swap3A_64, %swap3A_65], %swap3A_68 {strides = array<i32>} : memref<80x128xf32, #tpu.memory_space<vmem>>, vector<1x16xf32>,
      %swap3A_69 = arith.index_cast %scan3A_49 : i32 to index
      %swap3A_70 = arith.constant 64 : index
      %swap3A_71 = tpu.vector_load %arg7[%swap3A_69, %swap3A_70] {strides = array<i32>} : memref<80x128xf32, #tpu.memory_space<vmem>>, vector<1x16xf32>,
      %swap3A_72 = vector.shape_cast %swap3A_71 : vector<1x16xf32> to vector<16xf32>
      %swap3A_73 = vector.shape_cast %broadcast_in_dim3A_8 : vector<16xf32> to vector<1x16xf32>
      tpu.vector_store %arg7[%swap3A_69, %swap3A_70], %swap3A_73 {strides = array<i32>} : memref<80x128xf32, #tpu.memory_space<vmem>>, vector<1x16xf32>,
      %swap3A_74 = arith.index_cast %scan3A_49 : i32 to index
      %swap3A_75 = arith.constant 80 : index
      %swap3A_76 = tpu.vector_load %arg7[%swap3A_74, %swap3A_75] {strides = array<i32>} : memref<80x128xf32, #tpu.memory_space<vmem>>, vector<1x16xf32>,
      %swap3A_77 = vector.shape_cast %swap3A_76 : vector<1x16xf32> to vector<16xf32>
      %swap3A_78 = vector.shape_cast %broadcast_in_dim3A_8 : vector<16xf32> to vector<1x16xf32>
      tpu.vector_store %arg7[%swap3A_74, %swap3A_75], %swap3A_78 {strides = array<i32>} : memref<80x128xf32, #tpu.memory_space<vmem>>, vector<1x16xf32>,
      %swap3A_79 = arith.index_cast %scan3A_49 : i32 to index
      %swap3A_80 = arith.constant 96 : index
      %swap3A_81 = tpu.vector_load %arg7[%swap3A_79, %swap3A_80] {strides = array<i32>} : memref<80x128xf32, #tpu.memory_space<vmem>>, vector<1x16xf32>,
      %swap3A_82 = vector.shape_cast %swap3A_81 : vector<1x16xf32> to vector<16xf32>
      %swap3A_83 = vector.shape_cast %broadcast_in_dim3A_8 : vector<16xf32> to vector<1x16xf32>
      tpu.vector_store %arg7[%swap3A_79, %swap3A_80], %swap3A_83 {strides = array<i32>} : memref<80x128xf32, #tpu.memory_space<vmem>>, vector<1x16xf32>,
      %swap3A_84 = arith.index_cast %scan3A_49 : i32 to index
      %swap3A_85 = arith.constant 112 : index
      %swap3A_86 = tpu.vector_load %arg7[%swap3A_84, %swap3A_85] {strides = array<i32>} : memref<80x128xf32, #tpu.memory_space<vmem>>, vector<1x16xf32>,
      %swap3A_87 = vector.shape_cast %swap3A_86 : vector<1x16xf32> to vector<16xf32>
      %swap3A_88 = vector.shape_cast %broadcast_in_dim3A_8 : vector<16xf32> to vector<1x16xf32>
      tpu.vector_store %arg7[%swap3A_84, %swap3A_85], %swap3A_88 {strides = array<i32>} : memref<80x128xf32, #tpu.memory_space<vmem>>, vector<1x16xf32>,
    }
    %scan3A_14 = arith.constant 80 : i32
    %mul3A_15 = arith.constant 632 : i32
    %mul3A_16 = arith.muli %arg1, %mul3A_15 : i32
    %lt3A = arith.constant 15 : i32
    %lt3A_17 = arith.cmpi slt, %arg1, %lt3A : i32
    %convert_element_type3A = arith.extui %lt3A_17 : i1 to i32
    %cond3A = arith.constant 0 : i32
    %cond3A_18 = arith.cmpi ne, %convert_element_type3A, %cond3A : i32
    scf.if %cond3A_18 {
      %add3A_49 = arith.constant 0 : i32
      %add3A_50 = arith.addi %mul3A_16, %add3A_49 : i32
      "tpu.region"() ({
        %run_scoped3A_66 = tpu.sem_alloc : memref<!tpu.dma_semaphore, #tpu.memory_space<semaphore_mem>>
        %dma_start3A_67 = arith.constant 0 : i32
        %dma_start3A_68 = tpu.memref_slice %arg9[%add3A_50, %dma_start3A_67] : memref<10000x128xf32, #tpu.memory_space<vmem_shared>> -> memref<80x128xf32, #tpu.memory_space<vmem_shared>>
        %dma_start3A_69 = arith.constant 0 : i32
        %dma_start3A_70 = tpu.memref_slice %arg9[%add3A_50, %dma_start3A_69] : memref<10000x128xf32, #tpu.memory_space<vmem_shared>> -> memref<80x128xf32, #tpu.memory_space<vmem_shared>>
        tpu.enqueue_dma source(%arg7 : memref<80x128xf32, #tpu.memory_space<vmem>>) target(%dma_start3A_70 : memref<80x128xf32, #tpu.memory_space<vmem_shared>>) target_semaphore(%run_scoped3A_66 : memref<!tpu.dma_semaphore, #tpu.memory_space<semaphore_mem>>)
        %dma_wait3A_71 = arith.constant 0 : i32
        %dma_wait3A_72 = tpu.memref_slice %arg9[%add3A_50, %dma_wait3A_71] : memref<10000x128xf32, #tpu.memory_space<vmem_shared>> -> memref<80x128xf32, #tpu.memory_space<vmem_shared>>
        %dma_wait3A_73 = arith.constant 0 : i32
        %dma_wait3A_74 = tpu.memref_slice %arg9[%add3A_50, %dma_wait3A_73] : memref<10000x128xf32, #tpu.memory_space<vmem_shared>> -> memref<80x128xf32, #tpu.memory_space<vmem_shared>>
        tpu.wait_dma2 semaphore(%run_scoped3A_66 : memref<!tpu.dma_semaphore, #tpu.memory_space<semaphore_mem>>) src(%arg7 : memref<80x128xf32, #tpu.memory_space<vmem>>) dst(%dma_wait3A_74 : memref<80x128xf32, #tpu.memory_space<vmem_shared>>)
        tpu.yield
      }) : () -> ()
      %add3A_51 = arith.constant 80 : i32
      %add3A_52 = arith.addi %mul3A_16, %add3A_51 : i32
      "tpu.region"() ({
        %run_scoped3A_66 = tpu.sem_alloc : memref<!tpu.dma_semaphore, #tpu.memory_space<semaphore_mem>>
        %dma_start3A_67 = arith.constant 0 : i32
        %dma_start3A_68 = tpu.memref_slice %arg9[%add3A_52, %dma_start3A_67] : memref<10000x128xf32, #tpu.memory_space<vmem_shared>> -> memref<80x128xf32, #tpu.memory_space<vmem_shared>>
        %dma_start3A_69 = arith.constant 0 : i32
        %dma_start3A_70 = tpu.memref_slice %arg9[%add3A_52, %dma_start3A_69] : memref<10000x128xf32, #tpu.memory_space<vmem_shared>> -> memref<80x128xf32, #tpu.memory_space<vmem_shared>>
        tpu.enqueue_dma source(%arg7 : memref<80x128xf32, #tpu.memory_space<vmem>>) target(%dma_start3A_70 : memref<80x128xf32, #tpu.memory_space<vmem_shared>>) target_semaphore(%run_scoped3A_66 : memref<!tpu.dma_semaphore, #tpu.memory_space<semaphore_mem>>)
        %dma_wait3A_71 = arith.constant 0 : i32
        %dma_wait3A_72 = tpu.memref_slice %arg9[%add3A_52, %dma_wait3A_71] : memref<10000x128xf32, #tpu.memory_space<vmem_shared>> -> memref<80x128xf32, #tpu.memory_space<vmem_shared>>
        %dma_wait3A_73 = arith.constant 0 : i32
        %dma_wait3A_74 = tpu.memref_slice %arg9[%add3A_52, %dma_wait3A_73] : memref<10000x128xf32, #tpu.memory_space<vmem_shared>> -> memref<80x128xf32, #tpu.memory_space<vmem_shared>>
        tpu.wait_dma2 semaphore(%run_scoped3A_66 : memref<!tpu.dma_semaphore, #tpu.memory_space<semaphore_mem>>) src(%arg7 : memref<80x128xf32, #tpu.memory_space<vmem>>) dst(%dma_wait3A_74 : memref<80x128xf32, #tpu.memory_space<vmem_shared>>)
        tpu.yield
      }) : () -> ()
      %add3A_53 = arith.constant 160 : i32
      %add3A_54 = arith.addi %mul3A_16, %add3A_53 : i32
      "tpu.region"() ({
        %run_scoped3A_66 = tpu.sem_alloc : memref<!tpu.dma_semaphore, #tpu.memory_space<semaphore_mem>>
        %dma_start3A_67 = arith.constant 0 : i32
        %dma_start3A_68 = tpu.memref_slice %arg9[%add3A_54, %dma_start3A_67] : memref<10000x128xf32, #tpu.memory_space<vmem_shared>> -> memref<80x128xf32, #tpu.memory_space<vmem_shared>>
        %dma_start3A_69 = arith.constant 0 : i32
        %dma_start3A_70 = tpu.memref_slice %arg9[%add3A_54, %dma_start3A_69] : memref<10000x128xf32, #tpu.memory_space<vmem_shared>> -> memref<80x128xf32, #tpu.memory_space<vmem_shared>>
        tpu.enqueue_dma source(%arg7 : memref<80x128xf32, #tpu.memory_space<vmem>>) target(%dma_start3A_70 : memref<80x128xf32, #tpu.memory_space<vmem_shared>>) target_semaphore(%run_scoped3A_66 : memref<!tpu.dma_semaphore, #tpu.memory_space<semaphore_mem>>)
        %dma_wait3A_71 = arith.constant 0 : i32
        %dma_wait3A_72 = tpu.memref_slice %arg9[%add3A_54, %dma_wait3A_71] : memref<10000x128xf32, #tpu.memory_space<vmem_shared>> -> memref<80x128xf32, #tpu.memory_space<vmem_shared>>
        %dma_wait3A_73 = arith.constant 0 : i32
        %dma_wait3A_74 = tpu.memref_slice %arg9[%add3A_54, %dma_wait3A_73] : memref<10000x128xf32, #tpu.memory_space<vmem_shared>> -> memref<80x128xf32, #tpu.memory_space<vmem_shared>>
        tpu.wait_dma2 semaphore(%run_scoped3A_66 : memref<!tpu.dma_semaphore, #tpu.memory_space<semaphore_mem>>) src(%arg7 : memref<80x128xf32, #tpu.memory_space<vmem>>) dst(%dma_wait3A_74 : memref<80x128xf32, #tpu.memory_space<vmem_shared>>)
        tpu.yield
      }) : () -> ()
      %add3A_55 = arith.constant 240 : i32
      %add3A_56 = arith.addi %mul3A_16, %add3A_55 : i32
      "tpu.region"() ({
        %run_scoped3A_66 = tpu.sem_alloc : memref<!tpu.dma_semaphore, #tpu.memory_space<semaphore_mem>>
        %dma_start3A_67 = arith.constant 0 : i32
        %dma_start3A_68 = tpu.memref_slice %arg9[%add3A_56, %dma_start3A_67] : memref<10000x128xf32, #tpu.memory_space<vmem_shared>> -> memref<80x128xf32, #tpu.memory_space<vmem_shared>>
        %dma_start3A_69 = arith.constant 0 : i32
        %dma_start3A_70 = tpu.memref_slice %arg9[%add3A_56, %dma_start3A_69] : memref<10000x128xf32, #tpu.memory_space<vmem_shared>> -> memref<80x128xf32, #tpu.memory_space<vmem_shared>>
        tpu.enqueue_dma source(%arg7 : memref<80x128xf32, #tpu.memory_space<vmem>>) target(%dma_start3A_70 : memref<80x128xf32, #tpu.memory_space<vmem_shared>>) target_semaphore(%run_scoped3A_66 : memref<!tpu.dma_semaphore, #tpu.memory_space<semaphore_mem>>)
        %dma_wait3A_71 = arith.constant 0 : i32
        %dma_wait3A_72 = tpu.memref_slice %arg9[%add3A_56, %dma_wait3A_71] : memref<10000x128xf32, #tpu.memory_space<vmem_shared>> -> memref<80x128xf32, #tpu.memory_space<vmem_shared>>
        %dma_wait3A_73 = arith.constant 0 : i32
        %dma_wait3A_74 = tpu.memref_slice %arg9[%add3A_56, %dma_wait3A_73] : memref<10000x128xf32, #tpu.memory_space<vmem_shared>> -> memref<80x128xf32, #tpu.memory_space<vmem_shared>>
        tpu.wait_dma2 semaphore(%run_scoped3A_66 : memref<!tpu.dma_semaphore, #tpu.memory_space<semaphore_mem>>) src(%arg7 : memref<80x128xf32, #tpu.memory_space<vmem>>) dst(%dma_wait3A_74 : memref<80x128xf32, #tpu.memory_space<vmem_shared>>)
        tpu.yield
      }) : () -> ()
      %add3A_57 = arith.constant 320 : i32
      %add3A_58 = arith.addi %mul3A_16, %add3A_57 : i32
      "tpu.region"() ({
        %run_scoped3A_66 = tpu.sem_alloc : memref<!tpu.dma_semaphore, #tpu.memory_space<semaphore_mem>>
        %dma_start3A_67 = arith.constant 0 : i32
        %dma_start3A_68 = tpu.memref_slice %arg9[%add3A_58, %dma_start3A_67] : memref<10000x128xf32, #tpu.memory_space<vmem_shared>> -> memref<80x128xf32, #tpu.memory_space<vmem_shared>>
        %dma_start3A_69 = arith.constant 0 : i32
        %dma_start3A_70 = tpu.memref_slice %arg9[%add3A_58, %dma_start3A_69] : memref<10000x128xf32, #tpu.memory_space<vmem_shared>> -> memref<80x128xf32, #tpu.memory_space<vmem_shared>>
        tpu.enqueue_dma source(%arg7 : memref<80x128xf32, #tpu.memory_space<vmem>>) target(%dma_start3A_70 : memref<80x128xf32, #tpu.memory_space<vmem_shared>>) target_semaphore(%run_scoped3A_66 : memref<!tpu.dma_semaphore, #tpu.memory_space<semaphore_mem>>)
        %dma_wait3A_71 = arith.constant 0 : i32
        %dma_wait3A_72 = tpu.memref_slice %arg9[%add3A_58, %dma_wait3A_71] : memref<10000x128xf32, #tpu.memory_space<vmem_shared>> -> memref<80x128xf32, #tpu.memory_space<vmem_shared>>
        %dma_wait3A_73 = arith.constant 0 : i32
        %dma_wait3A_74 = tpu.memref_slice %arg9[%add3A_58, %dma_wait3A_73] : memref<10000x128xf32, #tpu.memory_space<vmem_shared>> -> memref<80x128xf32, #tpu.memory_space<vmem_shared>>
        tpu.wait_dma2 semaphore(%run_scoped3A_66 : memref<!tpu.dma_semaphore, #tpu.memory_space<semaphore_mem>>) src(%arg7 : memref<80x128xf32, #tpu.memory_space<vmem>>) dst(%dma_wait3A_74 : memref<80x128xf32, #tpu.memory_space<vmem_shared>>)
        tpu.yield
      }) : () -> ()
      %add3A_59 = arith.constant 400 : i32
      %add3A_60 = arith.addi %mul3A_16, %add3A_59 : i32
      "tpu.region"() ({
        %run_scoped3A_66 = tpu.sem_alloc : memref<!tpu.dma_semaphore, #tpu.memory_space<semaphore_mem>>
        %dma_start3A_67 = arith.constant 0 : i32
        %dma_start3A_68 = tpu.memref_slice %arg9[%add3A_60, %dma_start3A_67] : memref<10000x128xf32, #tpu.memory_space<vmem_shared>> -> memref<80x128xf32, #tpu.memory_space<vmem_shared>>
        %dma_start3A_69 = arith.constant 0 : i32
        %dma_start3A_70 = tpu.memref_slice %arg9[%add3A_60, %dma_start3A_69] : memref<10000x128xf32, #tpu.memory_space<vmem_shared>> -> memref<80x128xf32, #tpu.memory_space<vmem_shared>>
        tpu.enqueue_dma source(%arg7 : memref<80x128xf32, #tpu.memory_space<vmem>>) target(%dma_start3A_70 : memref<80x128xf32, #tpu.memory_space<vmem_shared>>) target_semaphore(%run_scoped3A_66 : memref<!tpu.dma_semaphore, #tpu.memory_space<semaphore_mem>>)
        %dma_wait3A_71 = arith.constant 0 : i32
        %dma_wait3A_72 = tpu.memref_slice %arg9[%add3A_60, %dma_wait3A_71] : memref<10000x128xf32, #tpu.memory_space<vmem_shared>> -> memref<80x128xf32, #tpu.memory_space<vmem_shared>>
        %dma_wait3A_73 = arith.constant 0 : i32
        %dma_wait3A_74 = tpu.memref_slice %arg9[%add3A_60, %dma_wait3A_73] : memref<10000x128xf32, #tpu.memory_space<vmem_shared>> -> memref<80x128xf32, #tpu.memory_space<vmem_shared>>
        tpu.wait_dma2 semaphore(%run_scoped3A_66 : memref<!tpu.dma_semaphore, #tpu.memory_space<semaphore_mem>>) src(%arg7 : memref<80x128xf32, #tpu.memory_space<vmem>>) dst(%dma_wait3A_74 : memref<80x128xf32, #tpu.memory_space<vmem_shared>>)
        tpu.yield
      }) : () -> ()
      %add3A_61 = arith.constant 480 : i32
      %add3A_62 = arith.addi %mul3A_16, %add3A_61 : i32
      "tpu.region"() ({
        %run_scoped3A_66 = tpu.sem_alloc : memref<!tpu.dma_semaphore, #tpu.memory_space<semaphore_mem>>
        %dma_start3A_67 = arith.constant 0 : i32
        %dma_start3A_68 = tpu.memref_slice %arg9[%add3A_62, %dma_start3A_67] : memref<10000x128xf32, #tpu.memory_space<vmem_shared>> -> memref<80x128xf32, #tpu.memory_space<vmem_shared>>
        %dma_start3A_69 = arith.constant 0 : i32
        %dma_start3A_70 = tpu.memref_slice %arg9[%add3A_62, %dma_start3A_69] : memref<10000x128xf32, #tpu.memory_space<vmem_shared>> -> memref<80x128xf32, #tpu.memory_space<vmem_shared>>
        tpu.enqueue_dma source(%arg7 : memref<80x128xf32, #tpu.memory_space<vmem>>) target(%dma_start3A_70 : memref<80x128xf32, #tpu.memory_space<vmem_shared>>) target_semaphore(%run_scoped3A_66 : memref<!tpu.dma_semaphore, #tpu.memory_space<semaphore_mem>>)
        %dma_wait3A_71 = arith.constant 0 : i32
        %dma_wait3A_72 = tpu.memref_slice %arg9[%add3A_62, %dma_wait3A_71] : memref<10000x128xf32, #tpu.memory_space<vmem_shared>> -> memref<80x128xf32, #tpu.memory_space<vmem_shared>>
        %dma_wait3A_73 = arith.constant 0 : i32
        %dma_wait3A_74 = tpu.memref_slice %arg9[%add3A_62, %dma_wait3A_73] : memref<10000x128xf32, #tpu.memory_space<vmem_shared>> -> memref<80x128xf32, #tpu.memory_space<vmem_shared>>
        tpu.wait_dma2 semaphore(%run_scoped3A_66 : memref<!tpu.dma_semaphore, #tpu.memory_space<semaphore_mem>>) src(%arg7 : memref<80x128xf32, #tpu.memory_space<vmem>>) dst(%dma_wait3A_74 : memref<80x128xf32, #tpu.memory_space<vmem_shared>>)
        tpu.yield
      }) : () -> ()
      %add3A_63 = arith.constant 632 : i32
      %add3A_64 = arith.addi %mul3A_16, %add3A_63 : i32
      %sub3A = arith.constant 72 : i32
      %sub3A_65 = arith.subi %add3A_64, %sub3A : i32
      "tpu.region"() ({
        %run_scoped3A_66 = tpu.sem_alloc : memref<!tpu.dma_semaphore, #tpu.memory_space<semaphore_mem>>
        %dma_start3A_67 = arith.constant 0 : i32
        %dma_start3A_68 = arith.constant 0 : i32
        %dma_start3A_69 = tpu.memref_slice %arg7[%dma_start3A_67, %dma_start3A_68] : memref<80x128xf32, #tpu.memory_space<vmem>> -> memref<72x128xf32, #tpu.memory_space<vmem>>
        %dma_start3A_70 = arith.constant 0 : i32
        %dma_start3A_71 = tpu.memref_slice %arg9[%sub3A_65, %dma_start3A_70] : memref<10000x128xf32, #tpu.memory_space<vmem_shared>> -> memref<72x128xf32, #tpu.memory_space<vmem_shared>>
        %dma_start3A_72 = arith.constant 0 : i32
        %dma_start3A_73 = tpu.memref_slice %arg9[%sub3A_65, %dma_start3A_72] : memref<10000x128xf32, #tpu.memory_space<vmem_shared>> -> memref<72x128xf32, #tpu.memory_space<vmem_shared>>
        %dma_start3A_74 = arith.constant 0 : i32
        %dma_start3A_75 = arith.constant 0 : i32
        %dma_start3A_76 = tpu.memref_slice %arg7[%dma_start3A_74, %dma_start3A_75] : memref<80x128xf32, #tpu.memory_space<vmem>> -> memref<72x128xf32, #tpu.memory_space<vmem>>
        tpu.enqueue_dma source(%dma_start3A_76 : memref<72x128xf32, #tpu.memory_space<vmem>>) target(%dma_start3A_73 : memref<72x128xf32, #tpu.memory_space<vmem_shared>>) target_semaphore(%run_scoped3A_66 : memref<!tpu.dma_semaphore, #tpu.memory_space<semaphore_mem>>)
        %dma_wait3A_77 = arith.constant 0 : i32
        %dma_wait3A_78 = arith.constant 0 : i32
        %dma_wait3A_79 = tpu.memref_slice %arg7[%dma_wait3A_77, %dma_wait3A_78] : memref<80x128xf32, #tpu.memory_space<vmem>> -> memref<72x128xf32, #tpu.memory_space<vmem>>
        %dma_wait3A_80 = arith.constant 0 : i32
        %dma_wait3A_81 = tpu.memref_slice %arg9[%sub3A_65, %dma_wait3A_80] : memref<10000x128xf32, #tpu.memory_space<vmem_shared>> -> memref<72x128xf32, #tpu.memory_space<vmem_shared>>
        %dma_wait3A_82 = arith.constant 0 : i32
        %dma_wait3A_83 = tpu.memref_slice %arg9[%sub3A_65, %dma_wait3A_82] : memref<10000x128xf32, #tpu.memory_space<vmem_shared>> -> memref<72x128xf32, #tpu.memory_space<vmem_shared>>
        %dma_wait3A_84 = arith.constant 0 : i32
        %dma_wait3A_85 = arith.constant 0 : i32
        %dma_wait3A_86 = tpu.memref_slice %arg7[%dma_wait3A_84, %dma_wait3A_85] : memref<80x128xf32, #tpu.memory_space<vmem>> -> memref<72x128xf32, #tpu.memory_space<vmem>>
        tpu.wait_dma2 semaphore(%run_scoped3A_66 : memref<!tpu.dma_semaphore, #tpu.memory_space<semaphore_mem>>) src(%dma_wait3A_86 : memref<72x128xf32, #tpu.memory_space<vmem>>) dst(%dma_wait3A_83 : memref<72x128xf32, #tpu.memory_space<vmem_shared>>)
        tpu.yield
      }) : () -> ()
    } else {
    }
    %eq3A = arith.constant 15 : i32
    %eq3A_19 = arith.cmpi eq, %arg1, %eq3A : i32
    %convert_element_type3A_20 = arith.extui %eq3A_19 : i1 to i32
    %cond3A_21 = arith.constant 0 : i32
    %cond3A_22 = arith.cmpi ne, %convert_element_type3A_20, %cond3A_21 : i32
    scf.if %cond3A_22 {
      %add3A_49 = arith.constant 0 : i32
      %add3A_50 = arith.addi %mul3A_16, %add3A_49 : i32
      "tpu.region"() ({
        %run_scoped3A_64 = tpu.sem_alloc : memref<!tpu.dma_semaphore, #tpu.memory_space<semaphore_mem>>
        %dma_start3A_65 = arith.constant 0 : i32
        %dma_start3A_66 = tpu.memref_slice %arg9[%add3A_50, %dma_start3A_65] : memref<10000x128xf32, #tpu.memory_space<vmem_shared>> -> memref<80x128xf32, #tpu.memory_space<vmem_shared>>
        %dma_start3A_67 = arith.constant 0 : i32
        %dma_start3A_68 = tpu.memref_slice %arg9[%add3A_50, %dma_start3A_67] : memref<10000x128xf32, #tpu.memory_space<vmem_shared>> -> memref<80x128xf32, #tpu.memory_space<vmem_shared>>
        tpu.enqueue_dma source(%arg7 : memref<80x128xf32, #tpu.memory_space<vmem>>) target(%dma_start3A_68 : memref<80x128xf32, #tpu.memory_space<vmem_shared>>) target_semaphore(%run_scoped3A_64 : memref<!tpu.dma_semaphore, #tpu.memory_space<semaphore_mem>>)
        %dma_wait3A_69 = arith.constant 0 : i32
        %dma_wait3A_70 = tpu.memref_slice %arg9[%add3A_50, %dma_wait3A_69] : memref<10000x128xf32, #tpu.memory_space<vmem_shared>> -> memref<80x128xf32, #tpu.memory_space<vmem_shared>>
        %dma_wait3A_71 = arith.constant 0 : i32
        %dma_wait3A_72 = tpu.memref_slice %arg9[%add3A_50, %dma_wait3A_71] : memref<10000x128xf32, #tpu.memory_space<vmem_shared>> -> memref<80x128xf32, #tpu.memory_space<vmem_shared>>
        tpu.wait_dma2 semaphore(%run_scoped3A_64 : memref<!tpu.dma_semaphore, #tpu.memory_space<semaphore_mem>>) src(%arg7 : memref<80x128xf32, #tpu.memory_space<vmem>>) dst(%dma_wait3A_72 : memref<80x128xf32, #tpu.memory_space<vmem_shared>>)
        tpu.yield
      }) : () -> ()
      %add3A_51 = arith.constant 80 : i32
      %add3A_52 = arith.addi %mul3A_16, %add3A_51 : i32
      "tpu.region"() ({
        %run_scoped3A_64 = tpu.sem_alloc : memref<!tpu.dma_semaphore, #tpu.memory_space<semaphore_mem>>
        %dma_start3A_65 = arith.constant 0 : i32
        %dma_start3A_66 = tpu.memref_slice %arg9[%add3A_52, %dma_start3A_65] : memref<10000x128xf32, #tpu.memory_space<vmem_shared>> -> memref<80x128xf32, #tpu.memory_space<vmem_shared>>
        %dma_start3A_67 = arith.constant 0 : i32
        %dma_start3A_68 = tpu.memref_slice %arg9[%add3A_52, %dma_start3A_67] : memref<10000x128xf32, #tpu.memory_space<vmem_shared>> -> memref<80x128xf32, #tpu.memory_space<vmem_shared>>
        tpu.enqueue_dma source(%arg7 : memref<80x128xf32, #tpu.memory_space<vmem>>) target(%dma_start3A_68 : memref<80x128xf32, #tpu.memory_space<vmem_shared>>) target_semaphore(%run_scoped3A_64 : memref<!tpu.dma_semaphore, #tpu.memory_space<semaphore_mem>>)
        %dma_wait3A_69 = arith.constant 0 : i32
        %dma_wait3A_70 = tpu.memref_slice %arg9[%add3A_52, %dma_wait3A_69] : memref<10000x128xf32, #tpu.memory_space<vmem_shared>> -> memref<80x128xf32, #tpu.memory_space<vmem_shared>>
        %dma_wait3A_71 = arith.constant 0 : i32
        %dma_wait3A_72 = tpu.memref_slice %arg9[%add3A_52, %dma_wait3A_71] : memref<10000x128xf32, #tpu.memory_space<vmem_shared>> -> memref<80x128xf32, #tpu.memory_space<vmem_shared>>
        tpu.wait_dma2 semaphore(%run_scoped3A_64 : memref<!tpu.dma_semaphore, #tpu.memory_space<semaphore_mem>>) src(%arg7 : memref<80x128xf32, #tpu.memory_space<vmem>>) dst(%dma_wait3A_72 : memref<80x128xf32, #tpu.memory_space<vmem_shared>>)
        tpu.yield
      }) : () -> ()
      %add3A_53 = arith.constant 160 : i32
      %add3A_54 = arith.addi %mul3A_16, %add3A_53 : i32
      "tpu.region"() ({
        %run_scoped3A_64 = tpu.sem_alloc : memref<!tpu.dma_semaphore, #tpu.memory_space<semaphore_mem>>
        %dma_start3A_65 = arith.constant 0 : i32
        %dma_start3A_66 = tpu.memref_slice %arg9[%add3A_54, %dma_start3A_65] : memref<10000x128xf32, #tpu.memory_space<vmem_shared>> -> memref<80x128xf32, #tpu.memory_space<vmem_shared>>
        %dma_start3A_67 = arith.constant 0 : i32
        %dma_start3A_68 = tpu.memref_slice %arg9[%add3A_54, %dma_start3A_67] : memref<10000x128xf32, #tpu.memory_space<vmem_shared>> -> memref<80x128xf32, #tpu.memory_space<vmem_shared>>
        tpu.enqueue_dma source(%arg7 : memref<80x128xf32, #tpu.memory_space<vmem>>) target(%dma_start3A_68 : memref<80x128xf32, #tpu.memory_space<vmem_shared>>) target_semaphore(%run_scoped3A_64 : memref<!tpu.dma_semaphore, #tpu.memory_space<semaphore_mem>>)
        %dma_wait3A_69 = arith.constant 0 : i32
        %dma_wait3A_70 = tpu.memref_slice %arg9[%add3A_54, %dma_wait3A_69] : memref<10000x128xf32, #tpu.memory_space<vmem_shared>> -> memref<80x128xf32, #tpu.memory_space<vmem_shared>>
        %dma_wait3A_71 = arith.constant 0 : i32
        %dma_wait3A_72 = tpu.memref_slice %arg9[%add3A_54, %dma_wait3A_71] : memref<10000x128xf32, #tpu.memory_space<vmem_shared>> -> memref<80x128xf32, #tpu.memory_space<vmem_shared>>
        tpu.wait_dma2 semaphore(%run_scoped3A_64 : memref<!tpu.dma_semaphore, #tpu.memory_space<semaphore_mem>>) src(%arg7 : memref<80x128xf32, #tpu.memory_space<vmem>>) dst(%dma_wait3A_72 : memref<80x128xf32, #tpu.memory_space<vmem_shared>>)
        tpu.yield
      }) : () -> ()
      %add3A_55 = arith.constant 240 : i32
      %add3A_56 = arith.addi %mul3A_16, %add3A_55 : i32
      "tpu.region"() ({
        %run_scoped3A_64 = tpu.sem_alloc : memref<!tpu.dma_semaphore, #tpu.memory_space<semaphore_mem>>
        %dma_start3A_65 = arith.constant 0 : i32
        %dma_start3A_66 = tpu.memref_slice %arg9[%add3A_56, %dma_start3A_65] : memref<10000x128xf32, #tpu.memory_space<vmem_shared>> -> memref<80x128xf32, #tpu.memory_space<vmem_shared>>
        %dma_start3A_67 = arith.constant 0 : i32
        %dma_start3A_68 = tpu.memref_slice %arg9[%add3A_56, %dma_start3A_67] : memref<10000x128xf32, #tpu.memory_space<vmem_shared>> -> memref<80x128xf32, #tpu.memory_space<vmem_shared>>
        tpu.enqueue_dma source(%arg7 : memref<80x128xf32, #tpu.memory_space<vmem>>) target(%dma_start3A_68 : memref<80x128xf32, #tpu.memory_space<vmem_shared>>) target_semaphore(%run_scoped3A_64 : memref<!tpu.dma_semaphore, #tpu.memory_space<semaphore_mem>>)
        %dma_wait3A_69 = arith.constant 0 : i32
        %dma_wait3A_70 = tpu.memref_slice %arg9[%add3A_56, %dma_wait3A_69] : memref<10000x128xf32, #tpu.memory_space<vmem_shared>> -> memref<80x128xf32, #tpu.memory_space<vmem_shared>>
        %dma_wait3A_71 = arith.constant 0 : i32
        %dma_wait3A_72 = tpu.memref_slice %arg9[%add3A_56, %dma_wait3A_71] : memref<10000x128xf32, #tpu.memory_space<vmem_shared>> -> memref<80x128xf32, #tpu.memory_space<vmem_shared>>
        tpu.wait_dma2 semaphore(%run_scoped3A_64 : memref<!tpu.dma_semaphore, #tpu.memory_space<semaphore_mem>>) src(%arg7 : memref<80x128xf32, #tpu.memory_space<vmem>>) dst(%dma_wait3A_72 : memref<80x128xf32, #tpu.memory_space<vmem_shared>>)
        tpu.yield
      }) : () -> ()
      %add3A_57 = arith.constant 320 : i32
      %add3A_58 = arith.addi %mul3A_16, %add3A_57 : i32
      "tpu.region"() ({
        %run_scoped3A_64 = tpu.sem_alloc : memref<!tpu.dma_semaphore, #tpu.memory_space<semaphore_mem>>
        %dma_start3A_65 = arith.constant 0 : i32
        %dma_start3A_66 = tpu.memref_slice %arg9[%add3A_58, %dma_start3A_65] : memref<10000x128xf32, #tpu.memory_space<vmem_shared>> -> memref<80x128xf32, #tpu.memory_space<vmem_shared>>
        %dma_start3A_67 = arith.constant 0 : i32
        %dma_start3A_68 = tpu.memref_slice %arg9[%add3A_58, %dma_start3A_67] : memref<10000x128xf32, #tpu.memory_space<vmem_shared>> -> memref<80x128xf32, #tpu.memory_space<vmem_shared>>
        tpu.enqueue_dma source(%arg7 : memref<80x128xf32, #tpu.memory_space<vmem>>) target(%dma_start3A_68 : memref<80x128xf32, #tpu.memory_space<vmem_shared>>) target_semaphore(%run_scoped3A_64 : memref<!tpu.dma_semaphore, #tpu.memory_space<semaphore_mem>>)
        %dma_wait3A_69 = arith.constant 0 : i32
        %dma_wait3A_70 = tpu.memref_slice %arg9[%add3A_58, %dma_wait3A_69] : memref<10000x128xf32, #tpu.memory_space<vmem_shared>> -> memref<80x128xf32, #tpu.memory_space<vmem_shared>>
        %dma_wait3A_71 = arith.constant 0 : i32
        %dma_wait3A_72 = tpu.memref_slice %arg9[%add3A_58, %dma_wait3A_71] : memref<10000x128xf32, #tpu.memory_space<vmem_shared>> -> memref<80x128xf32, #tpu.memory_space<vmem_shared>>
        tpu.wait_dma2 semaphore(%run_scoped3A_64 : memref<!tpu.dma_semaphore, #tpu.memory_space<semaphore_mem>>) src(%arg7 : memref<80x128xf32, #tpu.memory_space<vmem>>) dst(%dma_wait3A_72 : memref<80x128xf32, #tpu.memory_space<vmem_shared>>)
        tpu.yield
      }) : () -> ()
      %add3A_59 = arith.constant 400 : i32
      %add3A_60 = arith.addi %mul3A_16, %add3A_59 : i32
      "tpu.region"() ({
        %run_scoped3A_64 = tpu.sem_alloc : memref<!tpu.dma_semaphore, #tpu.memory_space<semaphore_mem>>
        %dma_start3A_65 = arith.constant 0 : i32
        %dma_start3A_66 = tpu.memref_slice %arg9[%add3A_60, %dma_start3A_65] : memref<10000x128xf32, #tpu.memory_space<vmem_shared>> -> memref<80x128xf32, #tpu.memory_space<vmem_shared>>
        %dma_start3A_67 = arith.constant 0 : i32
        %dma_start3A_68 = tpu.memref_slice %arg9[%add3A_60, %dma_start3A_67] : memref<10000x128xf32, #tpu.memory_space<vmem_shared>> -> memref<80x128xf32, #tpu.memory_space<vmem_shared>>
        tpu.enqueue_dma source(%arg7 : memref<80x128xf32, #tpu.memory_space<vmem>>) target(%dma_start3A_68 : memref<80x128xf32, #tpu.memory_space<vmem_shared>>) target_semaphore(%run_scoped3A_64 : memref<!tpu.dma_semaphore, #tpu.memory_space<semaphore_mem>>)
        %dma_wait3A_69 = arith.constant 0 : i32
        %dma_wait3A_70 = tpu.memref_slice %arg9[%add3A_60, %dma_wait3A_69] : memref<10000x128xf32, #tpu.memory_space<vmem_shared>> -> memref<80x128xf32, #tpu.memory_space<vmem_shared>>
        %dma_wait3A_71 = arith.constant 0 : i32
        %dma_wait3A_72 = tpu.memref_slice %arg9[%add3A_60, %dma_wait3A_71] : memref<10000x128xf32, #tpu.memory_space<vmem_shared>> -> memref<80x128xf32, #tpu.memory_space<vmem_shared>>
        tpu.wait_dma2 semaphore(%run_scoped3A_64 : memref<!tpu.dma_semaphore, #tpu.memory_space<semaphore_mem>>) src(%arg7 : memref<80x128xf32, #tpu.memory_space<vmem>>) dst(%dma_wait3A_72 : memref<80x128xf32, #tpu.memory_space<vmem_shared>>)
        tpu.yield
      }) : () -> ()
      %add3A_61 = arith.constant 520 : i32
      %add3A_62 = arith.addi %mul3A_16, %add3A_61 : i32
      %sub3A = arith.constant 40 : i32
      %sub3A_63 = arith.subi %add3A_62, %sub3A : i32
      "tpu.region"() ({
        %run_scoped3A_64 = tpu.sem_alloc : memref<!tpu.dma_semaphore, #tpu.memory_space<semaphore_mem>>
        %dma_start3A_65 = arith.constant 0 : i32
        %dma_start3A_66 = arith.constant 0 : i32
        %dma_start3A_67 = tpu.memref_slice %arg7[%dma_start3A_65, %dma_start3A_66] : memref<80x128xf32, #tpu.memory_space<vmem>> -> memref<40x128xf32, #tpu.memory_space<vmem>>
        %dma_start3A_68 = arith.constant 0 : i32
        %dma_start3A_69 = tpu.memref_slice %arg9[%sub3A_63, %dma_start3A_68] : memref<10000x128xf32, #tpu.memory_space<vmem_shared>> -> memref<40x128xf32, #tpu.memory_space<vmem_shared>>
        %dma_start3A_70 = arith.constant 0 : i32
        %dma_start3A_71 = tpu.memref_slice %arg9[%sub3A_63, %dma_start3A_70] : memref<10000x128xf32, #tpu.memory_space<vmem_shared>> -> memref<40x128xf32, #tpu.memory_space<vmem_shared>>
        %dma_start3A_72 = arith.constant 0 : i32
        %dma_start3A_73 = arith.constant 0 : i32
        %dma_start3A_74 = tpu.memref_slice %arg7[%dma_start3A_72, %dma_start3A_73] : memref<80x128xf32, #tpu.memory_space<vmem>> -> memref<40x128xf32, #tpu.memory_space<vmem>>
        tpu.enqueue_dma source(%dma_start3A_74 : memref<40x128xf32, #tpu.memory_space<vmem>>) target(%dma_start3A_71 : memref<40x128xf32, #tpu.memory_space<vmem_shared>>) target_semaphore(%run_scoped3A_64 : memref<!tpu.dma_semaphore, #tpu.memory_space<semaphore_mem>>)
        %dma_wait3A_75 = arith.constant 0 : i32
        %dma_wait3A_76 = arith.constant 0 : i32
        %dma_wait3A_77 = tpu.memref_slice %arg7[%dma_wait3A_75, %dma_wait3A_76] : memref<80x128xf32, #tpu.memory_space<vmem>> -> memref<40x128xf32, #tpu.memory_space<vmem>>
        %dma_wait3A_78 = arith.constant 0 : i32
        %dma_wait3A_79 = tpu.memref_slice %arg9[%sub3A_63, %dma_wait3A_78] : memref<10000x128xf32, #tpu.memory_space<vmem_shared>> -> memref<40x128xf32, #tpu.memory_space<vmem_shared>>
        %dma_wait3A_80 = arith.constant 0 : i32
        %dma_wait3A_81 = tpu.memref_slice %arg9[%sub3A_63, %dma_wait3A_80] : memref<10000x128xf32, #tpu.memory_space<vmem_shared>> -> memref<40x128xf32, #tpu.memory_space<vmem_shared>>
        %dma_wait3A_82 = arith.constant 0 : i32
        %dma_wait3A_83 = arith.constant 0 : i32
        %dma_wait3A_84 = tpu.memref_slice %arg7[%dma_wait3A_82, %dma_wait3A_83] : memref<80x128xf32, #tpu.memory_space<vmem>> -> memref<40x128xf32, #tpu.memory_space<vmem>>
        tpu.wait_dma2 semaphore(%run_scoped3A_64 : memref<!tpu.dma_semaphore, #tpu.memory_space<semaphore_mem>>) src(%dma_wait3A_84 : memref<40x128xf32, #tpu.memory_space<vmem>>) dst(%dma_wait3A_81 : memref<40x128xf32, #tpu.memory_space<vmem_shared>>)
        tpu.yield
      }) : () -> ()
    } else {
    }
    %barrier3A = arith.constant 0 : index
    tpu.barrier barrier_id(%barrier3A)
    %dma_start3A = arith.constant 0 : i32
    %dma_start3A_23 = tpu.memref_slice %arg5[%dma_start3A] : memref<10000xi32, #tpu.memory_space<vmem>> -> memref<80xi32, #tpu.memory_space<vmem>>
    %dma_start3A_24 = arith.constant 0 : i32
    %dma_start3A_25 = arith.constant 0 : i32
    %dma_start3A_26 = tpu.memref_slice %arg2[%dma_start3A_24, %dma_start3A_25] : memref<10000x128xf32, #tpu.memory_space<hbm>> -> memref<10000x128xf32, #tpu.memory_space<hbm>>
    tpu.enqueue_indirect_dma source(%dma_start3A_26 : memref<10000x128xf32, #tpu.memory_space<hbm>>) target(%arg7 : memref<80x128xf32, #tpu.memory_space<vmem>>) offsets(%dma_start3A_23 : memref<80xi32, #tpu.memory_space<vmem>>) semaphore(%arg10 : memref<!tpu.dma_semaphore, #tpu.memory_space<semaphore_mem>>)
    %scan3A_27 = arith.constant 0 : i32
    %scan3A_28 = arith.constant 0 : i32
    %scan3A_29 = arith.constant 62 : i32
    %scan3A_30 = arith.addi %scan3A_28, %scan3A_29 : i32
    %scan3A_31 = arith.constant 1 : i32
    scf.for %scan3A_49 = %scan3A_28 to %scan3A_30 step %scan3A_31  : i32 {
      %mul3A_50 = arith.constant 2 : i32
      %mul3A_51 = arith.muli %mul3A_50, %scan3A_49 : i32
      %add3A_52 = arith.constant 1 : i32
      %add3A_53 = arith.addi %mul3A_51, %add3A_52 : i32
      %mul3A_54 = arith.constant 80 : i32
      %mul3A_55 = arith.muli %add3A_53, %mul3A_54 : i32
      %dma_start3A_56 = tpu.memref_slice %arg5[%mul3A_55] : memref<10000xi32, #tpu.memory_space<vmem>> -> memref<80xi32, #tpu.memory_space<vmem>>
      %dma_start3A_57 = arith.constant 0 : i32
      %dma_start3A_58 = arith.constant 0 : i32
      %dma_start3A_59 = tpu.memref_slice %arg2[%dma_start3A_57, %dma_start3A_58] : memref<10000x128xf32, #tpu.memory_space<hbm>> -> memref<10000x128xf32, #tpu.memory_space<hbm>>
      tpu.enqueue_indirect_dma source(%dma_start3A_59 : memref<10000x128xf32, #tpu.memory_space<hbm>>) target(%arg8 : memref<80x128xf32, #tpu.memory_space<vmem>>) offsets(%dma_start3A_56 : memref<80xi32, #tpu.memory_space<vmem>>) semaphore(%arg11 : memref<!tpu.dma_semaphore, #tpu.memory_space<semaphore_mem>>)
      %dma_wait3A_60 = arith.constant 0 : i32
      %dma_wait3A_61 = arith.constant 0 : i32
      %dma_wait3A_62 = tpu.memref_slice %arg2[%dma_wait3A_60, %dma_wait3A_61] : memref<10000x128xf32, #tpu.memory_space<hbm>> -> memref<80x128xf32, #tpu.memory_space<hbm>>
      %dma_wait3A_63 = arith.constant 0 : i32
      %dma_wait3A_64 = arith.constant 0 : i32
      %dma_wait3A_65 = tpu.memref_slice %arg2[%dma_wait3A_63, %dma_wait3A_64] : memref<10000x128xf32, #tpu.memory_space<hbm>> -> memref<80x128xf32, #tpu.memory_space<hbm>>
      tpu.wait_dma2 semaphore(%arg10 : memref<!tpu.dma_semaphore, #tpu.memory_space<semaphore_mem>>) src(%dma_wait3A_65 : memref<80x128xf32, #tpu.memory_space<hbm>>) dst(%arg7 : memref<80x128xf32, #tpu.memory_space<vmem>>)
      "tpu.region"() ({
        %run_scoped3A_82 = tpu.sem_alloc : memref<!tpu.dma_semaphore, #tpu.memory_space<semaphore_mem>>
        %dma_start3A_83 = arith.constant 0 : i32
        %dma_start3A_84 = tpu.memref_slice %arg6[%mul3A_51, %dma_start3A_83] : memref<125x80xi32, #tpu.memory_space<vmem>> -> memref<1x80xi32, #tpu.memory_space<vmem>>
        %dma_start3A_85 = tpu.memref_squeeze %dma_start3A_84 : memref<1x80xi32, #tpu.memory_space<vmem>> -> memref<80xi32, #tpu.memory_space<vmem>>
        %dma_start3A_86 = arith.constant 0 : i32
        %dma_start3A_87 = arith.constant 0 : i32
        %dma_start3A_88 = tpu.memref_slice %arg9[%dma_start3A_86, %dma_start3A_87] : memref<10000x128xf32, #tpu.memory_space<vmem_shared>> -> memref<10000x128xf32, #tpu.memory_space<vmem_shared>>
        tpu.enqueue_indirect_dma source(%arg7 : memref<80x128xf32, #tpu.memory_space<vmem>>) target(%dma_start3A_88 : memref<10000x128xf32, #tpu.memory_space<vmem_shared>>) offsets(%dma_start3A_85 : memref<80xi32, #tpu.memory_space<vmem>>) semaphore(%run_scoped3A_82 : memref<!tpu.dma_semaphore, #tpu.memory_space<semaphore_mem>>) {add = true}
        %dma_wait3A_89 = arith.constant 0 : i32
        %dma_wait3A_90 = tpu.memref_slice %arg6[%mul3A_51, %dma_wait3A_89] : memref<125x80xi32, #tpu.memory_space<vmem>> -> memref<1x80xi32, #tpu.memory_space<vmem>>
        %dma_wait3A_91 = tpu.memref_squeeze %dma_wait3A_90 : memref<1x80xi32, #tpu.memory_space<vmem>> -> memref<80xi32, #tpu.memory_space<vmem>>
        %dma_wait3A_92 = arith.constant 0 : i32
        %dma_wait3A_93 = arith.constant 0 : i32
        %dma_wait3A_94 = tpu.memref_slice %arg9[%dma_wait3A_92, %dma_wait3A_93] : memref<10000x128xf32, #tpu.memory_space<vmem_shared>> -> memref<10000x128xf32, #tpu.memory_space<vmem_shared>>
        tpu.wait_indirect_dma semaphore(%run_scoped3A_82 : memref<!tpu.dma_semaphore, #tpu.memory_space<semaphore_mem>>) src(%arg7 : memref<80x128xf32, #tpu.memory_space<vmem>>) dst(%dma_wait3A_94 : memref<10000x128xf32, #tpu.memory_space<vmem_shared>>)
        tpu.yield
      }) : () -> ()
      %add3A_66 = arith.constant 2 : i32
      %add3A_67 = arith.addi %mul3A_51, %add3A_66 : i32
      %mul3A_68 = arith.constant 80 : i32
      %mul3A_69 = arith.muli %add3A_67, %mul3A_68 : i32
      %dma_start3A_70 = tpu.memref_slice %arg5[%mul3A_69] : memref<10000xi32, #tpu.memory_space<vmem>> -> memref<80xi32, #tpu.memory_space<vmem>>
      %dma_start3A_71 = arith.constant 0 : i32
      %dma_start3A_72 = arith.constant 0 : i32
      %dma_start3A_73 = tpu.memref_slice %arg2[%dma_start3A_71, %dma_start3A_72] : memref<10000x128xf32, #tpu.memory_space<hbm>> -> memref<10000x128xf32, #tpu.memory_space<hbm>>
      tpu.enqueue_indirect_dma source(%dma_start3A_73 : memref<10000x128xf32, #tpu.memory_space<hbm>>) target(%arg7 : memref<80x128xf32, #tpu.memory_space<vmem>>) offsets(%dma_start3A_70 : memref<80xi32, #tpu.memory_space<vmem>>) semaphore(%arg10 : memref<!tpu.dma_semaphore, #tpu.memory_space<semaphore_mem>>)
      %dma_wait3A_74 = arith.constant 0 : i32
      %dma_wait3A_75 = arith.constant 0 : i32
      %dma_wait3A_76 = tpu.memref_slice %arg2[%dma_wait3A_74, %dma_wait3A_75] : memref<10000x128xf32, #tpu.memory_space<hbm>> -> memref<80x128xf32, #tpu.memory_space<hbm>>
      %dma_wait3A_77 = arith.constant 0 : i32
      %dma_wait3A_78 = arith.constant 0 : i32
      %dma_wait3A_79 = tpu.memref_slice %arg2[%dma_wait3A_77, %dma_wait3A_78] : memref<10000x128xf32, #tpu.memory_space<hbm>> -> memref<80x128xf32, #tpu.memory_space<hbm>>
      tpu.wait_dma2 semaphore(%arg11 : memref<!tpu.dma_semaphore, #tpu.memory_space<semaphore_mem>>) src(%dma_wait3A_79 : memref<80x128xf32, #tpu.memory_space<hbm>>) dst(%arg8 : memref<80x128xf32, #tpu.memory_space<vmem>>)
      %add3A_80 = arith.constant 1 : i32
      %add3A_81 = arith.addi %mul3A_51, %add3A_80 : i32
      "tpu.region"() ({
        %run_scoped3A_82 = tpu.sem_alloc : memref<!tpu.dma_semaphore, #tpu.memory_space<semaphore_mem>>
        %dma_start3A_83 = arith.constant 0 : i32
        %dma_start3A_84 = tpu.memref_slice %arg6[%add3A_81, %dma_start3A_83] : memref<125x80xi32, #tpu.memory_space<vmem>> -> memref<1x80xi32, #tpu.memory_space<vmem>>
        %dma_start3A_85 = tpu.memref_squeeze %dma_start3A_84 : memref<1x80xi32, #tpu.memory_space<vmem>> -> memref<80xi32, #tpu.memory_space<vmem>>
        %dma_start3A_86 = arith.constant 0 : i32
        %dma_start3A_87 = arith.constant 0 : i32
        %dma_start3A_88 = tpu.memref_slice %arg9[%dma_start3A_86, %dma_start3A_87] : memref<10000x128xf32, #tpu.memory_space<vmem_shared>> -> memref<10000x128xf32, #tpu.memory_space<vmem_shared>>
        tpu.enqueue_indirect_dma source(%arg8 : memref<80x128xf32, #tpu.memory_space<vmem>>) target(%dma_start3A_88 : memref<10000x128xf32, #tpu.memory_space<vmem_shared>>) offsets(%dma_start3A_85 : memref<80xi32, #tpu.memory_space<vmem>>) semaphore(%run_scoped3A_82 : memref<!tpu.dma_semaphore, #tpu.memory_space<semaphore_mem>>) {add = true}
        %dma_wait3A_89 = arith.constant 0 : i32
        %dma_wait3A_90 = tpu.memref_slice %arg6[%add3A_81, %dma_wait3A_89] : memref<125x80xi32, #tpu.memory_space<vmem>> -> memref<1x80xi32, #tpu.memory_space<vmem>>
        %dma_wait3A_91 = tpu.memref_squeeze %dma_wait3A_90 : memref<1x80xi32, #tpu.memory_space<vmem>> -> memref<80xi32, #tpu.memory_space<vmem>>
        %dma_wait3A_92 = arith.constant 0 : i32
        %dma_wait3A_93 = arith.constant 0 : i32
        %dma_wait3A_94 = tpu.memref_slice %arg9[%dma_wait3A_92, %dma_wait3A_93] : memref<10000x128xf32, #tpu.memory_space<vmem_shared>> -> memref<10000x128xf32, #tpu.memory_space<vmem_shared>>
        tpu.wait_indirect_dma semaphore(%run_scoped3A_82 : memref<!tpu.dma_semaphore, #tpu.memory_space<semaphore_mem>>) src(%arg8 : memref<80x128xf32, #tpu.memory_space<vmem>>) dst(%dma_wait3A_94 : memref<10000x128xf32, #tpu.memory_space<vmem_shared>>)
        tpu.yield
      }) : () -> ()
    }
    %scan3A_32 = arith.constant 62 : i32
    %dma_wait3A = arith.constant 0 : i32
    %dma_wait3A_33 = arith.constant 0 : i32
    %dma_wait3A_34 = tpu.memref_slice %arg2[%dma_wait3A, %dma_wait3A_33] : memref<10000x128xf32, #tpu.memory_space<hbm>> -> memref<80x128xf32, #tpu.memory_space<hbm>>
    %dma_wait3A_35 = arith.constant 0 : i32
    %dma_wait3A_36 = arith.constant 0 : i32
    %dma_wait3A_37 = tpu.memref_slice %arg2[%dma_wait3A_35, %dma_wait3A_36] : memref<10000x128xf32, #tpu.memory_space<hbm>> -> memref<80x128xf32, #tpu.memory_space<hbm>>
    tpu.wait_dma2 semaphore(%arg10 : memref<!tpu.dma_semaphore, #tpu.memory_space<semaphore_mem>>) src(%dma_wait3A_37 : memref<80x128xf32, #tpu.memory_space<hbm>>) dst(%arg7 : memref<80x128xf32, #tpu.memory_space<vmem>>)
    %run_scoped3A = arith.constant 124 : i32
    "tpu.region"() ({
      %run_scoped3A_49 = tpu.sem_alloc : memref<!tpu.dma_semaphore, #tpu.memory_space<semaphore_mem>>
      %dma_start3A_50 = arith.constant 0 : i32
      %dma_start3A_51 = tpu.memref_slice %arg6[%run_scoped3A, %dma_start3A_50] : memref<125x80xi32, #tpu.memory_space<vmem>> -> memref<1x80xi32, #tpu.memory_space<vmem>>
      %dma_start3A_52 = tpu.memref_squeeze %dma_start3A_51 : memref<1x80xi32, #tpu.memory_space<vmem>> -> memref<80xi32, #tpu.memory_space<vmem>>
      %dma_start3A_53 = arith.constant 0 : i32
      %dma_start3A_54 = arith.constant 0 : i32
      %dma_start3A_55 = tpu.memref_slice %arg9[%dma_start3A_53, %dma_start3A_54] : memref<10000x128xf32, #tpu.memory_space<vmem_shared>> -> memref<10000x128xf32, #tpu.memory_space<vmem_shared>>
      tpu.enqueue_indirect_dma source(%arg7 : memref<80x128xf32, #tpu.memory_space<vmem>>) target(%dma_start3A_55 : memref<10000x128xf32, #tpu.memory_space<vmem_shared>>) offsets(%dma_start3A_52 : memref<80xi32, #tpu.memory_space<vmem>>) semaphore(%run_scoped3A_49 : memref<!tpu.dma_semaphore, #tpu.memory_space<semaphore_mem>>) {add = true}
      %dma_wait3A_56 = arith.constant 0 : i32
      %dma_wait3A_57 = tpu.memref_slice %arg6[%run_scoped3A, %dma_wait3A_56] : memref<125x80xi32, #tpu.memory_space<vmem>> -> memref<1x80xi32, #tpu.memory_space<vmem>>
      %dma_wait3A_58 = tpu.memref_squeeze %dma_wait3A_57 : memref<1x80xi32, #tpu.memory_space<vmem>> -> memref<80xi32, #tpu.memory_space<vmem>>
      %dma_wait3A_59 = arith.constant 0 : i32
      %dma_wait3A_60 = arith.constant 0 : i32
      %dma_wait3A_61 = tpu.memref_slice %arg9[%dma_wait3A_59, %dma_wait3A_60] : memref<10000x128xf32, #tpu.memory_space<vmem_shared>> -> memref<10000x128xf32, #tpu.memory_space<vmem_shared>>
      tpu.wait_indirect_dma semaphore(%run_scoped3A_49 : memref<!tpu.dma_semaphore, #tpu.memory_space<semaphore_mem>>) src(%arg7 : memref<80x128xf32, #tpu.memory_space<vmem>>) dst(%dma_wait3A_61 : memref<10000x128xf32, #tpu.memory_space<vmem_shared>>)
      tpu.yield
    }) : () -> ()
    %barrier3A_38 = arith.constant 0 : index
    tpu.barrier barrier_id(%barrier3A_38)
    %lt3A_39 = arith.constant 15 : i32
    %lt3A_40 = arith.cmpi slt, %arg1, %lt3A_39 : i32
    %convert_element_type3A_41 = arith.extui %lt3A_40 : i1 to i32
    %cond3A_42 = arith.constant 0 : i32
    %cond3A_43 = arith.cmpi ne, %convert_element_type3A_41, %cond3A_42 : i32
    scf.if %cond3A_43 {
      %mul3A_49 = arith.constant 632 : i32
      %mul3A_50 = arith.muli %arg1, %mul3A_49 : i32
      %mul3A_51 = arith.constant 632 : i32
      %mul3A_52 = arith.muli %arg1, %mul3A_51 : i32
      %mul3A_53 = arith.constant 10000 : i32
      %mul3A_54 = arith.muli %arg0, %mul3A_53 : i32
      %add3A_55 = arith.addi %mul3A_54, %mul3A_52 : i32
      "tpu.region"() ({
        %run_scoped3A_56 = tpu.sem_alloc : memref<!tpu.dma_semaphore, #tpu.memory_space<semaphore_mem>>
        %dma_start3A_57 = arith.constant 0 : i32
        %dma_start3A_58 = tpu.memref_slice %arg4[%add3A_55, %dma_start3A_57] : memref<20000x128xf32, #tpu.memory_space<hbm>> -> memref<632x128xf32, #tpu.memory_space<hbm>>
        %dma_start3A_59 = arith.constant 0 : i32
        %dma_start3A_60 = tpu.memref_slice %arg9[%mul3A_50, %dma_start3A_59] : memref<10000x128xf32, #tpu.memory_space<vmem_shared>> -> memref<632x128xf32, #tpu.memory_space<vmem_shared>>
        tpu.enqueue_dma source(%dma_start3A_60 : memref<632x128xf32, #tpu.memory_space<vmem_shared>>) target(%dma_start3A_58 : memref<632x128xf32, #tpu.memory_space<hbm>>) target_semaphore(%run_scoped3A_56 : memref<!tpu.dma_semaphore, #tpu.memory_space<semaphore_mem>>)
        %dma_wait3A_61 = arith.constant 0 : i32
        %dma_wait3A_62 = tpu.memref_slice %arg4[%add3A_55, %dma_wait3A_61] : memref<20000x128xf32, #tpu.memory_space<hbm>> -> memref<632x128xf32, #tpu.memory_space<hbm>>
        %dma_wait3A_63 = arith.constant 0 : i32
        %dma_wait3A_64 = tpu.memref_slice %arg9[%mul3A_50, %dma_wait3A_63] : memref<10000x128xf32, #tpu.memory_space<vmem_shared>> -> memref<632x128xf32, #tpu.memory_space<vmem_shared>>
        tpu.wait_dma2 semaphore(%run_scoped3A_56 : memref<!tpu.dma_semaphore, #tpu.memory_space<semaphore_mem>>) src(%dma_wait3A_64 : memref<632x128xf32, #tpu.memory_space<vmem_shared>>) dst(%dma_wait3A_62 : memref<632x128xf32, #tpu.memory_space<hbm>>)
        tpu.yield
      }) : () -> ()
    } else {
    }
    %eq3A_44 = arith.constant 15 : i32
    %eq3A_45 = arith.cmpi eq, %arg1, %eq3A_44 : i32
    %convert_element_type3A_46 = arith.extui %eq3A_45 : i1 to i32
    %cond3A_47 = arith.constant 0 : i32
    %cond3A_48 = arith.cmpi ne, %convert_element_type3A_46, %cond3A_47 : i32
    scf.if %cond3A_48 {
      %mul3A_49 = arith.constant 10000 : i32
      %mul3A_50 = arith.muli %arg0, %mul3A_49 : i32
      %add3A_51 = arith.constant 9480 : i32
      %add3A_52 = arith.addi %mul3A_50, %add3A_51 : i32
      "tpu.region"() ({
        %run_scoped3A_53 = tpu.sem_alloc : memref<!tpu.dma_semaphore, #tpu.memory_space<semaphore_mem>>
        %dma_start3A_54 = arith.constant 0 : i32
        %dma_start3A_55 = tpu.memref_slice %arg4[%add3A_52, %dma_start3A_54] : memref<20000x128xf32, #tpu.memory_space<hbm>> -> memref<520x128xf32, #tpu.memory_space<hbm>>
        %dma_start3A_56 = arith.constant 9480 : i32
        %dma_start3A_57 = arith.constant 0 : i32
        %dma_start3A_58 = tpu.memref_slice %arg9[%dma_start3A_56, %dma_start3A_57] : memref<10000x128xf32, #tpu.memory_space<vmem_shared>> -> memref<520x128xf32, #tpu.memory_space<vmem_shared>>
        tpu.enqueue_dma source(%dma_start3A_58 : memref<520x128xf32, #tpu.memory_space<vmem_shared>>) target(%dma_start3A_55 : memref<520x128xf32, #tpu.memory_space<hbm>>) target_semaphore(%run_scoped3A_53 : memref<!tpu.dma_semaphore, #tpu.memory_space<semaphore_mem>>)
        %dma_wait3A_59 = arith.constant 0 : i32
        %dma_wait3A_60 = tpu.memref_slice %arg4[%add3A_52, %dma_wait3A_59] : memref<20000x128xf32, #tpu.memory_space<hbm>> -> memref<520x128xf32, #tpu.memory_space<hbm>>
        %dma_wait3A_61 = arith.constant 9480 : i32
        %dma_wait3A_62 = arith.constant 0 : i32
        %dma_wait3A_63 = tpu.memref_slice %arg9[%dma_wait3A_61, %dma_wait3A_62] : memref<10000x128xf32, #tpu.memory_space<vmem_shared>> -> memref<520x128xf32, #tpu.memory_space<vmem_shared>>
        tpu.wait_dma2 semaphore(%run_scoped3A_53 : memref<!tpu.dma_semaphore, #tpu.memory_space<semaphore_mem>>) src(%dma_wait3A_63 : memref<520x128xf32, #tpu.memory_space<vmem_shared>>) dst(%dma_wait3A_60 : memref<520x128xf32, #tpu.memory_space<hbm>>)
        tpu.yield
      }) : () -> ()
    } else {
    }
    return
  }
}

#map = affine_map<(d0, d1) -> (0, 0)>
#map1 = affine_map<(d0, d1) -> (0)>
module attributes {stable_mosaic.version = 14 : i64} {
  func.func @agg(%arg0: i32, %arg1: i32, %arg2: memref<10000x128xf32, #tpu.memory_space<hbm>>, %arg3: memref<320000xi32, #tpu.memory_space<hbm>>, %arg4: memref<20000x128xf32, #tpu.memory_space<hbm>>, %arg5: memref<10000xi32, #tpu.memory_space<vmem>>, %arg6: memref<125x80xi32, #tpu.memory_space<vmem>>, %arg7: memref<80x128xf32, #tpu.memory_space<vmem>>, %arg8: memref<80x128xf32, #tpu.memory_space<vmem>>, %arg9: memref<10000x128xf32, #tpu.memory_space<vmem_shared>>, %arg10: memref<!tpu.dma_semaphore, #tpu.memory_space<semaphore_mem>>, %arg11: memref<!tpu.dma_semaphore, #tpu.memory_space<semaphore_mem>>) attributes {dimension_semantics = [#tpu.dimension_semantics<core_parallel>, #tpu.dimension_semantics<subcore_parallel>], iteration_bounds = array<i64: 2, 16>, scalar_prefetch = 0 : i64, scratch_operands = 7 : i64, tpu.core_type = #tpu.core_type<sc_vector_subcore>, window_params = [{transform_indices = #map}, {transform_indices = #map1}, {transform_indices = #map}]} {
    %mul3A = arith.constant 16 : i32
    %mul3A_0 = arith.muli %arg0, %mul3A : i32
    %add3A = arith.addi %mul3A_0, %arg1 : i32
    %mul3A_1 = arith.constant 10000 : i32
    %mul3A_2 = arith.muli %add3A, %mul3A_1 : i32
    "tpu.region"() ({
      %run_scoped3A_49 = tpu.sem_alloc : memref<!tpu.dma_semaphore, #tpu.memory_space<semaphore_mem>>
      %dma_start3A_50 = tpu.memref_slice %arg3[%mul3A_2] : memref<320000xi32, #tpu.memory_space<hbm>> -> memref<10000xi32, #tpu.memory_space<hbm>>
      %dma_start3A_51 = tpu.memref_slice %arg3[%mul3A_2] : memref<320000xi32, #tpu.memory_space<hbm>> -> memref<10000xi32, #tpu.memory_space<hbm>>
      tpu.enqueue_dma source(%dma_start3A_51 : memref<10000xi32, #tpu.memory_space<hbm>>) target(%arg5 : memref<10000xi32, #tpu.memory_space<vmem>>) target_semaphore(%run_scoped3A_49 : memref<!tpu.dma_semaphore, #tpu.memory_space<semaphore_mem>>)
      %dma_wait3A_52 = tpu.memref_slice %arg3[%mul3A_2] : memref<320000xi32, #tpu.memory_space<hbm>> -> memref<10000xi32, #tpu.memory_space<hbm>>
      %dma_wait3A_53 = tpu.memref_slice %arg3[%mul3A_2] : memref<320000xi32, #tpu.memory_space<hbm>> -> memref<10000xi32, #tpu.memory_space<hbm>>
      tpu.wait_dma2 semaphore(%run_scoped3A_49 : memref<!tpu.dma_semaphore, #tpu.memory_space<semaphore_mem>>) src(%dma_wait3A_53 : memref<10000xi32, #tpu.memory_space<hbm>>) dst(%arg5 : memref<10000xi32, #tpu.memory_space<vmem>>)
      tpu.yield
    }) : () -> ()
    %scan3A = arith.constant 0 : i32
    %scan3A_3 = arith.constant 0 : i32
    %scan3A_4 = arith.constant 125 : i32
    %scan3A_5 = arith.addi %scan3A_3, %scan3A_4 : i32
    %scan3A_6 = arith.constant 1 : i32
    scf.for %scan3A_49 = %scan3A_3 to %scan3A_5 step %scan3A_6  : i32 {
      %mul3A_50 = arith.constant 80 : i32
      %mul3A_51 = arith.muli %scan3A_49, %mul3A_50 : i32
      %add3A_52 = arith.constant 0 : i32
      %add3A_53 = arith.addi %mul3A_51, %add3A_52 : i32
      %get3A = arith.index_cast %add3A_53 : i32 to index
      %get3A_54 = tpu.vector_load %arg5[%get3A] {strides = array<i32>} : memref<10000xi32, #tpu.memory_space<vmem>>, vector<16xi32>,
      %get3A_55 = vector.shape_cast %get3A_54 : vector<16xi32> to vector<16xi32>
      %shift_right_logical3A = arith.constant 14 : i32
      %shift_right_logical3A_56 = vector.broadcast %shift_right_logical3A : i32 to vector<16xi32>
      %shift_right_logical3A_57 = arith.shrui %get3A_55, %shift_right_logical3A_56 : vector<16xi32>
      %swap3A = arith.index_cast %scan3A_49 : i32 to index
      %swap3A_58 = arith.constant 0 : index
      %swap3A_59 = tpu.vector_load %arg6[%swap3A, %swap3A_58] {strides = array<i32>} : memref<125x80xi32, #tpu.memory_space<vmem>>, vector<1x16xi32>,
      %swap3A_60 = vector.shape_cast %swap3A_59 : vector<1x16xi32> to vector<16xi32>
      %swap3A_61 = vector.shape_cast %shift_right_logical3A_57 : vector<16xi32> to vector<1x16xi32>
      tpu.vector_store %arg6[%swap3A, %swap3A_58], %swap3A_61 {strides = array<i32>} : memref<125x80xi32, #tpu.memory_space<vmem>>, vector<1x16xi32>,
      %and3A = arith.constant 16383 : i32
      %and3A_62 = vector.broadcast %and3A : i32 to vector<16xi32>
      %and3A_63 = arith.andi %get3A_55, %and3A_62 : vector<16xi32>
      %swap3A_64 = arith.index_cast %add3A_53 : i32 to index
      %swap3A_65 = tpu.vector_load %arg5[%swap3A_64] {strides = array<i32>} : memref<10000xi32, #tpu.memory_space<vmem>>, vector<16xi32>,
      %swap3A_66 = vector.shape_cast %swap3A_65 : vector<16xi32> to vector<16xi32>
      %swap3A_67 = vector.shape_cast %and3A_63 : vector<16xi32> to vector<16xi32>
      tpu.vector_store %arg5[%swap3A_64], %swap3A_67 {strides = array<i32>} : memref<10000xi32, #tpu.memory_space<vmem>>, vector<16xi32>,
      %mul3A_68 = arith.constant 80 : i32
      %mul3A_69 = arith.muli %scan3A_49, %mul3A_68 : i32
      %add3A_70 = arith.constant 16 : i32
      %add3A_71 = arith.addi %mul3A_69, %add3A_70 : i32
      %get3A_72 = arith.index_cast %add3A_71 : i32 to index
      %get3A_73 = tpu.vector_load %arg5[%get3A_72] {strides = array<i32>} : memref<10000xi32, #tpu.memory_space<vmem>>, vector<16xi32>,
      %get3A_74 = vector.shape_cast %get3A_73 : vector<16xi32> to vector<16xi32>
      %shift_right_logical3A_75 = arith.constant 14 : i32
      %shift_right_logical3A_76 = vector.broadcast %shift_right_logical3A_75 : i32 to vector<16xi32>
      %shift_right_logical3A_77 = arith.shrui %get3A_74, %shift_right_logical3A_76 : vector<16xi32>
      %swap3A_78 = arith.index_cast %scan3A_49 : i32 to index
      %swap3A_79 = arith.constant 16 : index
      %swap3A_80 = tpu.vector_load %arg6[%swap3A_78, %swap3A_79] {strides = array<i32>} : memref<125x80xi32, #tpu.memory_space<vmem>>, vector<1x16xi32>,
      %swap3A_81 = vector.shape_cast %swap3A_80 : vector<1x16xi32> to vector<16xi32>
      %swap3A_82 = vector.shape_cast %shift_right_logical3A_77 : vector<16xi32> to vector<1x16xi32>
      tpu.vector_store %arg6[%swap3A_78, %swap3A_79], %swap3A_82 {strides = array<i32>} : memref<125x80xi32, #tpu.memory_space<vmem>>, vector<1x16xi32>,
      %and3A_83 = arith.constant 16383 : i32
      %and3A_84 = vector.broadcast %and3A_83 : i32 to vector<16xi32>
      %and3A_85 = arith.andi %get3A_74, %and3A_84 : vector<16xi32>
      %swap3A_86 = arith.index_cast %add3A_71 : i32 to index
      %swap3A_87 = tpu.vector_load %arg5[%swap3A_86] {strides = array<i32>} : memref<10000xi32, #tpu.memory_space<vmem>>, vector<16xi32>,
      %swap3A_88 = vector.shape_cast %swap3A_87 : vector<16xi32> to vector<16xi32>
      %swap3A_89 = vector.shape_cast %and3A_85 : vector<16xi32> to vector<16xi32>
      tpu.vector_store %arg5[%swap3A_86], %swap3A_89 {strides = array<i32>} : memref<10000xi32, #tpu.memory_space<vmem>>, vector<16xi32>,
      %mul3A_90 = arith.constant 80 : i32
      %mul3A_91 = arith.muli %scan3A_49, %mul3A_90 : i32
      %add3A_92 = arith.constant 32 : i32
      %add3A_93 = arith.addi %mul3A_91, %add3A_92 : i32
      %get3A_94 = arith.index_cast %add3A_93 : i32 to index
      %get3A_95 = tpu.vector_load %arg5[%get3A_94] {strides = array<i32>} : memref<10000xi32, #tpu.memory_space<vmem>>, vector<16xi32>,
      %get3A_96 = vector.shape_cast %get3A_95 : vector<16xi32> to vector<16xi32>
      %shift_right_logical3A_97 = arith.constant 14 : i32
      %shift_right_logical3A_98 = vector.broadcast %shift_right_logical3A_97 : i32 to vector<16xi32>
      %shift_right_logical3A_99 = arith.shrui %get3A_96, %shift_right_logical3A_98 : vector<16xi32>
      %swap3A_100 = arith.index_cast %scan3A_49 : i32 to index
      %swap3A_101 = arith.constant 32 : index
      %swap3A_102 = tpu.vector_load %arg6[%swap3A_100, %swap3A_101] {strides = array<i32>} : memref<125x80xi32, #tpu.memory_space<vmem>>, vector<1x16xi32>,
      %swap3A_103 = vector.shape_cast %swap3A_102 : vector<1x16xi32> to vector<16xi32>
      %swap3A_104 = vector.shape_cast %shift_right_logical3A_99 : vector<16xi32> to vector<1x16xi32>
      tpu.vector_store %arg6[%swap3A_100, %swap3A_101], %swap3A_104 {strides = array<i32>} : memref<125x80xi32, #tpu.memory_space<vmem>>, vector<1x16xi32>,
      %and3A_105 = arith.constant 16383 : i32
      %and3A_106 = vector.broadcast %and3A_105 : i32 to vector<16xi32>
      %and3A_107 = arith.andi %get3A_96, %and3A_106 : vector<16xi32>
      %swap3A_108 = arith.index_cast %add3A_93 : i32 to index
      %swap3A_109 = tpu.vector_load %arg5[%swap3A_108] {strides = array<i32>} : memref<10000xi32, #tpu.memory_space<vmem>>, vector<16xi32>,
      %swap3A_110 = vector.shape_cast %swap3A_109 : vector<16xi32> to vector<16xi32>
      %swap3A_111 = vector.shape_cast %and3A_107 : vector<16xi32> to vector<16xi32>
      tpu.vector_store %arg5[%swap3A_108], %swap3A_111 {strides = array<i32>} : memref<10000xi32, #tpu.memory_space<vmem>>, vector<16xi32>,
      %mul3A_112 = arith.constant 80 : i32
      %mul3A_113 = arith.muli %scan3A_49, %mul3A_112 : i32
      %add3A_114 = arith.constant 48 : i32
      %add3A_115 = arith.addi %mul3A_113, %add3A_114 : i32
      %get3A_116 = arith.index_cast %add3A_115 : i32 to index
      %get3A_117 = tpu.vector_load %arg5[%get3A_116] {strides = array<i32>} : memref<10000xi32, #tpu.memory_space<vmem>>, vector<16xi32>,
      %get3A_118 = vector.shape_cast %get3A_117 : vector<16xi32> to vector<16xi32>
      %shift_right_logical3A_119 = arith.constant 14 : i32
      %shift_right_logical3A_120 = vector.broadcast %shift_right_logical3A_119 : i32 to vector<16xi32>
      %shift_right_logical3A_121 = arith.shrui %get3A_118, %shift_right_logical3A_120 : vector<16xi32>
      %swap3A_122 = arith.index_cast %scan3A_49 : i32 to index
      %swap3A_123 = arith.constant 48 : index
      %swap3A_124 = tpu.vector_load %arg6[%swap3A_122, %swap3A_123] {strides = array<i32>} : memref<125x80xi32, #tpu.memory_space<vmem>>, vector<1x16xi32>,
      %swap3A_125 = vector.shape_cast %swap3A_124 : vector<1x16xi32> to vector<16xi32>
      %swap3A_126 = vector.shape_cast %shift_right_logical3A_121 : vector<16xi32> to vector<1x16xi32>
      tpu.vector_store %arg6[%swap3A_122, %swap3A_123], %swap3A_126 {strides = array<i32>} : memref<125x80xi32, #tpu.memory_space<vmem>>, vector<1x16xi32>,
      %and3A_127 = arith.constant 16383 : i32
      %and3A_128 = vector.broadcast %and3A_127 : i32 to vector<16xi32>
      %and3A_129 = arith.andi %get3A_118, %and3A_128 : vector<16xi32>
      %swap3A_130 = arith.index_cast %add3A_115 : i32 to index
      %swap3A_131 = tpu.vector_load %arg5[%swap3A_130] {strides = array<i32>} : memref<10000xi32, #tpu.memory_space<vmem>>, vector<16xi32>,
      %swap3A_132 = vector.shape_cast %swap3A_131 : vector<16xi32> to vector<16xi32>
      %swap3A_133 = vector.shape_cast %and3A_129 : vector<16xi32> to vector<16xi32>
      tpu.vector_store %arg5[%swap3A_130], %swap3A_133 {strides = array<i32>} : memref<10000xi32, #tpu.memory_space<vmem>>, vector<16xi32>,
      %mul3A_134 = arith.constant 80 : i32
      %mul3A_135 = arith.muli %scan3A_49, %mul3A_134 : i32
      %add3A_136 = arith.constant 64 : i32
      %add3A_137 = arith.addi %mul3A_135, %add3A_136 : i32
      %get3A_138 = arith.index_cast %add3A_137 : i32 to index
      %get3A_139 = tpu.vector_load %arg5[%get3A_138] {strides = array<i32>} : memref<10000xi32, #tpu.memory_space<vmem>>, vector<16xi32>,
      %get3A_140 = vector.shape_cast %get3A_139 : vector<16xi32> to vector<16xi32>
      %shift_right_logical3A_141 = arith.constant 14 : i32
      %shift_right_logical3A_142 = vector.broadcast %shift_right_logical3A_141 : i32 to vector<16xi32>
      %shift_right_logical3A_143 = arith.shrui %get3A_140, %shift_right_logical3A_142 : vector<16xi32>
      %swap3A_144 = arith.index_cast %scan3A_49 : i32 to index
      %swap3A_145 = arith.constant 64 : index
      %swap3A_146 = tpu.vector_load %arg6[%swap3A_144, %swap3A_145] {strides = array<i32>} : memref<125x80xi32, #tpu.memory_space<vmem>>, vector<1x16xi32>,
      %swap3A_147 = vector.shape_cast %swap3A_146 : vector<1x16xi32> to vector<16xi32>
      %swap3A_148 = vector.shape_cast %shift_right_logical3A_143 : vector<16xi32> to vector<1x16xi32>
      tpu.vector_store %arg6[%swap3A_144, %swap3A_145], %swap3A_148 {strides = array<i32>} : memref<125x80xi32, #tpu.memory_space<vmem>>, vector<1x16xi32>,
      %and3A_149 = arith.constant 16383 : i32
      %and3A_150 = vector.broadcast %and3A_149 : i32 to vector<16xi32>
      %and3A_151 = arith.andi %get3A_140, %and3A_150 : vector<16xi32>
      %swap3A_152 = arith.index_cast %add3A_137 : i32 to index
      %swap3A_153 = tpu.vector_load %arg5[%swap3A_152] {strides = array<i32>} : memref<10000xi32, #tpu.memory_space<vmem>>, vector<16xi32>,
      %swap3A_154 = vector.shape_cast %swap3A_153 : vector<16xi32> to vector<16xi32>
      %swap3A_155 = vector.shape_cast %and3A_151 : vector<16xi32> to vector<16xi32>
      tpu.vector_store %arg5[%swap3A_152], %swap3A_155 {strides = array<i32>} : memref<10000xi32, #tpu.memory_space<vmem>>, vector<16xi32>,
    }
    %scan3A_7 = arith.constant 125 : i32
    %broadcast_in_dim3A = arith.constant 0.000000e+00 : f32
    %broadcast_in_dim3A_8 = vector.broadcast %broadcast_in_dim3A : f32 to vector<16xf32>
    %scan3A_9 = arith.constant 0 : i32
    %scan3A_10 = arith.constant 0 : i32
    %scan3A_11 = arith.constant 80 : i32
    %scan3A_12 = arith.addi %scan3A_10, %scan3A_11 : i32
    %scan3A_13 = arith.constant 1 : i32
    scf.for %scan3A_49 = %scan3A_10 to %scan3A_12 step %scan3A_13  : i32 {
      %swap3A = arith.index_cast %scan3A_49 : i32 to index
      %swap3A_50 = arith.constant 0 : index
      %swap3A_51 = tpu.vector_load %arg7[%swap3A, %swap3A_50] {strides = array<i32>} : memref<80x128xf32, #tpu.memory_space<vmem>>, vector<1x16xf32>,
      %swap3A_52 = vector.shape_cast %swap3A_51 : vector<1x16xf32> to vector<16xf32>
      %swap3A_53 = vector.shape_cast %broadcast_in_dim3A_8 : vector<16xf32> to vector<1x16xf32>
      tpu.vector_store %arg7[%swap3A, %swap3A_50], %swap3A_53 {strides = array<i32>} : memref<80x128xf32, #tpu.memory_space<vmem>>, vector<1x16xf32>,
      %swap3A_54 = arith.index_cast %scan3A_49 : i32 to index
      %swap3A_55 = arith.constant 16 : index
      %swap3A_56 = tpu.vector_load %arg7[%swap3A_54, %swap3A_55] {strides = array<i32>} : memref<80x128xf32, #tpu.memory_space<vmem>>, vector<1x16xf32>,
      %swap3A_57 = vector.shape_cast %swap3A_56 : vector<1x16xf32> to vector<16xf32>
      %swap3A_58 = vector.shape_cast %broadcast_in_dim3A_8 : vector<16xf32> to vector<1x16xf32>
      tpu.vector_store %arg7[%swap3A_54, %swap3A_55], %swap3A_58 {strides = array<i32>} : memref<80x128xf32, #tpu.memory_space<vmem>>, vector<1x16xf32>,
      %swap3A_59 = arith.index_cast %scan3A_49 : i32 to index
      %swap3A_60 = arith.constant 32 : index
      %swap3A_61 = tpu.vector_load %arg7[%swap3A_59, %swap3A_60] {strides = array<i32>} : memref<80x128xf32, #tpu.memory_space<vmem>>, vector<1x16xf32>,
      %swap3A_62 = vector.shape_cast %swap3A_61 : vector<1x16xf32> to vector<16xf32>
      %swap3A_63 = vector.shape_cast %broadcast_in_dim3A_8 : vector<16xf32> to vector<1x16xf32>
      tpu.vector_store %arg7[%swap3A_59, %swap3A_60], %swap3A_63 {strides = array<i32>} : memref<80x128xf32, #tpu.memory_space<vmem>>, vector<1x16xf32>,
      %swap3A_64 = arith.index_cast %scan3A_49 : i32 to index
      %swap3A_65 = arith.constant 48 : index
      %swap3A_66 = tpu.vector_load %arg7[%swap3A_64, %swap3A_65] {strides = array<i32>} : memref<80x128xf32, #tpu.memory_space<vmem>>, vector<1x16xf32>,
      %swap3A_67 = vector.shape_cast %swap3A_66 : vector<1x16xf32> to vector<16xf32>
      %swap3A_68 = vector.shape_cast %broadcast_in_dim3A_8 : vector<16xf32> to vector<1x16xf32>
      tpu.vector_store %arg7[%swap3A_64, %swap3A_65], %swap3A_68 {strides = array<i32>} : memref<80x128xf32, #tpu.memory_space<vmem>>, vector<1x16xf32>,
      %swap3A_69 = arith.index_cast %scan3A_49 : i32 to index
      %swap3A_70 = arith.constant 64 : index
      %swap3A_71 = tpu.vector_load %arg7[%swap3A_69, %swap3A_70] {strides = array<i32>} : memref<80x128xf32, #tpu.memory_space<vmem>>, vector<1x16xf32>,
      %swap3A_72 = vector.shape_cast %swap3A_71 : vector<1x16xf32> to vector<16xf32>
      %swap3A_73 = vector.shape_cast %broadcast_in_dim3A_8 : vector<16xf32> to vector<1x16xf32>
      tpu.vector_store %arg7[%swap3A_69, %swap3A_70], %swap3A_73 {strides = array<i32>} : memref<80x128xf32, #tpu.memory_space<vmem>>, vector<1x16xf32>,
      %swap3A_74 = arith.index_cast %scan3A_49 : i32 to index
      %swap3A_75 = arith.constant 80 : index
      %swap3A_76 = tpu.vector_load %arg7[%swap3A_74, %swap3A_75] {strides = array<i32>} : memref<80x128xf32, #tpu.memory_space<vmem>>, vector<1x16xf32>,
      %swap3A_77 = vector.shape_cast %swap3A_76 : vector<1x16xf32> to vector<16xf32>
      %swap3A_78 = vector.shape_cast %broadcast_in_dim3A_8 : vector<16xf32> to vector<1x16xf32>
      tpu.vector_store %arg7[%swap3A_74, %swap3A_75], %swap3A_78 {strides = array<i32>} : memref<80x128xf32, #tpu.memory_space<vmem>>, vector<1x16xf32>,
      %swap3A_79 = arith.index_cast %scan3A_49 : i32 to index
      %swap3A_80 = arith.constant 96 : index
      %swap3A_81 = tpu.vector_load %arg7[%swap3A_79, %swap3A_80] {strides = array<i32>} : memref<80x128xf32, #tpu.memory_space<vmem>>, vector<1x16xf32>,
      %swap3A_82 = vector.shape_cast %swap3A_81 : vector<1x16xf32> to vector<16xf32>
      %swap3A_83 = vector.shape_cast %broadcast_in_dim3A_8 : vector<16xf32> to vector<1x16xf32>
      tpu.vector_store %arg7[%swap3A_79, %swap3A_80], %swap3A_83 {strides = array<i32>} : memref<80x128xf32, #tpu.memory_space<vmem>>, vector<1x16xf32>,
      %swap3A_84 = arith.index_cast %scan3A_49 : i32 to index
      %swap3A_85 = arith.constant 112 : index
      %swap3A_86 = tpu.vector_load %arg7[%swap3A_84, %swap3A_85] {strides = array<i32>} : memref<80x128xf32, #tpu.memory_space<vmem>>, vector<1x16xf32>,
      %swap3A_87 = vector.shape_cast %swap3A_86 : vector<1x16xf32> to vector<16xf32>
      %swap3A_88 = vector.shape_cast %broadcast_in_dim3A_8 : vector<16xf32> to vector<1x16xf32>
      tpu.vector_store %arg7[%swap3A_84, %swap3A_85], %swap3A_88 {strides = array<i32>} : memref<80x128xf32, #tpu.memory_space<vmem>>, vector<1x16xf32>,
    }
    %scan3A_14 = arith.constant 80 : i32
    %mul3A_15 = arith.constant 632 : i32
    %mul3A_16 = arith.muli %arg1, %mul3A_15 : i32
    %lt3A = arith.constant 15 : i32
    %lt3A_17 = arith.cmpi slt, %arg1, %lt3A : i32
    %convert_element_type3A = arith.extui %lt3A_17 : i1 to i32
    %cond3A = arith.constant 0 : i32
    %cond3A_18 = arith.cmpi ne, %convert_element_type3A, %cond3A : i32
    scf.if %cond3A_18 {
      %add3A_49 = arith.constant 0 : i32
      %add3A_50 = arith.addi %mul3A_16, %add3A_49 : i32
      "tpu.region"() ({
        %run_scoped3A_66 = tpu.sem_alloc : memref<!tpu.dma_semaphore, #tpu.memory_space<semaphore_mem>>
        %dma_start3A_67 = arith.constant 0 : i32
        %dma_start3A_68 = tpu.memref_slice %arg9[%add3A_50, %dma_start3A_67] : memref<10000x128xf32, #tpu.memory_space<vmem_shared>> -> memref<80x128xf32, #tpu.memory_space<vmem_shared>>
        %dma_start3A_69 = arith.constant 0 : i32
        %dma_start3A_70 = tpu.memref_slice %arg9[%add3A_50, %dma_start3A_69] : memref<10000x128xf32, #tpu.memory_space<vmem_shared>> -> memref<80x128xf32, #tpu.memory_space<vmem_shared>>
        tpu.enqueue_dma source(%arg7 : memref<80x128xf32, #tpu.memory_space<vmem>>) target(%dma_start3A_70 : memref<80x128xf32, #tpu.memory_space<vmem_shared>>) target_semaphore(%run_scoped3A_66 : memref<!tpu.dma_semaphore, #tpu.memory_space<semaphore_mem>>)
        %dma_wait3A_71 = arith.constant 0 : i32
        %dma_wait3A_72 = tpu.memref_slice %arg9[%add3A_50, %dma_wait3A_71] : memref<10000x128xf32, #tpu.memory_space<vmem_shared>> -> memref<80x128xf32, #tpu.memory_space<vmem_shared>>
        %dma_wait3A_73 = arith.constant 0 : i32
        %dma_wait3A_74 = tpu.memref_slice %arg9[%add3A_50, %dma_wait3A_73] : memref<10000x128xf32, #tpu.memory_space<vmem_shared>> -> memref<80x128xf32, #tpu.memory_space<vmem_shared>>
        tpu.wait_dma2 semaphore(%run_scoped3A_66 : memref<!tpu.dma_semaphore, #tpu.memory_space<semaphore_mem>>) src(%arg7 : memref<80x128xf32, #tpu.memory_space<vmem>>) dst(%dma_wait3A_74 : memref<80x128xf32, #tpu.memory_space<vmem_shared>>)
        tpu.yield
      }) : () -> ()
      %add3A_51 = arith.constant 80 : i32
      %add3A_52 = arith.addi %mul3A_16, %add3A_51 : i32
      "tpu.region"() ({
        %run_scoped3A_66 = tpu.sem_alloc : memref<!tpu.dma_semaphore, #tpu.memory_space<semaphore_mem>>
        %dma_start3A_67 = arith.constant 0 : i32
        %dma_start3A_68 = tpu.memref_slice %arg9[%add3A_52, %dma_start3A_67] : memref<10000x128xf32, #tpu.memory_space<vmem_shared>> -> memref<80x128xf32, #tpu.memory_space<vmem_shared>>
        %dma_start3A_69 = arith.constant 0 : i32
        %dma_start3A_70 = tpu.memref_slice %arg9[%add3A_52, %dma_start3A_69] : memref<10000x128xf32, #tpu.memory_space<vmem_shared>> -> memref<80x128xf32, #tpu.memory_space<vmem_shared>>
        tpu.enqueue_dma source(%arg7 : memref<80x128xf32, #tpu.memory_space<vmem>>) target(%dma_start3A_70 : memref<80x128xf32, #tpu.memory_space<vmem_shared>>) target_semaphore(%run_scoped3A_66 : memref<!tpu.dma_semaphore, #tpu.memory_space<semaphore_mem>>)
        %dma_wait3A_71 = arith.constant 0 : i32
        %dma_wait3A_72 = tpu.memref_slice %arg9[%add3A_52, %dma_wait3A_71] : memref<10000x128xf32, #tpu.memory_space<vmem_shared>> -> memref<80x128xf32, #tpu.memory_space<vmem_shared>>
        %dma_wait3A_73 = arith.constant 0 : i32
        %dma_wait3A_74 = tpu.memref_slice %arg9[%add3A_52, %dma_wait3A_73] : memref<10000x128xf32, #tpu.memory_space<vmem_shared>> -> memref<80x128xf32, #tpu.memory_space<vmem_shared>>
        tpu.wait_dma2 semaphore(%run_scoped3A_66 : memref<!tpu.dma_semaphore, #tpu.memory_space<semaphore_mem>>) src(%arg7 : memref<80x128xf32, #tpu.memory_space<vmem>>) dst(%dma_wait3A_74 : memref<80x128xf32, #tpu.memory_space<vmem_shared>>)
        tpu.yield
      }) : () -> ()
      %add3A_53 = arith.constant 160 : i32
      %add3A_54 = arith.addi %mul3A_16, %add3A_53 : i32
      "tpu.region"() ({
        %run_scoped3A_66 = tpu.sem_alloc : memref<!tpu.dma_semaphore, #tpu.memory_space<semaphore_mem>>
        %dma_start3A_67 = arith.constant 0 : i32
        %dma_start3A_68 = tpu.memref_slice %arg9[%add3A_54, %dma_start3A_67] : memref<10000x128xf32, #tpu.memory_space<vmem_shared>> -> memref<80x128xf32, #tpu.memory_space<vmem_shared>>
        %dma_start3A_69 = arith.constant 0 : i32
        %dma_start3A_70 = tpu.memref_slice %arg9[%add3A_54, %dma_start3A_69] : memref<10000x128xf32, #tpu.memory_space<vmem_shared>> -> memref<80x128xf32, #tpu.memory_space<vmem_shared>>
        tpu.enqueue_dma source(%arg7 : memref<80x128xf32, #tpu.memory_space<vmem>>) target(%dma_start3A_70 : memref<80x128xf32, #tpu.memory_space<vmem_shared>>) target_semaphore(%run_scoped3A_66 : memref<!tpu.dma_semaphore, #tpu.memory_space<semaphore_mem>>)
        %dma_wait3A_71 = arith.constant 0 : i32
        %dma_wait3A_72 = tpu.memref_slice %arg9[%add3A_54, %dma_wait3A_71] : memref<10000x128xf32, #tpu.memory_space<vmem_shared>> -> memref<80x128xf32, #tpu.memory_space<vmem_shared>>
        %dma_wait3A_73 = arith.constant 0 : i32
        %dma_wait3A_74 = tpu.memref_slice %arg9[%add3A_54, %dma_wait3A_73] : memref<10000x128xf32, #tpu.memory_space<vmem_shared>> -> memref<80x128xf32, #tpu.memory_space<vmem_shared>>
        tpu.wait_dma2 semaphore(%run_scoped3A_66 : memref<!tpu.dma_semaphore, #tpu.memory_space<semaphore_mem>>) src(%arg7 : memref<80x128xf32, #tpu.memory_space<vmem>>) dst(%dma_wait3A_74 : memref<80x128xf32, #tpu.memory_space<vmem_shared>>)
        tpu.yield
      }) : () -> ()
      %add3A_55 = arith.constant 240 : i32
      %add3A_56 = arith.addi %mul3A_16, %add3A_55 : i32
      "tpu.region"() ({
        %run_scoped3A_66 = tpu.sem_alloc : memref<!tpu.dma_semaphore, #tpu.memory_space<semaphore_mem>>
        %dma_start3A_67 = arith.constant 0 : i32
        %dma_start3A_68 = tpu.memref_slice %arg9[%add3A_56, %dma_start3A_67] : memref<10000x128xf32, #tpu.memory_space<vmem_shared>> -> memref<80x128xf32, #tpu.memory_space<vmem_shared>>
        %dma_start3A_69 = arith.constant 0 : i32
        %dma_start3A_70 = tpu.memref_slice %arg9[%add3A_56, %dma_start3A_69] : memref<10000x128xf32, #tpu.memory_space<vmem_shared>> -> memref<80x128xf32, #tpu.memory_space<vmem_shared>>
        tpu.enqueue_dma source(%arg7 : memref<80x128xf32, #tpu.memory_space<vmem>>) target(%dma_start3A_70 : memref<80x128xf32, #tpu.memory_space<vmem_shared>>) target_semaphore(%run_scoped3A_66 : memref<!tpu.dma_semaphore, #tpu.memory_space<semaphore_mem>>)
        %dma_wait3A_71 = arith.constant 0 : i32
        %dma_wait3A_72 = tpu.memref_slice %arg9[%add3A_56, %dma_wait3A_71] : memref<10000x128xf32, #tpu.memory_space<vmem_shared>> -> memref<80x128xf32, #tpu.memory_space<vmem_shared>>
        %dma_wait3A_73 = arith.constant 0 : i32
        %dma_wait3A_74 = tpu.memref_slice %arg9[%add3A_56, %dma_wait3A_73] : memref<10000x128xf32, #tpu.memory_space<vmem_shared>> -> memref<80x128xf32, #tpu.memory_space<vmem_shared>>
        tpu.wait_dma2 semaphore(%run_scoped3A_66 : memref<!tpu.dma_semaphore, #tpu.memory_space<semaphore_mem>>) src(%arg7 : memref<80x128xf32, #tpu.memory_space<vmem>>) dst(%dma_wait3A_74 : memref<80x128xf32, #tpu.memory_space<vmem_shared>>)
        tpu.yield
      }) : () -> ()
      %add3A_57 = arith.constant 320 : i32
      %add3A_58 = arith.addi %mul3A_16, %add3A_57 : i32
      "tpu.region"() ({
        %run_scoped3A_66 = tpu.sem_alloc : memref<!tpu.dma_semaphore, #tpu.memory_space<semaphore_mem>>
        %dma_start3A_67 = arith.constant 0 : i32
        %dma_start3A_68 = tpu.memref_slice %arg9[%add3A_58, %dma_start3A_67] : memref<10000x128xf32, #tpu.memory_space<vmem_shared>> -> memref<80x128xf32, #tpu.memory_space<vmem_shared>>
        %dma_start3A_69 = arith.constant 0 : i32
        %dma_start3A_70 = tpu.memref_slice %arg9[%add3A_58, %dma_start3A_69] : memref<10000x128xf32, #tpu.memory_space<vmem_shared>> -> memref<80x128xf32, #tpu.memory_space<vmem_shared>>
        tpu.enqueue_dma source(%arg7 : memref<80x128xf32, #tpu.memory_space<vmem>>) target(%dma_start3A_70 : memref<80x128xf32, #tpu.memory_space<vmem_shared>>) target_semaphore(%run_scoped3A_66 : memref<!tpu.dma_semaphore, #tpu.memory_space<semaphore_mem>>)
        %dma_wait3A_71 = arith.constant 0 : i32
        %dma_wait3A_72 = tpu.memref_slice %arg9[%add3A_58, %dma_wait3A_71] : memref<10000x128xf32, #tpu.memory_space<vmem_shared>> -> memref<80x128xf32, #tpu.memory_space<vmem_shared>>
        %dma_wait3A_73 = arith.constant 0 : i32
        %dma_wait3A_74 = tpu.memref_slice %arg9[%add3A_58, %dma_wait3A_73] : memref<10000x128xf32, #tpu.memory_space<vmem_shared>> -> memref<80x128xf32, #tpu.memory_space<vmem_shared>>
        tpu.wait_dma2 semaphore(%run_scoped3A_66 : memref<!tpu.dma_semaphore, #tpu.memory_space<semaphore_mem>>) src(%arg7 : memref<80x128xf32, #tpu.memory_space<vmem>>) dst(%dma_wait3A_74 : memref<80x128xf32, #tpu.memory_space<vmem_shared>>)
        tpu.yield
      }) : () -> ()
      %add3A_59 = arith.constant 400 : i32
      %add3A_60 = arith.addi %mul3A_16, %add3A_59 : i32
      "tpu.region"() ({
        %run_scoped3A_66 = tpu.sem_alloc : memref<!tpu.dma_semaphore, #tpu.memory_space<semaphore_mem>>
        %dma_start3A_67 = arith.constant 0 : i32
        %dma_start3A_68 = tpu.memref_slice %arg9[%add3A_60, %dma_start3A_67] : memref<10000x128xf32, #tpu.memory_space<vmem_shared>> -> memref<80x128xf32, #tpu.memory_space<vmem_shared>>
        %dma_start3A_69 = arith.constant 0 : i32
        %dma_start3A_70 = tpu.memref_slice %arg9[%add3A_60, %dma_start3A_69] : memref<10000x128xf32, #tpu.memory_space<vmem_shared>> -> memref<80x128xf32, #tpu.memory_space<vmem_shared>>
        tpu.enqueue_dma source(%arg7 : memref<80x128xf32, #tpu.memory_space<vmem>>) target(%dma_start3A_70 : memref<80x128xf32, #tpu.memory_space<vmem_shared>>) target_semaphore(%run_scoped3A_66 : memref<!tpu.dma_semaphore, #tpu.memory_space<semaphore_mem>>)
        %dma_wait3A_71 = arith.constant 0 : i32
        %dma_wait3A_72 = tpu.memref_slice %arg9[%add3A_60, %dma_wait3A_71] : memref<10000x128xf32, #tpu.memory_space<vmem_shared>> -> memref<80x128xf32, #tpu.memory_space<vmem_shared>>
        %dma_wait3A_73 = arith.constant 0 : i32
        %dma_wait3A_74 = tpu.memref_slice %arg9[%add3A_60, %dma_wait3A_73] : memref<10000x128xf32, #tpu.memory_space<vmem_shared>> -> memref<80x128xf32, #tpu.memory_space<vmem_shared>>
        tpu.wait_dma2 semaphore(%run_scoped3A_66 : memref<!tpu.dma_semaphore, #tpu.memory_space<semaphore_mem>>) src(%arg7 : memref<80x128xf32, #tpu.memory_space<vmem>>) dst(%dma_wait3A_74 : memref<80x128xf32, #tpu.memory_space<vmem_shared>>)
        tpu.yield
      }) : () -> ()
      %add3A_61 = arith.constant 480 : i32
      %add3A_62 = arith.addi %mul3A_16, %add3A_61 : i32
      "tpu.region"() ({
        %run_scoped3A_66 = tpu.sem_alloc : memref<!tpu.dma_semaphore, #tpu.memory_space<semaphore_mem>>
        %dma_start3A_67 = arith.constant 0 : i32
        %dma_start3A_68 = tpu.memref_slice %arg9[%add3A_62, %dma_start3A_67] : memref<10000x128xf32, #tpu.memory_space<vmem_shared>> -> memref<80x128xf32, #tpu.memory_space<vmem_shared>>
        %dma_start3A_69 = arith.constant 0 : i32
        %dma_start3A_70 = tpu.memref_slice %arg9[%add3A_62, %dma_start3A_69] : memref<10000x128xf32, #tpu.memory_space<vmem_shared>> -> memref<80x128xf32, #tpu.memory_space<vmem_shared>>
        tpu.enqueue_dma source(%arg7 : memref<80x128xf32, #tpu.memory_space<vmem>>) target(%dma_start3A_70 : memref<80x128xf32, #tpu.memory_space<vmem_shared>>) target_semaphore(%run_scoped3A_66 : memref<!tpu.dma_semaphore, #tpu.memory_space<semaphore_mem>>)
        %dma_wait3A_71 = arith.constant 0 : i32
        %dma_wait3A_72 = tpu.memref_slice %arg9[%add3A_62, %dma_wait3A_71] : memref<10000x128xf32, #tpu.memory_space<vmem_shared>> -> memref<80x128xf32, #tpu.memory_space<vmem_shared>>
        %dma_wait3A_73 = arith.constant 0 : i32
        %dma_wait3A_74 = tpu.memref_slice %arg9[%add3A_62, %dma_wait3A_73] : memref<10000x128xf32, #tpu.memory_space<vmem_shared>> -> memref<80x128xf32, #tpu.memory_space<vmem_shared>>
        tpu.wait_dma2 semaphore(%run_scoped3A_66 : memref<!tpu.dma_semaphore, #tpu.memory_space<semaphore_mem>>) src(%arg7 : memref<80x128xf32, #tpu.memory_space<vmem>>) dst(%dma_wait3A_74 : memref<80x128xf32, #tpu.memory_space<vmem_shared>>)
        tpu.yield
      }) : () -> ()
      %add3A_63 = arith.constant 632 : i32
      %add3A_64 = arith.addi %mul3A_16, %add3A_63 : i32
      %sub3A = arith.constant 72 : i32
      %sub3A_65 = arith.subi %add3A_64, %sub3A : i32
      "tpu.region"() ({
        %run_scoped3A_66 = tpu.sem_alloc : memref<!tpu.dma_semaphore, #tpu.memory_space<semaphore_mem>>
        %dma_start3A_67 = arith.constant 0 : i32
        %dma_start3A_68 = arith.constant 0 : i32
        %dma_start3A_69 = tpu.memref_slice %arg7[%dma_start3A_67, %dma_start3A_68] : memref<80x128xf32, #tpu.memory_space<vmem>> -> memref<72x128xf32, #tpu.memory_space<vmem>>
        %dma_start3A_70 = arith.constant 0 : i32
        %dma_start3A_71 = tpu.memref_slice %arg9[%sub3A_65, %dma_start3A_70] : memref<10000x128xf32, #tpu.memory_space<vmem_shared>> -> memref<72x128xf32, #tpu.memory_space<vmem_shared>>
        %dma_start3A_72 = arith.constant 0 : i32
        %dma_start3A_73 = tpu.memref_slice %arg9[%sub3A_65, %dma_start3A_72] : memref<10000x128xf32, #tpu.memory_space<vmem_shared>> -> memref<72x128xf32, #tpu.memory_space<vmem_shared>>
        %dma_start3A_74 = arith.constant 0 : i32
        %dma_start3A_75 = arith.constant 0 : i32
        %dma_start3A_76 = tpu.memref_slice %arg7[%dma_start3A_74, %dma_start3A_75] : memref<80x128xf32, #tpu.memory_space<vmem>> -> memref<72x128xf32, #tpu.memory_space<vmem>>
        tpu.enqueue_dma source(%dma_start3A_76 : memref<72x128xf32, #tpu.memory_space<vmem>>) target(%dma_start3A_73 : memref<72x128xf32, #tpu.memory_space<vmem_shared>>) target_semaphore(%run_scoped3A_66 : memref<!tpu.dma_semaphore, #tpu.memory_space<semaphore_mem>>)
        %dma_wait3A_77 = arith.constant 0 : i32
        %dma_wait3A_78 = arith.constant 0 : i32
        %dma_wait3A_79 = tpu.memref_slice %arg7[%dma_wait3A_77, %dma_wait3A_78] : memref<80x128xf32, #tpu.memory_space<vmem>> -> memref<72x128xf32, #tpu.memory_space<vmem>>
        %dma_wait3A_80 = arith.constant 0 : i32
        %dma_wait3A_81 = tpu.memref_slice %arg9[%sub3A_65, %dma_wait3A_80] : memref<10000x128xf32, #tpu.memory_space<vmem_shared>> -> memref<72x128xf32, #tpu.memory_space<vmem_shared>>
        %dma_wait3A_82 = arith.constant 0 : i32
        %dma_wait3A_83 = tpu.memref_slice %arg9[%sub3A_65, %dma_wait3A_82] : memref<10000x128xf32, #tpu.memory_space<vmem_shared>> -> memref<72x128xf32, #tpu.memory_space<vmem_shared>>
        %dma_wait3A_84 = arith.constant 0 : i32
        %dma_wait3A_85 = arith.constant 0 : i32
        %dma_wait3A_86 = tpu.memref_slice %arg7[%dma_wait3A_84, %dma_wait3A_85] : memref<80x128xf32, #tpu.memory_space<vmem>> -> memref<72x128xf32, #tpu.memory_space<vmem>>
        tpu.wait_dma2 semaphore(%run_scoped3A_66 : memref<!tpu.dma_semaphore, #tpu.memory_space<semaphore_mem>>) src(%dma_wait3A_86 : memref<72x128xf32, #tpu.memory_space<vmem>>) dst(%dma_wait3A_83 : memref<72x128xf32, #tpu.memory_space<vmem_shared>>)
        tpu.yield
      }) : () -> ()
    } else {
    }
    %eq3A = arith.constant 15 : i32
    %eq3A_19 = arith.cmpi eq, %arg1, %eq3A : i32
    %convert_element_type3A_20 = arith.extui %eq3A_19 : i1 to i32
    %cond3A_21 = arith.constant 0 : i32
    %cond3A_22 = arith.cmpi ne, %convert_element_type3A_20, %cond3A_21 : i32
    scf.if %cond3A_22 {
      %add3A_49 = arith.constant 0 : i32
      %add3A_50 = arith.addi %mul3A_16, %add3A_49 : i32
      "tpu.region"() ({
        %run_scoped3A_64 = tpu.sem_alloc : memref<!tpu.dma_semaphore, #tpu.memory_space<semaphore_mem>>
        %dma_start3A_65 = arith.constant 0 : i32
        %dma_start3A_66 = tpu.memref_slice %arg9[%add3A_50, %dma_start3A_65] : memref<10000x128xf32, #tpu.memory_space<vmem_shared>> -> memref<80x128xf32, #tpu.memory_space<vmem_shared>>
        %dma_start3A_67 = arith.constant 0 : i32
        %dma_start3A_68 = tpu.memref_slice %arg9[%add3A_50, %dma_start3A_67] : memref<10000x128xf32, #tpu.memory_space<vmem_shared>> -> memref<80x128xf32, #tpu.memory_space<vmem_shared>>
        tpu.enqueue_dma source(%arg7 : memref<80x128xf32, #tpu.memory_space<vmem>>) target(%dma_start3A_68 : memref<80x128xf32, #tpu.memory_space<vmem_shared>>) target_semaphore(%run_scoped3A_64 : memref<!tpu.dma_semaphore, #tpu.memory_space<semaphore_mem>>)
        %dma_wait3A_69 = arith.constant 0 : i32
        %dma_wait3A_70 = tpu.memref_slice %arg9[%add3A_50, %dma_wait3A_69] : memref<10000x128xf32, #tpu.memory_space<vmem_shared>> -> memref<80x128xf32, #tpu.memory_space<vmem_shared>>
        %dma_wait3A_71 = arith.constant 0 : i32
        %dma_wait3A_72 = tpu.memref_slice %arg9[%add3A_50, %dma_wait3A_71] : memref<10000x128xf32, #tpu.memory_space<vmem_shared>> -> memref<80x128xf32, #tpu.memory_space<vmem_shared>>
        tpu.wait_dma2 semaphore(%run_scoped3A_64 : memref<!tpu.dma_semaphore, #tpu.memory_space<semaphore_mem>>) src(%arg7 : memref<80x128xf32, #tpu.memory_space<vmem>>) dst(%dma_wait3A_72 : memref<80x128xf32, #tpu.memory_space<vmem_shared>>)
        tpu.yield
      }) : () -> ()
      %add3A_51 = arith.constant 80 : i32
      %add3A_52 = arith.addi %mul3A_16, %add3A_51 : i32
      "tpu.region"() ({
        %run_scoped3A_64 = tpu.sem_alloc : memref<!tpu.dma_semaphore, #tpu.memory_space<semaphore_mem>>
        %dma_start3A_65 = arith.constant 0 : i32
        %dma_start3A_66 = tpu.memref_slice %arg9[%add3A_52, %dma_start3A_65] : memref<10000x128xf32, #tpu.memory_space<vmem_shared>> -> memref<80x128xf32, #tpu.memory_space<vmem_shared>>
        %dma_start3A_67 = arith.constant 0 : i32
        %dma_start3A_68 = tpu.memref_slice %arg9[%add3A_52, %dma_start3A_67] : memref<10000x128xf32, #tpu.memory_space<vmem_shared>> -> memref<80x128xf32, #tpu.memory_space<vmem_shared>>
        tpu.enqueue_dma source(%arg7 : memref<80x128xf32, #tpu.memory_space<vmem>>) target(%dma_start3A_68 : memref<80x128xf32, #tpu.memory_space<vmem_shared>>) target_semaphore(%run_scoped3A_64 : memref<!tpu.dma_semaphore, #tpu.memory_space<semaphore_mem>>)
        %dma_wait3A_69 = arith.constant 0 : i32
        %dma_wait3A_70 = tpu.memref_slice %arg9[%add3A_52, %dma_wait3A_69] : memref<10000x128xf32, #tpu.memory_space<vmem_shared>> -> memref<80x128xf32, #tpu.memory_space<vmem_shared>>
        %dma_wait3A_71 = arith.constant 0 : i32
        %dma_wait3A_72 = tpu.memref_slice %arg9[%add3A_52, %dma_wait3A_71] : memref<10000x128xf32, #tpu.memory_space<vmem_shared>> -> memref<80x128xf32, #tpu.memory_space<vmem_shared>>
        tpu.wait_dma2 semaphore(%run_scoped3A_64 : memref<!tpu.dma_semaphore, #tpu.memory_space<semaphore_mem>>) src(%arg7 : memref<80x128xf32, #tpu.memory_space<vmem>>) dst(%dma_wait3A_72 : memref<80x128xf32, #tpu.memory_space<vmem_shared>>)
        tpu.yield
      }) : () -> ()
      %add3A_53 = arith.constant 160 : i32
      %add3A_54 = arith.addi %mul3A_16, %add3A_53 : i32
      "tpu.region"() ({
        %run_scoped3A_64 = tpu.sem_alloc : memref<!tpu.dma_semaphore, #tpu.memory_space<semaphore_mem>>
        %dma_start3A_65 = arith.constant 0 : i32
        %dma_start3A_66 = tpu.memref_slice %arg9[%add3A_54, %dma_start3A_65] : memref<10000x128xf32, #tpu.memory_space<vmem_shared>> -> memref<80x128xf32, #tpu.memory_space<vmem_shared>>
        %dma_start3A_67 = arith.constant 0 : i32
        %dma_start3A_68 = tpu.memref_slice %arg9[%add3A_54, %dma_start3A_67] : memref<10000x128xf32, #tpu.memory_space<vmem_shared>> -> memref<80x128xf32, #tpu.memory_space<vmem_shared>>
        tpu.enqueue_dma source(%arg7 : memref<80x128xf32, #tpu.memory_space<vmem>>) target(%dma_start3A_68 : memref<80x128xf32, #tpu.memory_space<vmem_shared>>) target_semaphore(%run_scoped3A_64 : memref<!tpu.dma_semaphore, #tpu.memory_space<semaphore_mem>>)
        %dma_wait3A_69 = arith.constant 0 : i32
        %dma_wait3A_70 = tpu.memref_slice %arg9[%add3A_54, %dma_wait3A_69] : memref<10000x128xf32, #tpu.memory_space<vmem_shared>> -> memref<80x128xf32, #tpu.memory_space<vmem_shared>>
        %dma_wait3A_71 = arith.constant 0 : i32
        %dma_wait3A_72 = tpu.memref_slice %arg9[%add3A_54, %dma_wait3A_71] : memref<10000x128xf32, #tpu.memory_space<vmem_shared>> -> memref<80x128xf32, #tpu.memory_space<vmem_shared>>
        tpu.wait_dma2 semaphore(%run_scoped3A_64 : memref<!tpu.dma_semaphore, #tpu.memory_space<semaphore_mem>>) src(%arg7 : memref<80x128xf32, #tpu.memory_space<vmem>>) dst(%dma_wait3A_72 : memref<80x128xf32, #tpu.memory_space<vmem_shared>>)
        tpu.yield
      }) : () -> ()
      %add3A_55 = arith.constant 240 : i32
      %add3A_56 = arith.addi %mul3A_16, %add3A_55 : i32
      "tpu.region"() ({
        %run_scoped3A_64 = tpu.sem_alloc : memref<!tpu.dma_semaphore, #tpu.memory_space<semaphore_mem>>
        %dma_start3A_65 = arith.constant 0 : i32
        %dma_start3A_66 = tpu.memref_slice %arg9[%add3A_56, %dma_start3A_65] : memref<10000x128xf32, #tpu.memory_space<vmem_shared>> -> memref<80x128xf32, #tpu.memory_space<vmem_shared>>
        %dma_start3A_67 = arith.constant 0 : i32
        %dma_start3A_68 = tpu.memref_slice %arg9[%add3A_56, %dma_start3A_67] : memref<10000x128xf32, #tpu.memory_space<vmem_shared>> -> memref<80x128xf32, #tpu.memory_space<vmem_shared>>
        tpu.enqueue_dma source(%arg7 : memref<80x128xf32, #tpu.memory_space<vmem>>) target(%dma_start3A_68 : memref<80x128xf32, #tpu.memory_space<vmem_shared>>) target_semaphore(%run_scoped3A_64 : memref<!tpu.dma_semaphore, #tpu.memory_space<semaphore_mem>>)
        %dma_wait3A_69 = arith.constant 0 : i32
        %dma_wait3A_70 = tpu.memref_slice %arg9[%add3A_56, %dma_wait3A_69] : memref<10000x128xf32, #tpu.memory_space<vmem_shared>> -> memref<80x128xf32, #tpu.memory_space<vmem_shared>>
        %dma_wait3A_71 = arith.constant 0 : i32
        %dma_wait3A_72 = tpu.memref_slice %arg9[%add3A_56, %dma_wait3A_71] : memref<10000x128xf32, #tpu.memory_space<vmem_shared>> -> memref<80x128xf32, #tpu.memory_space<vmem_shared>>
        tpu.wait_dma2 semaphore(%run_scoped3A_64 : memref<!tpu.dma_semaphore, #tpu.memory_space<semaphore_mem>>) src(%arg7 : memref<80x128xf32, #tpu.memory_space<vmem>>) dst(%dma_wait3A_72 : memref<80x128xf32, #tpu.memory_space<vmem_shared>>)
        tpu.yield
      }) : () -> ()
      %add3A_57 = arith.constant 320 : i32
      %add3A_58 = arith.addi %mul3A_16, %add3A_57 : i32
      "tpu.region"() ({
        %run_scoped3A_64 = tpu.sem_alloc : memref<!tpu.dma_semaphore, #tpu.memory_space<semaphore_mem>>
        %dma_start3A_65 = arith.constant 0 : i32
        %dma_start3A_66 = tpu.memref_slice %arg9[%add3A_58, %dma_start3A_65] : memref<10000x128xf32, #tpu.memory_space<vmem_shared>> -> memref<80x128xf32, #tpu.memory_space<vmem_shared>>
        %dma_start3A_67 = arith.constant 0 : i32
        %dma_start3A_68 = tpu.memref_slice %arg9[%add3A_58, %dma_start3A_67] : memref<10000x128xf32, #tpu.memory_space<vmem_shared>> -> memref<80x128xf32, #tpu.memory_space<vmem_shared>>
        tpu.enqueue_dma source(%arg7 : memref<80x128xf32, #tpu.memory_space<vmem>>) target(%dma_start3A_68 : memref<80x128xf32, #tpu.memory_space<vmem_shared>>) target_semaphore(%run_scoped3A_64 : memref<!tpu.dma_semaphore, #tpu.memory_space<semaphore_mem>>)
        %dma_wait3A_69 = arith.constant 0 : i32
        %dma_wait3A_70 = tpu.memref_slice %arg9[%add3A_58, %dma_wait3A_69] : memref<10000x128xf32, #tpu.memory_space<vmem_shared>> -> memref<80x128xf32, #tpu.memory_space<vmem_shared>>
        %dma_wait3A_71 = arith.constant 0 : i32
        %dma_wait3A_72 = tpu.memref_slice %arg9[%add3A_58, %dma_wait3A_71] : memref<10000x128xf32, #tpu.memory_space<vmem_shared>> -> memref<80x128xf32, #tpu.memory_space<vmem_shared>>
        tpu.wait_dma2 semaphore(%run_scoped3A_64 : memref<!tpu.dma_semaphore, #tpu.memory_space<semaphore_mem>>) src(%arg7 : memref<80x128xf32, #tpu.memory_space<vmem>>) dst(%dma_wait3A_72 : memref<80x128xf32, #tpu.memory_space<vmem_shared>>)
        tpu.yield
      }) : () -> ()
      %add3A_59 = arith.constant 400 : i32
      %add3A_60 = arith.addi %mul3A_16, %add3A_59 : i32
      "tpu.region"() ({
        %run_scoped3A_64 = tpu.sem_alloc : memref<!tpu.dma_semaphore, #tpu.memory_space<semaphore_mem>>
        %dma_start3A_65 = arith.constant 0 : i32
        %dma_start3A_66 = tpu.memref_slice %arg9[%add3A_60, %dma_start3A_65] : memref<10000x128xf32, #tpu.memory_space<vmem_shared>> -> memref<80x128xf32, #tpu.memory_space<vmem_shared>>
        %dma_start3A_67 = arith.constant 0 : i32
        %dma_start3A_68 = tpu.memref_slice %arg9[%add3A_60, %dma_start3A_67] : memref<10000x128xf32, #tpu.memory_space<vmem_shared>> -> memref<80x128xf32, #tpu.memory_space<vmem_shared>>
        tpu.enqueue_dma source(%arg7 : memref<80x128xf32, #tpu.memory_space<vmem>>) target(%dma_start3A_68 : memref<80x128xf32, #tpu.memory_space<vmem_shared>>) target_semaphore(%run_scoped3A_64 : memref<!tpu.dma_semaphore, #tpu.memory_space<semaphore_mem>>)
        %dma_wait3A_69 = arith.constant 0 : i32
        %dma_wait3A_70 = tpu.memref_slice %arg9[%add3A_60, %dma_wait3A_69] : memref<10000x128xf32, #tpu.memory_space<vmem_shared>> -> memref<80x128xf32, #tpu.memory_space<vmem_shared>>
        %dma_wait3A_71 = arith.constant 0 : i32
        %dma_wait3A_72 = tpu.memref_slice %arg9[%add3A_60, %dma_wait3A_71] : memref<10000x128xf32, #tpu.memory_space<vmem_shared>> -> memref<80x128xf32, #tpu.memory_space<vmem_shared>>
        tpu.wait_dma2 semaphore(%run_scoped3A_64 : memref<!tpu.dma_semaphore, #tpu.memory_space<semaphore_mem>>) src(%arg7 : memref<80x128xf32, #tpu.memory_space<vmem>>) dst(%dma_wait3A_72 : memref<80x128xf32, #tpu.memory_space<vmem_shared>>)
        tpu.yield
      }) : () -> ()
      %add3A_61 = arith.constant 520 : i32
      %add3A_62 = arith.addi %mul3A_16, %add3A_61 : i32
      %sub3A = arith.constant 40 : i32
      %sub3A_63 = arith.subi %add3A_62, %sub3A : i32
      "tpu.region"() ({
        %run_scoped3A_64 = tpu.sem_alloc : memref<!tpu.dma_semaphore, #tpu.memory_space<semaphore_mem>>
        %dma_start3A_65 = arith.constant 0 : i32
        %dma_start3A_66 = arith.constant 0 : i32
        %dma_start3A_67 = tpu.memref_slice %arg7[%dma_start3A_65, %dma_start3A_66] : memref<80x128xf32, #tpu.memory_space<vmem>> -> memref<40x128xf32, #tpu.memory_space<vmem>>
        %dma_start3A_68 = arith.constant 0 : i32
        %dma_start3A_69 = tpu.memref_slice %arg9[%sub3A_63, %dma_start3A_68] : memref<10000x128xf32, #tpu.memory_space<vmem_shared>> -> memref<40x128xf32, #tpu.memory_space<vmem_shared>>
        %dma_start3A_70 = arith.constant 0 : i32
        %dma_start3A_71 = tpu.memref_slice %arg9[%sub3A_63, %dma_start3A_70] : memref<10000x128xf32, #tpu.memory_space<vmem_shared>> -> memref<40x128xf32, #tpu.memory_space<vmem_shared>>
        %dma_start3A_72 = arith.constant 0 : i32
        %dma_start3A_73 = arith.constant 0 : i32
        %dma_start3A_74 = tpu.memref_slice %arg7[%dma_start3A_72, %dma_start3A_73] : memref<80x128xf32, #tpu.memory_space<vmem>> -> memref<40x128xf32, #tpu.memory_space<vmem>>
        tpu.enqueue_dma source(%dma_start3A_74 : memref<40x128xf32, #tpu.memory_space<vmem>>) target(%dma_start3A_71 : memref<40x128xf32, #tpu.memory_space<vmem_shared>>) target_semaphore(%run_scoped3A_64 : memref<!tpu.dma_semaphore, #tpu.memory_space<semaphore_mem>>)
        %dma_wait3A_75 = arith.constant 0 : i32
        %dma_wait3A_76 = arith.constant 0 : i32
        %dma_wait3A_77 = tpu.memref_slice %arg7[%dma_wait3A_75, %dma_wait3A_76] : memref<80x128xf32, #tpu.memory_space<vmem>> -> memref<40x128xf32, #tpu.memory_space<vmem>>
        %dma_wait3A_78 = arith.constant 0 : i32
        %dma_wait3A_79 = tpu.memref_slice %arg9[%sub3A_63, %dma_wait3A_78] : memref<10000x128xf32, #tpu.memory_space<vmem_shared>> -> memref<40x128xf32, #tpu.memory_space<vmem_shared>>
        %dma_wait3A_80 = arith.constant 0 : i32
        %dma_wait3A_81 = tpu.memref_slice %arg9[%sub3A_63, %dma_wait3A_80] : memref<10000x128xf32, #tpu.memory_space<vmem_shared>> -> memref<40x128xf32, #tpu.memory_space<vmem_shared>>
        %dma_wait3A_82 = arith.constant 0 : i32
        %dma_wait3A_83 = arith.constant 0 : i32
        %dma_wait3A_84 = tpu.memref_slice %arg7[%dma_wait3A_82, %dma_wait3A_83] : memref<80x128xf32, #tpu.memory_space<vmem>> -> memref<40x128xf32, #tpu.memory_space<vmem>>
        tpu.wait_dma2 semaphore(%run_scoped3A_64 : memref<!tpu.dma_semaphore, #tpu.memory_space<semaphore_mem>>) src(%dma_wait3A_84 : memref<40x128xf32, #tpu.memory_space<vmem>>) dst(%dma_wait3A_81 : memref<40x128xf32, #tpu.memory_space<vmem_shared>>)
        tpu.yield
      }) : () -> ()
    } else {
    }
    %barrier3A = arith.constant 0 : index
    tpu.barrier barrier_id(%barrier3A)
    %dma_start3A = arith.constant 0 : i32
    %dma_start3A_23 = tpu.memref_slice %arg5[%dma_start3A] : memref<10000xi32, #tpu.memory_space<vmem>> -> memref<80xi32, #tpu.memory_space<vmem>>
    %dma_start3A_24 = arith.constant 0 : i32
    %dma_start3A_25 = arith.constant 0 : i32
    %dma_start3A_26 = tpu.memref_slice %arg2[%dma_start3A_24, %dma_start3A_25] : memref<10000x128xf32, #tpu.memory_space<hbm>> -> memref<10000x128xf32, #tpu.memory_space<hbm>>
    tpu.enqueue_indirect_dma source(%dma_start3A_26 : memref<10000x128xf32, #tpu.memory_space<hbm>>) target(%arg7 : memref<80x128xf32, #tpu.memory_space<vmem>>) offsets(%dma_start3A_23 : memref<80xi32, #tpu.memory_space<vmem>>) semaphore(%arg10 : memref<!tpu.dma_semaphore, #tpu.memory_space<semaphore_mem>>)
    %scan3A_27 = arith.constant 0 : i32
    %scan3A_28 = arith.constant 0 : i32
    %scan3A_29 = arith.constant 62 : i32
    %scan3A_30 = arith.addi %scan3A_28, %scan3A_29 : i32
    %scan3A_31 = arith.constant 1 : i32
    scf.for %scan3A_49 = %scan3A_28 to %scan3A_30 step %scan3A_31  : i32 {
      %mul3A_50 = arith.constant 2 : i32
      %mul3A_51 = arith.muli %mul3A_50, %scan3A_49 : i32
      %add3A_52 = arith.constant 1 : i32
      %add3A_53 = arith.addi %mul3A_51, %add3A_52 : i32
      %mul3A_54 = arith.constant 80 : i32
      %mul3A_55 = arith.muli %add3A_53, %mul3A_54 : i32
      %dma_start3A_56 = tpu.memref_slice %arg5[%mul3A_55] : memref<10000xi32, #tpu.memory_space<vmem>> -> memref<80xi32, #tpu.memory_space<vmem>>
      %dma_start3A_57 = arith.constant 0 : i32
      %dma_start3A_58 = arith.constant 0 : i32
      %dma_start3A_59 = tpu.memref_slice %arg2[%dma_start3A_57, %dma_start3A_58] : memref<10000x128xf32, #tpu.memory_space<hbm>> -> memref<10000x128xf32, #tpu.memory_space<hbm>>
      tpu.enqueue_indirect_dma source(%dma_start3A_59 : memref<10000x128xf32, #tpu.memory_space<hbm>>) target(%arg8 : memref<80x128xf32, #tpu.memory_space<vmem>>) offsets(%dma_start3A_56 : memref<80xi32, #tpu.memory_space<vmem>>) semaphore(%arg11 : memref<!tpu.dma_semaphore, #tpu.memory_space<semaphore_mem>>)
      %dma_wait3A_60 = arith.constant 0 : i32
      %dma_wait3A_61 = arith.constant 0 : i32
      %dma_wait3A_62 = tpu.memref_slice %arg2[%dma_wait3A_60, %dma_wait3A_61] : memref<10000x128xf32, #tpu.memory_space<hbm>> -> memref<80x128xf32, #tpu.memory_space<hbm>>
      %dma_wait3A_63 = arith.constant 0 : i32
      %dma_wait3A_64 = arith.constant 0 : i32
      %dma_wait3A_65 = tpu.memref_slice %arg2[%dma_wait3A_63, %dma_wait3A_64] : memref<10000x128xf32, #tpu.memory_space<hbm>> -> memref<80x128xf32, #tpu.memory_space<hbm>>
      tpu.wait_dma2 semaphore(%arg10 : memref<!tpu.dma_semaphore, #tpu.memory_space<semaphore_mem>>) src(%dma_wait3A_65 : memref<80x128xf32, #tpu.memory_space<hbm>>) dst(%arg7 : memref<80x128xf32, #tpu.memory_space<vmem>>)
      "tpu.region"() ({
        %run_scoped3A_82 = tpu.sem_alloc : memref<!tpu.dma_semaphore, #tpu.memory_space<semaphore_mem>>
        %dma_start3A_83 = arith.constant 0 : i32
        %dma_start3A_84 = tpu.memref_slice %arg6[%mul3A_51, %dma_start3A_83] : memref<125x80xi32, #tpu.memory_space<vmem>> -> memref<1x80xi32, #tpu.memory_space<vmem>>
        %dma_start3A_85 = tpu.memref_squeeze %dma_start3A_84 : memref<1x80xi32, #tpu.memory_space<vmem>> -> memref<80xi32, #tpu.memory_space<vmem>>
        %dma_start3A_86 = arith.constant 0 : i32
        %dma_start3A_87 = arith.constant 0 : i32
        %dma_start3A_88 = tpu.memref_slice %arg9[%dma_start3A_86, %dma_start3A_87] : memref<10000x128xf32, #tpu.memory_space<vmem_shared>> -> memref<10000x128xf32, #tpu.memory_space<vmem_shared>>
        tpu.enqueue_indirect_dma source(%arg7 : memref<80x128xf32, #tpu.memory_space<vmem>>) target(%dma_start3A_88 : memref<10000x128xf32, #tpu.memory_space<vmem_shared>>) offsets(%dma_start3A_85 : memref<80xi32, #tpu.memory_space<vmem>>) semaphore(%run_scoped3A_82 : memref<!tpu.dma_semaphore, #tpu.memory_space<semaphore_mem>>) {add = true}
        %dma_wait3A_89 = arith.constant 0 : i32
        %dma_wait3A_90 = tpu.memref_slice %arg6[%mul3A_51, %dma_wait3A_89] : memref<125x80xi32, #tpu.memory_space<vmem>> -> memref<1x80xi32, #tpu.memory_space<vmem>>
        %dma_wait3A_91 = tpu.memref_squeeze %dma_wait3A_90 : memref<1x80xi32, #tpu.memory_space<vmem>> -> memref<80xi32, #tpu.memory_space<vmem>>
        %dma_wait3A_92 = arith.constant 0 : i32
        %dma_wait3A_93 = arith.constant 0 : i32
        %dma_wait3A_94 = tpu.memref_slice %arg9[%dma_wait3A_92, %dma_wait3A_93] : memref<10000x128xf32, #tpu.memory_space<vmem_shared>> -> memref<10000x128xf32, #tpu.memory_space<vmem_shared>>
        tpu.wait_indirect_dma semaphore(%run_scoped3A_82 : memref<!tpu.dma_semaphore, #tpu.memory_space<semaphore_mem>>) src(%arg7 : memref<80x128xf32, #tpu.memory_space<vmem>>) dst(%dma_wait3A_94 : memref<10000x128xf32, #tpu.memory_space<vmem_shared>>)
        tpu.yield
      }) : () -> ()
      %add3A_66 = arith.constant 2 : i32
      %add3A_67 = arith.addi %mul3A_51, %add3A_66 : i32
      %mul3A_68 = arith.constant 80 : i32
      %mul3A_69 = arith.muli %add3A_67, %mul3A_68 : i32
      %dma_start3A_70 = tpu.memref_slice %arg5[%mul3A_69] : memref<10000xi32, #tpu.memory_space<vmem>> -> memref<80xi32, #tpu.memory_space<vmem>>
      %dma_start3A_71 = arith.constant 0 : i32
      %dma_start3A_72 = arith.constant 0 : i32
      %dma_start3A_73 = tpu.memref_slice %arg2[%dma_start3A_71, %dma_start3A_72] : memref<10000x128xf32, #tpu.memory_space<hbm>> -> memref<10000x128xf32, #tpu.memory_space<hbm>>
      tpu.enqueue_indirect_dma source(%dma_start3A_73 : memref<10000x128xf32, #tpu.memory_space<hbm>>) target(%arg7 : memref<80x128xf32, #tpu.memory_space<vmem>>) offsets(%dma_start3A_70 : memref<80xi32, #tpu.memory_space<vmem>>) semaphore(%arg10 : memref<!tpu.dma_semaphore, #tpu.memory_space<semaphore_mem>>)
      %dma_wait3A_74 = arith.constant 0 : i32
      %dma_wait3A_75 = arith.constant 0 : i32
      %dma_wait3A_76 = tpu.memref_slice %arg2[%dma_wait3A_74, %dma_wait3A_75] : memref<10000x128xf32, #tpu.memory_space<hbm>> -> memref<80x128xf32, #tpu.memory_space<hbm>>
      %dma_wait3A_77 = arith.constant 0 : i32
      %dma_wait3A_78 = arith.constant 0 : i32
      %dma_wait3A_79 = tpu.memref_slice %arg2[%dma_wait3A_77, %dma_wait3A_78] : memref<10000x128xf32, #tpu.memory_space<hbm>> -> memref<80x128xf32, #tpu.memory_space<hbm>>
      tpu.wait_dma2 semaphore(%arg11 : memref<!tpu.dma_semaphore, #tpu.memory_space<semaphore_mem>>) src(%dma_wait3A_79 : memref<80x128xf32, #tpu.memory_space<hbm>>) dst(%arg8 : memref<80x128xf32, #tpu.memory_space<vmem>>)
      %add3A_80 = arith.constant 1 : i32
      %add3A_81 = arith.addi %mul3A_51, %add3A_80 : i32
      "tpu.region"() ({
        %run_scoped3A_82 = tpu.sem_alloc : memref<!tpu.dma_semaphore, #tpu.memory_space<semaphore_mem>>
        %dma_start3A_83 = arith.constant 0 : i32
        %dma_start3A_84 = tpu.memref_slice %arg6[%add3A_81, %dma_start3A_83] : memref<125x80xi32, #tpu.memory_space<vmem>> -> memref<1x80xi32, #tpu.memory_space<vmem>>
        %dma_start3A_85 = tpu.memref_squeeze %dma_start3A_84 : memref<1x80xi32, #tpu.memory_space<vmem>> -> memref<80xi32, #tpu.memory_space<vmem>>
        %dma_start3A_86 = arith.constant 0 : i32
        %dma_start3A_87 = arith.constant 0 : i32
        %dma_start3A_88 = tpu.memref_slice %arg9[%dma_start3A_86, %dma_start3A_87] : memref<10000x128xf32, #tpu.memory_space<vmem_shared>> -> memref<10000x128xf32, #tpu.memory_space<vmem_shared>>
        tpu.enqueue_indirect_dma source(%arg8 : memref<80x128xf32, #tpu.memory_space<vmem>>) target(%dma_start3A_88 : memref<10000x128xf32, #tpu.memory_space<vmem_shared>>) offsets(%dma_start3A_85 : memref<80xi32, #tpu.memory_space<vmem>>) semaphore(%run_scoped3A_82 : memref<!tpu.dma_semaphore, #tpu.memory_space<semaphore_mem>>) {add = true}
        %dma_wait3A_89 = arith.constant 0 : i32
        %dma_wait3A_90 = tpu.memref_slice %arg6[%add3A_81, %dma_wait3A_89] : memref<125x80xi32, #tpu.memory_space<vmem>> -> memref<1x80xi32, #tpu.memory_space<vmem>>
        %dma_wait3A_91 = tpu.memref_squeeze %dma_wait3A_90 : memref<1x80xi32, #tpu.memory_space<vmem>> -> memref<80xi32, #tpu.memory_space<vmem>>
        %dma_wait3A_92 = arith.constant 0 : i32
        %dma_wait3A_93 = arith.constant 0 : i32
        %dma_wait3A_94 = tpu.memref_slice %arg9[%dma_wait3A_92, %dma_wait3A_93] : memref<10000x128xf32, #tpu.memory_space<vmem_shared>> -> memref<10000x128xf32, #tpu.memory_space<vmem_shared>>
        tpu.wait_indirect_dma semaphore(%run_scoped3A_82 : memref<!tpu.dma_semaphore, #tpu.memory_space<semaphore_mem>>) src(%arg8 : memref<80x128xf32, #tpu.memory_space<vmem>>) dst(%dma_wait3A_94 : memref<10000x128xf32, #tpu.memory_space<vmem_shared>>)
        tpu.yield
      }) : () -> ()
    }
    %scan3A_32 = arith.constant 62 : i32
    %dma_wait3A = arith.constant 0 : i32
    %dma_wait3A_33 = arith.constant 0 : i32
    %dma_wait3A_34 = tpu.memref_slice %arg2[%dma_wait3A, %dma_wait3A_33] : memref<10000x128xf32, #tpu.memory_space<hbm>> -> memref<80x128xf32, #tpu.memory_space<hbm>>
    %dma_wait3A_35 = arith.constant 0 : i32
    %dma_wait3A_36 = arith.constant 0 : i32
    %dma_wait3A_37 = tpu.memref_slice %arg2[%dma_wait3A_35, %dma_wait3A_36] : memref<10000x128xf32, #tpu.memory_space<hbm>> -> memref<80x128xf32, #tpu.memory_space<hbm>>
    tpu.wait_dma2 semaphore(%arg10 : memref<!tpu.dma_semaphore, #tpu.memory_space<semaphore_mem>>) src(%dma_wait3A_37 : memref<80x128xf32, #tpu.memory_space<hbm>>) dst(%arg7 : memref<80x128xf32, #tpu.memory_space<vmem>>)
    %run_scoped3A = arith.constant 124 : i32
    "tpu.region"() ({
      %run_scoped3A_49 = tpu.sem_alloc : memref<!tpu.dma_semaphore, #tpu.memory_space<semaphore_mem>>
      %dma_start3A_50 = arith.constant 0 : i32
      %dma_start3A_51 = tpu.memref_slice %arg6[%run_scoped3A, %dma_start3A_50] : memref<125x80xi32, #tpu.memory_space<vmem>> -> memref<1x80xi32, #tpu.memory_space<vmem>>
      %dma_start3A_52 = tpu.memref_squeeze %dma_start3A_51 : memref<1x80xi32, #tpu.memory_space<vmem>> -> memref<80xi32, #tpu.memory_space<vmem>>
      %dma_start3A_53 = arith.constant 0 : i32
      %dma_start3A_54 = arith.constant 0 : i32
      %dma_start3A_55 = tpu.memref_slice %arg9[%dma_start3A_53, %dma_start3A_54] : memref<10000x128xf32, #tpu.memory_space<vmem_shared>> -> memref<10000x128xf32, #tpu.memory_space<vmem_shared>>
      tpu.enqueue_indirect_dma source(%arg7 : memref<80x128xf32, #tpu.memory_space<vmem>>) target(%dma_start3A_55 : memref<10000x128xf32, #tpu.memory_space<vmem_shared>>) offsets(%dma_start3A_52 : memref<80xi32, #tpu.memory_space<vmem>>) semaphore(%run_scoped3A_49 : memref<!tpu.dma_semaphore, #tpu.memory_space<semaphore_mem>>) {add = true}
      %dma_wait3A_56 = arith.constant 0 : i32
      %dma_wait3A_57 = tpu.memref_slice %arg6[%run_scoped3A, %dma_wait3A_56] : memref<125x80xi32, #tpu.memory_space<vmem>> -> memref<1x80xi32, #tpu.memory_space<vmem>>
      %dma_wait3A_58 = tpu.memref_squeeze %dma_wait3A_57 : memref<1x80xi32, #tpu.memory_space<vmem>> -> memref<80xi32, #tpu.memory_space<vmem>>
      %dma_wait3A_59 = arith.constant 0 : i32
      %dma_wait3A_60 = arith.constant 0 : i32
      %dma_wait3A_61 = tpu.memref_slice %arg9[%dma_wait3A_59, %dma_wait3A_60] : memref<10000x128xf32, #tpu.memory_space<vmem_shared>> -> memref<10000x128xf32, #tpu.memory_space<vmem_shared>>
      tpu.wait_indirect_dma semaphore(%run_scoped3A_49 : memref<!tpu.dma_semaphore, #tpu.memory_space<semaphore_mem>>) src(%arg7 : memref<80x128xf32, #tpu.memory_space<vmem>>) dst(%dma_wait3A_61 : memref<10000x128xf32, #tpu.memory_space<vmem_shared>>)
      tpu.yield
    }) : () -> ()
    %barrier3A_38 = arith.constant 0 : index
    tpu.barrier barrier_id(%barrier3A_38)
    %lt3A_39 = arith.constant 15 : i32
    %lt3A_40 = arith.cmpi slt, %arg1, %lt3A_39 : i32
    %convert_element_type3A_41 = arith.extui %lt3A_40 : i1 to i32
    %cond3A_42 = arith.constant 0 : i32
    %cond3A_43 = arith.cmpi ne, %convert_element_type3A_41, %cond3A_42 : i32
    scf.if %cond3A_43 {
      %mul3A_49 = arith.constant 632 : i32
      %mul3A_50 = arith.muli %arg1, %mul3A_49 : i32
      %mul3A_51 = arith.constant 632 : i32
      %mul3A_52 = arith.muli %arg1, %mul3A_51 : i32
      %mul3A_53 = arith.constant 10000 : i32
      %mul3A_54 = arith.muli %arg0, %mul3A_53 : i32
      %add3A_55 = arith.addi %mul3A_54, %mul3A_52 : i32
      "tpu.region"() ({
        %run_scoped3A_56 = tpu.sem_alloc : memref<!tpu.dma_semaphore, #tpu.memory_space<semaphore_mem>>
        %dma_start3A_57 = arith.constant 0 : i32
        %dma_start3A_58 = tpu.memref_slice %arg4[%add3A_55, %dma_start3A_57] : memref<20000x128xf32, #tpu.memory_space<hbm>> -> memref<632x128xf32, #tpu.memory_space<hbm>>
        %dma_start3A_59 = arith.constant 0 : i32
        %dma_start3A_60 = tpu.memref_slice %arg9[%mul3A_50, %dma_start3A_59] : memref<10000x128xf32, #tpu.memory_space<vmem_shared>> -> memref<632x128xf32, #tpu.memory_space<vmem_shared>>
        tpu.enqueue_dma source(%dma_start3A_60 : memref<632x128xf32, #tpu.memory_space<vmem_shared>>) target(%dma_start3A_58 : memref<632x128xf32, #tpu.memory_space<hbm>>) target_semaphore(%run_scoped3A_56 : memref<!tpu.dma_semaphore, #tpu.memory_space<semaphore_mem>>)
        %dma_wait3A_61 = arith.constant 0 : i32
        %dma_wait3A_62 = tpu.memref_slice %arg4[%add3A_55, %dma_wait3A_61] : memref<20000x128xf32, #tpu.memory_space<hbm>> -> memref<632x128xf32, #tpu.memory_space<hbm>>
        %dma_wait3A_63 = arith.constant 0 : i32
        %dma_wait3A_64 = tpu.memref_slice %arg9[%mul3A_50, %dma_wait3A_63] : memref<10000x128xf32, #tpu.memory_space<vmem_shared>> -> memref<632x128xf32, #tpu.memory_space<vmem_shared>>
        tpu.wait_dma2 semaphore(%run_scoped3A_56 : memref<!tpu.dma_semaphore, #tpu.memory_space<semaphore_mem>>) src(%dma_wait3A_64 : memref<632x128xf32, #tpu.memory_space<vmem_shared>>) dst(%dma_wait3A_62 : memref<632x128xf32, #tpu.memory_space<hbm>>)
        tpu.yield
      }) : () -> ()
    } else {
    }
    %eq3A_44 = arith.constant 15 : i32
    %eq3A_45 = arith.cmpi eq, %arg1, %eq3A_44 : i32
    %convert_element_type3A_46 = arith.extui %eq3A_45 : i1 to i32
    %cond3A_47 = arith.constant 0 : i32
    %cond3A_48 = arith.cmpi ne, %convert_element_type3A_46, %cond3A_47 : i32
    scf.if %cond3A_48 {
      %mul3A_49 = arith.constant 10000 : i32
      %mul3A_50 = arith.muli %arg0, %mul3A_49 : i32
      %add3A_51 = arith.constant 9480 : i32
      %add3A_52 = arith.addi %mul3A_50, %add3A_51 : i32
      "tpu.region"() ({
        %run_scoped3A_53 = tpu.sem_alloc : memref<!tpu.dma_semaphore, #tpu.memory_space<semaphore_mem>>
        %dma_start3A_54 = arith.constant 0 : i32
        %dma_start3A_55 = tpu.memref_slice %arg4[%add3A_52, %dma_start3A_54] : memref<20000x128xf32, #tpu.memory_space<hbm>> -> memref<520x128xf32, #tpu.memory_space<hbm>>
        %dma_start3A_56 = arith.constant 9480 : i32
        %dma_start3A_57 = arith.constant 0 : i32
        %dma_start3A_58 = tpu.memref_slice %arg9[%dma_start3A_56, %dma_start3A_57] : memref<10000x128xf32, #tpu.memory_space<vmem_shared>> -> memref<520x128xf32, #tpu.memory_space<vmem_shared>>
        tpu.enqueue_dma source(%dma_start3A_58 : memref<520x128xf32, #tpu.memory_space<vmem_shared>>) target(%dma_start3A_55 : memref<520x128xf32, #tpu.memory_space<hbm>>) target_semaphore(%run_scoped3A_53 : memref<!tpu.dma_semaphore, #tpu.memory_space<semaphore_mem>>)
        %dma_wait3A_59 = arith.constant 0 : i32
        %dma_wait3A_60 = tpu.memref_slice %arg4[%add3A_52, %dma_wait3A_59] : memref<20000x128xf32, #tpu.memory_space<hbm>> -> memref<520x128xf32, #tpu.memory_space<hbm>>
        %dma_wait3A_61 = arith.constant 9480 : i32
        %dma_wait3A_62 = arith.constant 0 : i32
        %dma_wait3A_63 = tpu.memref_slice %arg9[%dma_wait3A_61, %dma_wait3A_62] : memref<10000x128xf32, #tpu.memory_space<vmem_shared>> -> memref<520x128xf32, #tpu.memory_space<vmem_shared>>
        tpu.wait_dma2 semaphore(%run_scoped3A_53 : memref<!tpu.dma_semaphore, #tpu.memory_space<semaphore_mem>>) src(%dma_wait3A_63 : memref<520x128xf32, #tpu.memory_space<vmem_shared>>) dst(%dma_wait3A_60 : memref<520x128xf32, #tpu.memory_space<hbm>>)
        tpu.yield
      }) : () -> ()
    } else {
    }
    return
  }
}

#map = affine_map<(d0, d1) -> (0, 0)>
#map1 = affine_map<(d0, d1) -> (0)>
module attributes {stable_mosaic.version = 14 : i64} {
  func.func @agg(%arg0: i32, %arg1: i32, %arg2: memref<10000x128xf32, #tpu.memory_space<hbm>>, %arg3: memref<320000xi32, #tpu.memory_space<hbm>>, %arg4: memref<20000x128xf32, #tpu.memory_space<hbm>>, %arg5: memref<10000xi32, #tpu.memory_space<vmem>>, %arg6: memref<125x80xi32, #tpu.memory_space<vmem>>, %arg7: memref<80x128xf32, #tpu.memory_space<vmem>>, %arg8: memref<80x128xf32, #tpu.memory_space<vmem>>, %arg9: memref<10000x128xf32, #tpu.memory_space<vmem_shared>>, %arg10: memref<!tpu.dma_semaphore, #tpu.memory_space<semaphore_mem>>, %arg11: memref<!tpu.dma_semaphore, #tpu.memory_space<semaphore_mem>>) attributes {dimension_semantics = [#tpu.dimension_semantics<core_parallel>, #tpu.dimension_semantics<subcore_parallel>], iteration_bounds = array<i64: 2, 16>, scalar_prefetch = 0 : i64, scratch_operands = 7 : i64, tpu.core_type = #tpu.core_type<sc_vector_subcore>, window_params = [{transform_indices = #map}, {transform_indices = #map1}, {transform_indices = #map}]} {
    %mul3A = arith.constant 16 : i32
    %mul3A_0 = arith.muli %arg0, %mul3A : i32
    %add3A = arith.addi %mul3A_0, %arg1 : i32
    %mul3A_1 = arith.constant 10000 : i32
    %mul3A_2 = arith.muli %add3A, %mul3A_1 : i32
    "tpu.region"() ({
      %run_scoped3A_49 = tpu.sem_alloc : memref<!tpu.dma_semaphore, #tpu.memory_space<semaphore_mem>>
      %dma_start3A_50 = tpu.memref_slice %arg3[%mul3A_2] : memref<320000xi32, #tpu.memory_space<hbm>> -> memref<10000xi32, #tpu.memory_space<hbm>>
      %dma_start3A_51 = tpu.memref_slice %arg3[%mul3A_2] : memref<320000xi32, #tpu.memory_space<hbm>> -> memref<10000xi32, #tpu.memory_space<hbm>>
      tpu.enqueue_dma source(%dma_start3A_51 : memref<10000xi32, #tpu.memory_space<hbm>>) target(%arg5 : memref<10000xi32, #tpu.memory_space<vmem>>) target_semaphore(%run_scoped3A_49 : memref<!tpu.dma_semaphore, #tpu.memory_space<semaphore_mem>>)
      %dma_wait3A_52 = tpu.memref_slice %arg3[%mul3A_2] : memref<320000xi32, #tpu.memory_space<hbm>> -> memref<10000xi32, #tpu.memory_space<hbm>>
      %dma_wait3A_53 = tpu.memref_slice %arg3[%mul3A_2] : memref<320000xi32, #tpu.memory_space<hbm>> -> memref<10000xi32, #tpu.memory_space<hbm>>
      tpu.wait_dma2 semaphore(%run_scoped3A_49 : memref<!tpu.dma_semaphore, #tpu.memory_space<semaphore_mem>>) src(%dma_wait3A_53 : memref<10000xi32, #tpu.memory_space<hbm>>) dst(%arg5 : memref<10000xi32, #tpu.memory_space<vmem>>)
      tpu.yield
    }) : () -> ()
    %scan3A = arith.constant 0 : i32
    %scan3A_3 = arith.constant 0 : i32
    %scan3A_4 = arith.constant 125 : i32
    %scan3A_5 = arith.addi %scan3A_3, %scan3A_4 : i32
    %scan3A_6 = arith.constant 1 : i32
    scf.for %scan3A_49 = %scan3A_3 to %scan3A_5 step %scan3A_6  : i32 {
      %mul3A_50 = arith.constant 80 : i32
      %mul3A_51 = arith.muli %scan3A_49, %mul3A_50 : i32
      %add3A_52 = arith.constant 0 : i32
      %add3A_53 = arith.addi %mul3A_51, %add3A_52 : i32
      %get3A = arith.index_cast %add3A_53 : i32 to index
      %get3A_54 = tpu.vector_load %arg5[%get3A] {strides = array<i32>} : memref<10000xi32, #tpu.memory_space<vmem>>, vector<16xi32>,
      %get3A_55 = vector.shape_cast %get3A_54 : vector<16xi32> to vector<16xi32>
      %shift_right_logical3A = arith.constant 14 : i32
      %shift_right_logical3A_56 = vector.broadcast %shift_right_logical3A : i32 to vector<16xi32>
      %shift_right_logical3A_57 = arith.shrui %get3A_55, %shift_right_logical3A_56 : vector<16xi32>
      %swap3A = arith.index_cast %scan3A_49 : i32 to index
      %swap3A_58 = arith.constant 0 : index
      %swap3A_59 = tpu.vector_load %arg6[%swap3A, %swap3A_58] {strides = array<i32>} : memref<125x80xi32, #tpu.memory_space<vmem>>, vector<1x16xi32>,
      %swap3A_60 = vector.shape_cast %swap3A_59 : vector<1x16xi32> to vector<16xi32>
      %swap3A_61 = vector.shape_cast %shift_right_logical3A_57 : vector<16xi32> to vector<1x16xi32>
      tpu.vector_store %arg6[%swap3A, %swap3A_58], %swap3A_61 {strides = array<i32>} : memref<125x80xi32, #tpu.memory_space<vmem>>, vector<1x16xi32>,
      %and3A = arith.constant 16383 : i32
      %and3A_62 = vector.broadcast %and3A : i32 to vector<16xi32>
      %and3A_63 = arith.andi %get3A_55, %and3A_62 : vector<16xi32>
      %swap3A_64 = arith.index_cast %add3A_53 : i32 to index
      %swap3A_65 = tpu.vector_load %arg5[%swap3A_64] {strides = array<i32>} : memref<10000xi32, #tpu.memory_space<vmem>>, vector<16xi32>,
      %swap3A_66 = vector.shape_cast %swap3A_65 : vector<16xi32> to vector<16xi32>
      %swap3A_67 = vector.shape_cast %and3A_63 : vector<16xi32> to vector<16xi32>
      tpu.vector_store %arg5[%swap3A_64], %swap3A_67 {strides = array<i32>} : memref<10000xi32, #tpu.memory_space<vmem>>, vector<16xi32>,
      %mul3A_68 = arith.constant 80 : i32
      %mul3A_69 = arith.muli %scan3A_49, %mul3A_68 : i32
      %add3A_70 = arith.constant 16 : i32
      %add3A_71 = arith.addi %mul3A_69, %add3A_70 : i32
      %get3A_72 = arith.index_cast %add3A_71 : i32 to index
      %get3A_73 = tpu.vector_load %arg5[%get3A_72] {strides = array<i32>} : memref<10000xi32, #tpu.memory_space<vmem>>, vector<16xi32>,
      %get3A_74 = vector.shape_cast %get3A_73 : vector<16xi32> to vector<16xi32>
      %shift_right_logical3A_75 = arith.constant 14 : i32
      %shift_right_logical3A_76 = vector.broadcast %shift_right_logical3A_75 : i32 to vector<16xi32>
      %shift_right_logical3A_77 = arith.shrui %get3A_74, %shift_right_logical3A_76 : vector<16xi32>
      %swap3A_78 = arith.index_cast %scan3A_49 : i32 to index
      %swap3A_79 = arith.constant 16 : index
      %swap3A_80 = tpu.vector_load %arg6[%swap3A_78, %swap3A_79] {strides = array<i32>} : memref<125x80xi32, #tpu.memory_space<vmem>>, vector<1x16xi32>,
      %swap3A_81 = vector.shape_cast %swap3A_80 : vector<1x16xi32> to vector<16xi32>
      %swap3A_82 = vector.shape_cast %shift_right_logical3A_77 : vector<16xi32> to vector<1x16xi32>
      tpu.vector_store %arg6[%swap3A_78, %swap3A_79], %swap3A_82 {strides = array<i32>} : memref<125x80xi32, #tpu.memory_space<vmem>>, vector<1x16xi32>,
      %and3A_83 = arith.constant 16383 : i32
      %and3A_84 = vector.broadcast %and3A_83 : i32 to vector<16xi32>
      %and3A_85 = arith.andi %get3A_74, %and3A_84 : vector<16xi32>
      %swap3A_86 = arith.index_cast %add3A_71 : i32 to index
      %swap3A_87 = tpu.vector_load %arg5[%swap3A_86] {strides = array<i32>} : memref<10000xi32, #tpu.memory_space<vmem>>, vector<16xi32>,
      %swap3A_88 = vector.shape_cast %swap3A_87 : vector<16xi32> to vector<16xi32>
      %swap3A_89 = vector.shape_cast %and3A_85 : vector<16xi32> to vector<16xi32>
      tpu.vector_store %arg5[%swap3A_86], %swap3A_89 {strides = array<i32>} : memref<10000xi32, #tpu.memory_space<vmem>>, vector<16xi32>,
      %mul3A_90 = arith.constant 80 : i32
      %mul3A_91 = arith.muli %scan3A_49, %mul3A_90 : i32
      %add3A_92 = arith.constant 32 : i32
      %add3A_93 = arith.addi %mul3A_91, %add3A_92 : i32
      %get3A_94 = arith.index_cast %add3A_93 : i32 to index
      %get3A_95 = tpu.vector_load %arg5[%get3A_94] {strides = array<i32>} : memref<10000xi32, #tpu.memory_space<vmem>>, vector<16xi32>,
      %get3A_96 = vector.shape_cast %get3A_95 : vector<16xi32> to vector<16xi32>
      %shift_right_logical3A_97 = arith.constant 14 : i32
      %shift_right_logical3A_98 = vector.broadcast %shift_right_logical3A_97 : i32 to vector<16xi32>
      %shift_right_logical3A_99 = arith.shrui %get3A_96, %shift_right_logical3A_98 : vector<16xi32>
      %swap3A_100 = arith.index_cast %scan3A_49 : i32 to index
      %swap3A_101 = arith.constant 32 : index
      %swap3A_102 = tpu.vector_load %arg6[%swap3A_100, %swap3A_101] {strides = array<i32>} : memref<125x80xi32, #tpu.memory_space<vmem>>, vector<1x16xi32>,
      %swap3A_103 = vector.shape_cast %swap3A_102 : vector<1x16xi32> to vector<16xi32>
      %swap3A_104 = vector.shape_cast %shift_right_logical3A_99 : vector<16xi32> to vector<1x16xi32>
      tpu.vector_store %arg6[%swap3A_100, %swap3A_101], %swap3A_104 {strides = array<i32>} : memref<125x80xi32, #tpu.memory_space<vmem>>, vector<1x16xi32>,
      %and3A_105 = arith.constant 16383 : i32
      %and3A_106 = vector.broadcast %and3A_105 : i32 to vector<16xi32>
      %and3A_107 = arith.andi %get3A_96, %and3A_106 : vector<16xi32>
      %swap3A_108 = arith.index_cast %add3A_93 : i32 to index
      %swap3A_109 = tpu.vector_load %arg5[%swap3A_108] {strides = array<i32>} : memref<10000xi32, #tpu.memory_space<vmem>>, vector<16xi32>,
      %swap3A_110 = vector.shape_cast %swap3A_109 : vector<16xi32> to vector<16xi32>
      %swap3A_111 = vector.shape_cast %and3A_107 : vector<16xi32> to vector<16xi32>
      tpu.vector_store %arg5[%swap3A_108], %swap3A_111 {strides = array<i32>} : memref<10000xi32, #tpu.memory_space<vmem>>, vector<16xi32>,
      %mul3A_112 = arith.constant 80 : i32
      %mul3A_113 = arith.muli %scan3A_49, %mul3A_112 : i32
      %add3A_114 = arith.constant 48 : i32
      %add3A_115 = arith.addi %mul3A_113, %add3A_114 : i32
      %get3A_116 = arith.index_cast %add3A_115 : i32 to index
      %get3A_117 = tpu.vector_load %arg5[%get3A_116] {strides = array<i32>} : memref<10000xi32, #tpu.memory_space<vmem>>, vector<16xi32>,
      %get3A_118 = vector.shape_cast %get3A_117 : vector<16xi32> to vector<16xi32>
      %shift_right_logical3A_119 = arith.constant 14 : i32
      %shift_right_logical3A_120 = vector.broadcast %shift_right_logical3A_119 : i32 to vector<16xi32>
      %shift_right_logical3A_121 = arith.shrui %get3A_118, %shift_right_logical3A_120 : vector<16xi32>
      %swap3A_122 = arith.index_cast %scan3A_49 : i32 to index
      %swap3A_123 = arith.constant 48 : index
      %swap3A_124 = tpu.vector_load %arg6[%swap3A_122, %swap3A_123] {strides = array<i32>} : memref<125x80xi32, #tpu.memory_space<vmem>>, vector<1x16xi32>,
      %swap3A_125 = vector.shape_cast %swap3A_124 : vector<1x16xi32> to vector<16xi32>
      %swap3A_126 = vector.shape_cast %shift_right_logical3A_121 : vector<16xi32> to vector<1x16xi32>
      tpu.vector_store %arg6[%swap3A_122, %swap3A_123], %swap3A_126 {strides = array<i32>} : memref<125x80xi32, #tpu.memory_space<vmem>>, vector<1x16xi32>,
      %and3A_127 = arith.constant 16383 : i32
      %and3A_128 = vector.broadcast %and3A_127 : i32 to vector<16xi32>
      %and3A_129 = arith.andi %get3A_118, %and3A_128 : vector<16xi32>
      %swap3A_130 = arith.index_cast %add3A_115 : i32 to index
      %swap3A_131 = tpu.vector_load %arg5[%swap3A_130] {strides = array<i32>} : memref<10000xi32, #tpu.memory_space<vmem>>, vector<16xi32>,
      %swap3A_132 = vector.shape_cast %swap3A_131 : vector<16xi32> to vector<16xi32>
      %swap3A_133 = vector.shape_cast %and3A_129 : vector<16xi32> to vector<16xi32>
      tpu.vector_store %arg5[%swap3A_130], %swap3A_133 {strides = array<i32>} : memref<10000xi32, #tpu.memory_space<vmem>>, vector<16xi32>,
      %mul3A_134 = arith.constant 80 : i32
      %mul3A_135 = arith.muli %scan3A_49, %mul3A_134 : i32
      %add3A_136 = arith.constant 64 : i32
      %add3A_137 = arith.addi %mul3A_135, %add3A_136 : i32
      %get3A_138 = arith.index_cast %add3A_137 : i32 to index
      %get3A_139 = tpu.vector_load %arg5[%get3A_138] {strides = array<i32>} : memref<10000xi32, #tpu.memory_space<vmem>>, vector<16xi32>,
      %get3A_140 = vector.shape_cast %get3A_139 : vector<16xi32> to vector<16xi32>
      %shift_right_logical3A_141 = arith.constant 14 : i32
      %shift_right_logical3A_142 = vector.broadcast %shift_right_logical3A_141 : i32 to vector<16xi32>
      %shift_right_logical3A_143 = arith.shrui %get3A_140, %shift_right_logical3A_142 : vector<16xi32>
      %swap3A_144 = arith.index_cast %scan3A_49 : i32 to index
      %swap3A_145 = arith.constant 64 : index
      %swap3A_146 = tpu.vector_load %arg6[%swap3A_144, %swap3A_145] {strides = array<i32>} : memref<125x80xi32, #tpu.memory_space<vmem>>, vector<1x16xi32>,
      %swap3A_147 = vector.shape_cast %swap3A_146 : vector<1x16xi32> to vector<16xi32>
      %swap3A_148 = vector.shape_cast %shift_right_logical3A_143 : vector<16xi32> to vector<1x16xi32>
      tpu.vector_store %arg6[%swap3A_144, %swap3A_145], %swap3A_148 {strides = array<i32>} : memref<125x80xi32, #tpu.memory_space<vmem>>, vector<1x16xi32>,
      %and3A_149 = arith.constant 16383 : i32
      %and3A_150 = vector.broadcast %and3A_149 : i32 to vector<16xi32>
      %and3A_151 = arith.andi %get3A_140, %and3A_150 : vector<16xi32>
      %swap3A_152 = arith.index_cast %add3A_137 : i32 to index
      %swap3A_153 = tpu.vector_load %arg5[%swap3A_152] {strides = array<i32>} : memref<10000xi32, #tpu.memory_space<vmem>>, vector<16xi32>,
      %swap3A_154 = vector.shape_cast %swap3A_153 : vector<16xi32> to vector<16xi32>
      %swap3A_155 = vector.shape_cast %and3A_151 : vector<16xi32> to vector<16xi32>
      tpu.vector_store %arg5[%swap3A_152], %swap3A_155 {strides = array<i32>} : memref<10000xi32, #tpu.memory_space<vmem>>, vector<16xi32>,
    }
    %scan3A_7 = arith.constant 125 : i32
    %broadcast_in_dim3A = arith.constant 0.000000e+00 : f32
    %broadcast_in_dim3A_8 = vector.broadcast %broadcast_in_dim3A : f32 to vector<16xf32>
    %scan3A_9 = arith.constant 0 : i32
    %scan3A_10 = arith.constant 0 : i32
    %scan3A_11 = arith.constant 80 : i32
    %scan3A_12 = arith.addi %scan3A_10, %scan3A_11 : i32
    %scan3A_13 = arith.constant 1 : i32
    scf.for %scan3A_49 = %scan3A_10 to %scan3A_12 step %scan3A_13  : i32 {
      %swap3A = arith.index_cast %scan3A_49 : i32 to index
      %swap3A_50 = arith.constant 0 : index
      %swap3A_51 = tpu.vector_load %arg7[%swap3A, %swap3A_50] {strides = array<i32>} : memref<80x128xf32, #tpu.memory_space<vmem>>, vector<1x16xf32>,
      %swap3A_52 = vector.shape_cast %swap3A_51 : vector<1x16xf32> to vector<16xf32>
      %swap3A_53 = vector.shape_cast %broadcast_in_dim3A_8 : vector<16xf32> to vector<1x16xf32>
      tpu.vector_store %arg7[%swap3A, %swap3A_50], %swap3A_53 {strides = array<i32>} : memref<80x128xf32, #tpu.memory_space<vmem>>, vector<1x16xf32>,
      %swap3A_54 = arith.index_cast %scan3A_49 : i32 to index
      %swap3A_55 = arith.constant 16 : index
      %swap3A_56 = tpu.vector_load %arg7[%swap3A_54, %swap3A_55] {strides = array<i32>} : memref<80x128xf32, #tpu.memory_space<vmem>>, vector<1x16xf32>,
      %swap3A_57 = vector.shape_cast %swap3A_56 : vector<1x16xf32> to vector<16xf32>
      %swap3A_58 = vector.shape_cast %broadcast_in_dim3A_8 : vector<16xf32> to vector<1x16xf32>
      tpu.vector_store %arg7[%swap3A_54, %swap3A_55], %swap3A_58 {strides = array<i32>} : memref<80x128xf32, #tpu.memory_space<vmem>>, vector<1x16xf32>,
      %swap3A_59 = arith.index_cast %scan3A_49 : i32 to index
      %swap3A_60 = arith.constant 32 : index
      %swap3A_61 = tpu.vector_load %arg7[%swap3A_59, %swap3A_60] {strides = array<i32>} : memref<80x128xf32, #tpu.memory_space<vmem>>, vector<1x16xf32>,
      %swap3A_62 = vector.shape_cast %swap3A_61 : vector<1x16xf32> to vector<16xf32>
      %swap3A_63 = vector.shape_cast %broadcast_in_dim3A_8 : vector<16xf32> to vector<1x16xf32>
      tpu.vector_store %arg7[%swap3A_59, %swap3A_60], %swap3A_63 {strides = array<i32>} : memref<80x128xf32, #tpu.memory_space<vmem>>, vector<1x16xf32>,
      %swap3A_64 = arith.index_cast %scan3A_49 : i32 to index
      %swap3A_65 = arith.constant 48 : index
      %swap3A_66 = tpu.vector_load %arg7[%swap3A_64, %swap3A_65] {strides = array<i32>} : memref<80x128xf32, #tpu.memory_space<vmem>>, vector<1x16xf32>,
      %swap3A_67 = vector.shape_cast %swap3A_66 : vector<1x16xf32> to vector<16xf32>
      %swap3A_68 = vector.shape_cast %broadcast_in_dim3A_8 : vector<16xf32> to vector<1x16xf32>
      tpu.vector_store %arg7[%swap3A_64, %swap3A_65], %swap3A_68 {strides = array<i32>} : memref<80x128xf32, #tpu.memory_space<vmem>>, vector<1x16xf32>,
      %swap3A_69 = arith.index_cast %scan3A_49 : i32 to index
      %swap3A_70 = arith.constant 64 : index
      %swap3A_71 = tpu.vector_load %arg7[%swap3A_69, %swap3A_70] {strides = array<i32>} : memref<80x128xf32, #tpu.memory_space<vmem>>, vector<1x16xf32>,
      %swap3A_72 = vector.shape_cast %swap3A_71 : vector<1x16xf32> to vector<16xf32>
      %swap3A_73 = vector.shape_cast %broadcast_in_dim3A_8 : vector<16xf32> to vector<1x16xf32>
      tpu.vector_store %arg7[%swap3A_69, %swap3A_70], %swap3A_73 {strides = array<i32>} : memref<80x128xf32, #tpu.memory_space<vmem>>, vector<1x16xf32>,
      %swap3A_74 = arith.index_cast %scan3A_49 : i32 to index
      %swap3A_75 = arith.constant 80 : index
      %swap3A_76 = tpu.vector_load %arg7[%swap3A_74, %swap3A_75] {strides = array<i32>} : memref<80x128xf32, #tpu.memory_space<vmem>>, vector<1x16xf32>,
      %swap3A_77 = vector.shape_cast %swap3A_76 : vector<1x16xf32> to vector<16xf32>
      %swap3A_78 = vector.shape_cast %broadcast_in_dim3A_8 : vector<16xf32> to vector<1x16xf32>
      tpu.vector_store %arg7[%swap3A_74, %swap3A_75], %swap3A_78 {strides = array<i32>} : memref<80x128xf32, #tpu.memory_space<vmem>>, vector<1x16xf32>,
      %swap3A_79 = arith.index_cast %scan3A_49 : i32 to index
      %swap3A_80 = arith.constant 96 : index
      %swap3A_81 = tpu.vector_load %arg7[%swap3A_79, %swap3A_80] {strides = array<i32>} : memref<80x128xf32, #tpu.memory_space<vmem>>, vector<1x16xf32>,
      %swap3A_82 = vector.shape_cast %swap3A_81 : vector<1x16xf32> to vector<16xf32>
      %swap3A_83 = vector.shape_cast %broadcast_in_dim3A_8 : vector<16xf32> to vector<1x16xf32>
      tpu.vector_store %arg7[%swap3A_79, %swap3A_80], %swap3A_83 {strides = array<i32>} : memref<80x128xf32, #tpu.memory_space<vmem>>, vector<1x16xf32>,
      %swap3A_84 = arith.index_cast %scan3A_49 : i32 to index
      %swap3A_85 = arith.constant 112 : index
      %swap3A_86 = tpu.vector_load %arg7[%swap3A_84, %swap3A_85] {strides = array<i32>} : memref<80x128xf32, #tpu.memory_space<vmem>>, vector<1x16xf32>,
      %swap3A_87 = vector.shape_cast %swap3A_86 : vector<1x16xf32> to vector<16xf32>
      %swap3A_88 = vector.shape_cast %broadcast_in_dim3A_8 : vector<16xf32> to vector<1x16xf32>
      tpu.vector_store %arg7[%swap3A_84, %swap3A_85], %swap3A_88 {strides = array<i32>} : memref<80x128xf32, #tpu.memory_space<vmem>>, vector<1x16xf32>,
    }
    %scan3A_14 = arith.constant 80 : i32
    %mul3A_15 = arith.constant 632 : i32
    %mul3A_16 = arith.muli %arg1, %mul3A_15 : i32
    %lt3A = arith.constant 15 : i32
    %lt3A_17 = arith.cmpi slt, %arg1, %lt3A : i32
    %convert_element_type3A = arith.extui %lt3A_17 : i1 to i32
    %cond3A = arith.constant 0 : i32
    %cond3A_18 = arith.cmpi ne, %convert_element_type3A, %cond3A : i32
    scf.if %cond3A_18 {
      %add3A_49 = arith.constant 0 : i32
      %add3A_50 = arith.addi %mul3A_16, %add3A_49 : i32
      "tpu.region"() ({
        %run_scoped3A_66 = tpu.sem_alloc : memref<!tpu.dma_semaphore, #tpu.memory_space<semaphore_mem>>
        %dma_start3A_67 = arith.constant 0 : i32
        %dma_start3A_68 = tpu.memref_slice %arg9[%add3A_50, %dma_start3A_67] : memref<10000x128xf32, #tpu.memory_space<vmem_shared>> -> memref<80x128xf32, #tpu.memory_space<vmem_shared>>
        %dma_start3A_69 = arith.constant 0 : i32
        %dma_start3A_70 = tpu.memref_slice %arg9[%add3A_50, %dma_start3A_69] : memref<10000x128xf32, #tpu.memory_space<vmem_shared>> -> memref<80x128xf32, #tpu.memory_space<vmem_shared>>
        tpu.enqueue_dma source(%arg7 : memref<80x128xf32, #tpu.memory_space<vmem>>) target(%dma_start3A_70 : memref<80x128xf32, #tpu.memory_space<vmem_shared>>) target_semaphore(%run_scoped3A_66 : memref<!tpu.dma_semaphore, #tpu.memory_space<semaphore_mem>>)
        %dma_wait3A_71 = arith.constant 0 : i32
        %dma_wait3A_72 = tpu.memref_slice %arg9[%add3A_50, %dma_wait3A_71] : memref<10000x128xf32, #tpu.memory_space<vmem_shared>> -> memref<80x128xf32, #tpu.memory_space<vmem_shared>>
        %dma_wait3A_73 = arith.constant 0 : i32
        %dma_wait3A_74 = tpu.memref_slice %arg9[%add3A_50, %dma_wait3A_73] : memref<10000x128xf32, #tpu.memory_space<vmem_shared>> -> memref<80x128xf32, #tpu.memory_space<vmem_shared>>
        tpu.wait_dma2 semaphore(%run_scoped3A_66 : memref<!tpu.dma_semaphore, #tpu.memory_space<semaphore_mem>>) src(%arg7 : memref<80x128xf32, #tpu.memory_space<vmem>>) dst(%dma_wait3A_74 : memref<80x128xf32, #tpu.memory_space<vmem_shared>>)
        tpu.yield
      }) : () -> ()
      %add3A_51 = arith.constant 80 : i32
      %add3A_52 = arith.addi %mul3A_16, %add3A_51 : i32
      "tpu.region"() ({
        %run_scoped3A_66 = tpu.sem_alloc : memref<!tpu.dma_semaphore, #tpu.memory_space<semaphore_mem>>
        %dma_start3A_67 = arith.constant 0 : i32
        %dma_start3A_68 = tpu.memref_slice %arg9[%add3A_52, %dma_start3A_67] : memref<10000x128xf32, #tpu.memory_space<vmem_shared>> -> memref<80x128xf32, #tpu.memory_space<vmem_shared>>
        %dma_start3A_69 = arith.constant 0 : i32
        %dma_start3A_70 = tpu.memref_slice %arg9[%add3A_52, %dma_start3A_69] : memref<10000x128xf32, #tpu.memory_space<vmem_shared>> -> memref<80x128xf32, #tpu.memory_space<vmem_shared>>
        tpu.enqueue_dma source(%arg7 : memref<80x128xf32, #tpu.memory_space<vmem>>) target(%dma_start3A_70 : memref<80x128xf32, #tpu.memory_space<vmem_shared>>) target_semaphore(%run_scoped3A_66 : memref<!tpu.dma_semaphore, #tpu.memory_space<semaphore_mem>>)
        %dma_wait3A_71 = arith.constant 0 : i32
        %dma_wait3A_72 = tpu.memref_slice %arg9[%add3A_52, %dma_wait3A_71] : memref<10000x128xf32, #tpu.memory_space<vmem_shared>> -> memref<80x128xf32, #tpu.memory_space<vmem_shared>>
        %dma_wait3A_73 = arith.constant 0 : i32
        %dma_wait3A_74 = tpu.memref_slice %arg9[%add3A_52, %dma_wait3A_73] : memref<10000x128xf32, #tpu.memory_space<vmem_shared>> -> memref<80x128xf32, #tpu.memory_space<vmem_shared>>
        tpu.wait_dma2 semaphore(%run_scoped3A_66 : memref<!tpu.dma_semaphore, #tpu.memory_space<semaphore_mem>>) src(%arg7 : memref<80x128xf32, #tpu.memory_space<vmem>>) dst(%dma_wait3A_74 : memref<80x128xf32, #tpu.memory_space<vmem_shared>>)
        tpu.yield
      }) : () -> ()
      %add3A_53 = arith.constant 160 : i32
      %add3A_54 = arith.addi %mul3A_16, %add3A_53 : i32
      "tpu.region"() ({
        %run_scoped3A_66 = tpu.sem_alloc : memref<!tpu.dma_semaphore, #tpu.memory_space<semaphore_mem>>
        %dma_start3A_67 = arith.constant 0 : i32
        %dma_start3A_68 = tpu.memref_slice %arg9[%add3A_54, %dma_start3A_67] : memref<10000x128xf32, #tpu.memory_space<vmem_shared>> -> memref<80x128xf32, #tpu.memory_space<vmem_shared>>
        %dma_start3A_69 = arith.constant 0 : i32
        %dma_start3A_70 = tpu.memref_slice %arg9[%add3A_54, %dma_start3A_69] : memref<10000x128xf32, #tpu.memory_space<vmem_shared>> -> memref<80x128xf32, #tpu.memory_space<vmem_shared>>
        tpu.enqueue_dma source(%arg7 : memref<80x128xf32, #tpu.memory_space<vmem>>) target(%dma_start3A_70 : memref<80x128xf32, #tpu.memory_space<vmem_shared>>) target_semaphore(%run_scoped3A_66 : memref<!tpu.dma_semaphore, #tpu.memory_space<semaphore_mem>>)
        %dma_wait3A_71 = arith.constant 0 : i32
        %dma_wait3A_72 = tpu.memref_slice %arg9[%add3A_54, %dma_wait3A_71] : memref<10000x128xf32, #tpu.memory_space<vmem_shared>> -> memref<80x128xf32, #tpu.memory_space<vmem_shared>>
        %dma_wait3A_73 = arith.constant 0 : i32
        %dma_wait3A_74 = tpu.memref_slice %arg9[%add3A_54, %dma_wait3A_73] : memref<10000x128xf32, #tpu.memory_space<vmem_shared>> -> memref<80x128xf32, #tpu.memory_space<vmem_shared>>
        tpu.wait_dma2 semaphore(%run_scoped3A_66 : memref<!tpu.dma_semaphore, #tpu.memory_space<semaphore_mem>>) src(%arg7 : memref<80x128xf32, #tpu.memory_space<vmem>>) dst(%dma_wait3A_74 : memref<80x128xf32, #tpu.memory_space<vmem_shared>>)
        tpu.yield
      }) : () -> ()
      %add3A_55 = arith.constant 240 : i32
      %add3A_56 = arith.addi %mul3A_16, %add3A_55 : i32
      "tpu.region"() ({
        %run_scoped3A_66 = tpu.sem_alloc : memref<!tpu.dma_semaphore, #tpu.memory_space<semaphore_mem>>
        %dma_start3A_67 = arith.constant 0 : i32
        %dma_start3A_68 = tpu.memref_slice %arg9[%add3A_56, %dma_start3A_67] : memref<10000x128xf32, #tpu.memory_space<vmem_shared>> -> memref<80x128xf32, #tpu.memory_space<vmem_shared>>
        %dma_start3A_69 = arith.constant 0 : i32
        %dma_start3A_70 = tpu.memref_slice %arg9[%add3A_56, %dma_start3A_69] : memref<10000x128xf32, #tpu.memory_space<vmem_shared>> -> memref<80x128xf32, #tpu.memory_space<vmem_shared>>
        tpu.enqueue_dma source(%arg7 : memref<80x128xf32, #tpu.memory_space<vmem>>) target(%dma_start3A_70 : memref<80x128xf32, #tpu.memory_space<vmem_shared>>) target_semaphore(%run_scoped3A_66 : memref<!tpu.dma_semaphore, #tpu.memory_space<semaphore_mem>>)
        %dma_wait3A_71 = arith.constant 0 : i32
        %dma_wait3A_72 = tpu.memref_slice %arg9[%add3A_56, %dma_wait3A_71] : memref<10000x128xf32, #tpu.memory_space<vmem_shared>> -> memref<80x128xf32, #tpu.memory_space<vmem_shared>>
        %dma_wait3A_73 = arith.constant 0 : i32
        %dma_wait3A_74 = tpu.memref_slice %arg9[%add3A_56, %dma_wait3A_73] : memref<10000x128xf32, #tpu.memory_space<vmem_shared>> -> memref<80x128xf32, #tpu.memory_space<vmem_shared>>
        tpu.wait_dma2 semaphore(%run_scoped3A_66 : memref<!tpu.dma_semaphore, #tpu.memory_space<semaphore_mem>>) src(%arg7 : memref<80x128xf32, #tpu.memory_space<vmem>>) dst(%dma_wait3A_74 : memref<80x128xf32, #tpu.memory_space<vmem_shared>>)
        tpu.yield
      }) : () -> ()
      %add3A_57 = arith.constant 320 : i32
      %add3A_58 = arith.addi %mul3A_16, %add3A_57 : i32
      "tpu.region"() ({
        %run_scoped3A_66 = tpu.sem_alloc : memref<!tpu.dma_semaphore, #tpu.memory_space<semaphore_mem>>
        %dma_start3A_67 = arith.constant 0 : i32
        %dma_start3A_68 = tpu.memref_slice %arg9[%add3A_58, %dma_start3A_67] : memref<10000x128xf32, #tpu.memory_space<vmem_shared>> -> memref<80x128xf32, #tpu.memory_space<vmem_shared>>
        %dma_start3A_69 = arith.constant 0 : i32
        %dma_start3A_70 = tpu.memref_slice %arg9[%add3A_58, %dma_start3A_69] : memref<10000x128xf32, #tpu.memory_space<vmem_shared>> -> memref<80x128xf32, #tpu.memory_space<vmem_shared>>
        tpu.enqueue_dma source(%arg7 : memref<80x128xf32, #tpu.memory_space<vmem>>) target(%dma_start3A_70 : memref<80x128xf32, #tpu.memory_space<vmem_shared>>) target_semaphore(%run_scoped3A_66 : memref<!tpu.dma_semaphore, #tpu.memory_space<semaphore_mem>>)
        %dma_wait3A_71 = arith.constant 0 : i32
        %dma_wait3A_72 = tpu.memref_slice %arg9[%add3A_58, %dma_wait3A_71] : memref<10000x128xf32, #tpu.memory_space<vmem_shared>> -> memref<80x128xf32, #tpu.memory_space<vmem_shared>>
        %dma_wait3A_73 = arith.constant 0 : i32
        %dma_wait3A_74 = tpu.memref_slice %arg9[%add3A_58, %dma_wait3A_73] : memref<10000x128xf32, #tpu.memory_space<vmem_shared>> -> memref<80x128xf32, #tpu.memory_space<vmem_shared>>
        tpu.wait_dma2 semaphore(%run_scoped3A_66 : memref<!tpu.dma_semaphore, #tpu.memory_space<semaphore_mem>>) src(%arg7 : memref<80x128xf32, #tpu.memory_space<vmem>>) dst(%dma_wait3A_74 : memref<80x128xf32, #tpu.memory_space<vmem_shared>>)
        tpu.yield
      }) : () -> ()
      %add3A_59 = arith.constant 400 : i32
      %add3A_60 = arith.addi %mul3A_16, %add3A_59 : i32
      "tpu.region"() ({
        %run_scoped3A_66 = tpu.sem_alloc : memref<!tpu.dma_semaphore, #tpu.memory_space<semaphore_mem>>
        %dma_start3A_67 = arith.constant 0 : i32
        %dma_start3A_68 = tpu.memref_slice %arg9[%add3A_60, %dma_start3A_67] : memref<10000x128xf32, #tpu.memory_space<vmem_shared>> -> memref<80x128xf32, #tpu.memory_space<vmem_shared>>
        %dma_start3A_69 = arith.constant 0 : i32
        %dma_start3A_70 = tpu.memref_slice %arg9[%add3A_60, %dma_start3A_69] : memref<10000x128xf32, #tpu.memory_space<vmem_shared>> -> memref<80x128xf32, #tpu.memory_space<vmem_shared>>
        tpu.enqueue_dma source(%arg7 : memref<80x128xf32, #tpu.memory_space<vmem>>) target(%dma_start3A_70 : memref<80x128xf32, #tpu.memory_space<vmem_shared>>) target_semaphore(%run_scoped3A_66 : memref<!tpu.dma_semaphore, #tpu.memory_space<semaphore_mem>>)
        %dma_wait3A_71 = arith.constant 0 : i32
        %dma_wait3A_72 = tpu.memref_slice %arg9[%add3A_60, %dma_wait3A_71] : memref<10000x128xf32, #tpu.memory_space<vmem_shared>> -> memref<80x128xf32, #tpu.memory_space<vmem_shared>>
        %dma_wait3A_73 = arith.constant 0 : i32
        %dma_wait3A_74 = tpu.memref_slice %arg9[%add3A_60, %dma_wait3A_73] : memref<10000x128xf32, #tpu.memory_space<vmem_shared>> -> memref<80x128xf32, #tpu.memory_space<vmem_shared>>
        tpu.wait_dma2 semaphore(%run_scoped3A_66 : memref<!tpu.dma_semaphore, #tpu.memory_space<semaphore_mem>>) src(%arg7 : memref<80x128xf32, #tpu.memory_space<vmem>>) dst(%dma_wait3A_74 : memref<80x128xf32, #tpu.memory_space<vmem_shared>>)
        tpu.yield
      }) : () -> ()
      %add3A_61 = arith.constant 480 : i32
      %add3A_62 = arith.addi %mul3A_16, %add3A_61 : i32
      "tpu.region"() ({
        %run_scoped3A_66 = tpu.sem_alloc : memref<!tpu.dma_semaphore, #tpu.memory_space<semaphore_mem>>
        %dma_start3A_67 = arith.constant 0 : i32
        %dma_start3A_68 = tpu.memref_slice %arg9[%add3A_62, %dma_start3A_67] : memref<10000x128xf32, #tpu.memory_space<vmem_shared>> -> memref<80x128xf32, #tpu.memory_space<vmem_shared>>
        %dma_start3A_69 = arith.constant 0 : i32
        %dma_start3A_70 = tpu.memref_slice %arg9[%add3A_62, %dma_start3A_69] : memref<10000x128xf32, #tpu.memory_space<vmem_shared>> -> memref<80x128xf32, #tpu.memory_space<vmem_shared>>
        tpu.enqueue_dma source(%arg7 : memref<80x128xf32, #tpu.memory_space<vmem>>) target(%dma_start3A_70 : memref<80x128xf32, #tpu.memory_space<vmem_shared>>) target_semaphore(%run_scoped3A_66 : memref<!tpu.dma_semaphore, #tpu.memory_space<semaphore_mem>>)
        %dma_wait3A_71 = arith.constant 0 : i32
        %dma_wait3A_72 = tpu.memref_slice %arg9[%add3A_62, %dma_wait3A_71] : memref<10000x128xf32, #tpu.memory_space<vmem_shared>> -> memref<80x128xf32, #tpu.memory_space<vmem_shared>>
        %dma_wait3A_73 = arith.constant 0 : i32
        %dma_wait3A_74 = tpu.memref_slice %arg9[%add3A_62, %dma_wait3A_73] : memref<10000x128xf32, #tpu.memory_space<vmem_shared>> -> memref<80x128xf32, #tpu.memory_space<vmem_shared>>
        tpu.wait_dma2 semaphore(%run_scoped3A_66 : memref<!tpu.dma_semaphore, #tpu.memory_space<semaphore_mem>>) src(%arg7 : memref<80x128xf32, #tpu.memory_space<vmem>>) dst(%dma_wait3A_74 : memref<80x128xf32, #tpu.memory_space<vmem_shared>>)
        tpu.yield
      }) : () -> ()
      %add3A_63 = arith.constant 632 : i32
      %add3A_64 = arith.addi %mul3A_16, %add3A_63 : i32
      %sub3A = arith.constant 72 : i32
      %sub3A_65 = arith.subi %add3A_64, %sub3A : i32
      "tpu.region"() ({
        %run_scoped3A_66 = tpu.sem_alloc : memref<!tpu.dma_semaphore, #tpu.memory_space<semaphore_mem>>
        %dma_start3A_67 = arith.constant 0 : i32
        %dma_start3A_68 = arith.constant 0 : i32
        %dma_start3A_69 = tpu.memref_slice %arg7[%dma_start3A_67, %dma_start3A_68] : memref<80x128xf32, #tpu.memory_space<vmem>> -> memref<72x128xf32, #tpu.memory_space<vmem>>
        %dma_start3A_70 = arith.constant 0 : i32
        %dma_start3A_71 = tpu.memref_slice %arg9[%sub3A_65, %dma_start3A_70] : memref<10000x128xf32, #tpu.memory_space<vmem_shared>> -> memref<72x128xf32, #tpu.memory_space<vmem_shared>>
        %dma_start3A_72 = arith.constant 0 : i32
        %dma_start3A_73 = tpu.memref_slice %arg9[%sub3A_65, %dma_start3A_72] : memref<10000x128xf32, #tpu.memory_space<vmem_shared>> -> memref<72x128xf32, #tpu.memory_space<vmem_shared>>
        %dma_start3A_74 = arith.constant 0 : i32
        %dma_start3A_75 = arith.constant 0 : i32
        %dma_start3A_76 = tpu.memref_slice %arg7[%dma_start3A_74, %dma_start3A_75] : memref<80x128xf32, #tpu.memory_space<vmem>> -> memref<72x128xf32, #tpu.memory_space<vmem>>
        tpu.enqueue_dma source(%dma_start3A_76 : memref<72x128xf32, #tpu.memory_space<vmem>>) target(%dma_start3A_73 : memref<72x128xf32, #tpu.memory_space<vmem_shared>>) target_semaphore(%run_scoped3A_66 : memref<!tpu.dma_semaphore, #tpu.memory_space<semaphore_mem>>)
        %dma_wait3A_77 = arith.constant 0 : i32
        %dma_wait3A_78 = arith.constant 0 : i32
        %dma_wait3A_79 = tpu.memref_slice %arg7[%dma_wait3A_77, %dma_wait3A_78] : memref<80x128xf32, #tpu.memory_space<vmem>> -> memref<72x128xf32, #tpu.memory_space<vmem>>
        %dma_wait3A_80 = arith.constant 0 : i32
        %dma_wait3A_81 = tpu.memref_slice %arg9[%sub3A_65, %dma_wait3A_80] : memref<10000x128xf32, #tpu.memory_space<vmem_shared>> -> memref<72x128xf32, #tpu.memory_space<vmem_shared>>
        %dma_wait3A_82 = arith.constant 0 : i32
        %dma_wait3A_83 = tpu.memref_slice %arg9[%sub3A_65, %dma_wait3A_82] : memref<10000x128xf32, #tpu.memory_space<vmem_shared>> -> memref<72x128xf32, #tpu.memory_space<vmem_shared>>
        %dma_wait3A_84 = arith.constant 0 : i32
        %dma_wait3A_85 = arith.constant 0 : i32
        %dma_wait3A_86 = tpu.memref_slice %arg7[%dma_wait3A_84, %dma_wait3A_85] : memref<80x128xf32, #tpu.memory_space<vmem>> -> memref<72x128xf32, #tpu.memory_space<vmem>>
        tpu.wait_dma2 semaphore(%run_scoped3A_66 : memref<!tpu.dma_semaphore, #tpu.memory_space<semaphore_mem>>) src(%dma_wait3A_86 : memref<72x128xf32, #tpu.memory_space<vmem>>) dst(%dma_wait3A_83 : memref<72x128xf32, #tpu.memory_space<vmem_shared>>)
        tpu.yield
      }) : () -> ()
    } else {
    }
    %eq3A = arith.constant 15 : i32
    %eq3A_19 = arith.cmpi eq, %arg1, %eq3A : i32
    %convert_element_type3A_20 = arith.extui %eq3A_19 : i1 to i32
    %cond3A_21 = arith.constant 0 : i32
    %cond3A_22 = arith.cmpi ne, %convert_element_type3A_20, %cond3A_21 : i32
    scf.if %cond3A_22 {
      %add3A_49 = arith.constant 0 : i32
      %add3A_50 = arith.addi %mul3A_16, %add3A_49 : i32
      "tpu.region"() ({
        %run_scoped3A_64 = tpu.sem_alloc : memref<!tpu.dma_semaphore, #tpu.memory_space<semaphore_mem>>
        %dma_start3A_65 = arith.constant 0 : i32
        %dma_start3A_66 = tpu.memref_slice %arg9[%add3A_50, %dma_start3A_65] : memref<10000x128xf32, #tpu.memory_space<vmem_shared>> -> memref<80x128xf32, #tpu.memory_space<vmem_shared>>
        %dma_start3A_67 = arith.constant 0 : i32
        %dma_start3A_68 = tpu.memref_slice %arg9[%add3A_50, %dma_start3A_67] : memref<10000x128xf32, #tpu.memory_space<vmem_shared>> -> memref<80x128xf32, #tpu.memory_space<vmem_shared>>
        tpu.enqueue_dma source(%arg7 : memref<80x128xf32, #tpu.memory_space<vmem>>) target(%dma_start3A_68 : memref<80x128xf32, #tpu.memory_space<vmem_shared>>) target_semaphore(%run_scoped3A_64 : memref<!tpu.dma_semaphore, #tpu.memory_space<semaphore_mem>>)
        %dma_wait3A_69 = arith.constant 0 : i32
        %dma_wait3A_70 = tpu.memref_slice %arg9[%add3A_50, %dma_wait3A_69] : memref<10000x128xf32, #tpu.memory_space<vmem_shared>> -> memref<80x128xf32, #tpu.memory_space<vmem_shared>>
        %dma_wait3A_71 = arith.constant 0 : i32
        %dma_wait3A_72 = tpu.memref_slice %arg9[%add3A_50, %dma_wait3A_71] : memref<10000x128xf32, #tpu.memory_space<vmem_shared>> -> memref<80x128xf32, #tpu.memory_space<vmem_shared>>
        tpu.wait_dma2 semaphore(%run_scoped3A_64 : memref<!tpu.dma_semaphore, #tpu.memory_space<semaphore_mem>>) src(%arg7 : memref<80x128xf32, #tpu.memory_space<vmem>>) dst(%dma_wait3A_72 : memref<80x128xf32, #tpu.memory_space<vmem_shared>>)
        tpu.yield
      }) : () -> ()
      %add3A_51 = arith.constant 80 : i32
      %add3A_52 = arith.addi %mul3A_16, %add3A_51 : i32
      "tpu.region"() ({
        %run_scoped3A_64 = tpu.sem_alloc : memref<!tpu.dma_semaphore, #tpu.memory_space<semaphore_mem>>
        %dma_start3A_65 = arith.constant 0 : i32
        %dma_start3A_66 = tpu.memref_slice %arg9[%add3A_52, %dma_start3A_65] : memref<10000x128xf32, #tpu.memory_space<vmem_shared>> -> memref<80x128xf32, #tpu.memory_space<vmem_shared>>
        %dma_start3A_67 = arith.constant 0 : i32
        %dma_start3A_68 = tpu.memref_slice %arg9[%add3A_52, %dma_start3A_67] : memref<10000x128xf32, #tpu.memory_space<vmem_shared>> -> memref<80x128xf32, #tpu.memory_space<vmem_shared>>
        tpu.enqueue_dma source(%arg7 : memref<80x128xf32, #tpu.memory_space<vmem>>) target(%dma_start3A_68 : memref<80x128xf32, #tpu.memory_space<vmem_shared>>) target_semaphore(%run_scoped3A_64 : memref<!tpu.dma_semaphore, #tpu.memory_space<semaphore_mem>>)
        %dma_wait3A_69 = arith.constant 0 : i32
        %dma_wait3A_70 = tpu.memref_slice %arg9[%add3A_52, %dma_wait3A_69] : memref<10000x128xf32, #tpu.memory_space<vmem_shared>> -> memref<80x128xf32, #tpu.memory_space<vmem_shared>>
        %dma_wait3A_71 = arith.constant 0 : i32
        %dma_wait3A_72 = tpu.memref_slice %arg9[%add3A_52, %dma_wait3A_71] : memref<10000x128xf32, #tpu.memory_space<vmem_shared>> -> memref<80x128xf32, #tpu.memory_space<vmem_shared>>
        tpu.wait_dma2 semaphore(%run_scoped3A_64 : memref<!tpu.dma_semaphore, #tpu.memory_space<semaphore_mem>>) src(%arg7 : memref<80x128xf32, #tpu.memory_space<vmem>>) dst(%dma_wait3A_72 : memref<80x128xf32, #tpu.memory_space<vmem_shared>>)
        tpu.yield
      }) : () -> ()
      %add3A_53 = arith.constant 160 : i32
      %add3A_54 = arith.addi %mul3A_16, %add3A_53 : i32
      "tpu.region"() ({
        %run_scoped3A_64 = tpu.sem_alloc : memref<!tpu.dma_semaphore, #tpu.memory_space<semaphore_mem>>
        %dma_start3A_65 = arith.constant 0 : i32
        %dma_start3A_66 = tpu.memref_slice %arg9[%add3A_54, %dma_start3A_65] : memref<10000x128xf32, #tpu.memory_space<vmem_shared>> -> memref<80x128xf32, #tpu.memory_space<vmem_shared>>
        %dma_start3A_67 = arith.constant 0 : i32
        %dma_start3A_68 = tpu.memref_slice %arg9[%add3A_54, %dma_start3A_67] : memref<10000x128xf32, #tpu.memory_space<vmem_shared>> -> memref<80x128xf32, #tpu.memory_space<vmem_shared>>
        tpu.enqueue_dma source(%arg7 : memref<80x128xf32, #tpu.memory_space<vmem>>) target(%dma_start3A_68 : memref<80x128xf32, #tpu.memory_space<vmem_shared>>) target_semaphore(%run_scoped3A_64 : memref<!tpu.dma_semaphore, #tpu.memory_space<semaphore_mem>>)
        %dma_wait3A_69 = arith.constant 0 : i32
        %dma_wait3A_70 = tpu.memref_slice %arg9[%add3A_54, %dma_wait3A_69] : memref<10000x128xf32, #tpu.memory_space<vmem_shared>> -> memref<80x128xf32, #tpu.memory_space<vmem_shared>>
        %dma_wait3A_71 = arith.constant 0 : i32
        %dma_wait3A_72 = tpu.memref_slice %arg9[%add3A_54, %dma_wait3A_71] : memref<10000x128xf32, #tpu.memory_space<vmem_shared>> -> memref<80x128xf32, #tpu.memory_space<vmem_shared>>
        tpu.wait_dma2 semaphore(%run_scoped3A_64 : memref<!tpu.dma_semaphore, #tpu.memory_space<semaphore_mem>>) src(%arg7 : memref<80x128xf32, #tpu.memory_space<vmem>>) dst(%dma_wait3A_72 : memref<80x128xf32, #tpu.memory_space<vmem_shared>>)
        tpu.yield
      }) : () -> ()
      %add3A_55 = arith.constant 240 : i32
      %add3A_56 = arith.addi %mul3A_16, %add3A_55 : i32
      "tpu.region"() ({
        %run_scoped3A_64 = tpu.sem_alloc : memref<!tpu.dma_semaphore, #tpu.memory_space<semaphore_mem>>
        %dma_start3A_65 = arith.constant 0 : i32
        %dma_start3A_66 = tpu.memref_slice %arg9[%add3A_56, %dma_start3A_65] : memref<10000x128xf32, #tpu.memory_space<vmem_shared>> -> memref<80x128xf32, #tpu.memory_space<vmem_shared>>
        %dma_start3A_67 = arith.constant 0 : i32
        %dma_start3A_68 = tpu.memref_slice %arg9[%add3A_56, %dma_start3A_67] : memref<10000x128xf32, #tpu.memory_space<vmem_shared>> -> memref<80x128xf32, #tpu.memory_space<vmem_shared>>
        tpu.enqueue_dma source(%arg7 : memref<80x128xf32, #tpu.memory_space<vmem>>) target(%dma_start3A_68 : memref<80x128xf32, #tpu.memory_space<vmem_shared>>) target_semaphore(%run_scoped3A_64 : memref<!tpu.dma_semaphore, #tpu.memory_space<semaphore_mem>>)
        %dma_wait3A_69 = arith.constant 0 : i32
        %dma_wait3A_70 = tpu.memref_slice %arg9[%add3A_56, %dma_wait3A_69] : memref<10000x128xf32, #tpu.memory_space<vmem_shared>> -> memref<80x128xf32, #tpu.memory_space<vmem_shared>>
        %dma_wait3A_71 = arith.constant 0 : i32
        %dma_wait3A_72 = tpu.memref_slice %arg9[%add3A_56, %dma_wait3A_71] : memref<10000x128xf32, #tpu.memory_space<vmem_shared>> -> memref<80x128xf32, #tpu.memory_space<vmem_shared>>
        tpu.wait_dma2 semaphore(%run_scoped3A_64 : memref<!tpu.dma_semaphore, #tpu.memory_space<semaphore_mem>>) src(%arg7 : memref<80x128xf32, #tpu.memory_space<vmem>>) dst(%dma_wait3A_72 : memref<80x128xf32, #tpu.memory_space<vmem_shared>>)
        tpu.yield
      }) : () -> ()
      %add3A_57 = arith.constant 320 : i32
      %add3A_58 = arith.addi %mul3A_16, %add3A_57 : i32
      "tpu.region"() ({
        %run_scoped3A_64 = tpu.sem_alloc : memref<!tpu.dma_semaphore, #tpu.memory_space<semaphore_mem>>
        %dma_start3A_65 = arith.constant 0 : i32
        %dma_start3A_66 = tpu.memref_slice %arg9[%add3A_58, %dma_start3A_65] : memref<10000x128xf32, #tpu.memory_space<vmem_shared>> -> memref<80x128xf32, #tpu.memory_space<vmem_shared>>
        %dma_start3A_67 = arith.constant 0 : i32
        %dma_start3A_68 = tpu.memref_slice %arg9[%add3A_58, %dma_start3A_67] : memref<10000x128xf32, #tpu.memory_space<vmem_shared>> -> memref<80x128xf32, #tpu.memory_space<vmem_shared>>
        tpu.enqueue_dma source(%arg7 : memref<80x128xf32, #tpu.memory_space<vmem>>) target(%dma_start3A_68 : memref<80x128xf32, #tpu.memory_space<vmem_shared>>) target_semaphore(%run_scoped3A_64 : memref<!tpu.dma_semaphore, #tpu.memory_space<semaphore_mem>>)
        %dma_wait3A_69 = arith.constant 0 : i32
        %dma_wait3A_70 = tpu.memref_slice %arg9[%add3A_58, %dma_wait3A_69] : memref<10000x128xf32, #tpu.memory_space<vmem_shared>> -> memref<80x128xf32, #tpu.memory_space<vmem_shared>>
        %dma_wait3A_71 = arith.constant 0 : i32
        %dma_wait3A_72 = tpu.memref_slice %arg9[%add3A_58, %dma_wait3A_71] : memref<10000x128xf32, #tpu.memory_space<vmem_shared>> -> memref<80x128xf32, #tpu.memory_space<vmem_shared>>
        tpu.wait_dma2 semaphore(%run_scoped3A_64 : memref<!tpu.dma_semaphore, #tpu.memory_space<semaphore_mem>>) src(%arg7 : memref<80x128xf32, #tpu.memory_space<vmem>>) dst(%dma_wait3A_72 : memref<80x128xf32, #tpu.memory_space<vmem_shared>>)
        tpu.yield
      }) : () -> ()
      %add3A_59 = arith.constant 400 : i32
      %add3A_60 = arith.addi %mul3A_16, %add3A_59 : i32
      "tpu.region"() ({
        %run_scoped3A_64 = tpu.sem_alloc : memref<!tpu.dma_semaphore, #tpu.memory_space<semaphore_mem>>
        %dma_start3A_65 = arith.constant 0 : i32
        %dma_start3A_66 = tpu.memref_slice %arg9[%add3A_60, %dma_start3A_65] : memref<10000x128xf32, #tpu.memory_space<vmem_shared>> -> memref<80x128xf32, #tpu.memory_space<vmem_shared>>
        %dma_start3A_67 = arith.constant 0 : i32
        %dma_start3A_68 = tpu.memref_slice %arg9[%add3A_60, %dma_start3A_67] : memref<10000x128xf32, #tpu.memory_space<vmem_shared>> -> memref<80x128xf32, #tpu.memory_space<vmem_shared>>
        tpu.enqueue_dma source(%arg7 : memref<80x128xf32, #tpu.memory_space<vmem>>) target(%dma_start3A_68 : memref<80x128xf32, #tpu.memory_space<vmem_shared>>) target_semaphore(%run_scoped3A_64 : memref<!tpu.dma_semaphore, #tpu.memory_space<semaphore_mem>>)
        %dma_wait3A_69 = arith.constant 0 : i32
        %dma_wait3A_70 = tpu.memref_slice %arg9[%add3A_60, %dma_wait3A_69] : memref<10000x128xf32, #tpu.memory_space<vmem_shared>> -> memref<80x128xf32, #tpu.memory_space<vmem_shared>>
        %dma_wait3A_71 = arith.constant 0 : i32
        %dma_wait3A_72 = tpu.memref_slice %arg9[%add3A_60, %dma_wait3A_71] : memref<10000x128xf32, #tpu.memory_space<vmem_shared>> -> memref<80x128xf32, #tpu.memory_space<vmem_shared>>
        tpu.wait_dma2 semaphore(%run_scoped3A_64 : memref<!tpu.dma_semaphore, #tpu.memory_space<semaphore_mem>>) src(%arg7 : memref<80x128xf32, #tpu.memory_space<vmem>>) dst(%dma_wait3A_72 : memref<80x128xf32, #tpu.memory_space<vmem_shared>>)
        tpu.yield
      }) : () -> ()
      %add3A_61 = arith.constant 520 : i32
      %add3A_62 = arith.addi %mul3A_16, %add3A_61 : i32
      %sub3A = arith.constant 40 : i32
      %sub3A_63 = arith.subi %add3A_62, %sub3A : i32
      "tpu.region"() ({
        %run_scoped3A_64 = tpu.sem_alloc : memref<!tpu.dma_semaphore, #tpu.memory_space<semaphore_mem>>
        %dma_start3A_65 = arith.constant 0 : i32
        %dma_start3A_66 = arith.constant 0 : i32
        %dma_start3A_67 = tpu.memref_slice %arg7[%dma_start3A_65, %dma_start3A_66] : memref<80x128xf32, #tpu.memory_space<vmem>> -> memref<40x128xf32, #tpu.memory_space<vmem>>
        %dma_start3A_68 = arith.constant 0 : i32
        %dma_start3A_69 = tpu.memref_slice %arg9[%sub3A_63, %dma_start3A_68] : memref<10000x128xf32, #tpu.memory_space<vmem_shared>> -> memref<40x128xf32, #tpu.memory_space<vmem_shared>>
        %dma_start3A_70 = arith.constant 0 : i32
        %dma_start3A_71 = tpu.memref_slice %arg9[%sub3A_63, %dma_start3A_70] : memref<10000x128xf32, #tpu.memory_space<vmem_shared>> -> memref<40x128xf32, #tpu.memory_space<vmem_shared>>
        %dma_start3A_72 = arith.constant 0 : i32
        %dma_start3A_73 = arith.constant 0 : i32
        %dma_start3A_74 = tpu.memref_slice %arg7[%dma_start3A_72, %dma_start3A_73] : memref<80x128xf32, #tpu.memory_space<vmem>> -> memref<40x128xf32, #tpu.memory_space<vmem>>
        tpu.enqueue_dma source(%dma_start3A_74 : memref<40x128xf32, #tpu.memory_space<vmem>>) target(%dma_start3A_71 : memref<40x128xf32, #tpu.memory_space<vmem_shared>>) target_semaphore(%run_scoped3A_64 : memref<!tpu.dma_semaphore, #tpu.memory_space<semaphore_mem>>)
        %dma_wait3A_75 = arith.constant 0 : i32
        %dma_wait3A_76 = arith.constant 0 : i32
        %dma_wait3A_77 = tpu.memref_slice %arg7[%dma_wait3A_75, %dma_wait3A_76] : memref<80x128xf32, #tpu.memory_space<vmem>> -> memref<40x128xf32, #tpu.memory_space<vmem>>
        %dma_wait3A_78 = arith.constant 0 : i32
        %dma_wait3A_79 = tpu.memref_slice %arg9[%sub3A_63, %dma_wait3A_78] : memref<10000x128xf32, #tpu.memory_space<vmem_shared>> -> memref<40x128xf32, #tpu.memory_space<vmem_shared>>
        %dma_wait3A_80 = arith.constant 0 : i32
        %dma_wait3A_81 = tpu.memref_slice %arg9[%sub3A_63, %dma_wait3A_80] : memref<10000x128xf32, #tpu.memory_space<vmem_shared>> -> memref<40x128xf32, #tpu.memory_space<vmem_shared>>
        %dma_wait3A_82 = arith.constant 0 : i32
        %dma_wait3A_83 = arith.constant 0 : i32
        %dma_wait3A_84 = tpu.memref_slice %arg7[%dma_wait3A_82, %dma_wait3A_83] : memref<80x128xf32, #tpu.memory_space<vmem>> -> memref<40x128xf32, #tpu.memory_space<vmem>>
        tpu.wait_dma2 semaphore(%run_scoped3A_64 : memref<!tpu.dma_semaphore, #tpu.memory_space<semaphore_mem>>) src(%dma_wait3A_84 : memref<40x128xf32, #tpu.memory_space<vmem>>) dst(%dma_wait3A_81 : memref<40x128xf32, #tpu.memory_space<vmem_shared>>)
        tpu.yield
      }) : () -> ()
    } else {
    }
    %barrier3A = arith.constant 0 : index
    tpu.barrier barrier_id(%barrier3A)
    %dma_start3A = arith.constant 0 : i32
    %dma_start3A_23 = tpu.memref_slice %arg5[%dma_start3A] : memref<10000xi32, #tpu.memory_space<vmem>> -> memref<80xi32, #tpu.memory_space<vmem>>
    %dma_start3A_24 = arith.constant 0 : i32
    %dma_start3A_25 = arith.constant 0 : i32
    %dma_start3A_26 = tpu.memref_slice %arg2[%dma_start3A_24, %dma_start3A_25] : memref<10000x128xf32, #tpu.memory_space<hbm>> -> memref<10000x128xf32, #tpu.memory_space<hbm>>
    tpu.enqueue_indirect_dma source(%dma_start3A_26 : memref<10000x128xf32, #tpu.memory_space<hbm>>) target(%arg7 : memref<80x128xf32, #tpu.memory_space<vmem>>) offsets(%dma_start3A_23 : memref<80xi32, #tpu.memory_space<vmem>>) semaphore(%arg10 : memref<!tpu.dma_semaphore, #tpu.memory_space<semaphore_mem>>)
    %scan3A_27 = arith.constant 0 : i32
    %scan3A_28 = arith.constant 0 : i32
    %scan3A_29 = arith.constant 62 : i32
    %scan3A_30 = arith.addi %scan3A_28, %scan3A_29 : i32
    %scan3A_31 = arith.constant 1 : i32
    scf.for %scan3A_49 = %scan3A_28 to %scan3A_30 step %scan3A_31  : i32 {
      %mul3A_50 = arith.constant 2 : i32
      %mul3A_51 = arith.muli %mul3A_50, %scan3A_49 : i32
      %add3A_52 = arith.constant 1 : i32
      %add3A_53 = arith.addi %mul3A_51, %add3A_52 : i32
      %mul3A_54 = arith.constant 80 : i32
      %mul3A_55 = arith.muli %add3A_53, %mul3A_54 : i32
      %dma_start3A_56 = tpu.memref_slice %arg5[%mul3A_55] : memref<10000xi32, #tpu.memory_space<vmem>> -> memref<80xi32, #tpu.memory_space<vmem>>
      %dma_start3A_57 = arith.constant 0 : i32
      %dma_start3A_58 = arith.constant 0 : i32
      %dma_start3A_59 = tpu.memref_slice %arg2[%dma_start3A_57, %dma_start3A_58] : memref<10000x128xf32, #tpu.memory_space<hbm>> -> memref<10000x128xf32, #tpu.memory_space<hbm>>
      tpu.enqueue_indirect_dma source(%dma_start3A_59 : memref<10000x128xf32, #tpu.memory_space<hbm>>) target(%arg8 : memref<80x128xf32, #tpu.memory_space<vmem>>) offsets(%dma_start3A_56 : memref<80xi32, #tpu.memory_space<vmem>>) semaphore(%arg11 : memref<!tpu.dma_semaphore, #tpu.memory_space<semaphore_mem>>)
      %dma_wait3A_60 = arith.constant 0 : i32
      %dma_wait3A_61 = arith.constant 0 : i32
      %dma_wait3A_62 = tpu.memref_slice %arg2[%dma_wait3A_60, %dma_wait3A_61] : memref<10000x128xf32, #tpu.memory_space<hbm>> -> memref<80x128xf32, #tpu.memory_space<hbm>>
      %dma_wait3A_63 = arith.constant 0 : i32
      %dma_wait3A_64 = arith.constant 0 : i32
      %dma_wait3A_65 = tpu.memref_slice %arg2[%dma_wait3A_63, %dma_wait3A_64] : memref<10000x128xf32, #tpu.memory_space<hbm>> -> memref<80x128xf32, #tpu.memory_space<hbm>>
      tpu.wait_dma2 semaphore(%arg10 : memref<!tpu.dma_semaphore, #tpu.memory_space<semaphore_mem>>) src(%dma_wait3A_65 : memref<80x128xf32, #tpu.memory_space<hbm>>) dst(%arg7 : memref<80x128xf32, #tpu.memory_space<vmem>>)
      "tpu.region"() ({
        %run_scoped3A_82 = tpu.sem_alloc : memref<!tpu.dma_semaphore, #tpu.memory_space<semaphore_mem>>
        %dma_start3A_83 = arith.constant 0 : i32
        %dma_start3A_84 = tpu.memref_slice %arg6[%mul3A_51, %dma_start3A_83] : memref<125x80xi32, #tpu.memory_space<vmem>> -> memref<1x80xi32, #tpu.memory_space<vmem>>
        %dma_start3A_85 = tpu.memref_squeeze %dma_start3A_84 : memref<1x80xi32, #tpu.memory_space<vmem>> -> memref<80xi32, #tpu.memory_space<vmem>>
        %dma_start3A_86 = arith.constant 0 : i32
        %dma_start3A_87 = arith.constant 0 : i32
        %dma_start3A_88 = tpu.memref_slice %arg9[%dma_start3A_86, %dma_start3A_87] : memref<10000x128xf32, #tpu.memory_space<vmem_shared>> -> memref<10000x128xf32, #tpu.memory_space<vmem_shared>>
        tpu.enqueue_indirect_dma source(%arg7 : memref<80x128xf32, #tpu.memory_space<vmem>>) target(%dma_start3A_88 : memref<10000x128xf32, #tpu.memory_space<vmem_shared>>) offsets(%dma_start3A_85 : memref<80xi32, #tpu.memory_space<vmem>>) semaphore(%run_scoped3A_82 : memref<!tpu.dma_semaphore, #tpu.memory_space<semaphore_mem>>) {add = true}
        %dma_wait3A_89 = arith.constant 0 : i32
        %dma_wait3A_90 = tpu.memref_slice %arg6[%mul3A_51, %dma_wait3A_89] : memref<125x80xi32, #tpu.memory_space<vmem>> -> memref<1x80xi32, #tpu.memory_space<vmem>>
        %dma_wait3A_91 = tpu.memref_squeeze %dma_wait3A_90 : memref<1x80xi32, #tpu.memory_space<vmem>> -> memref<80xi32, #tpu.memory_space<vmem>>
        %dma_wait3A_92 = arith.constant 0 : i32
        %dma_wait3A_93 = arith.constant 0 : i32
        %dma_wait3A_94 = tpu.memref_slice %arg9[%dma_wait3A_92, %dma_wait3A_93] : memref<10000x128xf32, #tpu.memory_space<vmem_shared>> -> memref<10000x128xf32, #tpu.memory_space<vmem_shared>>
        tpu.wait_indirect_dma semaphore(%run_scoped3A_82 : memref<!tpu.dma_semaphore, #tpu.memory_space<semaphore_mem>>) src(%arg7 : memref<80x128xf32, #tpu.memory_space<vmem>>) dst(%dma_wait3A_94 : memref<10000x128xf32, #tpu.memory_space<vmem_shared>>)
        tpu.yield
      }) : () -> ()
      %add3A_66 = arith.constant 2 : i32
      %add3A_67 = arith.addi %mul3A_51, %add3A_66 : i32
      %mul3A_68 = arith.constant 80 : i32
      %mul3A_69 = arith.muli %add3A_67, %mul3A_68 : i32
      %dma_start3A_70 = tpu.memref_slice %arg5[%mul3A_69] : memref<10000xi32, #tpu.memory_space<vmem>> -> memref<80xi32, #tpu.memory_space<vmem>>
      %dma_start3A_71 = arith.constant 0 : i32
      %dma_start3A_72 = arith.constant 0 : i32
      %dma_start3A_73 = tpu.memref_slice %arg2[%dma_start3A_71, %dma_start3A_72] : memref<10000x128xf32, #tpu.memory_space<hbm>> -> memref<10000x128xf32, #tpu.memory_space<hbm>>
      tpu.enqueue_indirect_dma source(%dma_start3A_73 : memref<10000x128xf32, #tpu.memory_space<hbm>>) target(%arg7 : memref<80x128xf32, #tpu.memory_space<vmem>>) offsets(%dma_start3A_70 : memref<80xi32, #tpu.memory_space<vmem>>) semaphore(%arg10 : memref<!tpu.dma_semaphore, #tpu.memory_space<semaphore_mem>>)
      %dma_wait3A_74 = arith.constant 0 : i32
      %dma_wait3A_75 = arith.constant 0 : i32
      %dma_wait3A_76 = tpu.memref_slice %arg2[%dma_wait3A_74, %dma_wait3A_75] : memref<10000x128xf32, #tpu.memory_space<hbm>> -> memref<80x128xf32, #tpu.memory_space<hbm>>
      %dma_wait3A_77 = arith.constant 0 : i32
      %dma_wait3A_78 = arith.constant 0 : i32
      %dma_wait3A_79 = tpu.memref_slice %arg2[%dma_wait3A_77, %dma_wait3A_78] : memref<10000x128xf32, #tpu.memory_space<hbm>> -> memref<80x128xf32, #tpu.memory_space<hbm>>
      tpu.wait_dma2 semaphore(%arg11 : memref<!tpu.dma_semaphore, #tpu.memory_space<semaphore_mem>>) src(%dma_wait3A_79 : memref<80x128xf32, #tpu.memory_space<hbm>>) dst(%arg8 : memref<80x128xf32, #tpu.memory_space<vmem>>)
      %add3A_80 = arith.constant 1 : i32
      %add3A_81 = arith.addi %mul3A_51, %add3A_80 : i32
      "tpu.region"() ({
        %run_scoped3A_82 = tpu.sem_alloc : memref<!tpu.dma_semaphore, #tpu.memory_space<semaphore_mem>>
        %dma_start3A_83 = arith.constant 0 : i32
        %dma_start3A_84 = tpu.memref_slice %arg6[%add3A_81, %dma_start3A_83] : memref<125x80xi32, #tpu.memory_space<vmem>> -> memref<1x80xi32, #tpu.memory_space<vmem>>
        %dma_start3A_85 = tpu.memref_squeeze %dma_start3A_84 : memref<1x80xi32, #tpu.memory_space<vmem>> -> memref<80xi32, #tpu.memory_space<vmem>>
        %dma_start3A_86 = arith.constant 0 : i32
        %dma_start3A_87 = arith.constant 0 : i32
        %dma_start3A_88 = tpu.memref_slice %arg9[%dma_start3A_86, %dma_start3A_87] : memref<10000x128xf32, #tpu.memory_space<vmem_shared>> -> memref<10000x128xf32, #tpu.memory_space<vmem_shared>>
        tpu.enqueue_indirect_dma source(%arg8 : memref<80x128xf32, #tpu.memory_space<vmem>>) target(%dma_start3A_88 : memref<10000x128xf32, #tpu.memory_space<vmem_shared>>) offsets(%dma_start3A_85 : memref<80xi32, #tpu.memory_space<vmem>>) semaphore(%run_scoped3A_82 : memref<!tpu.dma_semaphore, #tpu.memory_space<semaphore_mem>>) {add = true}
        %dma_wait3A_89 = arith.constant 0 : i32
        %dma_wait3A_90 = tpu.memref_slice %arg6[%add3A_81, %dma_wait3A_89] : memref<125x80xi32, #tpu.memory_space<vmem>> -> memref<1x80xi32, #tpu.memory_space<vmem>>
        %dma_wait3A_91 = tpu.memref_squeeze %dma_wait3A_90 : memref<1x80xi32, #tpu.memory_space<vmem>> -> memref<80xi32, #tpu.memory_space<vmem>>
        %dma_wait3A_92 = arith.constant 0 : i32
        %dma_wait3A_93 = arith.constant 0 : i32
        %dma_wait3A_94 = tpu.memref_slice %arg9[%dma_wait3A_92, %dma_wait3A_93] : memref<10000x128xf32, #tpu.memory_space<vmem_shared>> -> memref<10000x128xf32, #tpu.memory_space<vmem_shared>>
        tpu.wait_indirect_dma semaphore(%run_scoped3A_82 : memref<!tpu.dma_semaphore, #tpu.memory_space<semaphore_mem>>) src(%arg8 : memref<80x128xf32, #tpu.memory_space<vmem>>) dst(%dma_wait3A_94 : memref<10000x128xf32, #tpu.memory_space<vmem_shared>>)
        tpu.yield
      }) : () -> ()
    }
    %scan3A_32 = arith.constant 62 : i32
    %dma_wait3A = arith.constant 0 : i32
    %dma_wait3A_33 = arith.constant 0 : i32
    %dma_wait3A_34 = tpu.memref_slice %arg2[%dma_wait3A, %dma_wait3A_33] : memref<10000x128xf32, #tpu.memory_space<hbm>> -> memref<80x128xf32, #tpu.memory_space<hbm>>
    %dma_wait3A_35 = arith.constant 0 : i32
    %dma_wait3A_36 = arith.constant 0 : i32
    %dma_wait3A_37 = tpu.memref_slice %arg2[%dma_wait3A_35, %dma_wait3A_36] : memref<10000x128xf32, #tpu.memory_space<hbm>> -> memref<80x128xf32, #tpu.memory_space<hbm>>
    tpu.wait_dma2 semaphore(%arg10 : memref<!tpu.dma_semaphore, #tpu.memory_space<semaphore_mem>>) src(%dma_wait3A_37 : memref<80x128xf32, #tpu.memory_space<hbm>>) dst(%arg7 : memref<80x128xf32, #tpu.memory_space<vmem>>)
    %run_scoped3A = arith.constant 124 : i32
    "tpu.region"() ({
      %run_scoped3A_49 = tpu.sem_alloc : memref<!tpu.dma_semaphore, #tpu.memory_space<semaphore_mem>>
      %dma_start3A_50 = arith.constant 0 : i32
      %dma_start3A_51 = tpu.memref_slice %arg6[%run_scoped3A, %dma_start3A_50] : memref<125x80xi32, #tpu.memory_space<vmem>> -> memref<1x80xi32, #tpu.memory_space<vmem>>
      %dma_start3A_52 = tpu.memref_squeeze %dma_start3A_51 : memref<1x80xi32, #tpu.memory_space<vmem>> -> memref<80xi32, #tpu.memory_space<vmem>>
      %dma_start3A_53 = arith.constant 0 : i32
      %dma_start3A_54 = arith.constant 0 : i32
      %dma_start3A_55 = tpu.memref_slice %arg9[%dma_start3A_53, %dma_start3A_54] : memref<10000x128xf32, #tpu.memory_space<vmem_shared>> -> memref<10000x128xf32, #tpu.memory_space<vmem_shared>>
      tpu.enqueue_indirect_dma source(%arg7 : memref<80x128xf32, #tpu.memory_space<vmem>>) target(%dma_start3A_55 : memref<10000x128xf32, #tpu.memory_space<vmem_shared>>) offsets(%dma_start3A_52 : memref<80xi32, #tpu.memory_space<vmem>>) semaphore(%run_scoped3A_49 : memref<!tpu.dma_semaphore, #tpu.memory_space<semaphore_mem>>) {add = true}
      %dma_wait3A_56 = arith.constant 0 : i32
      %dma_wait3A_57 = tpu.memref_slice %arg6[%run_scoped3A, %dma_wait3A_56] : memref<125x80xi32, #tpu.memory_space<vmem>> -> memref<1x80xi32, #tpu.memory_space<vmem>>
      %dma_wait3A_58 = tpu.memref_squeeze %dma_wait3A_57 : memref<1x80xi32, #tpu.memory_space<vmem>> -> memref<80xi32, #tpu.memory_space<vmem>>
      %dma_wait3A_59 = arith.constant 0 : i32
      %dma_wait3A_60 = arith.constant 0 : i32
      %dma_wait3A_61 = tpu.memref_slice %arg9[%dma_wait3A_59, %dma_wait3A_60] : memref<10000x128xf32, #tpu.memory_space<vmem_shared>> -> memref<10000x128xf32, #tpu.memory_space<vmem_shared>>
      tpu.wait_indirect_dma semaphore(%run_scoped3A_49 : memref<!tpu.dma_semaphore, #tpu.memory_space<semaphore_mem>>) src(%arg7 : memref<80x128xf32, #tpu.memory_space<vmem>>) dst(%dma_wait3A_61 : memref<10000x128xf32, #tpu.memory_space<vmem_shared>>)
      tpu.yield
    }) : () -> ()
    %barrier3A_38 = arith.constant 0 : index
    tpu.barrier barrier_id(%barrier3A_38)
    %lt3A_39 = arith.constant 15 : i32
    %lt3A_40 = arith.cmpi slt, %arg1, %lt3A_39 : i32
    %convert_element_type3A_41 = arith.extui %lt3A_40 : i1 to i32
    %cond3A_42 = arith.constant 0 : i32
    %cond3A_43 = arith.cmpi ne, %convert_element_type3A_41, %cond3A_42 : i32
    scf.if %cond3A_43 {
      %mul3A_49 = arith.constant 632 : i32
      %mul3A_50 = arith.muli %arg1, %mul3A_49 : i32
      %mul3A_51 = arith.constant 632 : i32
      %mul3A_52 = arith.muli %arg1, %mul3A_51 : i32
      %mul3A_53 = arith.constant 10000 : i32
      %mul3A_54 = arith.muli %arg0, %mul3A_53 : i32
      %add3A_55 = arith.addi %mul3A_54, %mul3A_52 : i32
      "tpu.region"() ({
        %run_scoped3A_56 = tpu.sem_alloc : memref<!tpu.dma_semaphore, #tpu.memory_space<semaphore_mem>>
        %dma_start3A_57 = arith.constant 0 : i32
        %dma_start3A_58 = tpu.memref_slice %arg4[%add3A_55, %dma_start3A_57] : memref<20000x128xf32, #tpu.memory_space<hbm>> -> memref<632x128xf32, #tpu.memory_space<hbm>>
        %dma_start3A_59 = arith.constant 0 : i32
        %dma_start3A_60 = tpu.memref_slice %arg9[%mul3A_50, %dma_start3A_59] : memref<10000x128xf32, #tpu.memory_space<vmem_shared>> -> memref<632x128xf32, #tpu.memory_space<vmem_shared>>
        tpu.enqueue_dma source(%dma_start3A_60 : memref<632x128xf32, #tpu.memory_space<vmem_shared>>) target(%dma_start3A_58 : memref<632x128xf32, #tpu.memory_space<hbm>>) target_semaphore(%run_scoped3A_56 : memref<!tpu.dma_semaphore, #tpu.memory_space<semaphore_mem>>)
        %dma_wait3A_61 = arith.constant 0 : i32
        %dma_wait3A_62 = tpu.memref_slice %arg4[%add3A_55, %dma_wait3A_61] : memref<20000x128xf32, #tpu.memory_space<hbm>> -> memref<632x128xf32, #tpu.memory_space<hbm>>
        %dma_wait3A_63 = arith.constant 0 : i32
        %dma_wait3A_64 = tpu.memref_slice %arg9[%mul3A_50, %dma_wait3A_63] : memref<10000x128xf32, #tpu.memory_space<vmem_shared>> -> memref<632x128xf32, #tpu.memory_space<vmem_shared>>
        tpu.wait_dma2 semaphore(%run_scoped3A_56 : memref<!tpu.dma_semaphore, #tpu.memory_space<semaphore_mem>>) src(%dma_wait3A_64 : memref<632x128xf32, #tpu.memory_space<vmem_shared>>) dst(%dma_wait3A_62 : memref<632x128xf32, #tpu.memory_space<hbm>>)
        tpu.yield
      }) : () -> ()
    } else {
    }
    %eq3A_44 = arith.constant 15 : i32
    %eq3A_45 = arith.cmpi eq, %arg1, %eq3A_44 : i32
    %convert_element_type3A_46 = arith.extui %eq3A_45 : i1 to i32
    %cond3A_47 = arith.constant 0 : i32
    %cond3A_48 = arith.cmpi ne, %convert_element_type3A_46, %cond3A_47 : i32
    scf.if %cond3A_48 {
      %mul3A_49 = arith.constant 10000 : i32
      %mul3A_50 = arith.muli %arg0, %mul3A_49 : i32
      %add3A_51 = arith.constant 9480 : i32
      %add3A_52 = arith.addi %mul3A_50, %add3A_51 : i32
      "tpu.region"() ({
        %run_scoped3A_53 = tpu.sem_alloc : memref<!tpu.dma_semaphore, #tpu.memory_space<semaphore_mem>>
        %dma_start3A_54 = arith.constant 0 : i32
        %dma_start3A_55 = tpu.memref_slice %arg4[%add3A_52, %dma_start3A_54] : memref<20000x128xf32, #tpu.memory_space<hbm>> -> memref<520x128xf32, #tpu.memory_space<hbm>>
        %dma_start3A_56 = arith.constant 9480 : i32
        %dma_start3A_57 = arith.constant 0 : i32
        %dma_start3A_58 = tpu.memref_slice %arg9[%dma_start3A_56, %dma_start3A_57] : memref<10000x128xf32, #tpu.memory_space<vmem_shared>> -> memref<520x128xf32, #tpu.memory_space<vmem_shared>>
        tpu.enqueue_dma source(%dma_start3A_58 : memref<520x128xf32, #tpu.memory_space<vmem_shared>>) target(%dma_start3A_55 : memref<520x128xf32, #tpu.memory_space<hbm>>) target_semaphore(%run_scoped3A_53 : memref<!tpu.dma_semaphore, #tpu.memory_space<semaphore_mem>>)
        %dma_wait3A_59 = arith.constant 0 : i32
        %dma_wait3A_60 = tpu.memref_slice %arg4[%add3A_52, %dma_wait3A_59] : memref<20000x128xf32, #tpu.memory_space<hbm>> -> memref<520x128xf32, #tpu.memory_space<hbm>>
        %dma_wait3A_61 = arith.constant 9480 : i32
        %dma_wait3A_62 = arith.constant 0 : i32
        %dma_wait3A_63 = tpu.memref_slice %arg9[%dma_wait3A_61, %dma_wait3A_62] : memref<10000x128xf32, #tpu.memory_space<vmem_shared>> -> memref<520x128xf32, #tpu.memory_space<vmem_shared>>
        tpu.wait_dma2 semaphore(%run_scoped3A_53 : memref<!tpu.dma_semaphore, #tpu.memory_space<semaphore_mem>>) src(%dma_wait3A_63 : memref<520x128xf32, #tpu.memory_space<vmem_shared>>) dst(%dma_wait3A_60 : memref<520x128xf32, #tpu.memory_space<hbm>>)
        tpu.yield
      }) : () -> ()
    } else {
    }
    return
  }
}

#map = affine_map<(d0, d1) -> (0, 0)>
#map1 = affine_map<(d0, d1) -> (0)>
module attributes {stable_mosaic.version = 14 : i64} {
  func.func @agg(%arg0: i32, %arg1: i32, %arg2: memref<10000x128xf32, #tpu.memory_space<hbm>>, %arg3: memref<320000xi32, #tpu.memory_space<hbm>>, %arg4: memref<20000x128xf32, #tpu.memory_space<hbm>>, %arg5: memref<10000xi32, #tpu.memory_space<vmem>>, %arg6: memref<125x80xi32, #tpu.memory_space<vmem>>, %arg7: memref<80x128xf32, #tpu.memory_space<vmem>>, %arg8: memref<80x128xf32, #tpu.memory_space<vmem>>, %arg9: memref<10000x128xf32, #tpu.memory_space<vmem_shared>>, %arg10: memref<!tpu.dma_semaphore, #tpu.memory_space<semaphore_mem>>, %arg11: memref<!tpu.dma_semaphore, #tpu.memory_space<semaphore_mem>>) attributes {dimension_semantics = [#tpu.dimension_semantics<core_parallel>, #tpu.dimension_semantics<subcore_parallel>], iteration_bounds = array<i64: 2, 16>, scalar_prefetch = 0 : i64, scratch_operands = 7 : i64, tpu.core_type = #tpu.core_type<sc_vector_subcore>, window_params = [{transform_indices = #map}, {transform_indices = #map1}, {transform_indices = #map}]} {
    %mul3A = arith.constant 16 : i32
    %mul3A_0 = arith.muli %arg0, %mul3A : i32
    %add3A = arith.addi %mul3A_0, %arg1 : i32
    %mul3A_1 = arith.constant 10000 : i32
    %mul3A_2 = arith.muli %add3A, %mul3A_1 : i32
    "tpu.region"() ({
      %run_scoped3A_49 = tpu.sem_alloc : memref<!tpu.dma_semaphore, #tpu.memory_space<semaphore_mem>>
      %dma_start3A_50 = tpu.memref_slice %arg3[%mul3A_2] : memref<320000xi32, #tpu.memory_space<hbm>> -> memref<10000xi32, #tpu.memory_space<hbm>>
      %dma_start3A_51 = tpu.memref_slice %arg3[%mul3A_2] : memref<320000xi32, #tpu.memory_space<hbm>> -> memref<10000xi32, #tpu.memory_space<hbm>>
      tpu.enqueue_dma source(%dma_start3A_51 : memref<10000xi32, #tpu.memory_space<hbm>>) target(%arg5 : memref<10000xi32, #tpu.memory_space<vmem>>) target_semaphore(%run_scoped3A_49 : memref<!tpu.dma_semaphore, #tpu.memory_space<semaphore_mem>>)
      %dma_wait3A_52 = tpu.memref_slice %arg3[%mul3A_2] : memref<320000xi32, #tpu.memory_space<hbm>> -> memref<10000xi32, #tpu.memory_space<hbm>>
      %dma_wait3A_53 = tpu.memref_slice %arg3[%mul3A_2] : memref<320000xi32, #tpu.memory_space<hbm>> -> memref<10000xi32, #tpu.memory_space<hbm>>
      tpu.wait_dma2 semaphore(%run_scoped3A_49 : memref<!tpu.dma_semaphore, #tpu.memory_space<semaphore_mem>>) src(%dma_wait3A_53 : memref<10000xi32, #tpu.memory_space<hbm>>) dst(%arg5 : memref<10000xi32, #tpu.memory_space<vmem>>)
      tpu.yield
    }) : () -> ()
    %scan3A = arith.constant 0 : i32
    %scan3A_3 = arith.constant 0 : i32
    %scan3A_4 = arith.constant 125 : i32
    %scan3A_5 = arith.addi %scan3A_3, %scan3A_4 : i32
    %scan3A_6 = arith.constant 1 : i32
    scf.for %scan3A_49 = %scan3A_3 to %scan3A_5 step %scan3A_6  : i32 {
      %mul3A_50 = arith.constant 80 : i32
      %mul3A_51 = arith.muli %scan3A_49, %mul3A_50 : i32
      %add3A_52 = arith.constant 0 : i32
      %add3A_53 = arith.addi %mul3A_51, %add3A_52 : i32
      %get3A = arith.index_cast %add3A_53 : i32 to index
      %get3A_54 = tpu.vector_load %arg5[%get3A] {strides = array<i32>} : memref<10000xi32, #tpu.memory_space<vmem>>, vector<16xi32>,
      %get3A_55 = vector.shape_cast %get3A_54 : vector<16xi32> to vector<16xi32>
      %shift_right_logical3A = arith.constant 14 : i32
      %shift_right_logical3A_56 = vector.broadcast %shift_right_logical3A : i32 to vector<16xi32>
      %shift_right_logical3A_57 = arith.shrui %get3A_55, %shift_right_logical3A_56 : vector<16xi32>
      %swap3A = arith.index_cast %scan3A_49 : i32 to index
      %swap3A_58 = arith.constant 0 : index
      %swap3A_59 = tpu.vector_load %arg6[%swap3A, %swap3A_58] {strides = array<i32>} : memref<125x80xi32, #tpu.memory_space<vmem>>, vector<1x16xi32>,
      %swap3A_60 = vector.shape_cast %swap3A_59 : vector<1x16xi32> to vector<16xi32>
      %swap3A_61 = vector.shape_cast %shift_right_logical3A_57 : vector<16xi32> to vector<1x16xi32>
      tpu.vector_store %arg6[%swap3A, %swap3A_58], %swap3A_61 {strides = array<i32>} : memref<125x80xi32, #tpu.memory_space<vmem>>, vector<1x16xi32>,
      %and3A = arith.constant 16383 : i32
      %and3A_62 = vector.broadcast %and3A : i32 to vector<16xi32>
      %and3A_63 = arith.andi %get3A_55, %and3A_62 : vector<16xi32>
      %swap3A_64 = arith.index_cast %add3A_53 : i32 to index
      %swap3A_65 = tpu.vector_load %arg5[%swap3A_64] {strides = array<i32>} : memref<10000xi32, #tpu.memory_space<vmem>>, vector<16xi32>,
      %swap3A_66 = vector.shape_cast %swap3A_65 : vector<16xi32> to vector<16xi32>
      %swap3A_67 = vector.shape_cast %and3A_63 : vector<16xi32> to vector<16xi32>
      tpu.vector_store %arg5[%swap3A_64], %swap3A_67 {strides = array<i32>} : memref<10000xi32, #tpu.memory_space<vmem>>, vector<16xi32>,
      %mul3A_68 = arith.constant 80 : i32
      %mul3A_69 = arith.muli %scan3A_49, %mul3A_68 : i32
      %add3A_70 = arith.constant 16 : i32
      %add3A_71 = arith.addi %mul3A_69, %add3A_70 : i32
      %get3A_72 = arith.index_cast %add3A_71 : i32 to index
      %get3A_73 = tpu.vector_load %arg5[%get3A_72] {strides = array<i32>} : memref<10000xi32, #tpu.memory_space<vmem>>, vector<16xi32>,
      %get3A_74 = vector.shape_cast %get3A_73 : vector<16xi32> to vector<16xi32>
      %shift_right_logical3A_75 = arith.constant 14 : i32
      %shift_right_logical3A_76 = vector.broadcast %shift_right_logical3A_75 : i32 to vector<16xi32>
      %shift_right_logical3A_77 = arith.shrui %get3A_74, %shift_right_logical3A_76 : vector<16xi32>
      %swap3A_78 = arith.index_cast %scan3A_49 : i32 to index
      %swap3A_79 = arith.constant 16 : index
      %swap3A_80 = tpu.vector_load %arg6[%swap3A_78, %swap3A_79] {strides = array<i32>} : memref<125x80xi32, #tpu.memory_space<vmem>>, vector<1x16xi32>,
      %swap3A_81 = vector.shape_cast %swap3A_80 : vector<1x16xi32> to vector<16xi32>
      %swap3A_82 = vector.shape_cast %shift_right_logical3A_77 : vector<16xi32> to vector<1x16xi32>
      tpu.vector_store %arg6[%swap3A_78, %swap3A_79], %swap3A_82 {strides = array<i32>} : memref<125x80xi32, #tpu.memory_space<vmem>>, vector<1x16xi32>,
      %and3A_83 = arith.constant 16383 : i32
      %and3A_84 = vector.broadcast %and3A_83 : i32 to vector<16xi32>
      %and3A_85 = arith.andi %get3A_74, %and3A_84 : vector<16xi32>
      %swap3A_86 = arith.index_cast %add3A_71 : i32 to index
      %swap3A_87 = tpu.vector_load %arg5[%swap3A_86] {strides = array<i32>} : memref<10000xi32, #tpu.memory_space<vmem>>, vector<16xi32>,
      %swap3A_88 = vector.shape_cast %swap3A_87 : vector<16xi32> to vector<16xi32>
      %swap3A_89 = vector.shape_cast %and3A_85 : vector<16xi32> to vector<16xi32>
      tpu.vector_store %arg5[%swap3A_86], %swap3A_89 {strides = array<i32>} : memref<10000xi32, #tpu.memory_space<vmem>>, vector<16xi32>,
      %mul3A_90 = arith.constant 80 : i32
      %mul3A_91 = arith.muli %scan3A_49, %mul3A_90 : i32
      %add3A_92 = arith.constant 32 : i32
      %add3A_93 = arith.addi %mul3A_91, %add3A_92 : i32
      %get3A_94 = arith.index_cast %add3A_93 : i32 to index
      %get3A_95 = tpu.vector_load %arg5[%get3A_94] {strides = array<i32>} : memref<10000xi32, #tpu.memory_space<vmem>>, vector<16xi32>,
      %get3A_96 = vector.shape_cast %get3A_95 : vector<16xi32> to vector<16xi32>
      %shift_right_logical3A_97 = arith.constant 14 : i32
      %shift_right_logical3A_98 = vector.broadcast %shift_right_logical3A_97 : i32 to vector<16xi32>
      %shift_right_logical3A_99 = arith.shrui %get3A_96, %shift_right_logical3A_98 : vector<16xi32>
      %swap3A_100 = arith.index_cast %scan3A_49 : i32 to index
      %swap3A_101 = arith.constant 32 : index
      %swap3A_102 = tpu.vector_load %arg6[%swap3A_100, %swap3A_101] {strides = array<i32>} : memref<125x80xi32, #tpu.memory_space<vmem>>, vector<1x16xi32>,
      %swap3A_103 = vector.shape_cast %swap3A_102 : vector<1x16xi32> to vector<16xi32>
      %swap3A_104 = vector.shape_cast %shift_right_logical3A_99 : vector<16xi32> to vector<1x16xi32>
      tpu.vector_store %arg6[%swap3A_100, %swap3A_101], %swap3A_104 {strides = array<i32>} : memref<125x80xi32, #tpu.memory_space<vmem>>, vector<1x16xi32>,
      %and3A_105 = arith.constant 16383 : i32
      %and3A_106 = vector.broadcast %and3A_105 : i32 to vector<16xi32>
      %and3A_107 = arith.andi %get3A_96, %and3A_106 : vector<16xi32>
      %swap3A_108 = arith.index_cast %add3A_93 : i32 to index
      %swap3A_109 = tpu.vector_load %arg5[%swap3A_108] {strides = array<i32>} : memref<10000xi32, #tpu.memory_space<vmem>>, vector<16xi32>,
      %swap3A_110 = vector.shape_cast %swap3A_109 : vector<16xi32> to vector<16xi32>
      %swap3A_111 = vector.shape_cast %and3A_107 : vector<16xi32> to vector<16xi32>
      tpu.vector_store %arg5[%swap3A_108], %swap3A_111 {strides = array<i32>} : memref<10000xi32, #tpu.memory_space<vmem>>, vector<16xi32>,
      %mul3A_112 = arith.constant 80 : i32
      %mul3A_113 = arith.muli %scan3A_49, %mul3A_112 : i32
      %add3A_114 = arith.constant 48 : i32
      %add3A_115 = arith.addi %mul3A_113, %add3A_114 : i32
      %get3A_116 = arith.index_cast %add3A_115 : i32 to index
      %get3A_117 = tpu.vector_load %arg5[%get3A_116] {strides = array<i32>} : memref<10000xi32, #tpu.memory_space<vmem>>, vector<16xi32>,
      %get3A_118 = vector.shape_cast %get3A_117 : vector<16xi32> to vector<16xi32>
      %shift_right_logical3A_119 = arith.constant 14 : i32
      %shift_right_logical3A_120 = vector.broadcast %shift_right_logical3A_119 : i32 to vector<16xi32>
      %shift_right_logical3A_121 = arith.shrui %get3A_118, %shift_right_logical3A_120 : vector<16xi32>
      %swap3A_122 = arith.index_cast %scan3A_49 : i32 to index
      %swap3A_123 = arith.constant 48 : index
      %swap3A_124 = tpu.vector_load %arg6[%swap3A_122, %swap3A_123] {strides = array<i32>} : memref<125x80xi32, #tpu.memory_space<vmem>>, vector<1x16xi32>,
      %swap3A_125 = vector.shape_cast %swap3A_124 : vector<1x16xi32> to vector<16xi32>
      %swap3A_126 = vector.shape_cast %shift_right_logical3A_121 : vector<16xi32> to vector<1x16xi32>
      tpu.vector_store %arg6[%swap3A_122, %swap3A_123], %swap3A_126 {strides = array<i32>} : memref<125x80xi32, #tpu.memory_space<vmem>>, vector<1x16xi32>,
      %and3A_127 = arith.constant 16383 : i32
      %and3A_128 = vector.broadcast %and3A_127 : i32 to vector<16xi32>
      %and3A_129 = arith.andi %get3A_118, %and3A_128 : vector<16xi32>
      %swap3A_130 = arith.index_cast %add3A_115 : i32 to index
      %swap3A_131 = tpu.vector_load %arg5[%swap3A_130] {strides = array<i32>} : memref<10000xi32, #tpu.memory_space<vmem>>, vector<16xi32>,
      %swap3A_132 = vector.shape_cast %swap3A_131 : vector<16xi32> to vector<16xi32>
      %swap3A_133 = vector.shape_cast %and3A_129 : vector<16xi32> to vector<16xi32>
      tpu.vector_store %arg5[%swap3A_130], %swap3A_133 {strides = array<i32>} : memref<10000xi32, #tpu.memory_space<vmem>>, vector<16xi32>,
      %mul3A_134 = arith.constant 80 : i32
      %mul3A_135 = arith.muli %scan3A_49, %mul3A_134 : i32
      %add3A_136 = arith.constant 64 : i32
      %add3A_137 = arith.addi %mul3A_135, %add3A_136 : i32
      %get3A_138 = arith.index_cast %add3A_137 : i32 to index
      %get3A_139 = tpu.vector_load %arg5[%get3A_138] {strides = array<i32>} : memref<10000xi32, #tpu.memory_space<vmem>>, vector<16xi32>,
      %get3A_140 = vector.shape_cast %get3A_139 : vector<16xi32> to vector<16xi32>
      %shift_right_logical3A_141 = arith.constant 14 : i32
      %shift_right_logical3A_142 = vector.broadcast %shift_right_logical3A_141 : i32 to vector<16xi32>
      %shift_right_logical3A_143 = arith.shrui %get3A_140, %shift_right_logical3A_142 : vector<16xi32>
      %swap3A_144 = arith.index_cast %scan3A_49 : i32 to index
      %swap3A_145 = arith.constant 64 : index
      %swap3A_146 = tpu.vector_load %arg6[%swap3A_144, %swap3A_145] {strides = array<i32>} : memref<125x80xi32, #tpu.memory_space<vmem>>, vector<1x16xi32>,
      %swap3A_147 = vector.shape_cast %swap3A_146 : vector<1x16xi32> to vector<16xi32>
      %swap3A_148 = vector.shape_cast %shift_right_logical3A_143 : vector<16xi32> to vector<1x16xi32>
      tpu.vector_store %arg6[%swap3A_144, %swap3A_145], %swap3A_148 {strides = array<i32>} : memref<125x80xi32, #tpu.memory_space<vmem>>, vector<1x16xi32>,
      %and3A_149 = arith.constant 16383 : i32
      %and3A_150 = vector.broadcast %and3A_149 : i32 to vector<16xi32>
      %and3A_151 = arith.andi %get3A_140, %and3A_150 : vector<16xi32>
      %swap3A_152 = arith.index_cast %add3A_137 : i32 to index
      %swap3A_153 = tpu.vector_load %arg5[%swap3A_152] {strides = array<i32>} : memref<10000xi32, #tpu.memory_space<vmem>>, vector<16xi32>,
      %swap3A_154 = vector.shape_cast %swap3A_153 : vector<16xi32> to vector<16xi32>
      %swap3A_155 = vector.shape_cast %and3A_151 : vector<16xi32> to vector<16xi32>
      tpu.vector_store %arg5[%swap3A_152], %swap3A_155 {strides = array<i32>} : memref<10000xi32, #tpu.memory_space<vmem>>, vector<16xi32>,
    }
    %scan3A_7 = arith.constant 125 : i32
    %broadcast_in_dim3A = arith.constant 0.000000e+00 : f32
    %broadcast_in_dim3A_8 = vector.broadcast %broadcast_in_dim3A : f32 to vector<16xf32>
    %scan3A_9 = arith.constant 0 : i32
    %scan3A_10 = arith.constant 0 : i32
    %scan3A_11 = arith.constant 80 : i32
    %scan3A_12 = arith.addi %scan3A_10, %scan3A_11 : i32
    %scan3A_13 = arith.constant 1 : i32
    scf.for %scan3A_49 = %scan3A_10 to %scan3A_12 step %scan3A_13  : i32 {
      %swap3A = arith.index_cast %scan3A_49 : i32 to index
      %swap3A_50 = arith.constant 0 : index
      %swap3A_51 = tpu.vector_load %arg7[%swap3A, %swap3A_50] {strides = array<i32>} : memref<80x128xf32, #tpu.memory_space<vmem>>, vector<1x16xf32>,
      %swap3A_52 = vector.shape_cast %swap3A_51 : vector<1x16xf32> to vector<16xf32>
      %swap3A_53 = vector.shape_cast %broadcast_in_dim3A_8 : vector<16xf32> to vector<1x16xf32>
      tpu.vector_store %arg7[%swap3A, %swap3A_50], %swap3A_53 {strides = array<i32>} : memref<80x128xf32, #tpu.memory_space<vmem>>, vector<1x16xf32>,
      %swap3A_54 = arith.index_cast %scan3A_49 : i32 to index
      %swap3A_55 = arith.constant 16 : index
      %swap3A_56 = tpu.vector_load %arg7[%swap3A_54, %swap3A_55] {strides = array<i32>} : memref<80x128xf32, #tpu.memory_space<vmem>>, vector<1x16xf32>,
      %swap3A_57 = vector.shape_cast %swap3A_56 : vector<1x16xf32> to vector<16xf32>
      %swap3A_58 = vector.shape_cast %broadcast_in_dim3A_8 : vector<16xf32> to vector<1x16xf32>
      tpu.vector_store %arg7[%swap3A_54, %swap3A_55], %swap3A_58 {strides = array<i32>} : memref<80x128xf32, #tpu.memory_space<vmem>>, vector<1x16xf32>,
      %swap3A_59 = arith.index_cast %scan3A_49 : i32 to index
      %swap3A_60 = arith.constant 32 : index
      %swap3A_61 = tpu.vector_load %arg7[%swap3A_59, %swap3A_60] {strides = array<i32>} : memref<80x128xf32, #tpu.memory_space<vmem>>, vector<1x16xf32>,
      %swap3A_62 = vector.shape_cast %swap3A_61 : vector<1x16xf32> to vector<16xf32>
      %swap3A_63 = vector.shape_cast %broadcast_in_dim3A_8 : vector<16xf32> to vector<1x16xf32>
      tpu.vector_store %arg7[%swap3A_59, %swap3A_60], %swap3A_63 {strides = array<i32>} : memref<80x128xf32, #tpu.memory_space<vmem>>, vector<1x16xf32>,
      %swap3A_64 = arith.index_cast %scan3A_49 : i32 to index
      %swap3A_65 = arith.constant 48 : index
      %swap3A_66 = tpu.vector_load %arg7[%swap3A_64, %swap3A_65] {strides = array<i32>} : memref<80x128xf32, #tpu.memory_space<vmem>>, vector<1x16xf32>,
      %swap3A_67 = vector.shape_cast %swap3A_66 : vector<1x16xf32> to vector<16xf32>
      %swap3A_68 = vector.shape_cast %broadcast_in_dim3A_8 : vector<16xf32> to vector<1x16xf32>
      tpu.vector_store %arg7[%swap3A_64, %swap3A_65], %swap3A_68 {strides = array<i32>} : memref<80x128xf32, #tpu.memory_space<vmem>>, vector<1x16xf32>,
      %swap3A_69 = arith.index_cast %scan3A_49 : i32 to index
      %swap3A_70 = arith.constant 64 : index
      %swap3A_71 = tpu.vector_load %arg7[%swap3A_69, %swap3A_70] {strides = array<i32>} : memref<80x128xf32, #tpu.memory_space<vmem>>, vector<1x16xf32>,
      %swap3A_72 = vector.shape_cast %swap3A_71 : vector<1x16xf32> to vector<16xf32>
      %swap3A_73 = vector.shape_cast %broadcast_in_dim3A_8 : vector<16xf32> to vector<1x16xf32>
      tpu.vector_store %arg7[%swap3A_69, %swap3A_70], %swap3A_73 {strides = array<i32>} : memref<80x128xf32, #tpu.memory_space<vmem>>, vector<1x16xf32>,
      %swap3A_74 = arith.index_cast %scan3A_49 : i32 to index
      %swap3A_75 = arith.constant 80 : index
      %swap3A_76 = tpu.vector_load %arg7[%swap3A_74, %swap3A_75] {strides = array<i32>} : memref<80x128xf32, #tpu.memory_space<vmem>>, vector<1x16xf32>,
      %swap3A_77 = vector.shape_cast %swap3A_76 : vector<1x16xf32> to vector<16xf32>
      %swap3A_78 = vector.shape_cast %broadcast_in_dim3A_8 : vector<16xf32> to vector<1x16xf32>
      tpu.vector_store %arg7[%swap3A_74, %swap3A_75], %swap3A_78 {strides = array<i32>} : memref<80x128xf32, #tpu.memory_space<vmem>>, vector<1x16xf32>,
      %swap3A_79 = arith.index_cast %scan3A_49 : i32 to index
      %swap3A_80 = arith.constant 96 : index
      %swap3A_81 = tpu.vector_load %arg7[%swap3A_79, %swap3A_80] {strides = array<i32>} : memref<80x128xf32, #tpu.memory_space<vmem>>, vector<1x16xf32>,
      %swap3A_82 = vector.shape_cast %swap3A_81 : vector<1x16xf32> to vector<16xf32>
      %swap3A_83 = vector.shape_cast %broadcast_in_dim3A_8 : vector<16xf32> to vector<1x16xf32>
      tpu.vector_store %arg7[%swap3A_79, %swap3A_80], %swap3A_83 {strides = array<i32>} : memref<80x128xf32, #tpu.memory_space<vmem>>, vector<1x16xf32>,
      %swap3A_84 = arith.index_cast %scan3A_49 : i32 to index
      %swap3A_85 = arith.constant 112 : index
      %swap3A_86 = tpu.vector_load %arg7[%swap3A_84, %swap3A_85] {strides = array<i32>} : memref<80x128xf32, #tpu.memory_space<vmem>>, vector<1x16xf32>,
      %swap3A_87 = vector.shape_cast %swap3A_86 : vector<1x16xf32> to vector<16xf32>
      %swap3A_88 = vector.shape_cast %broadcast_in_dim3A_8 : vector<16xf32> to vector<1x16xf32>
      tpu.vector_store %arg7[%swap3A_84, %swap3A_85], %swap3A_88 {strides = array<i32>} : memref<80x128xf32, #tpu.memory_space<vmem>>, vector<1x16xf32>,
    }
    %scan3A_14 = arith.constant 80 : i32
    %mul3A_15 = arith.constant 632 : i32
    %mul3A_16 = arith.muli %arg1, %mul3A_15 : i32
    %lt3A = arith.constant 15 : i32
    %lt3A_17 = arith.cmpi slt, %arg1, %lt3A : i32
    %convert_element_type3A = arith.extui %lt3A_17 : i1 to i32
    %cond3A = arith.constant 0 : i32
    %cond3A_18 = arith.cmpi ne, %convert_element_type3A, %cond3A : i32
    scf.if %cond3A_18 {
      %add3A_49 = arith.constant 0 : i32
      %add3A_50 = arith.addi %mul3A_16, %add3A_49 : i32
      "tpu.region"() ({
        %run_scoped3A_66 = tpu.sem_alloc : memref<!tpu.dma_semaphore, #tpu.memory_space<semaphore_mem>>
        %dma_start3A_67 = arith.constant 0 : i32
        %dma_start3A_68 = tpu.memref_slice %arg9[%add3A_50, %dma_start3A_67] : memref<10000x128xf32, #tpu.memory_space<vmem_shared>> -> memref<80x128xf32, #tpu.memory_space<vmem_shared>>
        %dma_start3A_69 = arith.constant 0 : i32
        %dma_start3A_70 = tpu.memref_slice %arg9[%add3A_50, %dma_start3A_69] : memref<10000x128xf32, #tpu.memory_space<vmem_shared>> -> memref<80x128xf32, #tpu.memory_space<vmem_shared>>
        tpu.enqueue_dma source(%arg7 : memref<80x128xf32, #tpu.memory_space<vmem>>) target(%dma_start3A_70 : memref<80x128xf32, #tpu.memory_space<vmem_shared>>) target_semaphore(%run_scoped3A_66 : memref<!tpu.dma_semaphore, #tpu.memory_space<semaphore_mem>>)
        %dma_wait3A_71 = arith.constant 0 : i32
        %dma_wait3A_72 = tpu.memref_slice %arg9[%add3A_50, %dma_wait3A_71] : memref<10000x128xf32, #tpu.memory_space<vmem_shared>> -> memref<80x128xf32, #tpu.memory_space<vmem_shared>>
        %dma_wait3A_73 = arith.constant 0 : i32
        %dma_wait3A_74 = tpu.memref_slice %arg9[%add3A_50, %dma_wait3A_73] : memref<10000x128xf32, #tpu.memory_space<vmem_shared>> -> memref<80x128xf32, #tpu.memory_space<vmem_shared>>
        tpu.wait_dma2 semaphore(%run_scoped3A_66 : memref<!tpu.dma_semaphore, #tpu.memory_space<semaphore_mem>>) src(%arg7 : memref<80x128xf32, #tpu.memory_space<vmem>>) dst(%dma_wait3A_74 : memref<80x128xf32, #tpu.memory_space<vmem_shared>>)
        tpu.yield
      }) : () -> ()
      %add3A_51 = arith.constant 80 : i32
      %add3A_52 = arith.addi %mul3A_16, %add3A_51 : i32
      "tpu.region"() ({
        %run_scoped3A_66 = tpu.sem_alloc : memref<!tpu.dma_semaphore, #tpu.memory_space<semaphore_mem>>
        %dma_start3A_67 = arith.constant 0 : i32
        %dma_start3A_68 = tpu.memref_slice %arg9[%add3A_52, %dma_start3A_67] : memref<10000x128xf32, #tpu.memory_space<vmem_shared>> -> memref<80x128xf32, #tpu.memory_space<vmem_shared>>
        %dma_start3A_69 = arith.constant 0 : i32
        %dma_start3A_70 = tpu.memref_slice %arg9[%add3A_52, %dma_start3A_69] : memref<10000x128xf32, #tpu.memory_space<vmem_shared>> -> memref<80x128xf32, #tpu.memory_space<vmem_shared>>
        tpu.enqueue_dma source(%arg7 : memref<80x128xf32, #tpu.memory_space<vmem>>) target(%dma_start3A_70 : memref<80x128xf32, #tpu.memory_space<vmem_shared>>) target_semaphore(%run_scoped3A_66 : memref<!tpu.dma_semaphore, #tpu.memory_space<semaphore_mem>>)
        %dma_wait3A_71 = arith.constant 0 : i32
        %dma_wait3A_72 = tpu.memref_slice %arg9[%add3A_52, %dma_wait3A_71] : memref<10000x128xf32, #tpu.memory_space<vmem_shared>> -> memref<80x128xf32, #tpu.memory_space<vmem_shared>>
        %dma_wait3A_73 = arith.constant 0 : i32
        %dma_wait3A_74 = tpu.memref_slice %arg9[%add3A_52, %dma_wait3A_73] : memref<10000x128xf32, #tpu.memory_space<vmem_shared>> -> memref<80x128xf32, #tpu.memory_space<vmem_shared>>
        tpu.wait_dma2 semaphore(%run_scoped3A_66 : memref<!tpu.dma_semaphore, #tpu.memory_space<semaphore_mem>>) src(%arg7 : memref<80x128xf32, #tpu.memory_space<vmem>>) dst(%dma_wait3A_74 : memref<80x128xf32, #tpu.memory_space<vmem_shared>>)
        tpu.yield
      }) : () -> ()
      %add3A_53 = arith.constant 160 : i32
      %add3A_54 = arith.addi %mul3A_16, %add3A_53 : i32
      "tpu.region"() ({
        %run_scoped3A_66 = tpu.sem_alloc : memref<!tpu.dma_semaphore, #tpu.memory_space<semaphore_mem>>
        %dma_start3A_67 = arith.constant 0 : i32
        %dma_start3A_68 = tpu.memref_slice %arg9[%add3A_54, %dma_start3A_67] : memref<10000x128xf32, #tpu.memory_space<vmem_shared>> -> memref<80x128xf32, #tpu.memory_space<vmem_shared>>
        %dma_start3A_69 = arith.constant 0 : i32
        %dma_start3A_70 = tpu.memref_slice %arg9[%add3A_54, %dma_start3A_69] : memref<10000x128xf32, #tpu.memory_space<vmem_shared>> -> memref<80x128xf32, #tpu.memory_space<vmem_shared>>
        tpu.enqueue_dma source(%arg7 : memref<80x128xf32, #tpu.memory_space<vmem>>) target(%dma_start3A_70 : memref<80x128xf32, #tpu.memory_space<vmem_shared>>) target_semaphore(%run_scoped3A_66 : memref<!tpu.dma_semaphore, #tpu.memory_space<semaphore_mem>>)
        %dma_wait3A_71 = arith.constant 0 : i32
        %dma_wait3A_72 = tpu.memref_slice %arg9[%add3A_54, %dma_wait3A_71] : memref<10000x128xf32, #tpu.memory_space<vmem_shared>> -> memref<80x128xf32, #tpu.memory_space<vmem_shared>>
        %dma_wait3A_73 = arith.constant 0 : i32
        %dma_wait3A_74 = tpu.memref_slice %arg9[%add3A_54, %dma_wait3A_73] : memref<10000x128xf32, #tpu.memory_space<vmem_shared>> -> memref<80x128xf32, #tpu.memory_space<vmem_shared>>
        tpu.wait_dma2 semaphore(%run_scoped3A_66 : memref<!tpu.dma_semaphore, #tpu.memory_space<semaphore_mem>>) src(%arg7 : memref<80x128xf32, #tpu.memory_space<vmem>>) dst(%dma_wait3A_74 : memref<80x128xf32, #tpu.memory_space<vmem_shared>>)
        tpu.yield
      }) : () -> ()
      %add3A_55 = arith.constant 240 : i32
      %add3A_56 = arith.addi %mul3A_16, %add3A_55 : i32
      "tpu.region"() ({
        %run_scoped3A_66 = tpu.sem_alloc : memref<!tpu.dma_semaphore, #tpu.memory_space<semaphore_mem>>
        %dma_start3A_67 = arith.constant 0 : i32
        %dma_start3A_68 = tpu.memref_slice %arg9[%add3A_56, %dma_start3A_67] : memref<10000x128xf32, #tpu.memory_space<vmem_shared>> -> memref<80x128xf32, #tpu.memory_space<vmem_shared>>
        %dma_start3A_69 = arith.constant 0 : i32
        %dma_start3A_70 = tpu.memref_slice %arg9[%add3A_56, %dma_start3A_69] : memref<10000x128xf32, #tpu.memory_space<vmem_shared>> -> memref<80x128xf32, #tpu.memory_space<vmem_shared>>
        tpu.enqueue_dma source(%arg7 : memref<80x128xf32, #tpu.memory_space<vmem>>) target(%dma_start3A_70 : memref<80x128xf32, #tpu.memory_space<vmem_shared>>) target_semaphore(%run_scoped3A_66 : memref<!tpu.dma_semaphore, #tpu.memory_space<semaphore_mem>>)
        %dma_wait3A_71 = arith.constant 0 : i32
        %dma_wait3A_72 = tpu.memref_slice %arg9[%add3A_56, %dma_wait3A_71] : memref<10000x128xf32, #tpu.memory_space<vmem_shared>> -> memref<80x128xf32, #tpu.memory_space<vmem_shared>>
        %dma_wait3A_73 = arith.constant 0 : i32
        %dma_wait3A_74 = tpu.memref_slice %arg9[%add3A_56, %dma_wait3A_73] : memref<10000x128xf32, #tpu.memory_space<vmem_shared>> -> memref<80x128xf32, #tpu.memory_space<vmem_shared>>
        tpu.wait_dma2 semaphore(%run_scoped3A_66 : memref<!tpu.dma_semaphore, #tpu.memory_space<semaphore_mem>>) src(%arg7 : memref<80x128xf32, #tpu.memory_space<vmem>>) dst(%dma_wait3A_74 : memref<80x128xf32, #tpu.memory_space<vmem_shared>>)
        tpu.yield
      }) : () -> ()
      %add3A_57 = arith.constant 320 : i32
      %add3A_58 = arith.addi %mul3A_16, %add3A_57 : i32
      "tpu.region"() ({
        %run_scoped3A_66 = tpu.sem_alloc : memref<!tpu.dma_semaphore, #tpu.memory_space<semaphore_mem>>
        %dma_start3A_67 = arith.constant 0 : i32
        %dma_start3A_68 = tpu.memref_slice %arg9[%add3A_58, %dma_start3A_67] : memref<10000x128xf32, #tpu.memory_space<vmem_shared>> -> memref<80x128xf32, #tpu.memory_space<vmem_shared>>
        %dma_start3A_69 = arith.constant 0 : i32
        %dma_start3A_70 = tpu.memref_slice %arg9[%add3A_58, %dma_start3A_69] : memref<10000x128xf32, #tpu.memory_space<vmem_shared>> -> memref<80x128xf32, #tpu.memory_space<vmem_shared>>
        tpu.enqueue_dma source(%arg7 : memref<80x128xf32, #tpu.memory_space<vmem>>) target(%dma_start3A_70 : memref<80x128xf32, #tpu.memory_space<vmem_shared>>) target_semaphore(%run_scoped3A_66 : memref<!tpu.dma_semaphore, #tpu.memory_space<semaphore_mem>>)
        %dma_wait3A_71 = arith.constant 0 : i32
        %dma_wait3A_72 = tpu.memref_slice %arg9[%add3A_58, %dma_wait3A_71] : memref<10000x128xf32, #tpu.memory_space<vmem_shared>> -> memref<80x128xf32, #tpu.memory_space<vmem_shared>>
        %dma_wait3A_73 = arith.constant 0 : i32
        %dma_wait3A_74 = tpu.memref_slice %arg9[%add3A_58, %dma_wait3A_73] : memref<10000x128xf32, #tpu.memory_space<vmem_shared>> -> memref<80x128xf32, #tpu.memory_space<vmem_shared>>
        tpu.wait_dma2 semaphore(%run_scoped3A_66 : memref<!tpu.dma_semaphore, #tpu.memory_space<semaphore_mem>>) src(%arg7 : memref<80x128xf32, #tpu.memory_space<vmem>>) dst(%dma_wait3A_74 : memref<80x128xf32, #tpu.memory_space<vmem_shared>>)
        tpu.yield
      }) : () -> ()
      %add3A_59 = arith.constant 400 : i32
      %add3A_60 = arith.addi %mul3A_16, %add3A_59 : i32
      "tpu.region"() ({
        %run_scoped3A_66 = tpu.sem_alloc : memref<!tpu.dma_semaphore, #tpu.memory_space<semaphore_mem>>
        %dma_start3A_67 = arith.constant 0 : i32
        %dma_start3A_68 = tpu.memref_slice %arg9[%add3A_60, %dma_start3A_67] : memref<10000x128xf32, #tpu.memory_space<vmem_shared>> -> memref<80x128xf32, #tpu.memory_space<vmem_shared>>
        %dma_start3A_69 = arith.constant 0 : i32
        %dma_start3A_70 = tpu.memref_slice %arg9[%add3A_60, %dma_start3A_69] : memref<10000x128xf32, #tpu.memory_space<vmem_shared>> -> memref<80x128xf32, #tpu.memory_space<vmem_shared>>
        tpu.enqueue_dma source(%arg7 : memref<80x128xf32, #tpu.memory_space<vmem>>) target(%dma_start3A_70 : memref<80x128xf32, #tpu.memory_space<vmem_shared>>) target_semaphore(%run_scoped3A_66 : memref<!tpu.dma_semaphore, #tpu.memory_space<semaphore_mem>>)
        %dma_wait3A_71 = arith.constant 0 : i32
        %dma_wait3A_72 = tpu.memref_slice %arg9[%add3A_60, %dma_wait3A_71] : memref<10000x128xf32, #tpu.memory_space<vmem_shared>> -> memref<80x128xf32, #tpu.memory_space<vmem_shared>>
        %dma_wait3A_73 = arith.constant 0 : i32
        %dma_wait3A_74 = tpu.memref_slice %arg9[%add3A_60, %dma_wait3A_73] : memref<10000x128xf32, #tpu.memory_space<vmem_shared>> -> memref<80x128xf32, #tpu.memory_space<vmem_shared>>
        tpu.wait_dma2 semaphore(%run_scoped3A_66 : memref<!tpu.dma_semaphore, #tpu.memory_space<semaphore_mem>>) src(%arg7 : memref<80x128xf32, #tpu.memory_space<vmem>>) dst(%dma_wait3A_74 : memref<80x128xf32, #tpu.memory_space<vmem_shared>>)
        tpu.yield
      }) : () -> ()
      %add3A_61 = arith.constant 480 : i32
      %add3A_62 = arith.addi %mul3A_16, %add3A_61 : i32
      "tpu.region"() ({
        %run_scoped3A_66 = tpu.sem_alloc : memref<!tpu.dma_semaphore, #tpu.memory_space<semaphore_mem>>
        %dma_start3A_67 = arith.constant 0 : i32
        %dma_start3A_68 = tpu.memref_slice %arg9[%add3A_62, %dma_start3A_67] : memref<10000x128xf32, #tpu.memory_space<vmem_shared>> -> memref<80x128xf32, #tpu.memory_space<vmem_shared>>
        %dma_start3A_69 = arith.constant 0 : i32
        %dma_start3A_70 = tpu.memref_slice %arg9[%add3A_62, %dma_start3A_69] : memref<10000x128xf32, #tpu.memory_space<vmem_shared>> -> memref<80x128xf32, #tpu.memory_space<vmem_shared>>
        tpu.enqueue_dma source(%arg7 : memref<80x128xf32, #tpu.memory_space<vmem>>) target(%dma_start3A_70 : memref<80x128xf32, #tpu.memory_space<vmem_shared>>) target_semaphore(%run_scoped3A_66 : memref<!tpu.dma_semaphore, #tpu.memory_space<semaphore_mem>>)
        %dma_wait3A_71 = arith.constant 0 : i32
        %dma_wait3A_72 = tpu.memref_slice %arg9[%add3A_62, %dma_wait3A_71] : memref<10000x128xf32, #tpu.memory_space<vmem_shared>> -> memref<80x128xf32, #tpu.memory_space<vmem_shared>>
        %dma_wait3A_73 = arith.constant 0 : i32
        %dma_wait3A_74 = tpu.memref_slice %arg9[%add3A_62, %dma_wait3A_73] : memref<10000x128xf32, #tpu.memory_space<vmem_shared>> -> memref<80x128xf32, #tpu.memory_space<vmem_shared>>
        tpu.wait_dma2 semaphore(%run_scoped3A_66 : memref<!tpu.dma_semaphore, #tpu.memory_space<semaphore_mem>>) src(%arg7 : memref<80x128xf32, #tpu.memory_space<vmem>>) dst(%dma_wait3A_74 : memref<80x128xf32, #tpu.memory_space<vmem_shared>>)
        tpu.yield
      }) : () -> ()
      %add3A_63 = arith.constant 632 : i32
      %add3A_64 = arith.addi %mul3A_16, %add3A_63 : i32
      %sub3A = arith.constant 72 : i32
      %sub3A_65 = arith.subi %add3A_64, %sub3A : i32
      "tpu.region"() ({
        %run_scoped3A_66 = tpu.sem_alloc : memref<!tpu.dma_semaphore, #tpu.memory_space<semaphore_mem>>
        %dma_start3A_67 = arith.constant 0 : i32
        %dma_start3A_68 = arith.constant 0 : i32
        %dma_start3A_69 = tpu.memref_slice %arg7[%dma_start3A_67, %dma_start3A_68] : memref<80x128xf32, #tpu.memory_space<vmem>> -> memref<72x128xf32, #tpu.memory_space<vmem>>
        %dma_start3A_70 = arith.constant 0 : i32
        %dma_start3A_71 = tpu.memref_slice %arg9[%sub3A_65, %dma_start3A_70] : memref<10000x128xf32, #tpu.memory_space<vmem_shared>> -> memref<72x128xf32, #tpu.memory_space<vmem_shared>>
        %dma_start3A_72 = arith.constant 0 : i32
        %dma_start3A_73 = tpu.memref_slice %arg9[%sub3A_65, %dma_start3A_72] : memref<10000x128xf32, #tpu.memory_space<vmem_shared>> -> memref<72x128xf32, #tpu.memory_space<vmem_shared>>
        %dma_start3A_74 = arith.constant 0 : i32
        %dma_start3A_75 = arith.constant 0 : i32
        %dma_start3A_76 = tpu.memref_slice %arg7[%dma_start3A_74, %dma_start3A_75] : memref<80x128xf32, #tpu.memory_space<vmem>> -> memref<72x128xf32, #tpu.memory_space<vmem>>
        tpu.enqueue_dma source(%dma_start3A_76 : memref<72x128xf32, #tpu.memory_space<vmem>>) target(%dma_start3A_73 : memref<72x128xf32, #tpu.memory_space<vmem_shared>>) target_semaphore(%run_scoped3A_66 : memref<!tpu.dma_semaphore, #tpu.memory_space<semaphore_mem>>)
        %dma_wait3A_77 = arith.constant 0 : i32
        %dma_wait3A_78 = arith.constant 0 : i32
        %dma_wait3A_79 = tpu.memref_slice %arg7[%dma_wait3A_77, %dma_wait3A_78] : memref<80x128xf32, #tpu.memory_space<vmem>> -> memref<72x128xf32, #tpu.memory_space<vmem>>
        %dma_wait3A_80 = arith.constant 0 : i32
        %dma_wait3A_81 = tpu.memref_slice %arg9[%sub3A_65, %dma_wait3A_80] : memref<10000x128xf32, #tpu.memory_space<vmem_shared>> -> memref<72x128xf32, #tpu.memory_space<vmem_shared>>
        %dma_wait3A_82 = arith.constant 0 : i32
        %dma_wait3A_83 = tpu.memref_slice %arg9[%sub3A_65, %dma_wait3A_82] : memref<10000x128xf32, #tpu.memory_space<vmem_shared>> -> memref<72x128xf32, #tpu.memory_space<vmem_shared>>
        %dma_wait3A_84 = arith.constant 0 : i32
        %dma_wait3A_85 = arith.constant 0 : i32
        %dma_wait3A_86 = tpu.memref_slice %arg7[%dma_wait3A_84, %dma_wait3A_85] : memref<80x128xf32, #tpu.memory_space<vmem>> -> memref<72x128xf32, #tpu.memory_space<vmem>>
        tpu.wait_dma2 semaphore(%run_scoped3A_66 : memref<!tpu.dma_semaphore, #tpu.memory_space<semaphore_mem>>) src(%dma_wait3A_86 : memref<72x128xf32, #tpu.memory_space<vmem>>) dst(%dma_wait3A_83 : memref<72x128xf32, #tpu.memory_space<vmem_shared>>)
        tpu.yield
      }) : () -> ()
    } else {
    }
    %eq3A = arith.constant 15 : i32
    %eq3A_19 = arith.cmpi eq, %arg1, %eq3A : i32
    %convert_element_type3A_20 = arith.extui %eq3A_19 : i1 to i32
    %cond3A_21 = arith.constant 0 : i32
    %cond3A_22 = arith.cmpi ne, %convert_element_type3A_20, %cond3A_21 : i32
    scf.if %cond3A_22 {
      %add3A_49 = arith.constant 0 : i32
      %add3A_50 = arith.addi %mul3A_16, %add3A_49 : i32
      "tpu.region"() ({
        %run_scoped3A_64 = tpu.sem_alloc : memref<!tpu.dma_semaphore, #tpu.memory_space<semaphore_mem>>
        %dma_start3A_65 = arith.constant 0 : i32
        %dma_start3A_66 = tpu.memref_slice %arg9[%add3A_50, %dma_start3A_65] : memref<10000x128xf32, #tpu.memory_space<vmem_shared>> -> memref<80x128xf32, #tpu.memory_space<vmem_shared>>
        %dma_start3A_67 = arith.constant 0 : i32
        %dma_start3A_68 = tpu.memref_slice %arg9[%add3A_50, %dma_start3A_67] : memref<10000x128xf32, #tpu.memory_space<vmem_shared>> -> memref<80x128xf32, #tpu.memory_space<vmem_shared>>
        tpu.enqueue_dma source(%arg7 : memref<80x128xf32, #tpu.memory_space<vmem>>) target(%dma_start3A_68 : memref<80x128xf32, #tpu.memory_space<vmem_shared>>) target_semaphore(%run_scoped3A_64 : memref<!tpu.dma_semaphore, #tpu.memory_space<semaphore_mem>>)
        %dma_wait3A_69 = arith.constant 0 : i32
        %dma_wait3A_70 = tpu.memref_slice %arg9[%add3A_50, %dma_wait3A_69] : memref<10000x128xf32, #tpu.memory_space<vmem_shared>> -> memref<80x128xf32, #tpu.memory_space<vmem_shared>>
        %dma_wait3A_71 = arith.constant 0 : i32
        %dma_wait3A_72 = tpu.memref_slice %arg9[%add3A_50, %dma_wait3A_71] : memref<10000x128xf32, #tpu.memory_space<vmem_shared>> -> memref<80x128xf32, #tpu.memory_space<vmem_shared>>
        tpu.wait_dma2 semaphore(%run_scoped3A_64 : memref<!tpu.dma_semaphore, #tpu.memory_space<semaphore_mem>>) src(%arg7 : memref<80x128xf32, #tpu.memory_space<vmem>>) dst(%dma_wait3A_72 : memref<80x128xf32, #tpu.memory_space<vmem_shared>>)
        tpu.yield
      }) : () -> ()
      %add3A_51 = arith.constant 80 : i32
      %add3A_52 = arith.addi %mul3A_16, %add3A_51 : i32
      "tpu.region"() ({
        %run_scoped3A_64 = tpu.sem_alloc : memref<!tpu.dma_semaphore, #tpu.memory_space<semaphore_mem>>
        %dma_start3A_65 = arith.constant 0 : i32
        %dma_start3A_66 = tpu.memref_slice %arg9[%add3A_52, %dma_start3A_65] : memref<10000x128xf32, #tpu.memory_space<vmem_shared>> -> memref<80x128xf32, #tpu.memory_space<vmem_shared>>
        %dma_start3A_67 = arith.constant 0 : i32
        %dma_start3A_68 = tpu.memref_slice %arg9[%add3A_52, %dma_start3A_67] : memref<10000x128xf32, #tpu.memory_space<vmem_shared>> -> memref<80x128xf32, #tpu.memory_space<vmem_shared>>
        tpu.enqueue_dma source(%arg7 : memref<80x128xf32, #tpu.memory_space<vmem>>) target(%dma_start3A_68 : memref<80x128xf32, #tpu.memory_space<vmem_shared>>) target_semaphore(%run_scoped3A_64 : memref<!tpu.dma_semaphore, #tpu.memory_space<semaphore_mem>>)
        %dma_wait3A_69 = arith.constant 0 : i32
        %dma_wait3A_70 = tpu.memref_slice %arg9[%add3A_52, %dma_wait3A_69] : memref<10000x128xf32, #tpu.memory_space<vmem_shared>> -> memref<80x128xf32, #tpu.memory_space<vmem_shared>>
        %dma_wait3A_71 = arith.constant 0 : i32
        %dma_wait3A_72 = tpu.memref_slice %arg9[%add3A_52, %dma_wait3A_71] : memref<10000x128xf32, #tpu.memory_space<vmem_shared>> -> memref<80x128xf32, #tpu.memory_space<vmem_shared>>
        tpu.wait_dma2 semaphore(%run_scoped3A_64 : memref<!tpu.dma_semaphore, #tpu.memory_space<semaphore_mem>>) src(%arg7 : memref<80x128xf32, #tpu.memory_space<vmem>>) dst(%dma_wait3A_72 : memref<80x128xf32, #tpu.memory_space<vmem_shared>>)
        tpu.yield
      }) : () -> ()
      %add3A_53 = arith.constant 160 : i32
      %add3A_54 = arith.addi %mul3A_16, %add3A_53 : i32
      "tpu.region"() ({
        %run_scoped3A_64 = tpu.sem_alloc : memref<!tpu.dma_semaphore, #tpu.memory_space<semaphore_mem>>
        %dma_start3A_65 = arith.constant 0 : i32
        %dma_start3A_66 = tpu.memref_slice %arg9[%add3A_54, %dma_start3A_65] : memref<10000x128xf32, #tpu.memory_space<vmem_shared>> -> memref<80x128xf32, #tpu.memory_space<vmem_shared>>
        %dma_start3A_67 = arith.constant 0 : i32
        %dma_start3A_68 = tpu.memref_slice %arg9[%add3A_54, %dma_start3A_67] : memref<10000x128xf32, #tpu.memory_space<vmem_shared>> -> memref<80x128xf32, #tpu.memory_space<vmem_shared>>
        tpu.enqueue_dma source(%arg7 : memref<80x128xf32, #tpu.memory_space<vmem>>) target(%dma_start3A_68 : memref<80x128xf32, #tpu.memory_space<vmem_shared>>) target_semaphore(%run_scoped3A_64 : memref<!tpu.dma_semaphore, #tpu.memory_space<semaphore_mem>>)
        %dma_wait3A_69 = arith.constant 0 : i32
        %dma_wait3A_70 = tpu.memref_slice %arg9[%add3A_54, %dma_wait3A_69] : memref<10000x128xf32, #tpu.memory_space<vmem_shared>> -> memref<80x128xf32, #tpu.memory_space<vmem_shared>>
        %dma_wait3A_71 = arith.constant 0 : i32
        %dma_wait3A_72 = tpu.memref_slice %arg9[%add3A_54, %dma_wait3A_71] : memref<10000x128xf32, #tpu.memory_space<vmem_shared>> -> memref<80x128xf32, #tpu.memory_space<vmem_shared>>
        tpu.wait_dma2 semaphore(%run_scoped3A_64 : memref<!tpu.dma_semaphore, #tpu.memory_space<semaphore_mem>>) src(%arg7 : memref<80x128xf32, #tpu.memory_space<vmem>>) dst(%dma_wait3A_72 : memref<80x128xf32, #tpu.memory_space<vmem_shared>>)
        tpu.yield
      }) : () -> ()
      %add3A_55 = arith.constant 240 : i32
      %add3A_56 = arith.addi %mul3A_16, %add3A_55 : i32
      "tpu.region"() ({
        %run_scoped3A_64 = tpu.sem_alloc : memref<!tpu.dma_semaphore, #tpu.memory_space<semaphore_mem>>
        %dma_start3A_65 = arith.constant 0 : i32
        %dma_start3A_66 = tpu.memref_slice %arg9[%add3A_56, %dma_start3A_65] : memref<10000x128xf32, #tpu.memory_space<vmem_shared>> -> memref<80x128xf32, #tpu.memory_space<vmem_shared>>
        %dma_start3A_67 = arith.constant 0 : i32
        %dma_start3A_68 = tpu.memref_slice %arg9[%add3A_56, %dma_start3A_67] : memref<10000x128xf32, #tpu.memory_space<vmem_shared>> -> memref<80x128xf32, #tpu.memory_space<vmem_shared>>
        tpu.enqueue_dma source(%arg7 : memref<80x128xf32, #tpu.memory_space<vmem>>) target(%dma_start3A_68 : memref<80x128xf32, #tpu.memory_space<vmem_shared>>) target_semaphore(%run_scoped3A_64 : memref<!tpu.dma_semaphore, #tpu.memory_space<semaphore_mem>>)
        %dma_wait3A_69 = arith.constant 0 : i32
        %dma_wait3A_70 = tpu.memref_slice %arg9[%add3A_56, %dma_wait3A_69] : memref<10000x128xf32, #tpu.memory_space<vmem_shared>> -> memref<80x128xf32, #tpu.memory_space<vmem_shared>>
        %dma_wait3A_71 = arith.constant 0 : i32
        %dma_wait3A_72 = tpu.memref_slice %arg9[%add3A_56, %dma_wait3A_71] : memref<10000x128xf32, #tpu.memory_space<vmem_shared>> -> memref<80x128xf32, #tpu.memory_space<vmem_shared>>
        tpu.wait_dma2 semaphore(%run_scoped3A_64 : memref<!tpu.dma_semaphore, #tpu.memory_space<semaphore_mem>>) src(%arg7 : memref<80x128xf32, #tpu.memory_space<vmem>>) dst(%dma_wait3A_72 : memref<80x128xf32, #tpu.memory_space<vmem_shared>>)
        tpu.yield
      }) : () -> ()
      %add3A_57 = arith.constant 320 : i32
      %add3A_58 = arith.addi %mul3A_16, %add3A_57 : i32
      "tpu.region"() ({
        %run_scoped3A_64 = tpu.sem_alloc : memref<!tpu.dma_semaphore, #tpu.memory_space<semaphore_mem>>
        %dma_start3A_65 = arith.constant 0 : i32
        %dma_start3A_66 = tpu.memref_slice %arg9[%add3A_58, %dma_start3A_65] : memref<10000x128xf32, #tpu.memory_space<vmem_shared>> -> memref<80x128xf32, #tpu.memory_space<vmem_shared>>
        %dma_start3A_67 = arith.constant 0 : i32
        %dma_start3A_68 = tpu.memref_slice %arg9[%add3A_58, %dma_start3A_67] : memref<10000x128xf32, #tpu.memory_space<vmem_shared>> -> memref<80x128xf32, #tpu.memory_space<vmem_shared>>
        tpu.enqueue_dma source(%arg7 : memref<80x128xf32, #tpu.memory_space<vmem>>) target(%dma_start3A_68 : memref<80x128xf32, #tpu.memory_space<vmem_shared>>) target_semaphore(%run_scoped3A_64 : memref<!tpu.dma_semaphore, #tpu.memory_space<semaphore_mem>>)
        %dma_wait3A_69 = arith.constant 0 : i32
        %dma_wait3A_70 = tpu.memref_slice %arg9[%add3A_58, %dma_wait3A_69] : memref<10000x128xf32, #tpu.memory_space<vmem_shared>> -> memref<80x128xf32, #tpu.memory_space<vmem_shared>>
        %dma_wait3A_71 = arith.constant 0 : i32
        %dma_wait3A_72 = tpu.memref_slice %arg9[%add3A_58, %dma_wait3A_71] : memref<10000x128xf32, #tpu.memory_space<vmem_shared>> -> memref<80x128xf32, #tpu.memory_space<vmem_shared>>
        tpu.wait_dma2 semaphore(%run_scoped3A_64 : memref<!tpu.dma_semaphore, #tpu.memory_space<semaphore_mem>>) src(%arg7 : memref<80x128xf32, #tpu.memory_space<vmem>>) dst(%dma_wait3A_72 : memref<80x128xf32, #tpu.memory_space<vmem_shared>>)
        tpu.yield
      }) : () -> ()
      %add3A_59 = arith.constant 400 : i32
      %add3A_60 = arith.addi %mul3A_16, %add3A_59 : i32
      "tpu.region"() ({
        %run_scoped3A_64 = tpu.sem_alloc : memref<!tpu.dma_semaphore, #tpu.memory_space<semaphore_mem>>
        %dma_start3A_65 = arith.constant 0 : i32
        %dma_start3A_66 = tpu.memref_slice %arg9[%add3A_60, %dma_start3A_65] : memref<10000x128xf32, #tpu.memory_space<vmem_shared>> -> memref<80x128xf32, #tpu.memory_space<vmem_shared>>
        %dma_start3A_67 = arith.constant 0 : i32
        %dma_start3A_68 = tpu.memref_slice %arg9[%add3A_60, %dma_start3A_67] : memref<10000x128xf32, #tpu.memory_space<vmem_shared>> -> memref<80x128xf32, #tpu.memory_space<vmem_shared>>
        tpu.enqueue_dma source(%arg7 : memref<80x128xf32, #tpu.memory_space<vmem>>) target(%dma_start3A_68 : memref<80x128xf32, #tpu.memory_space<vmem_shared>>) target_semaphore(%run_scoped3A_64 : memref<!tpu.dma_semaphore, #tpu.memory_space<semaphore_mem>>)
        %dma_wait3A_69 = arith.constant 0 : i32
        %dma_wait3A_70 = tpu.memref_slice %arg9[%add3A_60, %dma_wait3A_69] : memref<10000x128xf32, #tpu.memory_space<vmem_shared>> -> memref<80x128xf32, #tpu.memory_space<vmem_shared>>
        %dma_wait3A_71 = arith.constant 0 : i32
        %dma_wait3A_72 = tpu.memref_slice %arg9[%add3A_60, %dma_wait3A_71] : memref<10000x128xf32, #tpu.memory_space<vmem_shared>> -> memref<80x128xf32, #tpu.memory_space<vmem_shared>>
        tpu.wait_dma2 semaphore(%run_scoped3A_64 : memref<!tpu.dma_semaphore, #tpu.memory_space<semaphore_mem>>) src(%arg7 : memref<80x128xf32, #tpu.memory_space<vmem>>) dst(%dma_wait3A_72 : memref<80x128xf32, #tpu.memory_space<vmem_shared>>)
        tpu.yield
      }) : () -> ()
      %add3A_61 = arith.constant 520 : i32
      %add3A_62 = arith.addi %mul3A_16, %add3A_61 : i32
      %sub3A = arith.constant 40 : i32
      %sub3A_63 = arith.subi %add3A_62, %sub3A : i32
      "tpu.region"() ({
        %run_scoped3A_64 = tpu.sem_alloc : memref<!tpu.dma_semaphore, #tpu.memory_space<semaphore_mem>>
        %dma_start3A_65 = arith.constant 0 : i32
        %dma_start3A_66 = arith.constant 0 : i32
        %dma_start3A_67 = tpu.memref_slice %arg7[%dma_start3A_65, %dma_start3A_66] : memref<80x128xf32, #tpu.memory_space<vmem>> -> memref<40x128xf32, #tpu.memory_space<vmem>>
        %dma_start3A_68 = arith.constant 0 : i32
        %dma_start3A_69 = tpu.memref_slice %arg9[%sub3A_63, %dma_start3A_68] : memref<10000x128xf32, #tpu.memory_space<vmem_shared>> -> memref<40x128xf32, #tpu.memory_space<vmem_shared>>
        %dma_start3A_70 = arith.constant 0 : i32
        %dma_start3A_71 = tpu.memref_slice %arg9[%sub3A_63, %dma_start3A_70] : memref<10000x128xf32, #tpu.memory_space<vmem_shared>> -> memref<40x128xf32, #tpu.memory_space<vmem_shared>>
        %dma_start3A_72 = arith.constant 0 : i32
        %dma_start3A_73 = arith.constant 0 : i32
        %dma_start3A_74 = tpu.memref_slice %arg7[%dma_start3A_72, %dma_start3A_73] : memref<80x128xf32, #tpu.memory_space<vmem>> -> memref<40x128xf32, #tpu.memory_space<vmem>>
        tpu.enqueue_dma source(%dma_start3A_74 : memref<40x128xf32, #tpu.memory_space<vmem>>) target(%dma_start3A_71 : memref<40x128xf32, #tpu.memory_space<vmem_shared>>) target_semaphore(%run_scoped3A_64 : memref<!tpu.dma_semaphore, #tpu.memory_space<semaphore_mem>>)
        %dma_wait3A_75 = arith.constant 0 : i32
        %dma_wait3A_76 = arith.constant 0 : i32
        %dma_wait3A_77 = tpu.memref_slice %arg7[%dma_wait3A_75, %dma_wait3A_76] : memref<80x128xf32, #tpu.memory_space<vmem>> -> memref<40x128xf32, #tpu.memory_space<vmem>>
        %dma_wait3A_78 = arith.constant 0 : i32
        %dma_wait3A_79 = tpu.memref_slice %arg9[%sub3A_63, %dma_wait3A_78] : memref<10000x128xf32, #tpu.memory_space<vmem_shared>> -> memref<40x128xf32, #tpu.memory_space<vmem_shared>>
        %dma_wait3A_80 = arith.constant 0 : i32
        %dma_wait3A_81 = tpu.memref_slice %arg9[%sub3A_63, %dma_wait3A_80] : memref<10000x128xf32, #tpu.memory_space<vmem_shared>> -> memref<40x128xf32, #tpu.memory_space<vmem_shared>>
        %dma_wait3A_82 = arith.constant 0 : i32
        %dma_wait3A_83 = arith.constant 0 : i32
        %dma_wait3A_84 = tpu.memref_slice %arg7[%dma_wait3A_82, %dma_wait3A_83] : memref<80x128xf32, #tpu.memory_space<vmem>> -> memref<40x128xf32, #tpu.memory_space<vmem>>
        tpu.wait_dma2 semaphore(%run_scoped3A_64 : memref<!tpu.dma_semaphore, #tpu.memory_space<semaphore_mem>>) src(%dma_wait3A_84 : memref<40x128xf32, #tpu.memory_space<vmem>>) dst(%dma_wait3A_81 : memref<40x128xf32, #tpu.memory_space<vmem_shared>>)
        tpu.yield
      }) : () -> ()
    } else {
    }
    %barrier3A = arith.constant 0 : index
    tpu.barrier barrier_id(%barrier3A)
    %dma_start3A = arith.constant 0 : i32
    %dma_start3A_23 = tpu.memref_slice %arg5[%dma_start3A] : memref<10000xi32, #tpu.memory_space<vmem>> -> memref<80xi32, #tpu.memory_space<vmem>>
    %dma_start3A_24 = arith.constant 0 : i32
    %dma_start3A_25 = arith.constant 0 : i32
    %dma_start3A_26 = tpu.memref_slice %arg2[%dma_start3A_24, %dma_start3A_25] : memref<10000x128xf32, #tpu.memory_space<hbm>> -> memref<10000x128xf32, #tpu.memory_space<hbm>>
    tpu.enqueue_indirect_dma source(%dma_start3A_26 : memref<10000x128xf32, #tpu.memory_space<hbm>>) target(%arg7 : memref<80x128xf32, #tpu.memory_space<vmem>>) offsets(%dma_start3A_23 : memref<80xi32, #tpu.memory_space<vmem>>) semaphore(%arg10 : memref<!tpu.dma_semaphore, #tpu.memory_space<semaphore_mem>>)
    %scan3A_27 = arith.constant 0 : i32
    %scan3A_28 = arith.constant 0 : i32
    %scan3A_29 = arith.constant 62 : i32
    %scan3A_30 = arith.addi %scan3A_28, %scan3A_29 : i32
    %scan3A_31 = arith.constant 1 : i32
    scf.for %scan3A_49 = %scan3A_28 to %scan3A_30 step %scan3A_31  : i32 {
      %mul3A_50 = arith.constant 2 : i32
      %mul3A_51 = arith.muli %mul3A_50, %scan3A_49 : i32
      %add3A_52 = arith.constant 1 : i32
      %add3A_53 = arith.addi %mul3A_51, %add3A_52 : i32
      %mul3A_54 = arith.constant 80 : i32
      %mul3A_55 = arith.muli %add3A_53, %mul3A_54 : i32
      %dma_start3A_56 = tpu.memref_slice %arg5[%mul3A_55] : memref<10000xi32, #tpu.memory_space<vmem>> -> memref<80xi32, #tpu.memory_space<vmem>>
      %dma_start3A_57 = arith.constant 0 : i32
      %dma_start3A_58 = arith.constant 0 : i32
      %dma_start3A_59 = tpu.memref_slice %arg2[%dma_start3A_57, %dma_start3A_58] : memref<10000x128xf32, #tpu.memory_space<hbm>> -> memref<10000x128xf32, #tpu.memory_space<hbm>>
      tpu.enqueue_indirect_dma source(%dma_start3A_59 : memref<10000x128xf32, #tpu.memory_space<hbm>>) target(%arg8 : memref<80x128xf32, #tpu.memory_space<vmem>>) offsets(%dma_start3A_56 : memref<80xi32, #tpu.memory_space<vmem>>) semaphore(%arg11 : memref<!tpu.dma_semaphore, #tpu.memory_space<semaphore_mem>>)
      %dma_wait3A_60 = arith.constant 0 : i32
      %dma_wait3A_61 = arith.constant 0 : i32
      %dma_wait3A_62 = tpu.memref_slice %arg2[%dma_wait3A_60, %dma_wait3A_61] : memref<10000x128xf32, #tpu.memory_space<hbm>> -> memref<80x128xf32, #tpu.memory_space<hbm>>
      %dma_wait3A_63 = arith.constant 0 : i32
      %dma_wait3A_64 = arith.constant 0 : i32
      %dma_wait3A_65 = tpu.memref_slice %arg2[%dma_wait3A_63, %dma_wait3A_64] : memref<10000x128xf32, #tpu.memory_space<hbm>> -> memref<80x128xf32, #tpu.memory_space<hbm>>
      tpu.wait_dma2 semaphore(%arg10 : memref<!tpu.dma_semaphore, #tpu.memory_space<semaphore_mem>>) src(%dma_wait3A_65 : memref<80x128xf32, #tpu.memory_space<hbm>>) dst(%arg7 : memref<80x128xf32, #tpu.memory_space<vmem>>)
      "tpu.region"() ({
        %run_scoped3A_82 = tpu.sem_alloc : memref<!tpu.dma_semaphore, #tpu.memory_space<semaphore_mem>>
        %dma_start3A_83 = arith.constant 0 : i32
        %dma_start3A_84 = tpu.memref_slice %arg6[%mul3A_51, %dma_start3A_83] : memref<125x80xi32, #tpu.memory_space<vmem>> -> memref<1x80xi32, #tpu.memory_space<vmem>>
        %dma_start3A_85 = tpu.memref_squeeze %dma_start3A_84 : memref<1x80xi32, #tpu.memory_space<vmem>> -> memref<80xi32, #tpu.memory_space<vmem>>
        %dma_start3A_86 = arith.constant 0 : i32
        %dma_start3A_87 = arith.constant 0 : i32
        %dma_start3A_88 = tpu.memref_slice %arg9[%dma_start3A_86, %dma_start3A_87] : memref<10000x128xf32, #tpu.memory_space<vmem_shared>> -> memref<10000x128xf32, #tpu.memory_space<vmem_shared>>
        tpu.enqueue_indirect_dma source(%arg7 : memref<80x128xf32, #tpu.memory_space<vmem>>) target(%dma_start3A_88 : memref<10000x128xf32, #tpu.memory_space<vmem_shared>>) offsets(%dma_start3A_85 : memref<80xi32, #tpu.memory_space<vmem>>) semaphore(%run_scoped3A_82 : memref<!tpu.dma_semaphore, #tpu.memory_space<semaphore_mem>>) {add = true}
        %dma_wait3A_89 = arith.constant 0 : i32
        %dma_wait3A_90 = tpu.memref_slice %arg6[%mul3A_51, %dma_wait3A_89] : memref<125x80xi32, #tpu.memory_space<vmem>> -> memref<1x80xi32, #tpu.memory_space<vmem>>
        %dma_wait3A_91 = tpu.memref_squeeze %dma_wait3A_90 : memref<1x80xi32, #tpu.memory_space<vmem>> -> memref<80xi32, #tpu.memory_space<vmem>>
        %dma_wait3A_92 = arith.constant 0 : i32
        %dma_wait3A_93 = arith.constant 0 : i32
        %dma_wait3A_94 = tpu.memref_slice %arg9[%dma_wait3A_92, %dma_wait3A_93] : memref<10000x128xf32, #tpu.memory_space<vmem_shared>> -> memref<10000x128xf32, #tpu.memory_space<vmem_shared>>
        tpu.wait_indirect_dma semaphore(%run_scoped3A_82 : memref<!tpu.dma_semaphore, #tpu.memory_space<semaphore_mem>>) src(%arg7 : memref<80x128xf32, #tpu.memory_space<vmem>>) dst(%dma_wait3A_94 : memref<10000x128xf32, #tpu.memory_space<vmem_shared>>)
        tpu.yield
      }) : () -> ()
      %add3A_66 = arith.constant 2 : i32
      %add3A_67 = arith.addi %mul3A_51, %add3A_66 : i32
      %mul3A_68 = arith.constant 80 : i32
      %mul3A_69 = arith.muli %add3A_67, %mul3A_68 : i32
      %dma_start3A_70 = tpu.memref_slice %arg5[%mul3A_69] : memref<10000xi32, #tpu.memory_space<vmem>> -> memref<80xi32, #tpu.memory_space<vmem>>
      %dma_start3A_71 = arith.constant 0 : i32
      %dma_start3A_72 = arith.constant 0 : i32
      %dma_start3A_73 = tpu.memref_slice %arg2[%dma_start3A_71, %dma_start3A_72] : memref<10000x128xf32, #tpu.memory_space<hbm>> -> memref<10000x128xf32, #tpu.memory_space<hbm>>
      tpu.enqueue_indirect_dma source(%dma_start3A_73 : memref<10000x128xf32, #tpu.memory_space<hbm>>) target(%arg7 : memref<80x128xf32, #tpu.memory_space<vmem>>) offsets(%dma_start3A_70 : memref<80xi32, #tpu.memory_space<vmem>>) semaphore(%arg10 : memref<!tpu.dma_semaphore, #tpu.memory_space<semaphore_mem>>)
      %dma_wait3A_74 = arith.constant 0 : i32
      %dma_wait3A_75 = arith.constant 0 : i32
      %dma_wait3A_76 = tpu.memref_slice %arg2[%dma_wait3A_74, %dma_wait3A_75] : memref<10000x128xf32, #tpu.memory_space<hbm>> -> memref<80x128xf32, #tpu.memory_space<hbm>>
      %dma_wait3A_77 = arith.constant 0 : i32
      %dma_wait3A_78 = arith.constant 0 : i32
      %dma_wait3A_79 = tpu.memref_slice %arg2[%dma_wait3A_77, %dma_wait3A_78] : memref<10000x128xf32, #tpu.memory_space<hbm>> -> memref<80x128xf32, #tpu.memory_space<hbm>>
      tpu.wait_dma2 semaphore(%arg11 : memref<!tpu.dma_semaphore, #tpu.memory_space<semaphore_mem>>) src(%dma_wait3A_79 : memref<80x128xf32, #tpu.memory_space<hbm>>) dst(%arg8 : memref<80x128xf32, #tpu.memory_space<vmem>>)
      %add3A_80 = arith.constant 1 : i32
      %add3A_81 = arith.addi %mul3A_51, %add3A_80 : i32
      "tpu.region"() ({
        %run_scoped3A_82 = tpu.sem_alloc : memref<!tpu.dma_semaphore, #tpu.memory_space<semaphore_mem>>
        %dma_start3A_83 = arith.constant 0 : i32
        %dma_start3A_84 = tpu.memref_slice %arg6[%add3A_81, %dma_start3A_83] : memref<125x80xi32, #tpu.memory_space<vmem>> -> memref<1x80xi32, #tpu.memory_space<vmem>>
        %dma_start3A_85 = tpu.memref_squeeze %dma_start3A_84 : memref<1x80xi32, #tpu.memory_space<vmem>> -> memref<80xi32, #tpu.memory_space<vmem>>
        %dma_start3A_86 = arith.constant 0 : i32
        %dma_start3A_87 = arith.constant 0 : i32
        %dma_start3A_88 = tpu.memref_slice %arg9[%dma_start3A_86, %dma_start3A_87] : memref<10000x128xf32, #tpu.memory_space<vmem_shared>> -> memref<10000x128xf32, #tpu.memory_space<vmem_shared>>
        tpu.enqueue_indirect_dma source(%arg8 : memref<80x128xf32, #tpu.memory_space<vmem>>) target(%dma_start3A_88 : memref<10000x128xf32, #tpu.memory_space<vmem_shared>>) offsets(%dma_start3A_85 : memref<80xi32, #tpu.memory_space<vmem>>) semaphore(%run_scoped3A_82 : memref<!tpu.dma_semaphore, #tpu.memory_space<semaphore_mem>>) {add = true}
        %dma_wait3A_89 = arith.constant 0 : i32
        %dma_wait3A_90 = tpu.memref_slice %arg6[%add3A_81, %dma_wait3A_89] : memref<125x80xi32, #tpu.memory_space<vmem>> -> memref<1x80xi32, #tpu.memory_space<vmem>>
        %dma_wait3A_91 = tpu.memref_squeeze %dma_wait3A_90 : memref<1x80xi32, #tpu.memory_space<vmem>> -> memref<80xi32, #tpu.memory_space<vmem>>
        %dma_wait3A_92 = arith.constant 0 : i32
        %dma_wait3A_93 = arith.constant 0 : i32
        %dma_wait3A_94 = tpu.memref_slice %arg9[%dma_wait3A_92, %dma_wait3A_93] : memref<10000x128xf32, #tpu.memory_space<vmem_shared>> -> memref<10000x128xf32, #tpu.memory_space<vmem_shared>>
        tpu.wait_indirect_dma semaphore(%run_scoped3A_82 : memref<!tpu.dma_semaphore, #tpu.memory_space<semaphore_mem>>) src(%arg8 : memref<80x128xf32, #tpu.memory_space<vmem>>) dst(%dma_wait3A_94 : memref<10000x128xf32, #tpu.memory_space<vmem_shared>>)
        tpu.yield
      }) : () -> ()
    }
    %scan3A_32 = arith.constant 62 : i32
    %dma_wait3A = arith.constant 0 : i32
    %dma_wait3A_33 = arith.constant 0 : i32
    %dma_wait3A_34 = tpu.memref_slice %arg2[%dma_wait3A, %dma_wait3A_33] : memref<10000x128xf32, #tpu.memory_space<hbm>> -> memref<80x128xf32, #tpu.memory_space<hbm>>
    %dma_wait3A_35 = arith.constant 0 : i32
    %dma_wait3A_36 = arith.constant 0 : i32
    %dma_wait3A_37 = tpu.memref_slice %arg2[%dma_wait3A_35, %dma_wait3A_36] : memref<10000x128xf32, #tpu.memory_space<hbm>> -> memref<80x128xf32, #tpu.memory_space<hbm>>
    tpu.wait_dma2 semaphore(%arg10 : memref<!tpu.dma_semaphore, #tpu.memory_space<semaphore_mem>>) src(%dma_wait3A_37 : memref<80x128xf32, #tpu.memory_space<hbm>>) dst(%arg7 : memref<80x128xf32, #tpu.memory_space<vmem>>)
    %run_scoped3A = arith.constant 124 : i32
    "tpu.region"() ({
      %run_scoped3A_49 = tpu.sem_alloc : memref<!tpu.dma_semaphore, #tpu.memory_space<semaphore_mem>>
      %dma_start3A_50 = arith.constant 0 : i32
      %dma_start3A_51 = tpu.memref_slice %arg6[%run_scoped3A, %dma_start3A_50] : memref<125x80xi32, #tpu.memory_space<vmem>> -> memref<1x80xi32, #tpu.memory_space<vmem>>
      %dma_start3A_52 = tpu.memref_squeeze %dma_start3A_51 : memref<1x80xi32, #tpu.memory_space<vmem>> -> memref<80xi32, #tpu.memory_space<vmem>>
      %dma_start3A_53 = arith.constant 0 : i32
      %dma_start3A_54 = arith.constant 0 : i32
      %dma_start3A_55 = tpu.memref_slice %arg9[%dma_start3A_53, %dma_start3A_54] : memref<10000x128xf32, #tpu.memory_space<vmem_shared>> -> memref<10000x128xf32, #tpu.memory_space<vmem_shared>>
      tpu.enqueue_indirect_dma source(%arg7 : memref<80x128xf32, #tpu.memory_space<vmem>>) target(%dma_start3A_55 : memref<10000x128xf32, #tpu.memory_space<vmem_shared>>) offsets(%dma_start3A_52 : memref<80xi32, #tpu.memory_space<vmem>>) semaphore(%run_scoped3A_49 : memref<!tpu.dma_semaphore, #tpu.memory_space<semaphore_mem>>) {add = true}
      %dma_wait3A_56 = arith.constant 0 : i32
      %dma_wait3A_57 = tpu.memref_slice %arg6[%run_scoped3A, %dma_wait3A_56] : memref<125x80xi32, #tpu.memory_space<vmem>> -> memref<1x80xi32, #tpu.memory_space<vmem>>
      %dma_wait3A_58 = tpu.memref_squeeze %dma_wait3A_57 : memref<1x80xi32, #tpu.memory_space<vmem>> -> memref<80xi32, #tpu.memory_space<vmem>>
      %dma_wait3A_59 = arith.constant 0 : i32
      %dma_wait3A_60 = arith.constant 0 : i32
      %dma_wait3A_61 = tpu.memref_slice %arg9[%dma_wait3A_59, %dma_wait3A_60] : memref<10000x128xf32, #tpu.memory_space<vmem_shared>> -> memref<10000x128xf32, #tpu.memory_space<vmem_shared>>
      tpu.wait_indirect_dma semaphore(%run_scoped3A_49 : memref<!tpu.dma_semaphore, #tpu.memory_space<semaphore_mem>>) src(%arg7 : memref<80x128xf32, #tpu.memory_space<vmem>>) dst(%dma_wait3A_61 : memref<10000x128xf32, #tpu.memory_space<vmem_shared>>)
      tpu.yield
    }) : () -> ()
    %barrier3A_38 = arith.constant 0 : index
    tpu.barrier barrier_id(%barrier3A_38)
    %lt3A_39 = arith.constant 15 : i32
    %lt3A_40 = arith.cmpi slt, %arg1, %lt3A_39 : i32
    %convert_element_type3A_41 = arith.extui %lt3A_40 : i1 to i32
    %cond3A_42 = arith.constant 0 : i32
    %cond3A_43 = arith.cmpi ne, %convert_element_type3A_41, %cond3A_42 : i32
    scf.if %cond3A_43 {
      %mul3A_49 = arith.constant 632 : i32
      %mul3A_50 = arith.muli %arg1, %mul3A_49 : i32
      %mul3A_51 = arith.constant 632 : i32
      %mul3A_52 = arith.muli %arg1, %mul3A_51 : i32
      %mul3A_53 = arith.constant 10000 : i32
      %mul3A_54 = arith.muli %arg0, %mul3A_53 : i32
      %add3A_55 = arith.addi %mul3A_54, %mul3A_52 : i32
      "tpu.region"() ({
        %run_scoped3A_56 = tpu.sem_alloc : memref<!tpu.dma_semaphore, #tpu.memory_space<semaphore_mem>>
        %dma_start3A_57 = arith.constant 0 : i32
        %dma_start3A_58 = tpu.memref_slice %arg4[%add3A_55, %dma_start3A_57] : memref<20000x128xf32, #tpu.memory_space<hbm>> -> memref<632x128xf32, #tpu.memory_space<hbm>>
        %dma_start3A_59 = arith.constant 0 : i32
        %dma_start3A_60 = tpu.memref_slice %arg9[%mul3A_50, %dma_start3A_59] : memref<10000x128xf32, #tpu.memory_space<vmem_shared>> -> memref<632x128xf32, #tpu.memory_space<vmem_shared>>
        tpu.enqueue_dma source(%dma_start3A_60 : memref<632x128xf32, #tpu.memory_space<vmem_shared>>) target(%dma_start3A_58 : memref<632x128xf32, #tpu.memory_space<hbm>>) target_semaphore(%run_scoped3A_56 : memref<!tpu.dma_semaphore, #tpu.memory_space<semaphore_mem>>)
        %dma_wait3A_61 = arith.constant 0 : i32
        %dma_wait3A_62 = tpu.memref_slice %arg4[%add3A_55, %dma_wait3A_61] : memref<20000x128xf32, #tpu.memory_space<hbm>> -> memref<632x128xf32, #tpu.memory_space<hbm>>
        %dma_wait3A_63 = arith.constant 0 : i32
        %dma_wait3A_64 = tpu.memref_slice %arg9[%mul3A_50, %dma_wait3A_63] : memref<10000x128xf32, #tpu.memory_space<vmem_shared>> -> memref<632x128xf32, #tpu.memory_space<vmem_shared>>
        tpu.wait_dma2 semaphore(%run_scoped3A_56 : memref<!tpu.dma_semaphore, #tpu.memory_space<semaphore_mem>>) src(%dma_wait3A_64 : memref<632x128xf32, #tpu.memory_space<vmem_shared>>) dst(%dma_wait3A_62 : memref<632x128xf32, #tpu.memory_space<hbm>>)
        tpu.yield
      }) : () -> ()
    } else {
    }
    %eq3A_44 = arith.constant 15 : i32
    %eq3A_45 = arith.cmpi eq, %arg1, %eq3A_44 : i32
    %convert_element_type3A_46 = arith.extui %eq3A_45 : i1 to i32
    %cond3A_47 = arith.constant 0 : i32
    %cond3A_48 = arith.cmpi ne, %convert_element_type3A_46, %cond3A_47 : i32
    scf.if %cond3A_48 {
      %mul3A_49 = arith.constant 10000 : i32
      %mul3A_50 = arith.muli %arg0, %mul3A_49 : i32
      %add3A_51 = arith.constant 9480 : i32
      %add3A_52 = arith.addi %mul3A_50, %add3A_51 : i32
      "tpu.region"() ({
        %run_scoped3A_53 = tpu.sem_alloc : memref<!tpu.dma_semaphore, #tpu.memory_space<semaphore_mem>>
        %dma_start3A_54 = arith.constant 0 : i32
        %dma_start3A_55 = tpu.memref_slice %arg4[%add3A_52, %dma_start3A_54] : memref<20000x128xf32, #tpu.memory_space<hbm>> -> memref<520x128xf32, #tpu.memory_space<hbm>>
        %dma_start3A_56 = arith.constant 9480 : i32
        %dma_start3A_57 = arith.constant 0 : i32
        %dma_start3A_58 = tpu.memref_slice %arg9[%dma_start3A_56, %dma_start3A_57] : memref<10000x128xf32, #tpu.memory_space<vmem_shared>> -> memref<520x128xf32, #tpu.memory_space<vmem_shared>>
        tpu.enqueue_dma source(%dma_start3A_58 : memref<520x128xf32, #tpu.memory_space<vmem_shared>>) target(%dma_start3A_55 : memref<520x128xf32, #tpu.memory_space<hbm>>) target_semaphore(%run_scoped3A_53 : memref<!tpu.dma_semaphore, #tpu.memory_space<semaphore_mem>>)
        %dma_wait3A_59 = arith.constant 0 : i32
        %dma_wait3A_60 = tpu.memref_slice %arg4[%add3A_52, %dma_wait3A_59] : memref<20000x128xf32, #tpu.memory_space<hbm>> -> memref<520x128xf32, #tpu.memory_space<hbm>>
        %dma_wait3A_61 = arith.constant 9480 : i32
        %dma_wait3A_62 = arith.constant 0 : i32
        %dma_wait3A_63 = tpu.memref_slice %arg9[%dma_wait3A_61, %dma_wait3A_62] : memref<10000x128xf32, #tpu.memory_space<vmem_shared>> -> memref<520x128xf32, #tpu.memory_space<vmem_shared>>
        tpu.wait_dma2 semaphore(%run_scoped3A_53 : memref<!tpu.dma_semaphore, #tpu.memory_space<semaphore_mem>>) src(%dma_wait3A_63 : memref<520x128xf32, #tpu.memory_space<vmem_shared>>) dst(%dma_wait3A_60 : memref<520x128xf32, #tpu.memory_space<hbm>>)
        tpu.yield
      }) : () -> ()
    } else {
    }
    return
  }
}

module attributes {stable_mosaic.version = 14 : i64} {
  func.func @_tc_inv(%arg0: i32, %arg1: memref<2x1000x128xf32, #tpu.memory_space<vmem>>, %arg2: memref<1000x1xf32, #tpu.memory_space<vmem>>) attributes {dimension_semantics = [#tpu.dimension_semantics<arbitrary>], iteration_bounds = array<i64: 10>, scalar_prefetch = 0 : i64, scratch_operands = 0 : i64, tpu.core_type = #tpu.core_type<tc>, window_params = [{transform_indices = @transform_0, window_bounds = array<i64: 2, 1000, 128>}, {transform_indices = @transform_1, window_bounds = array<i64: 1000, 1>}]} {
    %get3A = arith.constant 0 : index
    %get3A_0 = arith.constant 0 : index
    %get3A_1 = arith.constant 0 : index
    %get3A_2 = vector.load %arg1[%get3A, %get3A_0, %get3A_1] : memref<2x1000x128xf32, #tpu.memory_space<vmem>>, vector<1x1000x1xf32>
    %get3A_3 = vector.shape_cast %get3A_2 : vector<1x1000x1xf32> to vector<1000x1xf32>
    %get3A_4 = arith.constant 1 : index
    %get3A_5 = arith.constant 0 : index
    %get3A_6 = arith.constant 0 : index
    %get3A_7 = vector.load %arg1[%get3A_4, %get3A_5, %get3A_6] : memref<2x1000x128xf32, #tpu.memory_space<vmem>>, vector<1x1000x1xf32>
    %get3A_8 = vector.shape_cast %get3A_7 : vector<1x1000x1xf32> to vector<1000x1xf32>
    %add3A = arith.addf %get3A_3, %get3A_8 : vector<1000x1xf32>
    %max3A = arith.constant 1.000000e+00 : f32
    %max3A_9 = vector.broadcast %max3A : f32 to vector<1000x1xf32>
    %max3A_10 = arith.maximumf %add3A, %max3A_9 : vector<1000x1xf32>
    %div3A = arith.constant 1.000000e+00 : f32
    %div3A_11 = vector.broadcast %div3A : f32 to vector<1000x1xf32>
    %div3A_12 = arith.divf %div3A_11, %max3A_10 : vector<1000x1xf32>
    %swap3A = arith.constant 0 : index
    %swap3A_13 = arith.constant 0 : index
    %swap3A_14 = vector.load %arg2[%swap3A, %swap3A_13] : memref<1000x1xf32, #tpu.memory_space<vmem>>, vector<1000x1xf32>
    tpu.vector_store %arg2[%swap3A, %swap3A_13], %div3A_12 {strides = array<i32>} : memref<1000x1xf32, #tpu.memory_space<vmem>>, vector<1000x1xf32>,
    return
  }
  func.func @transform_0(%arg0: i32) -> (i32, i32, i32) {
    %c0_i32 = arith.constant 0 : i32
    %c0_i32_0 = arith.constant 0 : i32
    %c0_i32_1 = arith.constant 0 : i32
    return %c0_i32, %arg0, %c0_i32_0 : i32, i32, i32
  }
  func.func @transform_1(%arg0: i32) -> (i32, i32) {
    %c0_i32 = arith.constant 0 : i32
    %c0_i32_0 = arith.constant 0 : i32
    return %arg0, %c0_i32 : i32, i32
  }
}

module attributes {stable_mosaic.version = 14 : i64} {
  func.func @_tc_mm(%arg0: i32, %arg1: memref<2x1000x128xf32, #tpu.memory_space<vmem>>, %arg2: memref<1000x1xf32, #tpu.memory_space<vmem>>, %arg3: memref<1000x128xf32, #tpu.memory_space<vmem>>, %arg4: memref<128x128xf32, #tpu.memory_space<vmem>>, %arg5: memref<128x128xf32, #tpu.memory_space<vmem>>, %arg6: memref<1x128xf32, #tpu.memory_space<vmem>>, %arg7: memref<1000x128xf32, #tpu.memory_space<vmem>>, %arg8: memref<8x128xf32, #tpu.memory_space<vmem>>) attributes {dimension_semantics = [#tpu.dimension_semantics<arbitrary>], iteration_bounds = array<i64: 10>, scalar_prefetch = 0 : i64, scratch_operands = 0 : i64, tpu.core_type = #tpu.core_type<tc>, window_params = [{transform_indices = @transform_0, window_bounds = array<i64: 2, 1000, 128>}, {transform_indices = @transform_1, window_bounds = array<i64: 1000, 1>}, {transform_indices = @transform_2, window_bounds = array<i64: 1000, 128>}, {pipeline_mode = #tpu.pipeline_mode<synchronous>, transform_indices = @transform_3, window_bounds = array<i64: 128, 128>}, {pipeline_mode = #tpu.pipeline_mode<synchronous>, transform_indices = @transform_4, window_bounds = array<i64: 128, 128>}, {pipeline_mode = #tpu.pipeline_mode<synchronous>, transform_indices = @transform_5, window_bounds = array<i64: 1, 128>}, {transform_indices = @transform_6, window_bounds = array<i64: 1000, 128>}, {pipeline_mode = #tpu.pipeline_mode<synchronous>, transform_indices = @transform_7, window_bounds = array<i64: 8, 128>}]} {
    %get3A = arith.constant 0 : index
    %get3A_0 = arith.constant 0 : index
    %get3A_1 = arith.constant 0 : index
    %get3A_2 = vector.load %arg1[%get3A, %get3A_0, %get3A_1] : memref<2x1000x128xf32, #tpu.memory_space<vmem>>, vector<1x1000x128xf32>
    %get3A_3 = vector.shape_cast %get3A_2 : vector<1x1000x128xf32> to vector<1000x128xf32>
    %get3A_4 = arith.constant 1 : index
    %get3A_5 = arith.constant 0 : index
    %get3A_6 = arith.constant 0 : index
    %get3A_7 = vector.load %arg1[%get3A_4, %get3A_5, %get3A_6] : memref<2x1000x128xf32, #tpu.memory_space<vmem>>, vector<1x1000x128xf32>
    %get3A_8 = vector.shape_cast %get3A_7 : vector<1x1000x128xf32> to vector<1000x128xf32>
    %add3A = arith.addf %get3A_3, %get3A_8 : vector<1000x128xf32>
    %get3A_9 = arith.constant 0 : index
    %get3A_10 = arith.constant 0 : index
    %get3A_11 = vector.load %arg2[%get3A_9, %get3A_10] : memref<1000x1xf32, #tpu.memory_space<vmem>>, vector<1000x1xf32>
    %mul3A = vector.broadcast %get3A_11 : vector<1000x1xf32> to vector<1000x128xf32>
    %mul3A_12 = arith.mulf %add3A, %mul3A : vector<1000x128xf32>
    %get3A_13 = arith.constant 0 : index
    %get3A_14 = arith.constant 0 : index
    %get3A_15 = vector.load %arg4[%get3A_13, %get3A_14] : memref<128x128xf32, #tpu.memory_space<vmem>>, vector<128x128xf32>
    %dot_general3A = arith.constant dense<0.000000e+00> : vector<1000x128xf32>
    %dot_general3A_16 = tpu.matmul %mul3A_12, %get3A_15, %dot_general3A {dimension_numbers = #tpu.dot_dimension_numbers<[1], [0], [0], [1], [0, 0, 1, 1], [], []>, precision = #tpu.contract_precision<fp32>, transpose_lhs_hint = false} : vector<1000x128xf32>, vector<128x128xf32>, vector<1000x128xf32> -> vector<1000x128xf32>
    %get3A_17 = arith.constant 0 : index
    %get3A_18 = arith.constant 0 : index
    %get3A_19 = vector.load %arg3[%get3A_17, %get3A_18] : memref<1000x128xf32, #tpu.memory_space<vmem>>, vector<1000x128xf32>
    %get3A_20 = arith.constant 0 : index
    %get3A_21 = arith.constant 0 : index
    %get3A_22 = vector.load %arg5[%get3A_20, %get3A_21] : memref<128x128xf32, #tpu.memory_space<vmem>>, vector<128x128xf32>
    %dot_general3A_23 = arith.constant dense<0.000000e+00> : vector<1000x128xf32>
    %dot_general3A_24 = tpu.matmul %get3A_19, %get3A_22, %dot_general3A_23 {dimension_numbers = #tpu.dot_dimension_numbers<[1], [0], [0], [1], [0, 0, 1, 1], [], []>, precision = #tpu.contract_precision<fp32>, transpose_lhs_hint = false} : vector<1000x128xf32>, vector<128x128xf32>, vector<1000x128xf32> -> vector<1000x128xf32>
    %add3A_25 = arith.addf %dot_general3A_16, %dot_general3A_24 : vector<1000x128xf32>
    %get3A_26 = arith.constant 0 : index
    %get3A_27 = arith.constant 0 : index
    %get3A_28 = vector.load %arg6[%get3A_26, %get3A_27] : memref<1x128xf32, #tpu.memory_space<vmem>>, vector<1x128xf32>
    %add3A_29 = vector.broadcast %get3A_28 : vector<1x128xf32> to vector<1000x128xf32>
    %add3A_30 = arith.addf %add3A_25, %add3A_29 : vector<1000x128xf32>
    %max3A = arith.constant 0.000000e+00 : f32
    %max3A_31 = vector.broadcast %max3A : f32 to vector<1000x128xf32>
    %max3A_32 = arith.maximumf %add3A_30, %max3A_31 : vector<1000x128xf32>
    %swap3A = arith.constant 0 : index
    %swap3A_33 = arith.constant 0 : index
    %swap3A_34 = vector.load %arg7[%swap3A, %swap3A_33] : memref<1000x128xf32, #tpu.memory_space<vmem>>, vector<1000x128xf32>
    tpu.vector_store %arg7[%swap3A, %swap3A_33], %max3A_32 {strides = array<i32>} : memref<1000x128xf32, #tpu.memory_space<vmem>>, vector<1000x128xf32>,
    %reduce_sum3A = arith.constant dense<0.000000e+00> : vector<128xf32>
    %reduce_sum3A_35 = vector.multi_reduction <add>, %max3A_32, %reduce_sum3A [0] : vector<1000x128xf32> to vector<128xf32>
    %broadcast_in_dim3A = vector.shape_cast %reduce_sum3A_35 : vector<128xf32> to vector<1x128xf32>
    %mul3A_36 = arith.mulf %max3A_32, %max3A_32 : vector<1000x128xf32>
    %reduce_sum3A_37 = arith.constant dense<0.000000e+00> : vector<128xf32>
    %reduce_sum3A_38 = vector.multi_reduction <add>, %mul3A_36, %reduce_sum3A_37 [0] : vector<1000x128xf32> to vector<128xf32>
    %broadcast_in_dim3A_39 = vector.shape_cast %reduce_sum3A_38 : vector<128xf32> to vector<1x128xf32>
    %eq3A = arith.constant 0 : i32
    %eq3A_40 = arith.cmpi eq, %arg0, %eq3A : i32
    %convert_element_type3A = arith.extui %eq3A_40 : i1 to i32
    %cond3A = arith.constant 0 : i32
    %cond3A_41 = arith.cmpi ne, %convert_element_type3A, %cond3A : i32
    scf.if %cond3A_41 {
      %swap3A_46 = arith.constant 0 : index
      %swap3A_47 = arith.constant 0 : index
      %swap3A_48 = vector.load %arg8[%swap3A_46, %swap3A_47] : memref<8x128xf32, #tpu.memory_space<vmem>>, vector<1x128xf32>
      tpu.vector_store %arg8[%swap3A_46, %swap3A_47], %broadcast_in_dim3A {strides = array<i32>} : memref<8x128xf32, #tpu.memory_space<vmem>>, vector<1x128xf32>,
      %swap3A_49 = arith.constant 1 : index
      %swap3A_50 = arith.constant 0 : index
      %swap3A_51 = vector.load %arg8[%swap3A_49, %swap3A_50] : memref<8x128xf32, #tpu.memory_space<vmem>>, vector<1x128xf32>
      tpu.vector_store %arg8[%swap3A_49, %swap3A_50], %broadcast_in_dim3A_39 {strides = array<i32>} : memref<8x128xf32, #tpu.memory_space<vmem>>, vector<1x128xf32>,
    } else {
    }
    %gt3A = arith.constant 0 : i32
    %gt3A_42 = arith.cmpi sgt, %arg0, %gt3A : i32
    %convert_element_type3A_43 = arith.extui %gt3A_42 : i1 to i32
    %cond3A_44 = arith.constant 0 : i32
    %cond3A_45 = arith.cmpi ne, %convert_element_type3A_43, %cond3A_44 : i32
    scf.if %cond3A_45 {
      %get3A_46 = arith.constant 0 : index
      %get3A_47 = arith.constant 0 : index
      %get3A_48 = vector.load %arg8[%get3A_46, %get3A_47] : memref<8x128xf32, #tpu.memory_space<vmem>>, vector<1x128xf32>
      %add3A_49 = arith.addf %get3A_48, %broadcast_in_dim3A : vector<1x128xf32>
      %swap3A_50 = arith.constant 0 : index
      %swap3A_51 = arith.constant 0 : index
      %swap3A_52 = vector.load %arg8[%swap3A_50, %swap3A_51] : memref<8x128xf32, #tpu.memory_space<vmem>>, vector<1x128xf32>
      tpu.vector_store %arg8[%swap3A_50, %swap3A_51], %add3A_49 {strides = array<i32>} : memref<8x128xf32, #tpu.memory_space<vmem>>, vector<1x128xf32>,
      %get3A_53 = arith.constant 1 : index
      %get3A_54 = arith.constant 0 : index
      %get3A_55 = vector.load %arg8[%get3A_53, %get3A_54] : memref<8x128xf32, #tpu.memory_space<vmem>>, vector<1x128xf32>
      %add3A_56 = arith.addf %get3A_55, %broadcast_in_dim3A_39 : vector<1x128xf32>
      %swap3A_57 = arith.constant 1 : index
      %swap3A_58 = arith.constant 0 : index
      %swap3A_59 = vector.load %arg8[%swap3A_57, %swap3A_58] : memref<8x128xf32, #tpu.memory_space<vmem>>, vector<1x128xf32>
      tpu.vector_store %arg8[%swap3A_57, %swap3A_58], %add3A_56 {strides = array<i32>} : memref<8x128xf32, #tpu.memory_space<vmem>>, vector<1x128xf32>,
    } else {
    }
    return
  }
  func.func @transform_0(%arg0: i32) -> (i32, i32, i32) {
    %c0_i32 = arith.constant 0 : i32
    %c0_i32_0 = arith.constant 0 : i32
    %c0_i32_1 = arith.constant 0 : i32
    return %c0_i32, %arg0, %c0_i32_0 : i32, i32, i32
  }
  func.func @transform_1(%arg0: i32) -> (i32, i32) {
    %c0_i32 = arith.constant 0 : i32
    %c0_i32_0 = arith.constant 0 : i32
    return %arg0, %c0_i32 : i32, i32
  }
  func.func @transform_2(%arg0: i32) -> (i32, i32) {
    %c0_i32 = arith.constant 0 : i32
    %c0_i32_0 = arith.constant 0 : i32
    return %arg0, %c0_i32 : i32, i32
  }
  func.func @transform_3(%arg0: i32) -> (i32, i32) {
    %c0_i32 = arith.constant 0 : i32
    %c0_i32_0 = arith.constant 0 : i32
    %c0_i32_1 = arith.constant 0 : i32
    return %c0_i32, %c0_i32_0 : i32, i32
  }
  func.func @transform_4(%arg0: i32) -> (i32, i32) {
    %c0_i32 = arith.constant 0 : i32
    %c0_i32_0 = arith.constant 0 : i32
    %c0_i32_1 = arith.constant 0 : i32
    return %c0_i32, %c0_i32_0 : i32, i32
  }
  func.func @transform_5(%arg0: i32) -> (i32, i32) {
    %c0_i32 = arith.constant 0 : i32
    %c0_i32_0 = arith.constant 0 : i32
    %c0_i32_1 = arith.constant 0 : i32
    return %c0_i32, %c0_i32_0 : i32, i32
  }
  func.func @transform_6(%arg0: i32) -> (i32, i32) {
    %c0_i32 = arith.constant 0 : i32
    %c0_i32_0 = arith.constant 0 : i32
    return %arg0, %c0_i32 : i32, i32
  }
  func.func @transform_7(%arg0: i32) -> (i32, i32) {
    %c0_i32 = arith.constant 0 : i32
    %c0_i32_0 = arith.constant 0 : i32
    %c0_i32_1 = arith.constant 0 : i32
    return %c0_i32, %c0_i32_0 : i32, i32
  }
}

module attributes {stable_mosaic.version = 14 : i64} {
  func.func @_tc_bn(%arg0: i32, %arg1: memref<1000x128xf32, #tpu.memory_space<vmem>>, %arg2: memref<8x128xf32, #tpu.memory_space<vmem>>, %arg3: memref<1x128xf32, #tpu.memory_space<vmem>>, %arg4: memref<1x128xf32, #tpu.memory_space<vmem>>, %arg5: memref<1000x128xf32, #tpu.memory_space<vmem>>) attributes {dimension_semantics = [#tpu.dimension_semantics<arbitrary>], iteration_bounds = array<i64: 10>, scalar_prefetch = 0 : i64, scratch_operands = 0 : i64, tpu.core_type = #tpu.core_type<tc>, window_params = [{transform_indices = @transform_0, window_bounds = array<i64: 1000, 128>}, {pipeline_mode = #tpu.pipeline_mode<synchronous>, transform_indices = @transform_1, window_bounds = array<i64: 8, 128>}, {pipeline_mode = #tpu.pipeline_mode<synchronous>, transform_indices = @transform_2, window_bounds = array<i64: 1, 128>}, {pipeline_mode = #tpu.pipeline_mode<synchronous>, transform_indices = @transform_3, window_bounds = array<i64: 1, 128>}, {transform_indices = @transform_4, window_bounds = array<i64: 1000, 128>}]} {
    %get3A = arith.constant 0 : index
    %get3A_0 = arith.constant 0 : index
    %get3A_1 = vector.load %arg2[%get3A, %get3A_0] : memref<8x128xf32, #tpu.memory_space<vmem>>, vector<1x128xf32>
    %mul3A = arith.constant 9.99999974E-5 : f32
    %mul3A_2 = vector.broadcast %mul3A : f32 to vector<1x128xf32>
    %mul3A_3 = arith.mulf %get3A_1, %mul3A_2 : vector<1x128xf32>
    %get3A_4 = arith.constant 1 : index
    %get3A_5 = arith.constant 0 : index
    %get3A_6 = vector.load %arg2[%get3A_4, %get3A_5] : memref<8x128xf32, #tpu.memory_space<vmem>>, vector<1x128xf32>
    %mul3A_7 = arith.constant 9.99999974E-5 : f32
    %mul3A_8 = vector.broadcast %mul3A_7 : f32 to vector<1x128xf32>
    %mul3A_9 = arith.mulf %get3A_6, %mul3A_8 : vector<1x128xf32>
    %mul3A_10 = arith.mulf %mul3A_3, %mul3A_3 : vector<1x128xf32>
    %sub3A = arith.subf %mul3A_9, %mul3A_10 : vector<1x128xf32>
    %get3A_11 = arith.constant 0 : index
    %get3A_12 = arith.constant 0 : index
    %get3A_13 = vector.load %arg1[%get3A_11, %get3A_12] : memref<1000x128xf32, #tpu.memory_space<vmem>>, vector<1000x128xf32>
    %sub3A_14 = vector.broadcast %mul3A_3 : vector<1x128xf32> to vector<1000x128xf32>
    %sub3A_15 = arith.subf %get3A_13, %sub3A_14 : vector<1000x128xf32>
    %add3A = arith.constant 9.99999974E-6 : f32
    %add3A_16 = vector.broadcast %add3A : f32 to vector<1x128xf32>
    %add3A_17 = arith.addf %sub3A, %add3A_16 : vector<1x128xf32>
    %sqrt3A = math.sqrt %add3A_17 : vector<1x128xf32>
    %div3A = vector.broadcast %sqrt3A : vector<1x128xf32> to vector<1000x128xf32>
    %div3A_18 = arith.divf %sub3A_15, %div3A : vector<1000x128xf32>
    %get3A_19 = arith.constant 0 : index
    %get3A_20 = arith.constant 0 : index
    %get3A_21 = vector.load %arg3[%get3A_19, %get3A_20] : memref<1x128xf32, #tpu.memory_space<vmem>>, vector<1x128xf32>
    %mul3A_22 = vector.broadcast %get3A_21 : vector<1x128xf32> to vector<1000x128xf32>
    %mul3A_23 = arith.mulf %div3A_18, %mul3A_22 : vector<1000x128xf32>
    %get3A_24 = arith.constant 0 : index
    %get3A_25 = arith.constant 0 : index
    %get3A_26 = vector.load %arg4[%get3A_24, %get3A_25] : memref<1x128xf32, #tpu.memory_space<vmem>>, vector<1x128xf32>
    %add3A_27 = vector.broadcast %get3A_26 : vector<1x128xf32> to vector<1000x128xf32>
    %add3A_28 = arith.addf %mul3A_23, %add3A_27 : vector<1000x128xf32>
    %swap3A = arith.constant 0 : index
    %swap3A_29 = arith.constant 0 : index
    %swap3A_30 = vector.load %arg5[%swap3A, %swap3A_29] : memref<1000x128xf32, #tpu.memory_space<vmem>>, vector<1000x128xf32>
    tpu.vector_store %arg5[%swap3A, %swap3A_29], %add3A_28 {strides = array<i32>} : memref<1000x128xf32, #tpu.memory_space<vmem>>, vector<1000x128xf32>,
    return
  }
  func.func @transform_0(%arg0: i32) -> (i32, i32) {
    %c0_i32 = arith.constant 0 : i32
    %c0_i32_0 = arith.constant 0 : i32
    return %arg0, %c0_i32 : i32, i32
  }
  func.func @transform_1(%arg0: i32) -> (i32, i32) {
    %c0_i32 = arith.constant 0 : i32
    %c0_i32_0 = arith.constant 0 : i32
    %c0_i32_1 = arith.constant 0 : i32
    return %c0_i32, %c0_i32_0 : i32, i32
  }
  func.func @transform_2(%arg0: i32) -> (i32, i32) {
    %c0_i32 = arith.constant 0 : i32
    %c0_i32_0 = arith.constant 0 : i32
    %c0_i32_1 = arith.constant 0 : i32
    return %c0_i32, %c0_i32_0 : i32, i32
  }
  func.func @transform_3(%arg0: i32) -> (i32, i32) {
    %c0_i32 = arith.constant 0 : i32
    %c0_i32_0 = arith.constant 0 : i32
    %c0_i32_1 = arith.constant 0 : i32
    return %c0_i32, %c0_i32_0 : i32, i32
  }
  func.func @transform_4(%arg0: i32) -> (i32, i32) {
    %c0_i32 = arith.constant 0 : i32
    %c0_i32_0 = arith.constant 0 : i32
    return %arg0, %c0_i32 : i32, i32
  }
}

module attributes {stable_mosaic.version = 14 : i64} {
  func.func @_tc_fin(%arg0: i32, %arg1: memref<2x1000x128xf32, #tpu.memory_space<vmem>>, %arg2: memref<1000x1xf32, #tpu.memory_space<vmem>>, %arg3: memref<1000x128xf32, #tpu.memory_space<vmem>>, %arg4: memref<128x40xf32, #tpu.memory_space<vmem>>, %arg5: memref<128x40xf32, #tpu.memory_space<vmem>>, %arg6: memref<1x40xf32, #tpu.memory_space<vmem>>, %arg7: memref<1000x40xf32, #tpu.memory_space<vmem>>) attributes {dimension_semantics = [#tpu.dimension_semantics<arbitrary>], iteration_bounds = array<i64: 10>, scalar_prefetch = 0 : i64, scratch_operands = 0 : i64, tpu.core_type = #tpu.core_type<tc>, window_params = [{transform_indices = @transform_0, window_bounds = array<i64: 2, 1000, 128>}, {transform_indices = @transform_1, window_bounds = array<i64: 1000, 1>}, {transform_indices = @transform_2, window_bounds = array<i64: 1000, 128>}, {pipeline_mode = #tpu.pipeline_mode<synchronous>, transform_indices = @transform_3, window_bounds = array<i64: 128, 40>}, {pipeline_mode = #tpu.pipeline_mode<synchronous>, transform_indices = @transform_4, window_bounds = array<i64: 128, 40>}, {pipeline_mode = #tpu.pipeline_mode<synchronous>, transform_indices = @transform_5, window_bounds = array<i64: 1, 40>}, {transform_indices = @transform_6, window_bounds = array<i64: 1000, 40>}]} {
    %get3A = arith.constant 0 : index
    %get3A_0 = arith.constant 0 : index
    %get3A_1 = arith.constant 0 : index
    %get3A_2 = vector.load %arg1[%get3A, %get3A_0, %get3A_1] : memref<2x1000x128xf32, #tpu.memory_space<vmem>>, vector<1x1000x128xf32>
    %get3A_3 = vector.shape_cast %get3A_2 : vector<1x1000x128xf32> to vector<1000x128xf32>
    %get3A_4 = arith.constant 1 : index
    %get3A_5 = arith.constant 0 : index
    %get3A_6 = arith.constant 0 : index
    %get3A_7 = vector.load %arg1[%get3A_4, %get3A_5, %get3A_6] : memref<2x1000x128xf32, #tpu.memory_space<vmem>>, vector<1x1000x128xf32>
    %get3A_8 = vector.shape_cast %get3A_7 : vector<1x1000x128xf32> to vector<1000x128xf32>
    %add3A = arith.addf %get3A_3, %get3A_8 : vector<1000x128xf32>
    %get3A_9 = arith.constant 0 : index
    %get3A_10 = arith.constant 0 : index
    %get3A_11 = vector.load %arg2[%get3A_9, %get3A_10] : memref<1000x1xf32, #tpu.memory_space<vmem>>, vector<1000x1xf32>
    %mul3A = vector.broadcast %get3A_11 : vector<1000x1xf32> to vector<1000x128xf32>
    %mul3A_12 = arith.mulf %add3A, %mul3A : vector<1000x128xf32>
    %get3A_13 = arith.constant 0 : index
    %get3A_14 = arith.constant 0 : index
    %get3A_15 = vector.load %arg4[%get3A_13, %get3A_14] : memref<128x40xf32, #tpu.memory_space<vmem>>, vector<128x40xf32>
    %dot_general3A = arith.constant dense<0.000000e+00> : vector<1000x40xf32>
    %dot_general3A_16 = tpu.matmul %mul3A_12, %get3A_15, %dot_general3A {dimension_numbers = #tpu.dot_dimension_numbers<[1], [0], [0], [1], [0, 0, 1, 1], [], []>, precision = #tpu.contract_precision<fp32>, transpose_lhs_hint = false} : vector<1000x128xf32>, vector<128x40xf32>, vector<1000x40xf32> -> vector<1000x40xf32>
    %get3A_17 = arith.constant 0 : index
    %get3A_18 = arith.constant 0 : index
    %get3A_19 = vector.load %arg3[%get3A_17, %get3A_18] : memref<1000x128xf32, #tpu.memory_space<vmem>>, vector<1000x128xf32>
    %get3A_20 = arith.constant 0 : index
    %get3A_21 = arith.constant 0 : index
    %get3A_22 = vector.load %arg5[%get3A_20, %get3A_21] : memref<128x40xf32, #tpu.memory_space<vmem>>, vector<128x40xf32>
    %dot_general3A_23 = arith.constant dense<0.000000e+00> : vector<1000x40xf32>
    %dot_general3A_24 = tpu.matmul %get3A_19, %get3A_22, %dot_general3A_23 {dimension_numbers = #tpu.dot_dimension_numbers<[1], [0], [0], [1], [0, 0, 1, 1], [], []>, precision = #tpu.contract_precision<fp32>, transpose_lhs_hint = false} : vector<1000x128xf32>, vector<128x40xf32>, vector<1000x40xf32> -> vector<1000x40xf32>
    %add3A_25 = arith.addf %dot_general3A_16, %dot_general3A_24 : vector<1000x40xf32>
    %get3A_26 = arith.constant 0 : index
    %get3A_27 = arith.constant 0 : index
    %get3A_28 = vector.load %arg6[%get3A_26, %get3A_27] : memref<1x40xf32, #tpu.memory_space<vmem>>, vector<1x40xf32>
    %add3A_29 = vector.broadcast %get3A_28 : vector<1x40xf32> to vector<1000x40xf32>
    %add3A_30 = arith.addf %add3A_25, %add3A_29 : vector<1000x40xf32>
    %reduce_max3A = arith.constant dense<0xFF800000> : vector<1000xf32>
    %reduce_max3A_31 = vector.multi_reduction <maximumf>, %add3A_30, %reduce_max3A [1] : vector<1000x40xf32> to vector<1000xf32>
    %broadcast_in_dim3A = vector.shape_cast %reduce_max3A_31 : vector<1000xf32> to vector<1000x1xf32>
    %sub3A = vector.broadcast %broadcast_in_dim3A : vector<1000x1xf32> to vector<1000x40xf32>
    %sub3A_32 = arith.subf %add3A_30, %sub3A : vector<1000x40xf32>
    %exp3A = math.exp %sub3A_32 : vector<1000x40xf32>
    %reduce_sum3A = arith.constant dense<0.000000e+00> : vector<1000xf32>
    %reduce_sum3A_33 = vector.multi_reduction <add>, %exp3A, %reduce_sum3A [1] : vector<1000x40xf32> to vector<1000xf32>
    %broadcast_in_dim3A_34 = vector.shape_cast %reduce_sum3A_33 : vector<1000xf32> to vector<1000x1xf32>
    %log3A = math.log %broadcast_in_dim3A_34 : vector<1000x1xf32>
    %sub3A_35 = vector.broadcast %log3A : vector<1000x1xf32> to vector<1000x40xf32>
    %sub3A_36 = arith.subf %sub3A_32, %sub3A_35 : vector<1000x40xf32>
    %swap3A = arith.constant 0 : index
    %swap3A_37 = arith.constant 0 : index
    %swap3A_38 = vector.load %arg7[%swap3A, %swap3A_37] : memref<1000x40xf32, #tpu.memory_space<vmem>>, vector<1000x40xf32>
    tpu.vector_store %arg7[%swap3A, %swap3A_37], %sub3A_36 {strides = array<i32>} : memref<1000x40xf32, #tpu.memory_space<vmem>>, vector<1000x40xf32>,
    return
  }
  func.func @transform_0(%arg0: i32) -> (i32, i32, i32) {
    %c0_i32 = arith.constant 0 : i32
    %c0_i32_0 = arith.constant 0 : i32
    %c0_i32_1 = arith.constant 0 : i32
    return %c0_i32, %arg0, %c0_i32_0 : i32, i32, i32
  }
  func.func @transform_1(%arg0: i32) -> (i32, i32) {
    %c0_i32 = arith.constant 0 : i32
    %c0_i32_0 = arith.constant 0 : i32
    return %arg0, %c0_i32 : i32, i32
  }
  func.func @transform_2(%arg0: i32) -> (i32, i32) {
    %c0_i32 = arith.constant 0 : i32
    %c0_i32_0 = arith.constant 0 : i32
    return %arg0, %c0_i32 : i32, i32
  }
  func.func @transform_3(%arg0: i32) -> (i32, i32) {
    %c0_i32 = arith.constant 0 : i32
    %c0_i32_0 = arith.constant 0 : i32
    %c0_i32_1 = arith.constant 0 : i32
    return %c0_i32, %c0_i32_0 : i32, i32
  }
  func.func @transform_4(%arg0: i32) -> (i32, i32) {
    %c0_i32 = arith.constant 0 : i32
    %c0_i32_0 = arith.constant 0 : i32
    %c0_i32_1 = arith.constant 0 : i32
    return %c0_i32, %c0_i32_0 : i32, i32
  }
  func.func @transform_5(%arg0: i32) -> (i32, i32) {
    %c0_i32 = arith.constant 0 : i32
    %c0_i32_0 = arith.constant 0 : i32
    %c0_i32_1 = arith.constant 0 : i32
    return %c0_i32, %c0_i32_0 : i32, i32
  }
  func.func @transform_6(%arg0: i32) -> (i32, i32) {
    %c0_i32 = arith.constant 0 : i32
    %c0_i32_0 = arith.constant 0 : i32
    return %arg0, %c0_i32 : i32, i32
  }
}

</mosaic_0001>

<sc_bundles>
// kernel: kernel.18.cloned.1.call-start
scs
__scs_entry_jumppad:
0x0: {  	(pc) =	sbr.rel $0x88, $3  }
0x1: {  	(tag) =	ssettag $0x0;
	lr =	simm.s32 $0x1  }
0x2: {  	[smem:$0x3F87] =	sst lr;
	_ =	strace $0xD0000000  }
0x3: {  	_ = 	snop  }
0x4: {  	_ = 	snop  }
0x5: {  	_ = 	snop  }
0x6: {  	_ = 	snop  }
0x7: {  	_ = 	snop  }
__scs_overlays_trampoline_lowered:
0x8: {  	[smem:$0x3F96] =	sst s0  }
0x9: {  	[smem:$0x3F97] =	sst s1  }
0xa: {  	[smem:$0x3F98] =	sst s2  }
0xb: {  	[smem:$0x3F99] =	sst s3  }
0xc: {  	[smem:$0x3F9A] =	sst s4  }
0xd: {  	[smem:$0x3F9B] =	sst s5  }
0xe: {  	[smem:$0x3F9C] =	sst s6  }
0xf: {  	[smem:$0x3F9D] =	sst s7  }
0x10: {  	[smem:$0x3F9E] =	sst s8  }
0x11: {  	[smem:$0x3F9F] =	sst s9;
	s0 =	simm.s32 @!p0 $0x0  }
0x12: {  	s1 =	sld [smem:$0x3F85];
	s0 =	simm.s32 @p0 $0x1  }
0x13: {  	[smem:$0x3FA0] =	sst s0;
	s0 =	simm.s32 @!p1 $0x0  }
0x14: {  	s2 =	sld [smem:$0x3F84];
	s0 =	simm.s32 @p1 $0x1  }
0x15: {  	[smem:$0x3FA1] =	sst s0;
	s0 =	simm.s32 @!p2 $0x0  }
0x16: {  	s3 =	sld [smem:$0x3FDB];
	s0 =	simm.s32 @p2 $0x1  }
0x17: {  	s4 =	simm.s32 $0x1BF5;
	[smem:$0x3FA3] =	sst s0  }
0x18: {  	s0 =	sld [smem:$0x3F86];
	_ =	swait.ge [sflag:s4], $0x0  }
0x19: {  	s7 =	sld [smem:$0x3F87]  }
0x1a: {  	s8 =	sadd.s32 $0xFFFFE003, lr  }
0x1b: {  	s9 =	sadd.s32 $0xFFFFFEF7, lr;
	s5 =	simm.s32 $0xFFFFFFFF;
	p2 =	slt.u32 s8, $0xFFFFF086  }
0x1c: {  	p1 =	slt.u32 s9, $0xF7A;
	s5 =	simm.s32 @!p2 $0x0  }
0x1d: {  	s5 =	simm.s32 @p1 $0x1;
	p0 =	seq.s32 s7, s2  }
0x1e: {  	s7 =	smul.u32 @!p0 $0xF7A, s2;
	p2 =	seq.s32 @!p0 s5, $0x0  }
0x1f: {  	s9 =	smul.u32 $0xF7A, s1;
	s8 =	simm.s32 @!p0 $0x1BF5;
	p2 =	por !p2, p0  }
0x20: {  	[sflag:s8] =	ssyncset.s32 @!p0 $0xFFFFF086;
	s6 =	sadd.s32 @!p0 s3, s7;
	s7 =	simm.s32 @!p0 $0x108  }
0x21: {  	s3 =	sadd.s32 s3, s9;
	s6 =	sadd.s32 @!p0 $0x88, s6;
	s7 =	simm.s32 @p2 $0x1082  }
0x22: {  	[simem:s7], [sflag:s8] =	dma.local @!p0 [hbm:s6], $0xF7A  }
0x23: {  	s9 =	sor.u32 $0xD0000000, s2;
	s6 =	simm.s32 $0x108;
	_ =	swait.ge @!p0 [sflag:s8], $0x0  }
0x24: {  	s3 =	sadd.s32 $0x88, s3;
	s6 =	simm.s32 @!p1 $0x1082;
	[sflag:s4] =	ssyncset.s32 $0xFFFFF086  }
0x25: {  	[simem:s6], [sflag:s4] =	dma.local [hbm:s3], $0xF7A  }
0x26: {  	[smem:$0x3F87] =	sst s1;
	(tag) =	ssettag s2;
	_ =	strace s9  }
0x27: {  	s1 =	sld [smem:$0x3F97]  }
0x28: {  	s2 =	sld [smem:$0x3F98]  }
0x29: {  	s4 =	sld [smem:$0x3F9A]  }
0x2a: {  	p0 =	seq.s32 s5, $0x0;
	s5 =	sld [smem:$0x3F9B]  }
0x2b: {  	s6 =	sld [smem:$0x3F9C]  }
0x2c: {  	s7 =	sld [smem:$0x3F9D]  }
0x2d: {  	s3 =	simm.s32 $0x108;
	s8 =	sld [smem:$0x3F9E]  }
0x2e: {  	s3 =	simm.s32 @!p0 $0x1082;
	s9 =	sld [smem:$0x3F9F]  }
0x2f: {  	lr =	sadd.s32 s0, s3;
	s0 =	sld [smem:$0x3F96]  }
0x30: {  	s3 =	sld [smem:$0x3F99]  }
0x31: {  	[smem:$0x3FA2] =	sst s10  }
0x32: {  	s10 =	sld [smem:$0x3FA0];
	_ =	sdelay $0x3  }
0x33: {  	p0 =	seq.s32 s10, $0x1;
	s10 =	sld [smem:$0x3FA2];
	_ =	sdelay $0x3  }
0x34: {  	[smem:$0x3FA2] =	sst s10  }
0x35: {  	s10 =	sld [smem:$0x3FA1];
	_ =	sdelay $0x3  }
0x36: {  	p1 =	seq.s32 s10, $0x1;
	s10 =	sld [smem:$0x3FA2];
	_ =	sdelay $0x3  }
0x37: {  	[smem:$0x3FA2] =	sst s10  }
0x38: {  	s10 =	sld [smem:$0x3FA3]  }
0x39: {  	_ = 	snop;
	(pc) =	sbr.ind lr, $3  }
0x3a: {  	_ = 	snop  }
0x3b: {  	_ = 	snop  }
0x3c: {  	p2 =	seq.s32 s10, $0x1;
	s10 =	sld [smem:$0x3FA2]  }
0x3d: {  	_ =	shalt  }
0x3e: {  	_ =	shalt  }
0x3f: {  	_ =	shalt  }
0x40: {  	_ =	shalt  }
0x41: {  	_ =	shalt  }
0x42: {  	_ =	shalt  }
0x43: {  	_ =	shalt  }
0x44: {  	_ =	shalt  }
0x45: {  	_ =	shalt  }
0x46: {  	_ =	shalt  }
0x47: {  	_ =	shalt  }
0x48: {  	_ =	shalt  }
0x49: {  	_ =	shalt  }
0x4a: {  	_ =	shalt  }
0x4b: {  	_ =	shalt  }
0x4c: {  	_ =	shalt  }
0x4d: {  	_ =	shalt  }
0x4e: {  	_ =	shalt  }
0x4f: {  	_ =	shalt  }
0x50: {  	_ =	shalt  }
0x51: {  	_ =	shalt  }
0x52: {  	_ =	shalt  }
0x53: {  	_ =	shalt  }
0x54: {  	_ =	shalt  }
0x55: {  	_ =	shalt  }
0x56: {  	_ =	shalt  }
0x57: {  	_ =	shalt  }
0x58: {  	_ =	shalt  }
0x59: {  	_ =	shalt  }
0x5a: {  	_ =	shalt  }
0x5b: {  	_ =	shalt  }
0x5c: {  	_ =	shalt  }
0x5d: {  	_ =	shalt  }
0x5e: {  	_ =	shalt  }
0x5f: {  	_ =	shalt  }
0x60: {  	_ =	shalt  }
0x61: {  	_ =	shalt  }
0x62: {  	_ =	shalt  }
0x63: {  	_ =	shalt  }
0x64: {  	_ =	shalt  }
0x65: {  	_ =	shalt  }
0x66: {  	_ =	shalt  }
0x67: {  	_ =	shalt  }
0x68: {  	_ =	shalt  }
0x69: {  	_ =	shalt  }
0x6a: {  	_ =	shalt  }
0x6b: {  	_ =	shalt  }
0x6c: {  	_ =	shalt  }
0x6d: {  	_ =	shalt  }
0x6e: {  	_ =	shalt  }
0x6f: {  	_ =	shalt  }
0x70: {  	_ =	shalt  }
0x71: {  	_ =	shalt  }
0x72: {  	_ =	shalt  }
0x73: {  	_ =	shalt  }
0x74: {  	_ =	shalt  }
0x75: {  	_ =	shalt  }
0x76: {  	_ =	shalt  }
0x77: {  	_ =	shalt  }
0x78: {  	_ =	shalt  }
0x79: {  	_ =	shalt  }
0x7a: {  	_ =	shalt  }
0x7b: {  	_ =	shalt  }
0x7c: {  	_ =	shalt  }
0x7d: {  	_ =	shalt  }
0x7e: {  	_ =	shalt  }
0x7f: {  	_ =	shalt  }
0x80: {  	_ =	shalt  }
0x81: {  	_ =	shalt  }
0x82: {  	_ =	shalt  }
0x83: {  	_ =	shalt  }
0x84: {  	_ =	shalt  }
0x85: {  	_ =	shalt  }
0x86: {  	_ =	shalt  }
0x87: {  	_ =	shalt  }
.Lfunc_end0:
.L_simem_size_0:
called_computation_lowered:
.L_overlay_start_0:
0x88: {  	s2 =	sld [smem:$0x3FD9]  }
0x89: {  	s3 =	sld [smem:$0x3FFE];
	_ =	sdelay $0x1  }
0x8a: {  	s1 =	srdreg.scid  }
0x8b: {  	s0 =	sand.u32 $0x1, s1  }
0x8c: {  	s17 =	sshll.u32 s0, $0xA;
	s2 =	sadd.s32 s3, s2  }
0x8d: {  	s2 =	sadd.s32 s2, s17  }
0x8e: {  	[smem:$0x3FAE] =	sst s2  }
0x8f: {  	_ = 	snop  }
0x90: {  	s2 =	sld [smem:$0x3FD0];
	(tm) =	ssettm $0x1  }
0x91: {  	s18 =	sld [smem:$0x3FFB];
	_ =	sdelay $0x3  }
0x92: {  	_ =	strace s18  }
0x93: {  	s3 =	sld [smem:$0x3FFC];
	_ =	sdelay $0x3  }
0x94: {  	_ =	strace s3  }
0x95: {  	s3 =	sld [smem:$0x3FFD];
	_ =	sdelay $0x3  }
0x96: {  	_ =	strace s3  }
0x97: {  	_ =	strace $0x8FFFFFFF  }
0x98: {  	s19 =	sld [smem:$0x3FDB];
	_ =	sdelay $0x1  }
0x99: {  	s4 =	simm.s32 $_scs_section_size  }
0x9a: {  	s5 =	simm.s32 $_size__tile_overlayer_lowered;
	s6 =	simm.s32 $_tile_overlayer_lowered  }
0x9b: {  	s22 =	simm.s32 $0x1BFF;
	s21 =	sshll.u32 s6, $0x1;
	s3 =	sadd.s32 s4, s19  }
0x9c: {  	s7 =	simm.s32 $0x0;
	s20 =	sshll.u32 s5, $0x1;
	s5 =	sadd.s32 s21, s3  }
0x9d: {  	[timem:s7], [sflag:s22] =	dma.local [hbm:s5], s20  }
0x9e: {  	_ =	swait.ge [sflag:s22], s20  }
0x9f: {  	s4 =	ssub.s32 $0x0, s20;
	[sflag:s22] =	ssyncset.done $0x0  }
0xa0: {  	[sflag:s22] =	ssyncadd.s32 s4;
	_ =	sdelay $0x1  }
0xa1: {  	s23 =	simm.s32 $0x1B8B  }
0xa2: {  	_ =	swait.ge [sflag:s23], $0x1  }
0xa3: {  	[sflag:s23] =	ssyncset.done $0x0  }
0xa4: {  	s25 =	simm.s32 $0x1B8E;
	s24 =	sld [smem:$0x3FFE];
	[sflag:s23] =	ssyncadd.s32 $0xFFFFFFFF  }
0xa5: {  	s26 =	simm.s32 $execute0_lowered;
	[smem:$0x3FD2] =	sst s25  }
0xa6: {  	s5 =	sshll.u32 s26, $0x1;
	_ =	strace $0x80000046;
	[dreg:$0x1] =	wrdreg $0xFFFFFFFF  }
0xa7: {  	s28 =	simm.s32 $_size_execute0_lowered;
	s3 =	sadd.s32 s3, s5;
	[dreg:$0x0] =	wrdreg $0x0  }
0xa8: {  	s5 =	sshll.u32 s28, $0x1;
	[dreg:$0x2] =	wrdreg s3  }
0xa9: {  	[dreg:$0x3] =	wrdreg s5  }
0xaa: {  	[dreg:$0x4] =	wrdreg $0xC0  }
0xab: {  	_ =	task [dreg:s7], $0x5FFFF  }
0xac: {  	[dreg:$0x1] =	wrdreg $0xFFFFFFFF  }
0xad: {  	[dreg:$0x0] =	wrdreg $0x60  }
0xae: {  	[dreg:$0x2] =	wrdreg s2  }
0xaf: {  	[dreg:$0x3] =	wrdreg s24  }
0xb0: {  	[dreg:$0x4] =	wrdreg $0x28800  }
0xb1: {  	[dreg:$0x5] =	wrdreg $0x9  }
0xb2: {  	_ =	task.clear_ibuf [dreg:s7], $0x6FFFF;
	_ =	strace $0x90000046  }
0xb3: {  	s29 =	simm.s32 $0x9;
	_ =	strace $0x80000048  }
0xb4: {  	_ =	swait.ge [sflag:s29], $0x1  }
0xb5: {  	[sflag:s29] =	ssyncadd.s32 $0xFFFFFFFF  }
0xb6: {  	_ =	strace $0x90000048  }
0xb7: {  	_ =	sfence  }
0xb8: {  	s30 =	sld [smem:$0x0];
	_ =	sdelay $0x2  }
0xb9: {  	s31 =	sshll.u32 s1, $0xD;
	s1 =	sshrl.u32 s1, $0x2  }
0xba: {  	s3 =	sand.u32 $0x4000, s31;
	s1 =	sadd.s32 s1, s30  }
0xbb: {  	s0 =	sor.u32 s3, s0;
	s1 =	sshll.u32 s1, $0x11  }
0xbc: {  	s0 =	sor.u32 s1, s0  }
0xbd: {  	s0 =	sadd.s32 $0x8F2B, s0  }
0xbe: {  	[sflag:s0] =	ssyncadd.remote.s32 $0x1  }
0xbf: {  	_ =	sfence.sel $0xFFFF  }
0xc0: {  	[dreg:$0x0] =	wrdreg $0xFFFFFFFF;
	(pc) =	sbr.abs _section_cstart, $3  }
0xc1: {  	[dreg:$0x1] =	wrdreg $0xFFFFFFFF  }
0xc2: {  	_ =	task.clear_ibuf [dreg:s7], $0x2FFFF;
	_ =	strace $0x9FFFFFFF  }
0xc3: {  	(tm) =	ssettm $0x7FFFFFFF  }
tec
execute0_lowered:
.L_overlay_start_1:
0x0: {  	(tag) =	ssettag $0x1  }
0x1: {  	s9 =	rddreg [dreg:$0x0]  }
0x2: {  	s6 =	rddreg [dreg:$0x1]  }
0x3: {  	s1 =	rddreg [dreg:$0x2]  }
0x4: {  	s0 =	rddreg [dreg:$0x3];
	s3 =	simm.s32 $0x0;
	s5 =	srdreg.scid  }
0x5: {  	s2 =	stileid.u32;
	s16 =	simm.s32 $0x0;
	[smem:$0x7FF] =	sst s3  }
0x6: {  	s4 =	sadd.s32 $0x8400, s6;
	s7 =	sand.u32 $0x1, s5;
	s8 =	smul.u32 $0x4F000, s2  }
0x7: {  	s5 =	sadd.s32 $0x5C00, s6;
	s6 =	sadd.s32 $0x8A00, s6;
	s29 =	smul.u32 $0x2780, s2  }
0x8: {  	s30 =	smul.u32 $0x2710, s2;
	s13 =	sadd.s32 $0x128400, s1;
	p0 =	seq.s32 s2, $0xF  }
0x9: {  	_ =	strace $0x80000047;
	s10 =	ssub.s32 $0x2, s7;
	s11 =	smul.u32 $0x27100, s7  }
0xa: {  	s7 =	smul.u32 $0x138800, s7;
	s12 =	sshrl.u32 s10, $0x1;
	s8 =	sshrl.u32 s8, $0x2  }
0xb: {  	s15 =	sshll.u32 @!p0 s2, $0x6;
	s10 =	ssub.s32 s10, s12;
	s14 =	sadd.s32 s8, s1  }
0xc: {  	s7 =	sshrl.u32 s7, $0x3;
	s12 =	sadd.s32 s29, s11;
	s11 =	sadd.s32 s30, s11  }
0xd: {  	s7 =	sadd.s32 s6, s7;
	s6 =	sadd.s32 s6, s12;
	s8 =	smax.u32 s10, $0x1  }
0xe: {  	s31 =	sshrl.u32 s11, $0x3;
	s10 =	simm.s32 $0x80;
	s11 =	simm.s32 $0x1  }
0xf: {  	s12 =	sshrl.u32 @p0 s13, $0x3;
	s13 =	sor.u32 @!p0 $0x1C01, s15;
	s14 =	sshrl.u32 @!p0 s14, $0x3  }
0x10: {  	s15 =	simm.s32 $0x50;
	s7 =	sadd.s32 $0x25080, s7;
	s9 =	sadd.s32 s31, s9  }
.LBB2_1:
0x11: {  	[tilespmem:s10], [sflag:$0x1] =	stream.linear.gather [hbm4b:s4+s3], $0x2800, $0x38;
	[tilespmem:$0x16100] =	vst v63  }
0x12: {  	_ =	swait.ge [sflag:s11], $0x2800  }
0x13: {  	[sflag:s11] =	ssyncset.done $0x0  }
0x14: {  	s17 =	simm.s32 @p0 $0x1FC1;
	[sflag:s11] =	ssyncadd.s32 $0xFFFFD800  }
0x15: {  	[spmem:s12], [sflag:s17] =	dma.local @p0 [hbm:s5], $0x2080  }
0x16: {  	s17 =	simm.s32 @p0 $0x1  }
0x17: {  	_ =	swait.ge @p0 [sflag:s17], $0x2080  }
0x18: {  	[sflag:s17] =	ssyncset.done @p0 $0x0  }
0x19: {  	[sflag:s17] =	ssyncadd.s32 @p0 $0xFFFFDF80;
	s17 =	simm.s32 @!p0 $0x1  }
0x1a: {  	[spmem:s14], [sflag:s13] =	dma.local @!p0 [hbm:s5], $0x2780  }
0x1b: {  	_ =	swait.ge @!p0 [sflag:s17], $0x2780  }
0x1c: {  	[sflag:s17] =	ssyncset.done @!p0 $0x0  }
0x1d: {  	[sflag:s17] =	ssyncadd.s32 @!p0 $0xFFFFD880  }
0x1e: {  	s31 =	sadd.s32 $0x0, s9;
	[bflag:$0x0] =	sbarrier.arrive $0xFFFF  }
0x1f: {  	[tilespmem:s3], [sflag:$0x1] =	stream.linear.gather [hbm4b:s31+s3], $0x50, $0x38;
	[tilespmem:$0x16100] =	vst v63  }
0x20: {  	_ =	swait.ge [sflag:s11], $0x50  }
0x21: {  	[sflag:s11] =	ssyncset.done $0x0  }
0x22: {  	[sflag:s11] =	ssyncadd.s32 $0xFFFFFFB0  }
0x23: {  	[spmem:s1] =	stream.indirect.scatter.add.f32 [tilespmem:s10], [sflag:$0x1], $0x80, s3, s15, $0xb8;
	[tilespmem:$0x16100] =	vst v63  }
0x24: {  	_ =	swait.ge [sflag:s11], $0x2800  }
0x25: {  	s18 =	simm.s32 $0x14;
	s17 =	simm.s32 $0xA;
	[sflag:s11] =	ssyncset.done $0x0  }
.LBB2_2:
0x26: {  	s19 =	sadd.s32 s17, s9  }
0x27: {  	[sflag:s11] =	ssyncadd.s32 $0xFFFFD800;
	s17 =	smov.u32 s18;
	s20 =	sadd.s32 $0xA, s18  }
0x28: {  	[tilespmem:s3], [sflag:$0x1] =	stream.linear.gather [hbm4b:s19+s3], $0x50, $0x38;
	[tilespmem:$0x16100] =	vst v63  }
0x29: {  	p1 =	sne.s32 s18, $0x4D8;
	_ =	swait.ge [sflag:s11], $0x50  }
.Ltmp0:
0x2a: {  	[sflag:s11] =	ssyncset.done $0x0;
	(pc) =	sbr.rel @p1 .LBB2_2-.Ltmp0, $4  }
0x2b: {  	[sflag:s11] =	ssyncadd.s32 $0xFFFFFFB0  }
0x2c: {  	[spmem:s1] =	stream.indirect.scatter.add.f32 [tilespmem:s10], [sflag:$0x1], $0x80, s3, s15, $0xb8;
	[tilespmem:$0x16100] =	vst v63  }
0x2d: {  	_ =	swait.ge [sflag:s11], $0x2800  }
0x2e: {  	s18 =	smov.u32 s20;
	[sflag:s11] =	ssyncset.done $0x0  }
0x2f: {  	s17 =	sadd.s32 s17, s9;
	[sflag:s11] =	ssyncadd.s32 $0xFFFFD800  }
0x30: {  	[tilespmem:s3], [sflag:$0x1] =	stream.linear.gather [hbm4b:s17+s3], $0x50, $0x38;
	[tilespmem:$0x16100] =	vst v63  }
0x31: {  	_ =	swait.ge [sflag:s11], $0x50  }
0x32: {  	[sflag:s11] =	ssyncset.done $0x0  }
0x33: {  	[sflag:s11] =	ssyncadd.s32 $0xFFFFFFB0  }
0x34: {  	[spmem:s1] =	stream.indirect.scatter.add.f32 [tilespmem:s10], [sflag:$0x1], $0x80, s3, s15, $0xb8;
	[tilespmem:$0x16100] =	vst v63  }
0x35: {  	_ =	swait.ge [sflag:s11], $0x2800  }
0x36: {  	[sflag:s11] =	ssyncset.done $0x0  }
0x37: {  	[sflag:s11] =	ssyncadd.s32 $0xFFFFD800  }
0x38: {  	s17 =	simm.s32 @p0 $0x1FC1;
	[bflag:$0x0] =	sbarrier.arrive $0xFFFF  }
0x39: {  	[hbm:s7], [sflag:s17] =	dma.local @p0 [spmem:s12], $0x2080  }
0x3a: {  	s17 =	simm.s32 @p0 $0x1  }
0x3b: {  	s16 =	sadd.s32 $0x1, s16;
	_ =	swait.ge @p0 [sflag:s17], $0x2080  }
0x3c: {  	p1 =	sne.s32 s16, s8;
	[sflag:s17] =	ssyncset.done @p0 $0x0  }
.Ltmp1:
0x3d: {  	[sflag:s17] =	ssyncadd.s32 @p0 $0xFFFFDF80;
	s17 =	simm.s32 @!p0 $0x1;
	(pc) =	sbr.rel @p1 .LBB2_1-.Ltmp1, $4  }
0x3e: {  	[hbm:s6], [sflag:s13] =	dma.local @!p0 [spmem:s14], $0x2780  }
0x3f: {  	_ =	swait.ge @!p0 [sflag:s17], $0x2780  }
0x40: {  	[sflag:s17] =	ssyncset.done @!p0 $0x0  }
0x41: {  	[sflag:s17] =	ssyncadd.s32 @!p0 $0xFFFFD880  }
0x42: {  	_ =	sfence.sel $0x180000  }
0x43: {  	[bflag:$0x0] =	sbarrier.arrive $0xFFFF  }
0x44: {  	p0 =	sne.s32 s2, $0x0;
	_ =	strace $0x90000047  }
0x45: {  	s0 =	sadd.s32 @!p0 $0x100000, s0;
	[bflag:$0x2] =	sbarrier.arrive $0xFFFF  }
0x46: {  	[sflag:s0] =	ssyncadd.tile.s32 @!p0 $0x1;
	_ =	shalt  }
.Lfunc_end2:
_tile_overlayer_lowered:
.L_overlay_start_2:
0x47: {  	(tag) =	ssettag $0x2  }
0x48: {  	s0 =	rddreg [dreg:$0x0];
	s2 =	stileid.u32  }
0x49: {  	s1 =	rddreg [dreg:$0x1];
	p0 =	sne.s32 s2, $0x0  }
0x4a: {  	s3 =	rddreg [dreg:$0x2];
	[bflag:$0x3] =	sbarrier.arrive $0xFFFF;
	s2 =	simm.s32 @!p0 $0x1C01  }
0x4b: {  	[timem:s3], [sflag:s2] =	dma.local @!p0 [hbm:s0], s1  }
0x4c: {  	s0 =	simm.s32 @!p0 $0x1  }
0x4d: {  	_ =	swait.ge @!p0 [sflag:s0], s1  }
0x4e: {  	s1 =	ssub.s32 @!p0 $0x0, s1;
	[sflag:s0] =	ssyncset.done @!p0 $0x0  }
0x4f: {  	[sflag:s0] =	ssyncadd.s32 @!p0 s1  }
0x50: {  	[bflag:$0x3] =	sbarrier.arrive $0xFFFF  }
0x51: {  	_ =	shalt  }

// kernel: kernel.21.cloned.1.call-start
scs
__scs_entry_jumppad:
0x0: {  	(pc) =	sbr.rel $0x88, $3  }
0x1: {  	(tag) =	ssettag $0x0;
	lr =	simm.s32 $0x1  }
0x2: {  	[smem:$0x3F87] =	sst lr;
	_ =	strace $0xD0000000  }
0x3: {  	_ = 	snop  }
0x4: {  	_ = 	snop  }
0x5: {  	_ = 	snop  }
0x6: {  	_ = 	snop  }
0x7: {  	_ = 	snop  }
__scs_overlays_trampoline_lowered:
0x8: {  	[smem:$0x3F96] =	sst s0  }
0x9: {  	[smem:$0x3F97] =	sst s1  }
0xa: {  	[smem:$0x3F98] =	sst s2  }
0xb: {  	[smem:$0x3F99] =	sst s3  }
0xc: {  	[smem:$0x3F9A] =	sst s4  }
0xd: {  	[smem:$0x3F9B] =	sst s5  }
0xe: {  	[smem:$0x3F9C] =	sst s6  }
0xf: {  	[smem:$0x3F9D] =	sst s7  }
0x10: {  	[smem:$0x3F9E] =	sst s8  }
0x11: {  	[smem:$0x3F9F] =	sst s9;
	s0 =	simm.s32 @!p0 $0x0  }
0x12: {  	s1 =	sld [smem:$0x3F85];
	s0 =	simm.s32 @p0 $0x1  }
0x13: {  	[smem:$0x3FA0] =	sst s0;
	s0 =	simm.s32 @!p1 $0x0  }
0x14: {  	s2 =	sld [smem:$0x3F84];
	s0 =	simm.s32 @p1 $0x1  }
0x15: {  	[smem:$0x3FA1] =	sst s0;
	s0 =	simm.s32 @!p2 $0x0  }
0x16: {  	s3 =	sld [smem:$0x3FDB];
	s0 =	simm.s32 @p2 $0x1  }
0x17: {  	s4 =	simm.s32 $0x1BF5;
	[smem:$0x3FA3] =	sst s0  }
0x18: {  	s0 =	sld [smem:$0x3F86];
	_ =	swait.ge [sflag:s4], $0x0  }
0x19: {  	s7 =	sld [smem:$0x3F87]  }
0x1a: {  	s8 =	sadd.s32 $0xFFFFE003, lr  }
0x1b: {  	s9 =	sadd.s32 $0xFFFFFEF7, lr;
	s5 =	simm.s32 $0xFFFFFFFF;
	p2 =	slt.u32 s8, $0xFFFFF086  }
0x1c: {  	p1 =	slt.u32 s9, $0xF7A;
	s5 =	simm.s32 @!p2 $0x0  }
0x1d: {  	s5 =	simm.s32 @p1 $0x1;
	p0 =	seq.s32 s7, s2  }
0x1e: {  	s7 =	smul.u32 @!p0 $0xF7A, s2;
	p2 =	seq.s32 @!p0 s5, $0x0  }
0x1f: {  	s9 =	smul.u32 $0xF7A, s1;
	s8 =	simm.s32 @!p0 $0x1BF5;
	p2 =	por !p2, p0  }
0x20: {  	[sflag:s8] =	ssyncset.s32 @!p0 $0xFFFFF086;
	s6 =	sadd.s32 @!p0 s3, s7;
	s7 =	simm.s32 @!p0 $0x108  }
0x21: {  	s3 =	sadd.s32 s3, s9;
	s6 =	sadd.s32 @!p0 $0x88, s6;
	s7 =	simm.s32 @p2 $0x1082  }
0x22: {  	[simem:s7], [sflag:s8] =	dma.local @!p0 [hbm:s6], $0xF7A  }
0x23: {  	s9 =	sor.u32 $0xD0000000, s2;
	s6 =	simm.s32 $0x108;
	_ =	swait.ge @!p0 [sflag:s8], $0x0  }
0x24: {  	s3 =	sadd.s32 $0x88, s3;
	s6 =	simm.s32 @!p1 $0x1082;
	[sflag:s4] =	ssyncset.s32 $0xFFFFF086  }
0x25: {  	[simem:s6], [sflag:s4] =	dma.local [hbm:s3], $0xF7A  }
0x26: {  	[smem:$0x3F87] =	sst s1;
	(tag) =	ssettag s2;
	_ =	strace s9  }
0x27: {  	s1 =	sld [smem:$0x3F97]  }
0x28: {  	s2 =	sld [smem:$0x3F98]  }
0x29: {  	s4 =	sld [smem:$0x3F9A]  }
0x2a: {  	p0 =	seq.s32 s5, $0x0;
	s5 =	sld [smem:$0x3F9B]  }
0x2b: {  	s6 =	sld [smem:$0x3F9C]  }
0x2c: {  	s7 =	sld [smem:$0x3F9D]  }
0x2d: {  	s3 =	simm.s32 $0x108;
	s8 =	sld [smem:$0x3F9E]  }
0x2e: {  	s3 =	simm.s32 @!p0 $0x1082;
	s9 =	sld [smem:$0x3F9F]  }
0x2f: {  	lr =	sadd.s32 s0, s3;
	s0 =	sld [smem:$0x3F96]  }
0x30: {  	s3 =	sld [smem:$0x3F99]  }
0x31: {  	[smem:$0x3FA2] =	sst s10  }
0x32: {  	s10 =	sld [smem:$0x3FA0];
	_ =	sdelay $0x3  }
0x33: {  	p0 =	seq.s32 s10, $0x1;
	s10 =	sld [smem:$0x3FA2];
	_ =	sdelay $0x3  }
0x34: {  	[smem:$0x3FA2] =	sst s10  }
0x35: {  	s10 =	sld [smem:$0x3FA1];
	_ =	sdelay $0x3  }
0x36: {  	p1 =	seq.s32 s10, $0x1;
	s10 =	sld [smem:$0x3FA2];
	_ =	sdelay $0x3  }
0x37: {  	[smem:$0x3FA2] =	sst s10  }
0x38: {  	s10 =	sld [smem:$0x3FA3]  }
0x39: {  	_ = 	snop;
	(pc) =	sbr.ind lr, $3  }
0x3a: {  	_ = 	snop  }
0x3b: {  	_ = 	snop  }
0x3c: {  	p2 =	seq.s32 s10, $0x1;
	s10 =	sld [smem:$0x3FA2]  }
0x3d: {  	_ =	shalt  }
0x3e: {  	_ =	shalt  }
0x3f: {  	_ =	shalt  }
0x40: {  	_ =	shalt  }
0x41: {  	_ =	shalt  }
0x42: {  	_ =	shalt  }
0x43: {  	_ =	shalt  }
0x44: {  	_ =	shalt  }
0x45: {  	_ =	shalt  }
0x46: {  	_ =	shalt  }
0x47: {  	_ =	shalt  }
0x48: {  	_ =	shalt  }
0x49: {  	_ =	shalt  }
0x4a: {  	_ =	shalt  }
0x4b: {  	_ =	shalt  }
0x4c: {  	_ =	shalt  }
0x4d: {  	_ =	shalt  }
0x4e: {  	_ =	shalt  }
0x4f: {  	_ =	shalt  }
0x50: {  	_ =	shalt  }
0x51: {  	_ =	shalt  }
0x52: {  	_ =	shalt  }
0x53: {  	_ =	shalt  }
0x54: {  	_ =	shalt  }
0x55: {  	_ =	shalt  }
0x56: {  	_ =	shalt  }
0x57: {  	_ =	shalt  }
0x58: {  	_ =	shalt  }
0x59: {  	_ =	shalt  }
0x5a: {  	_ =	shalt  }
0x5b: {  	_ =	shalt  }
0x5c: {  	_ =	shalt  }
0x5d: {  	_ =	shalt  }
0x5e: {  	_ =	shalt  }
0x5f: {  	_ =	shalt  }
0x60: {  	_ =	shalt  }
0x61: {  	_ =	shalt  }
0x62: {  	_ =	shalt  }
0x63: {  	_ =	shalt  }
0x64: {  	_ =	shalt  }
0x65: {  	_ =	shalt  }
0x66: {  	_ =	shalt  }
0x67: {  	_ =	shalt  }
0x68: {  	_ =	shalt  }
0x69: {  	_ =	shalt  }
0x6a: {  	_ =	shalt  }
0x6b: {  	_ =	shalt  }
0x6c: {  	_ =	shalt  }
0x6d: {  	_ =	shalt  }
0x6e: {  	_ =	shalt  }
0x6f: {  	_ =	shalt  }
0x70: {  	_ =	shalt  }
0x71: {  	_ =	shalt  }
0x72: {  	_ =	shalt  }
0x73: {  	_ =	shalt  }
0x74: {  	_ =	shalt  }
0x75: {  	_ =	shalt  }
0x76: {  	_ =	shalt  }
0x77: {  	_ =	shalt  }
0x78: {  	_ =	shalt  }
0x79: {  	_ =	shalt  }
0x7a: {  	_ =	shalt  }
0x7b: {  	_ =	shalt  }
0x7c: {  	_ =	shalt  }
0x7d: {  	_ =	shalt  }
0x7e: {  	_ =	shalt  }
0x7f: {  	_ =	shalt  }
0x80: {  	_ =	shalt  }
0x81: {  	_ =	shalt  }
0x82: {  	_ =	shalt  }
0x83: {  	_ =	shalt  }
0x84: {  	_ =	shalt  }
0x85: {  	_ =	shalt  }
0x86: {  	_ =	shalt  }
0x87: {  	_ =	shalt  }
.Lfunc_end0:
.L_simem_size_0:
called_computation.1_lowered:
.L_overlay_start_0:
0x88: {  	s2 =	sld [smem:$0x3FD9]  }
0x89: {  	s3 =	sld [smem:$0x3FFE];
	_ =	sdelay $0x1  }
0x8a: {  	s1 =	srdreg.scid  }
0x8b: {  	s0 =	sand.u32 $0x1, s1  }
0x8c: {  	s17 =	sshll.u32 s0, $0xA;
	s2 =	sadd.s32 s3, s2  }
0x8d: {  	s2 =	sadd.s32 s2, s17  }
0x8e: {  	[smem:$0x3FAE] =	sst s2  }
0x8f: {  	_ = 	snop  }
0x90: {  	s18 =	sld [smem:$0x3FC9];
	(tm) =	ssettm $0x1  }
0x91: {  	s19 =	sld [smem:$0x3FFB];
	_ =	sdelay $0x3  }
0x92: {  	_ =	strace s19  }
0x93: {  	s2 =	sld [smem:$0x3FFC];
	_ =	sdelay $0x3  }
0x94: {  	_ =	strace s2  }
0x95: {  	s2 =	sld [smem:$0x3FFD];
	_ =	sdelay $0x3  }
0x96: {  	_ =	strace s2  }
0x97: {  	_ =	strace $0x8FFFFFFF  }
0x98: {  	s20 =	sld [smem:$0x3FDB];
	_ =	sdelay $0x1  }
0x99: {  	s4 =	simm.s32 $_scs_section_size  }
0x9a: {  	s5 =	simm.s32 $_size__tile_overlayer_lowered;
	s6 =	simm.s32 $_tile_overlayer_lowered  }
0x9b: {  	s7 =	simm.s32 $0x1BFF;
	s21 =	sshll.u32 s6, $0x1;
	s4 =	sadd.s32 s4, s20  }
0x9c: {  	s22 =	simm.s32 $0x0;
	s5 =	sshll.u32 s5, $0x1;
	s6 =	sadd.s32 s21, s4  }
0x9d: {  	[timem:s22], [sflag:s7] =	dma.local [hbm:s6], s5  }
0x9e: {  	_ =	swait.ge [sflag:s7], s5  }
0x9f: {  	s5 =	ssub.s32 $0x0, s5;
	[sflag:s7] =	ssyncset.done $0x0  }
0xa0: {  	[sflag:s7] =	ssyncadd.s32 s5;
	_ =	sdelay $0x1  }
0xa1: {  	s23 =	simm.s32 $0x1B8B  }
0xa2: {  	_ =	swait.ge [sflag:s23], $0x1  }
0xa3: {  	[sflag:s23] =	ssyncset.done $0x0  }
0xa4: {  	[sflag:s23] =	ssyncadd.s32 $0xFFFFFFFF  }
0xa5: {  	s5 =	sld [smem:$0x0]  }
0xa6: {  	s6 =	sand.u32 $0xFFFFFFFE, s1  }
0xa7: {  	p0 =	sne.s32 s1, s6  }
0xa8: {  	s6 =	sshll.u32 @p0 s6, $0xE  }
0xa9: {  	s6 =	sadd.s32 @p0 $0x11B8D, s6;
	s7 =	sshll.u32 @p0 s5, $0x11  }
0xaa: {  	s6 =	sor.u32 @p0 s7, s6  }
0xab: {  	[sflag:s6] =	ssyncadd.remote.s32 @p0 $0x1;
	_ =	sdelay $0x1  }
0xac: {  	s6 =	simm.s32 @p0 $0x1B8D  }
0xad: {  	_ =	swait.eq @p0 [sflag:s6], $0x1  }
0xae: {  	[sflag:s6] =	ssyncadd.s32 @p0 $0xFFFFFFFF  }
0xaf: {  	s7 =	sshll.u32 @!p0 s1, $0xE  }
0xb0: {  	s7 =	sor.u32 @!p0 $0x4000, s7;
	s6 =	simm.s32 @!p0 $0x1B8D  }
0xb1: {  	s5 =	sshll.u32 @!p0 s5, $0x11;
	s7 =	sadd.s32 @!p0 $0x11B8D, s7;
	_ =	swait.eq @!p0 [sflag:s6], $0x1  }
0xb2: {  	s5 =	sor.u32 @!p0 s5, s7;
	[sflag:s6] =	ssyncadd.s32 @!p0 $0xFFFFFFFF  }
0xb3: {  	s25 =	simm.s32 $0x1B8E;
	s24 =	sld [smem:$0x3FFE];
	[sflag:s5] =	ssyncadd.remote.s32 @!p0 $0x1  }
0xb4: {  	s26 =	simm.s32 $execute0_lowered;
	[smem:$0x3FD2] =	sst s25  }
0xb5: {  	s6 =	sshll.u32 s26, $0x1;
	_ =	strace $0x80000049;
	[dreg:$0x1] =	wrdreg $0xFFFFFFFF  }
0xb6: {  	s28 =	simm.s32 $_size_execute0_lowered;
	s4 =	sadd.s32 s4, s6;
	[dreg:$0x0] =	wrdreg $0x0  }
0xb7: {  	s6 =	sshll.u32 s28, $0x1;
	[dreg:$0x2] =	wrdreg s4  }
0xb8: {  	[dreg:$0x3] =	wrdreg s6  }
0xb9: {  	[dreg:$0x4] =	wrdreg $0xC0  }
0xba: {  	_ =	task [dreg:s22], $0x5FFFF  }
0xbb: {  	[dreg:$0x1] =	wrdreg $0xFFFFFFFF  }
0xbc: {  	[dreg:$0x0] =	wrdreg $0x60  }
0xbd: {  	[dreg:$0x2] =	wrdreg s18  }
0xbe: {  	[dreg:$0x3] =	wrdreg s24  }
0xbf: {  	[dreg:$0x4] =	wrdreg $0xB7800  }
0xc0: {  	[dreg:$0x5] =	wrdreg $0xA  }
0xc1: {  	_ =	task.clear_ibuf [dreg:s22], $0x6FFFF;
	_ =	strace $0x90000049  }
0xc2: {  	s29 =	simm.s32 $0xA;
	_ =	strace $0x8000004B  }
0xc3: {  	_ =	swait.ge [sflag:s29], $0x1  }
0xc4: {  	[sflag:s29] =	ssyncadd.s32 $0xFFFFFFFF  }
0xc5: {  	_ =	strace $0x9000004B  }
0xc6: {  	_ =	sfence  }
0xc7: {  	s30 =	sld [smem:$0x0];
	_ =	sdelay $0x2  }
0xc8: {  	s31 =	sshll.u32 s1, $0xD;
	s1 =	sshrl.u32 s1, $0x2  }
0xc9: {  	s4 =	sand.u32 $0x4000, s31;
	s1 =	sadd.s32 s1, s30  }
0xca: {  	s0 =	sor.u32 s4, s0;
	s1 =	sshll.u32 s1, $0x11  }
0xcb: {  	s0 =	sor.u32 s1, s0  }
0xcc: {  	s0 =	sadd.s32 $0x8F2B, s0  }
0xcd: {  	[sflag:s0] =	ssyncadd.remote.s32 $0x1  }
0xce: {  	_ =	sfence.sel $0xFFFF  }
0xcf: {  	[dreg:$0x0] =	wrdreg $0xFFFFFFFF;
	(pc) =	sbr.abs _section_cstart, $3  }
0xd0: {  	[dreg:$0x1] =	wrdreg $0xFFFFFFFF  }
0xd1: {  	_ =	task.clear_ibuf [dreg:s22], $0x2FFFF;
	_ =	strace $0x9FFFFFFF  }
0xd2: {  	(tm) =	ssettm $0x7FFFFFFF  }
0xd3: {  	_ =	shalt  }
tec
execute0_lowered:
.L_overlay_start_1:
0x0: {  	(tag) =	ssettag $0x1  }
0x1: {  	s1 =	rddreg [dreg:$0x0]  }
0x2: {  	s0 =	srdreg.scid;
	s2 =	rddreg [dreg:$0x1]  }
0x3: {  	s7 =	stileid.u32;
	s3 =	rddreg [dreg:$0x2];
	s5 =	simm.s32 $0x0  }
0x4: {  	s28 =	simm.s32 $0x8F80;
	s29 =	simm.s32 $0x1;
	s24 =	smul.u32 $0x4F000, s7  }
0x5: {  	[smem:$0x7FF] =	sst s5;
	s25 =	smul.u32 $0x2780, s7;
	s13 =	sadd.s32 $0x128400, s3  }
0x6: {  	s30 =	simm.s32 $0x2;
	s14 =	sadd.s32 $0x12AC00, s3;
	s17 =	sadd.s32 $0x12FC00, s3  }
0x7: {  	s0 =	sand.u32 $0x1, s0;
	s18 =	sadd.s32 $0x132400, s3;
	s19 =	sadd.s32 $0x134C00, s3  }
0x8: {  	p0 =	seq.s32 s7, $0xF;
	s4 =	sshll.u32 s0, $0x4;
	s20 =	smul.u32 $0x138800, s0  }
0x9: {  	_ =	strace $0x8000004A;
	s15 =	ssub.s32 $0x2, s0;
	s0 =	smul.u32 $0x27100, s0  }
0xa: {  	s4 =	sor.u32 s7, s4;
	s5 =	sshrl.u32 s24, $0x2;
	s26 =	sshrl.u32 s15, $0x1  }
0xb: {  	s24 =	simm.s32 $0x3;
	s4 =	smul.u32 $0x4E2, s4;
	s6 =	sadd.s32 s5, s3  }
0xc: {  	s21 =	sshrl.u32 s20, $0x3;
	s20 =	sadd.s32 $0x137400, s3;
	s0 =	sadd.s32 s25, s0  }
0xd: {  	s25 =	simm.s32 $0x50;
	s5 =	sadd.s32 $0x2800, s6;
	s8 =	sadd.s32 $0x5000, s6  }
0xe: {  	s9 =	sadd.s32 $0x7800, s6;
	s10 =	sadd.s32 $0xA000, s6;
	s11 =	sadd.s32 $0xC800, s6  }
0xf: {  	s12 =	sadd.s32 $0xF000, s6;
	s16 =	sadd.s32 $0x11800, s6;
	s4 =	sadd.s32 s4, s2  }
0x10: {  	s2 =	sadd.s32 $0x60A00, s2;
	[dreg:$0x5] =	wrdreg s5;
	s5 =	ssub.s32 s15, s26  }
0x11: {  	s15 =	sadd.s32 $0x12D400, s3;
	s26 =	simm.s32 $0x6780;
	s4 =	sadd.s32 $0x56C00, s4  }
0x12: {  	s31 =	sadd.s32 s2, s21;
	s21 =	sadd.s32 s2, s0;
	s23 =	smax.u32 s5, $0x1  }
0x13: {  	v0 =	vimm.f32 $0.0e+00;
	s2 =	simm.s32 $0x0;
	[dreg:$0x4] =	wrdreg s4;
	s22 =	sadd.s32 $0x25080, s31  }
.LBB2_1:
0x14: {  	s0 =	simm.s32 $0x0;
	s4 =	rddreg [dreg:$0x4]  }
0x15: {  	[tilespmem:s0], [sflag:$0x3] =	stream.linear.gather [hbm4b:s4+s0], $0x2710, $0x38;
	[tilespmem:$0x1F000] =	vst v63  }
0x16: {  	_ =	swait.ge [sflag:s24], $0x2710  }
0x17: {  	[sflag:s24] =	ssyncset.done $0x0  }
0x18: {  	s4 =	simm.s32 $0x20;
	[sflag:s24] =	ssyncadd.s32 $0xFFFFD8F0  }
0x19: {  	s5 =	simm.s32 $0x200;
	s31 =	simm.s32 $0x0;
	s0 =	simm.s32 $0x20;
	v1 =	vld [tilespmem:s4+$0xFFFFFFE0]  }
.LBB2_2:
0x1a: {  	p1 =	sne.s32 s5, $0xF800;
	_ =	sdelay $0x3  }
0x1b: {  	s7 =	sshra.s32 s31, $0x2;
	s31 =	smov.u32 s5;
	v2 =	vshrl.u32 v1, $0xE  }
0x1c: {  	[tilespmem:s7+$0x2780] =	vst v2  }
0x1d: {  	v2 =	vld [tilespmem:s4+$0xFFFFFFF0];
	_ =	sdelay $0x3  }
0x1e: {  	v1 =	vand.u32 $0x3FFF, v1  }
0x1f: {  	[tilespmem:s4+$0xFFFFFFE0] =	vst v1;
	v1 =	vshrl.u32 v2, $0xE  }
0x20: {  	[tilespmem:s7+$0x2790] =	vst v1  }
0x21: {  	v1 =	vld [tilespmem:s4+$0x0];
	_ =	sdelay $0x3  }
0x22: {  	v2 =	vand.u32 $0x3FFF, v2  }
0x23: {  	[tilespmem:s4+$0xFFFFFFF0] =	vst v2;
	v2 =	vshrl.u32 v1, $0xE;
	v1 =	vand.u32 $0x3FFF, v1  }
0x24: {  	[tilespmem:s7+$0x27A0] =	vst v2  }
0x25: {  	v2 =	vld [tilespmem:s4+$0x10];
	_ =	sdelay $0x4  }
0x26: {  	[tilespmem:s4+$0x0] =	vst v1;
	v1 =	vshrl.u32 v2, $0xE;
	v2 =	vand.u32 $0x3FFF, v2  }
0x27: {  	[tilespmem:s7+$0x27B0] =	vst v1  }
0x28: {  	v1 =	vld [tilespmem:s4+$0x20];
	_ =	sdelay $0x2  }
.Ltmp0:
0x29: {  	(pc) =	sbr.rel @p1 .LBB2_2-.Ltmp0, $4  }
0x2a: {  	_ = 	snop  }
0x2b: {  	[tilespmem:s4+$0x10] =	vst v2;
	v2 =	vshrl.u32 v1, $0xE;
	v3 =	vand.u32 $0x3FFF, v1  }
0x2c: {  	s4 =	sadd.s32 $0x50, s4;
	[tilespmem:s7+$0x27C0] =	vst v2  }
0x2d: {  	s5 =	sadd.s32 $0x200, s5;
	v1 =	vld [tilespmem:s4+$0xFFFFFFE0];
	[tilespmem:s0+$0x20] =	vst v3;
	s0 =	smov.u32 s4  }
0x2e: {  	_ =	sdelay $0x3  }
0x2f: {  	s5 =	sshra.s32 s31, $0x2;
	v2 =	vshrl.u32 v1, $0xE  }
0x30: {  	[tilespmem:s5+$0x2780] =	vst v2  }
0x31: {  	v2 =	vld [tilespmem:s4+$0xFFFFFFF0];
	_ =	sdelay $0x3  }
0x32: {  	v1 =	vand.u32 $0x3FFF, v1  }
0x33: {  	[tilespmem:s4+$0xFFFFFFE0] =	vst v1;
	v1 =	vshrl.u32 v2, $0xE  }
0x34: {  	[tilespmem:s5+$0x2790] =	vst v1  }
0x35: {  	v1 =	vld [tilespmem:s4+$0x0];
	_ =	sdelay $0x3  }
0x36: {  	v2 =	vand.u32 $0x3FFF, v2  }
0x37: {  	[tilespmem:s4+$0xFFFFFFF0] =	vst v2;
	v2 =	vshrl.u32 v1, $0xE  }
0x38: {  	[tilespmem:s5+$0x27A0] =	vst v2  }
0x39: {  	v2 =	vld [tilespmem:s4+$0x10];
	_ =	sdelay $0x3  }
0x3a: {  	v1 =	vand.u32 $0x3FFF, v1  }
0x3b: {  	[tilespmem:s4+$0x0] =	vst v1;
	v1 =	vshrl.u32 v2, $0xE  }
0x3c: {  	[tilespmem:s5+$0x27B0] =	vst v1  }
0x3d: {  	v1 =	vld [tilespmem:s4+$0x20];
	_ =	sdelay $0x3  }
0x3e: {  	v2 =	vand.u32 $0x3FFF, v2  }
0x3f: {  	[tilespmem:s4+$0x10] =	vst v2;
	v2 =	vshrl.u32 v1, $0xE  }
0x40: {  	v1 =	vand.u32 $0x3FFF, v1;
	[tilespmem:s5+$0x27C0] =	vst v2  }
0x41: {  	s4 =	simm.s32 $0x200;
	[tilespmem:s0+$0x20] =	vst v1;
	s0 =	simm.s32 $0x0  }
.LBB2_4:
0x42: {  	p1 =	sne.s32 s4, $0x9E00;
	[tilespmem:s0+$0x67F0] =	vst v0  }
0x43: {  	[tilespmem:s0+$0x6780] =	vst v0  }
0x44: {  	[tilespmem:s0+$0x6790] =	vst v0  }
.Ltmp1:
0x45: {  	[tilespmem:s0+$0x67A0] =	vst v0;
	(pc) =	sbr.rel @p1 .LBB2_4-.Ltmp1, $4  }
0x46: {  	[tilespmem:s0+$0x67B0] =	vst v0  }
0x47: {  	[tilespmem:s0+$0x67C0] =	vst v0  }
0x48: {  	[tilespmem:s0+$0x67D0] =	vst v0  }
0x49: {  	[tilespmem:s0+$0x67E0] =	vst v0;
	s0 =	sshra.s32 s4, $0x2;
	s4 =	sadd.s32 $0x200, s4  }
0x4a: {  	[tilespmem:s0+$0x67F0] =	vst v0  }
0x4b: {  	[tilespmem:s0+$0x6780] =	vst v0  }
0x4c: {  	[tilespmem:s0+$0x6790] =	vst v0  }
0x4d: {  	[tilespmem:s0+$0x67A0] =	vst v0  }
0x4e: {  	[tilespmem:s0+$0x67B0] =	vst v0  }
0x4f: {  	[tilespmem:s0+$0x67C0] =	vst v0  }
0x50: {  	[tilespmem:s0+$0x67D0] =	vst v0  }
0x51: {  	[tilespmem:s0+$0x67E0] =	vst v0;
	s0 =	simm.s32 @p0 $0x6780;
	s4 =	simm.s32 @p0 $0x3  }
0x52: {  	[spmem:s13] =	stream.linear.scatter @p0 [tilespmem:s0], [sflag:$0x3], $0x2800, $0x38;
	[tilespmem:$0x1F000] =	vst v63  }
0x53: {  	_ =	swait.ge @p0 [sflag:s4], $0x2800  }
0x54: {  	[sflag:s4] =	ssyncset.done @p0 $0x0  }
0x55: {  	[sflag:s4] =	ssyncadd.s32 @p0 $0xFFFFD800  }
0x56: {  	[spmem:s14] =	stream.linear.scatter @p0 [tilespmem:s0], [sflag:$0x3], $0x2800, $0x38;
	[tilespmem:$0x1F000] =	vst v63  }
0x57: {  	_ =	swait.ge @p0 [sflag:s4], $0x2800  }
0x58: {  	[sflag:s4] =	ssyncset.done @p0 $0x0  }
0x59: {  	[sflag:s4] =	ssyncadd.s32 @p0 $0xFFFFD800  }
0x5a: {  	[spmem:s15] =	stream.linear.scatter @p0 [tilespmem:s0], [sflag:$0x3], $0x2800, $0x38;
	[tilespmem:$0x1F000] =	vst v63  }
0x5b: {  	_ =	swait.ge @p0 [sflag:s4], $0x2800  }
0x5c: {  	[sflag:s4] =	ssyncset.done @p0 $0x0  }
0x5d: {  	[sflag:s4] =	ssyncadd.s32 @p0 $0xFFFFD800  }
0x5e: {  	[spmem:s17] =	stream.linear.scatter @p0 [tilespmem:s0], [sflag:$0x3], $0x2800, $0x38;
	[tilespmem:$0x1F000] =	vst v63  }
0x5f: {  	_ =	swait.ge @p0 [sflag:s4], $0x2800  }
0x60: {  	[sflag:s4] =	ssyncset.done @p0 $0x0  }
0x61: {  	[sflag:s4] =	ssyncadd.s32 @p0 $0xFFFFD800  }
0x62: {  	[spmem:s18] =	stream.linear.scatter @p0 [tilespmem:s0], [sflag:$0x3], $0x2800, $0x38;
	[tilespmem:$0x1F000] =	vst v63  }
0x63: {  	_ =	swait.ge @p0 [sflag:s4], $0x2800  }
0x64: {  	[sflag:s4] =	ssyncset.done @p0 $0x0  }
0x65: {  	[sflag:s4] =	ssyncadd.s32 @p0 $0xFFFFD800  }
0x66: {  	[spmem:s19] =	stream.linear.scatter @p0 [tilespmem:s0], [sflag:$0x3], $0x2800, $0x38;
	[tilespmem:$0x1F000] =	vst v63  }
0x67: {  	_ =	swait.ge @p0 [sflag:s4], $0x2800  }
0x68: {  	[sflag:s4] =	ssyncset.done @p0 $0x0  }
0x69: {  	[sflag:s4] =	ssyncadd.s32 @p0 $0xFFFFD800  }
0x6a: {  	[spmem:s20] =	stream.linear.scatter @p0 [tilespmem:s0], [sflag:$0x3], $0x1400, $0x38;
	[tilespmem:$0x1F000] =	vst v63  }
0x6b: {  	_ =	swait.ge @p0 [sflag:s4], $0x1400  }
0x6c: {  	[sflag:s4] =	ssyncset.done @p0 $0x0  }
0x6d: {  	s0 =	simm.s32 @!p0 $0x6780;
	[sflag:s4] =	ssyncadd.s32 @p0 $0xFFFFEC00;
	s4 =	simm.s32 @!p0 $0x3  }
0x6e: {  	[spmem:s6] =	stream.linear.scatter @!p0 [tilespmem:s0], [sflag:$0x3], $0x2800, $0x38;
	[tilespmem:$0x1F000] =	vst v63  }
0x6f: {  	_ =	swait.ge @!p0 [sflag:s4], $0x2800  }
0x70: {  	[sflag:s4] =	ssyncset.done @!p0 $0x0  }
0x71: {  	s5 =	rddreg [dreg:$0x5];
	[sflag:s4] =	ssyncadd.s32 @!p0 $0xFFFFD800  }
0x72: {  	[spmem:s5] =	stream.linear.scatter @!p0 [tilespmem:s0], [sflag:$0x3], $0x2800, $0x38;
	[tilespmem:$0x1F000] =	vst v63  }
0x73: {  	_ =	swait.ge @!p0 [sflag:s4], $0x2800  }
0x74: {  	[sflag:s4] =	ssyncset.done @!p0 $0x0  }
0x75: {  	[sflag:s4] =	ssyncadd.s32 @!p0 $0xFFFFD800  }
0x76: {  	[spmem:s8] =	stream.linear.scatter @!p0 [tilespmem:s0], [sflag:$0x3], $0x2800, $0x38;
	[tilespmem:$0x1F000] =	vst v63  }
0x77: {  	_ =	swait.ge @!p0 [sflag:s4], $0x2800  }
0x78: {  	[sflag:s4] =	ssyncset.done @!p0 $0x0  }
0x79: {  	[sflag:s4] =	ssyncadd.s32 @!p0 $0xFFFFD800  }
0x7a: {  	[spmem:s9] =	stream.linear.scatter @!p0 [tilespmem:s0], [sflag:$0x3], $0x2800, $0x38;
	[tilespmem:$0x1F000] =	vst v63  }
0x7b: {  	_ =	swait.ge @!p0 [sflag:s4], $0x2800  }
0x7c: {  	[sflag:s4] =	ssyncset.done @!p0 $0x0  }
0x7d: {  	[sflag:s4] =	ssyncadd.s32 @!p0 $0xFFFFD800  }
0x7e: {  	[spmem:s10] =	stream.linear.scatter @!p0 [tilespmem:s0], [sflag:$0x3], $0x2800, $0x38;
	[tilespmem:$0x1F000] =	vst v63  }
0x7f: {  	_ =	swait.ge @!p0 [sflag:s4], $0x2800  }
0x80: {  	[sflag:s4] =	ssyncset.done @!p0 $0x0  }
0x81: {  	[sflag:s4] =	ssyncadd.s32 @!p0 $0xFFFFD800  }
0x82: {  	[spmem:s11] =	stream.linear.scatter @!p0 [tilespmem:s0], [sflag:$0x3], $0x2800, $0x38;
	[tilespmem:$0x1F000] =	vst v63  }
0x83: {  	_ =	swait.ge @!p0 [sflag:s4], $0x2800  }
0x84: {  	[sflag:s4] =	ssyncset.done @!p0 $0x0  }
0x85: {  	[sflag:s4] =	ssyncadd.s32 @!p0 $0xFFFFD800  }
0x86: {  	[spmem:s12] =	stream.linear.scatter @!p0 [tilespmem:s0], [sflag:$0x3], $0x2800, $0x38;
	[tilespmem:$0x1F000] =	vst v63  }
0x87: {  	_ =	swait.ge @!p0 [sflag:s4], $0x2800  }
0x88: {  	[sflag:s4] =	ssyncset.done @!p0 $0x0  }
0x89: {  	[sflag:s4] =	ssyncadd.s32 @!p0 $0xFFFFD800  }
0x8a: {  	[spmem:s16] =	stream.linear.scatter @!p0 [tilespmem:s0], [sflag:$0x3], $0x2400, $0x38;
	[tilespmem:$0x1F000] =	vst v63  }
0x8b: {  	_ =	swait.ge @!p0 [sflag:s4], $0x2400  }
0x8c: {  	[sflag:s4] =	ssyncset.done @!p0 $0x0  }
0x8d: {  	[sflag:s4] =	ssyncadd.s32 @!p0 $0xFFFFDC00  }
0x8e: {  	s31 =	simm.s32 $0x0;
	[bflag:$0x0] =	sbarrier.arrive $0xFFFF  }
0x8f: {  	[tilespmem:s26], [sflag:$0x1] =	stream.indirect.gather [hbm4b:s1+s25], $0x80, s31, s25, $0xb8;
	[tilespmem:$0x1F000] =	vst v63  }
0x90: {  	s4 =	simm.s32 $0x50  }
0x91: {  	[tilespmem:s28], [sflag:$0x2] =	stream.indirect.gather [hbm4b:s1+s25], $0x80, s4, s25, $0xb8;
	[tilespmem:$0x1F000] =	vst v63  }
0x92: {  	_ =	swait.ge [sflag:s29], $0x2800  }
0x93: {  	[sflag:s29] =	ssyncset.done $0x0  }
0x94: {  	s5 =	simm.s32 $0x2780;
	[sflag:s29] =	ssyncadd.s32 $0xFFFFD800  }
0x95: {  	[spmem:s3] =	stream.indirect.scatter.add.f32 [tilespmem:s26], [sflag:$0x3], $0x80, s5, s25, $0xb8;
	[tilespmem:$0x1F000] =	vst v63  }
0x96: {  	_ =	swait.ge [sflag:s24], $0x2800  }
0x97: {  	[sflag:s24] =	ssyncset.done $0x0  }
0x98: {  	s7 =	simm.s32 $0xA0;
	[sflag:s24] =	ssyncadd.s32 $0xFFFFD800  }
0x99: {  	[tilespmem:s26], [sflag:$0x1] =	stream.indirect.gather [hbm4b:s1+s25], $0x80, s7, s25, $0xb8;
	[tilespmem:$0x1F000] =	vst v63  }
0x9a: {  	_ =	swait.ge [sflag:s30], $0x2800  }
0x9b: {  	[sflag:s30] =	ssyncset.done $0x0  }
0x9c: {  	s31 =	simm.s32 $0x2800;
	[sflag:s30] =	ssyncadd.s32 $0xFFFFD800  }
0x9d: {  	[spmem:s3] =	stream.indirect.scatter.add.f32 [tilespmem:s28], [sflag:$0x3], $0x80, s31, s25, $0xb8;
	[tilespmem:$0x1F000] =	vst v63  }
0x9e: {  	s0 =	simm.s32 $0x140;
	_ =	swait.ge [sflag:s24], $0x2800  }
0x9f: {  	s4 =	simm.s32 $0x400;
	s5 =	simm.s32 $0x800;
	[sflag:s24] =	ssyncset.done $0x0  }
.LBB2_6:
0xa0: {  	p1 =	sne.s32 s5, $0xF400;
	s7 =	sadd.s32 $0xFFFFFFB0, s0;
	[sflag:s24] =	ssyncadd.s32 $0xFFFFD800  }
0xa1: {  	[tilespmem:s28], [sflag:$0x2] =	stream.indirect.gather [hbm4b:s1+s25], $0x80, s7, s25, $0xb8;
	[tilespmem:$0x1F000] =	vst v63  }
0xa2: {  	s7 =	smov.u32 s5;
	s5 =	sadd.s32 $0x400, s5;
	_ =	swait.ge [sflag:s29], $0x2800  }
0xa3: {  	s31 =	sshra.s32 s4, $0x2;
	s4 =	smov.u32 s7;
	[sflag:s29] =	ssyncset.done $0x0  }
0xa4: {  	s7 =	sadd.s32 $0x2780, s31;
	[sflag:s29] =	ssyncadd.s32 $0xFFFFD800  }
0xa5: {  	[spmem:s3] =	stream.indirect.scatter.add.f32 [tilespmem:s26], [sflag:$0x3], $0x80, s7, s25, $0xb8;
	[tilespmem:$0x1F000] =	vst v63  }
0xa6: {  	_ =	swait.ge [sflag:s24], $0x2800  }
0xa7: {  	[sflag:s24] =	ssyncset.done $0x0  }
0xa8: {  	[sflag:s24] =	ssyncadd.s32 $0xFFFFD800  }
0xa9: {  	[tilespmem:s26], [sflag:$0x1] =	stream.indirect.gather [hbm4b:s1+s25], $0x80, s0, s25, $0xb8;
	[tilespmem:$0x1F000] =	vst v63  }
0xaa: {  	_ =	swait.ge [sflag:s30], $0x2800  }
.Ltmp2:
0xab: {  	[sflag:s30] =	ssyncset.done $0x0;
	(pc) =	sbr.rel @p1 .LBB2_6-.Ltmp2, $4  }
0xac: {  	s7 =	sadd.s32 $0x2800, s31;
	[sflag:s30] =	ssyncadd.s32 $0xFFFFD800  }
0xad: {  	[spmem:s3] =	stream.indirect.scatter.add.f32 [tilespmem:s28], [sflag:$0x3], $0x80, s7, s25, $0xb8;
	[tilespmem:$0x1F000] =	vst v63  }
0xae: {  	_ =	swait.ge [sflag:s24], $0x2800  }
0xaf: {  	s0 =	sadd.s32 $0xA0, s0;
	[sflag:s24] =	ssyncset.done $0x0  }
0xb0: {  	s5 =	sadd.s32 $0xFFFFFFB0, s0;
	[sflag:s24] =	ssyncadd.s32 $0xFFFFD800  }
0xb1: {  	[tilespmem:s28], [sflag:$0x2] =	stream.indirect.gather [hbm4b:s1+s25], $0x80, s5, s25, $0xb8;
	[tilespmem:$0x1F000] =	vst v63  }
0xb2: {  	_ =	swait.ge [sflag:s29], $0x2800  }
0xb3: {  	s4 =	sshra.s32 s4, $0x2;
	[sflag:s29] =	ssyncset.done $0x0  }
0xb4: {  	s31 =	sadd.s32 $0x2780, s4;
	[sflag:s29] =	ssyncadd.s32 $0xFFFFD800  }
0xb5: {  	[spmem:s3] =	stream.indirect.scatter.add.f32 [tilespmem:s26], [sflag:$0x3], $0x80, s31, s25, $0xb8;
	[tilespmem:$0x1F000] =	vst v63  }
0xb6: {  	_ =	swait.ge [sflag:s24], $0x2800  }
0xb7: {  	[sflag:s24] =	ssyncset.done $0x0  }
0xb8: {  	[sflag:s24] =	ssyncadd.s32 $0xFFFFD800  }
0xb9: {  	[tilespmem:s26], [sflag:$0x1] =	stream.indirect.gather [hbm4b:s1+s25], $0x80, s0, s25, $0xb8;
	[tilespmem:$0x1F000] =	vst v63  }
0xba: {  	_ =	swait.ge [sflag:s30], $0x2800  }
0xbb: {  	[sflag:s30] =	ssyncset.done $0x0  }
0xbc: {  	s7 =	sadd.s32 $0x2800, s4;
	[sflag:s30] =	ssyncadd.s32 $0xFFFFD800  }
0xbd: {  	[spmem:s3] =	stream.indirect.scatter.add.f32 [tilespmem:s28], [sflag:$0x3], $0x80, s7, s25, $0xb8;
	[tilespmem:$0x1F000] =	vst v63  }
0xbe: {  	_ =	swait.ge [sflag:s24], $0x2800  }
0xbf: {  	[sflag:s24] =	ssyncset.done $0x0  }
0xc0: {  	[sflag:s24] =	ssyncadd.s32 $0xFFFFD800  }
0xc1: {  	_ =	swait.ge [sflag:s29], $0x2800  }
0xc2: {  	[sflag:s29] =	ssyncset.done $0x0  }
0xc3: {  	s31 =	simm.s32 $0x6580;
	[sflag:s29] =	ssyncadd.s32 $0xFFFFD800  }
0xc4: {  	[spmem:s3] =	stream.indirect.scatter.add.f32 [tilespmem:s26], [sflag:$0x3], $0x80, s31, s25, $0xb8;
	[tilespmem:$0x1F000] =	vst v63  }
0xc5: {  	_ =	swait.ge [sflag:s24], $0x2800  }
0xc6: {  	[sflag:s24] =	ssyncset.done $0x0  }
0xc7: {  	[sflag:s24] =	ssyncadd.s32 $0xFFFFD800  }
0xc8: {  	s4 =	simm.s32 @p0 $0x1FC3;
	s0 =	sshrl.u32 @p0 s13, $0x3;
	[bflag:$0x0] =	sbarrier.arrive $0xFFFF  }
0xc9: {  	[hbm:s22], [sflag:s4] =	dma.local @p0 [spmem:s0], $0x2080  }
0xca: {  	s0 =	simm.s32 @p0 $0x3  }
0xcb: {  	s2 =	sadd.s32 $0x1, s2;
	s4 =	stileid.u32;
	_ =	swait.ge @p0 [sflag:s0], $0x2080  }
0xcc: {  	p1 =	sne.s32 s2, s23;
	s4 =	sshll.u32 @!p0 s4, $0x6;
	[sflag:s0] =	ssyncset.done @p0 $0x0  }
0xcd: {  	[sflag:s0] =	ssyncadd.s32 @p0 $0xFFFFDF80;
	s0 =	sor.u32 @!p0 $0x1C03, s4;
	s4 =	sshrl.u32 @!p0 s6, $0x3  }
0xce: {  	[hbm:s21], [sflag:s0] =	dma.local @!p0 [spmem:s4], $0x2780  }
.Ltmp3:
0xcf: {  	_ = 	snop;
	(pc) =	sbr.rel @p1 .LBB2_1-.Ltmp3, $4  }
0xd0: {  	s0 =	simm.s32 @!p0 $0x3  }
0xd1: {  	_ =	swait.ge @!p0 [sflag:s0], $0x2780  }
0xd2: {  	[sflag:s0] =	ssyncset.done @!p0 $0x0  }
0xd3: {  	[sflag:s0] =	ssyncadd.s32 @!p0 $0xFFFFD880  }
0xd4: {  	_ =	sfence.sel $0x180000  }
0xd5: {  	[bflag:$0x0] =	sbarrier.arrive $0xFFFF  }
0xd6: {  	_ =	strace $0x9000004A  }
0xd7: {  	s0 =	stileid.u32;
	[bflag:$0x2] =	sbarrier.arrive $0xFFFF  }
0xd8: {  	p0 =	sne.s32 s0, $0x0;
	s0 =	rddreg [dreg:$0x3]  }
0xd9: {  	s0 =	sadd.s32 @!p0 $0x100000, s0  }
0xda: {  	[sflag:s0] =	ssyncadd.tile.s32 @!p0 $0x1;
	_ =	shalt  }
.Lfunc_end2:
_tile_overlayer_lowered:
.L_overlay_start_2:
0xdb: {  	(tag) =	ssettag $0x2  }
0xdc: {  	s0 =	rddreg [dreg:$0x0];
	s2 =	stileid.u32  }
0xdd: {  	s1 =	rddreg [dreg:$0x1];
	p0 =	sne.s32 s2, $0x0  }
0xde: {  	s3 =	rddreg [dreg:$0x2];
	[bflag:$0x3] =	sbarrier.arrive $0xFFFF;
	s2 =	simm.s32 @!p0 $0x1C03  }
0xdf: {  	[timem:s3], [sflag:s2] =	dma.local @!p0 [hbm:s0], s1  }
0xe0: {  	s0 =	simm.s32 @!p0 $0x3  }
0xe1: {  	_ =	swait.ge @!p0 [sflag:s0], s1  }
0xe2: {  	s1 =	ssub.s32 @!p0 $0x0, s1;
	[sflag:s0] =	ssyncset.done @!p0 $0x0  }
0xe3: {  	[sflag:s0] =	ssyncadd.s32 @!p0 s1  }
0xe4: {  	[bflag:$0x3] =	sbarrier.arrive $0xFFFF  }
0xe5: {  	_ =	shalt  }

// kernel: kernel.24.cloned.1.call-start
scs
__scs_entry_jumppad:
0x0: {  	(pc) =	sbr.rel $0x88, $3  }
0x1: {  	(tag) =	ssettag $0x0;
	lr =	simm.s32 $0x1  }
0x2: {  	[smem:$0x3F87] =	sst lr;
	_ =	strace $0xD0000000  }
0x3: {  	_ = 	snop  }
0x4: {  	_ = 	snop  }
0x5: {  	_ = 	snop  }
0x6: {  	_ = 	snop  }
0x7: {  	_ = 	snop  }
__scs_overlays_trampoline_lowered:
0x8: {  	[smem:$0x3F96] =	sst s0  }
0x9: {  	[smem:$0x3F97] =	sst s1  }
0xa: {  	[smem:$0x3F98] =	sst s2  }
0xb: {  	[smem:$0x3F99] =	sst s3  }
0xc: {  	[smem:$0x3F9A] =	sst s4  }
0xd: {  	[smem:$0x3F9B] =	sst s5  }
0xe: {  	[smem:$0x3F9C] =	sst s6  }
0xf: {  	[smem:$0x3F9D] =	sst s7  }
0x10: {  	[smem:$0x3F9E] =	sst s8  }
0x11: {  	[smem:$0x3F9F] =	sst s9;
	s0 =	simm.s32 @!p0 $0x0  }
0x12: {  	s1 =	sld [smem:$0x3F85];
	s0 =	simm.s32 @p0 $0x1  }
0x13: {  	[smem:$0x3FA0] =	sst s0;
	s0 =	simm.s32 @!p1 $0x0  }
0x14: {  	s2 =	sld [smem:$0x3F84];
	s0 =	simm.s32 @p1 $0x1  }
0x15: {  	[smem:$0x3FA1] =	sst s0;
	s0 =	simm.s32 @!p2 $0x0  }
0x16: {  	s3 =	sld [smem:$0x3FDB];
	s0 =	simm.s32 @p2 $0x1  }
0x17: {  	s4 =	simm.s32 $0x1BF5;
	[smem:$0x3FA3] =	sst s0  }
0x18: {  	s0 =	sld [smem:$0x3F86];
	_ =	swait.ge [sflag:s4], $0x0  }
0x19: {  	s7 =	sld [smem:$0x3F87]  }
0x1a: {  	s8 =	sadd.s32 $0xFFFFE003, lr  }
0x1b: {  	s9 =	sadd.s32 $0xFFFFFEF7, lr;
	s5 =	simm.s32 $0xFFFFFFFF;
	p2 =	slt.u32 s8, $0xFFFFF086  }
0x1c: {  	p1 =	slt.u32 s9, $0xF7A;
	s5 =	simm.s32 @!p2 $0x0  }
0x1d: {  	s5 =	simm.s32 @p1 $0x1;
	p0 =	seq.s32 s7, s2  }
0x1e: {  	s7 =	smul.u32 @!p0 $0xF7A, s2;
	p2 =	seq.s32 @!p0 s5, $0x0  }
0x1f: {  	s9 =	smul.u32 $0xF7A, s1;
	s8 =	simm.s32 @!p0 $0x1BF5;
	p2 =	por !p2, p0  }
0x20: {  	[sflag:s8] =	ssyncset.s32 @!p0 $0xFFFFF086;
	s6 =	sadd.s32 @!p0 s3, s7;
	s7 =	simm.s32 @!p0 $0x108  }
0x21: {  	s3 =	sadd.s32 s3, s9;
	s6 =	sadd.s32 @!p0 $0x88, s6;
	s7 =	simm.s32 @p2 $0x1082  }
0x22: {  	[simem:s7], [sflag:s8] =	dma.local @!p0 [hbm:s6], $0xF7A  }
0x23: {  	s9 =	sor.u32 $0xD0000000, s2;
	s6 =	simm.s32 $0x108;
	_ =	swait.ge @!p0 [sflag:s8], $0x0  }
0x24: {  	s3 =	sadd.s32 $0x88, s3;
	s6 =	simm.s32 @!p1 $0x1082;
	[sflag:s4] =	ssyncset.s32 $0xFFFFF086  }
0x25: {  	[simem:s6], [sflag:s4] =	dma.local [hbm:s3], $0xF7A  }
0x26: {  	[smem:$0x3F87] =	sst s1;
	(tag) =	ssettag s2;
	_ =	strace s9  }
0x27: {  	s1 =	sld [smem:$0x3F97]  }
0x28: {  	s2 =	sld [smem:$0x3F98]  }
0x29: {  	s4 =	sld [smem:$0x3F9A]  }
0x2a: {  	p0 =	seq.s32 s5, $0x0;
	s5 =	sld [smem:$0x3F9B]  }
0x2b: {  	s6 =	sld [smem:$0x3F9C]  }
0x2c: {  	s7 =	sld [smem:$0x3F9D]  }
0x2d: {  	s3 =	simm.s32 $0x108;
	s8 =	sld [smem:$0x3F9E]  }
0x2e: {  	s3 =	simm.s32 @!p0 $0x1082;
	s9 =	sld [smem:$0x3F9F]  }
0x2f: {  	lr =	sadd.s32 s0, s3;
	s0 =	sld [smem:$0x3F96]  }
0x30: {  	s3 =	sld [smem:$0x3F99]  }
0x31: {  	[smem:$0x3FA2] =	sst s10  }
0x32: {  	s10 =	sld [smem:$0x3FA0];
	_ =	sdelay $0x3  }
0x33: {  	p0 =	seq.s32 s10, $0x1;
	s10 =	sld [smem:$0x3FA2];
	_ =	sdelay $0x3  }
0x34: {  	[smem:$0x3FA2] =	sst s10  }
0x35: {  	s10 =	sld [smem:$0x3FA1];
	_ =	sdelay $0x3  }
0x36: {  	p1 =	seq.s32 s10, $0x1;
	s10 =	sld [smem:$0x3FA2];
	_ =	sdelay $0x3  }
0x37: {  	[smem:$0x3FA2] =	sst s10  }
0x38: {  	s10 =	sld [smem:$0x3FA3]  }
0x39: {  	_ = 	snop;
	(pc) =	sbr.ind lr, $3  }
0x3a: {  	_ = 	snop  }
0x3b: {  	_ = 	snop  }
0x3c: {  	p2 =	seq.s32 s10, $0x1;
	s10 =	sld [smem:$0x3FA2]  }
0x3d: {  	_ =	shalt  }
0x3e: {  	_ =	shalt  }
0x3f: {  	_ =	shalt  }
0x40: {  	_ =	shalt  }
0x41: {  	_ =	shalt  }
0x42: {  	_ =	shalt  }
0x43: {  	_ =	shalt  }
0x44: {  	_ =	shalt  }
0x45: {  	_ =	shalt  }
0x46: {  	_ =	shalt  }
0x47: {  	_ =	shalt  }
0x48: {  	_ =	shalt  }
0x49: {  	_ =	shalt  }
0x4a: {  	_ =	shalt  }
0x4b: {  	_ =	shalt  }
0x4c: {  	_ =	shalt  }
0x4d: {  	_ =	shalt  }
0x4e: {  	_ =	shalt  }
0x4f: {  	_ =	shalt  }
0x50: {  	_ =	shalt  }
0x51: {  	_ =	shalt  }
0x52: {  	_ =	shalt  }
0x53: {  	_ =	shalt  }
0x54: {  	_ =	shalt  }
0x55: {  	_ =	shalt  }
0x56: {  	_ =	shalt  }
0x57: {  	_ =	shalt  }
0x58: {  	_ =	shalt  }
0x59: {  	_ =	shalt  }
0x5a: {  	_ =	shalt  }
0x5b: {  	_ =	shalt  }
0x5c: {  	_ =	shalt  }
0x5d: {  	_ =	shalt  }
0x5e: {  	_ =	shalt  }
0x5f: {  	_ =	shalt  }
0x60: {  	_ =	shalt  }
0x61: {  	_ =	shalt  }
0x62: {  	_ =	shalt  }
0x63: {  	_ =	shalt  }
0x64: {  	_ =	shalt  }
0x65: {  	_ =	shalt  }
0x66: {  	_ =	shalt  }
0x67: {  	_ =	shalt  }
0x68: {  	_ =	shalt  }
0x69: {  	_ =	shalt  }
0x6a: {  	_ =	shalt  }
0x6b: {  	_ =	shalt  }
0x6c: {  	_ =	shalt  }
0x6d: {  	_ =	shalt  }
0x6e: {  	_ =	shalt  }
0x6f: {  	_ =	shalt  }
0x70: {  	_ =	shalt  }
0x71: {  	_ =	shalt  }
0x72: {  	_ =	shalt  }
0x73: {  	_ =	shalt  }
0x74: {  	_ =	shalt  }
0x75: {  	_ =	shalt  }
0x76: {  	_ =	shalt  }
0x77: {  	_ =	shalt  }
0x78: {  	_ =	shalt  }
0x79: {  	_ =	shalt  }
0x7a: {  	_ =	shalt  }
0x7b: {  	_ =	shalt  }
0x7c: {  	_ =	shalt  }
0x7d: {  	_ =	shalt  }
0x7e: {  	_ =	shalt  }
0x7f: {  	_ =	shalt  }
0x80: {  	_ =	shalt  }
0x81: {  	_ =	shalt  }
0x82: {  	_ =	shalt  }
0x83: {  	_ =	shalt  }
0x84: {  	_ =	shalt  }
0x85: {  	_ =	shalt  }
0x86: {  	_ =	shalt  }
0x87: {  	_ =	shalt  }
.Lfunc_end0:
.L_simem_size_0:
called_computation.2_lowered:
.L_overlay_start_0:
0x88: {  	s2 =	sld [smem:$0x3FD9]  }
0x89: {  	s3 =	sld [smem:$0x3FFE];
	_ =	sdelay $0x1  }
0x8a: {  	s1 =	srdreg.scid  }
0x8b: {  	s0 =	sand.u32 $0x1, s1  }
0x8c: {  	s16 =	sshll.u32 s0, $0xA;
	s2 =	sadd.s32 s3, s2  }
0x8d: {  	s2 =	sadd.s32 s2, s16  }
0x8e: {  	[smem:$0x3FAE] =	sst s2  }
0x8f: {  	_ = 	snop  }
0x90: {  	(tm) =	ssettm $0x1  }
0x91: {  	s17 =	sld [smem:$0x3FFB];
	_ =	sdelay $0x3  }
0x92: {  	_ =	strace s17  }
0x93: {  	s2 =	sld [smem:$0x3FFC];
	_ =	sdelay $0x3  }
0x94: {  	_ =	strace s2  }
0x95: {  	s2 =	sld [smem:$0x3FFD];
	_ =	sdelay $0x3  }
0x96: {  	_ =	strace s2  }
0x97: {  	_ =	strace $0x8FFFFFFF  }
0x98: {  	s18 =	sld [smem:$0x3FDB];
	_ =	sdelay $0x1  }
0x99: {  	s19 =	simm.s32 $_scs_section_size  }
0x9a: {  	s4 =	simm.s32 $_size__tile_overlayer_lowered;
	s5 =	simm.s32 $_tile_overlayer_lowered  }
0x9b: {  	s22 =	simm.s32 $0x1BFF;
	s21 =	sshll.u32 s5, $0x1;
	s2 =	sadd.s32 s19, s18  }
0x9c: {  	s6 =	simm.s32 $0x0;
	s20 =	sshll.u32 s4, $0x1;
	s4 =	sadd.s32 s21, s2  }
0x9d: {  	[timem:s6], [sflag:s22] =	dma.local [hbm:s4], s20  }
0x9e: {  	_ =	swait.ge [sflag:s22], s20  }
0x9f: {  	s3 =	ssub.s32 $0x0, s20;
	[sflag:s22] =	ssyncset.done $0x0  }
0xa0: {  	[sflag:s22] =	ssyncadd.s32 s3;
	_ =	sdelay $0x1  }
0xa1: {  	s23 =	simm.s32 $0x1B8B  }
0xa2: {  	_ =	swait.ge [sflag:s23], $0x1  }
0xa3: {  	[sflag:s23] =	ssyncset.done $0x0  }
0xa4: {  	s25 =	simm.s32 $0x1B8E;
	s24 =	sld [smem:$0x3FFE];
	[sflag:s23] =	ssyncadd.s32 $0xFFFFFFFF  }
0xa5: {  	s26 =	simm.s32 $execute0_lowered;
	[smem:$0x3FD2] =	sst s25  }
0xa6: {  	s4 =	sshll.u32 s26, $0x1;
	_ =	strace $0x8000004C;
	[dreg:$0x1] =	wrdreg $0xFFFFFFFF  }
0xa7: {  	s28 =	simm.s32 $_size_execute0_lowered;
	s2 =	sadd.s32 s2, s4;
	[dreg:$0x0] =	wrdreg $0x0  }
0xa8: {  	s4 =	sshll.u32 s28, $0x1;
	[dreg:$0x2] =	wrdreg s2  }
0xa9: {  	[dreg:$0x3] =	wrdreg s4  }
0xaa: {  	[dreg:$0x4] =	wrdreg $0xC0  }
0xab: {  	_ =	task [dreg:s6], $0x5FFFF  }
0xac: {  	[dreg:$0x1] =	wrdreg $0xFFFFFFFF  }
0xad: {  	[dreg:$0x0] =	wrdreg $0x60  }
0xae: {  	[dreg:$0x2] =	wrdreg s24  }
0xaf: {  	[dreg:$0x3] =	wrdreg $0xB7800  }
0xb0: {  	[dreg:$0x4] =	wrdreg $0x9  }
0xb1: {  	_ =	task.clear_ibuf [dreg:s6], $0x5FFFF;
	_ =	strace $0x9000004C  }
0xb2: {  	s29 =	simm.s32 $0x9;
	_ =	strace $0x8000004E  }
0xb3: {  	_ =	swait.ge [sflag:s29], $0x1  }
0xb4: {  	[sflag:s29] =	ssyncadd.s32 $0xFFFFFFFF  }
0xb5: {  	_ =	strace $0x9000004E  }
0xb6: {  	_ =	sfence  }
0xb7: {  	s30 =	sld [smem:$0x0];
	_ =	sdelay $0x2  }
0xb8: {  	s31 =	sshll.u32 s1, $0xD;
	s1 =	sshrl.u32 s1, $0x2  }
0xb9: {  	s3 =	sand.u32 $0x4000, s31;
	s1 =	sadd.s32 s1, s30  }
0xba: {  	s0 =	sor.u32 s3, s0;
	s1 =	sshll.u32 s1, $0x11  }
0xbb: {  	s0 =	sor.u32 s1, s0  }
0xbc: {  	s0 =	sadd.s32 $0x8F2B, s0  }
0xbd: {  	[sflag:s0] =	ssyncadd.remote.s32 $0x1  }
0xbe: {  	_ =	sfence.sel $0xFFFF  }
0xbf: {  	[dreg:$0x0] =	wrdreg $0xFFFFFFFF;
	(pc) =	sbr.abs _section_cstart, $3  }
0xc0: {  	[dreg:$0x1] =	wrdreg $0xFFFFFFFF  }
0xc1: {  	_ =	task.clear_ibuf [dreg:s6], $0x2FFFF;
	_ =	strace $0x9FFFFFFF  }
0xc2: {  	(tm) =	ssettm $0x7FFFFFFF  }
0xc3: {  	_ =	shalt  }
tec
execute0_lowered:
.L_overlay_start_1:
0x0: {  	(tag) =	ssettag $0x1  }
0x1: {  	s0 =	srdreg.scid  }
0x2: {  	s1 =	rddreg [dreg:$0x0];
	s7 =	stileid.u32  }
0x3: {  	s2 =	rddreg [dreg:$0x1];
	s4 =	simm.s32 $0x0;
	s24 =	simm.s32 $0x3  }
0x4: {  	s28 =	simm.s32 $0x8F80;
	s29 =	simm.s32 $0x1;
	s5 =	smul.u32 $0x4F000, s7  }
0x5: {  	[smem:$0x7FF] =	sst s4;
	s4 =	sadd.s32 $0x5C00, s1;
	s25 =	smul.u32 $0x2780, s7  }
0x6: {  	s30 =	simm.s32 $0x2;
	s13 =	sadd.s32 $0x128400, s2;
	s14 =	sadd.s32 $0x12AC00, s2  }
0x7: {  	s0 =	sand.u32 $0x1, s0;
	s17 =	sadd.s32 $0x12FC00, s2;
	s18 =	sadd.s32 $0x132400, s2  }
0x8: {  	s19 =	sadd.s32 $0x134C00, s2;
	p0 =	seq.s32 s7, $0xF;
	s3 =	sshll.u32 s0, $0x4  }
0x9: {  	_ =	strace $0x8000004D;
	s15 =	ssub.s32 $0x2, s0;
	s20 =	smul.u32 $0x138800, s0  }
0xa: {  	s0 =	smul.u32 $0x27100, s0;
	s3 =	sor.u32 s7, s3;
	s5 =	sshrl.u32 s5, $0x2  }
0xb: {  	s26 =	sshrl.u32 s15, $0x1;
	s3 =	smul.u32 $0x4E2, s3;
	s6 =	sadd.s32 s5, s2  }
0xc: {  	s21 =	sshrl.u32 s20, $0x3;
	s20 =	sadd.s32 $0x137400, s2;
	s0 =	sadd.s32 s25, s0  }
0xd: {  	s25 =	simm.s32 $0x50;
	s5 =	sadd.s32 $0x2800, s6;
	s8 =	sadd.s32 $0x5000, s6  }
0xe: {  	s9 =	sadd.s32 $0x7800, s6;
	s10 =	sadd.s32 $0xA000, s6;
	s11 =	sadd.s32 $0xC800, s6  }
0xf: {  	s12 =	sadd.s32 $0xF000, s6;
	s16 =	sadd.s32 $0x11800, s6;
	s3 =	sadd.s32 s3, s1  }
0x10: {  	s1 =	sadd.s32 $0x60A00, s1;
	[dreg:$0x4] =	wrdreg s5;
	s5 =	ssub.s32 s15, s26  }
0x11: {  	s15 =	sadd.s32 $0x12D400, s2;
	s26 =	simm.s32 $0x6780;
	s3 =	sadd.s32 $0x56C00, s3  }
0x12: {  	s31 =	sadd.s32 s1, s21;
	s21 =	sadd.s32 s1, s0;
	s23 =	smax.u32 s5, $0x1  }
0x13: {  	v0 =	vimm.f32 $0.0e+00;
	s1 =	simm.s32 $0x0;
	[dreg:$0x3] =	wrdreg s3;
	s22 =	sadd.s32 $0x25080, s31  }
.LBB2_1:
0x14: {  	s0 =	simm.s32 $0x0;
	s3 =	rddreg [dreg:$0x3]  }
0x15: {  	[tilespmem:s0], [sflag:$0x3] =	stream.linear.gather [hbm4b:s3+s0], $0x2710, $0x38;
	[tilespmem:$0x1F000] =	vst v63  }
0x16: {  	_ =	swait.ge [sflag:s24], $0x2710  }
0x17: {  	[sflag:s24] =	ssyncset.done $0x0  }
0x18: {  	s3 =	simm.s32 $0x20;
	[sflag:s24] =	ssyncadd.s32 $0xFFFFD8F0  }
0x19: {  	s5 =	simm.s32 $0x200;
	s31 =	simm.s32 $0x0;
	s0 =	simm.s32 $0x20;
	v1 =	vld [tilespmem:s3+$0xFFFFFFE0]  }
.LBB2_2:
0x1a: {  	p1 =	sne.s32 s5, $0xF800;
	_ =	sdelay $0x3  }
0x1b: {  	s7 =	sshra.s32 s31, $0x2;
	s31 =	smov.u32 s5;
	v2 =	vshrl.u32 v1, $0xE  }
0x1c: {  	[tilespmem:s7+$0x2780] =	vst v2  }
0x1d: {  	v2 =	vld [tilespmem:s3+$0xFFFFFFF0];
	_ =	sdelay $0x3  }
0x1e: {  	v1 =	vand.u32 $0x3FFF, v1  }
0x1f: {  	[tilespmem:s3+$0xFFFFFFE0] =	vst v1;
	v1 =	vshrl.u32 v2, $0xE  }
0x20: {  	[tilespmem:s7+$0x2790] =	vst v1  }
0x21: {  	v1 =	vld [tilespmem:s3+$0x0];
	_ =	sdelay $0x3  }
0x22: {  	v2 =	vand.u32 $0x3FFF, v2  }
0x23: {  	[tilespmem:s3+$0xFFFFFFF0] =	vst v2;
	v2 =	vshrl.u32 v1, $0xE;
	v1 =	vand.u32 $0x3FFF, v1  }
0x24: {  	[tilespmem:s7+$0x27A0] =	vst v2  }
0x25: {  	v2 =	vld [tilespmem:s3+$0x10];
	_ =	sdelay $0x4  }
0x26: {  	[tilespmem:s3+$0x0] =	vst v1;
	v1 =	vshrl.u32 v2, $0xE;
	v2 =	vand.u32 $0x3FFF, v2  }
0x27: {  	[tilespmem:s7+$0x27B0] =	vst v1  }
0x28: {  	v1 =	vld [tilespmem:s3+$0x20];
	_ =	sdelay $0x2  }
.Ltmp0:
0x29: {  	(pc) =	sbr.rel @p1 .LBB2_2-.Ltmp0, $4  }
0x2a: {  	_ = 	snop  }
0x2b: {  	[tilespmem:s3+$0x10] =	vst v2;
	v2 =	vshrl.u32 v1, $0xE;
	v3 =	vand.u32 $0x3FFF, v1  }
0x2c: {  	s3 =	sadd.s32 $0x50, s3;
	[tilespmem:s7+$0x27C0] =	vst v2  }
0x2d: {  	s5 =	sadd.s32 $0x200, s5;
	v1 =	vld [tilespmem:s3+$0xFFFFFFE0];
	[tilespmem:s0+$0x20] =	vst v3;
	s0 =	smov.u32 s3  }
0x2e: {  	_ =	sdelay $0x3  }
0x2f: {  	s5 =	sshra.s32 s31, $0x2;
	v2 =	vshrl.u32 v1, $0xE  }
0x30: {  	[tilespmem:s5+$0x2780] =	vst v2  }
0x31: {  	v2 =	vld [tilespmem:s3+$0xFFFFFFF0];
	_ =	sdelay $0x3  }
0x32: {  	v1 =	vand.u32 $0x3FFF, v1  }
0x33: {  	[tilespmem:s3+$0xFFFFFFE0] =	vst v1;
	v1 =	vshrl.u32 v2, $0xE  }
0x34: {  	[tilespmem:s5+$0x2790] =	vst v1  }
0x35: {  	v1 =	vld [tilespmem:s3+$0x0];
	_ =	sdelay $0x3  }
0x36: {  	v2 =	vand.u32 $0x3FFF, v2  }
0x37: {  	[tilespmem:s3+$0xFFFFFFF0] =	vst v2;
	v2 =	vshrl.u32 v1, $0xE  }
0x38: {  	[tilespmem:s5+$0x27A0] =	vst v2  }
0x39: {  	v2 =	vld [tilespmem:s3+$0x10];
	_ =	sdelay $0x3  }
0x3a: {  	v1 =	vand.u32 $0x3FFF, v1  }
0x3b: {  	[tilespmem:s3+$0x0] =	vst v1;
	v1 =	vshrl.u32 v2, $0xE  }
0x3c: {  	[tilespmem:s5+$0x27B0] =	vst v1  }
0x3d: {  	v1 =	vld [tilespmem:s3+$0x20];
	_ =	sdelay $0x3  }
0x3e: {  	v2 =	vand.u32 $0x3FFF, v2  }
0x3f: {  	[tilespmem:s3+$0x10] =	vst v2;
	v2 =	vshrl.u32 v1, $0xE  }
0x40: {  	v1 =	vand.u32 $0x3FFF, v1;
	[tilespmem:s5+$0x27C0] =	vst v2  }
0x41: {  	s3 =	simm.s32 $0x200;
	[tilespmem:s0+$0x20] =	vst v1;
	s0 =	simm.s32 $0x0  }
.LBB2_4:
0x42: {  	p1 =	sne.s32 s3, $0x9E00;
	[tilespmem:s0+$0x67F0] =	vst v0  }
0x43: {  	[tilespmem:s0+$0x6780] =	vst v0  }
0x44: {  	[tilespmem:s0+$0x6790] =	vst v0  }
.Ltmp1:
0x45: {  	[tilespmem:s0+$0x67A0] =	vst v0;
	(pc) =	sbr.rel @p1 .LBB2_4-.Ltmp1, $4  }
0x46: {  	[tilespmem:s0+$0x67B0] =	vst v0  }
0x47: {  	[tilespmem:s0+$0x67C0] =	vst v0  }
0x48: {  	[tilespmem:s0+$0x67D0] =	vst v0  }
0x49: {  	[tilespmem:s0+$0x67E0] =	vst v0;
	s0 =	sshra.s32 s3, $0x2;
	s3 =	sadd.s32 $0x200, s3  }
0x4a: {  	[tilespmem:s0+$0x67F0] =	vst v0  }
0x4b: {  	[tilespmem:s0+$0x6780] =	vst v0  }
0x4c: {  	[tilespmem:s0+$0x6790] =	vst v0  }
0x4d: {  	[tilespmem:s0+$0x67A0] =	vst v0  }
0x4e: {  	[tilespmem:s0+$0x67B0] =	vst v0  }
0x4f: {  	[tilespmem:s0+$0x67C0] =	vst v0  }
0x50: {  	[tilespmem:s0+$0x67D0] =	vst v0  }
0x51: {  	[tilespmem:s0+$0x67E0] =	vst v0;
	s0 =	simm.s32 @p0 $0x6780;
	s3 =	simm.s32 @p0 $0x3  }
0x52: {  	[spmem:s13] =	stream.linear.scatter @p0 [tilespmem:s0], [sflag:$0x3], $0x2800, $0x38;
	[tilespmem:$0x1F000] =	vst v63  }
0x53: {  	_ =	swait.ge @p0 [sflag:s3], $0x2800  }
0x54: {  	[sflag:s3] =	ssyncset.done @p0 $0x0  }
0x55: {  	[sflag:s3] =	ssyncadd.s32 @p0 $0xFFFFD800  }
0x56: {  	[spmem:s14] =	stream.linear.scatter @p0 [tilespmem:s0], [sflag:$0x3], $0x2800, $0x38;
	[tilespmem:$0x1F000] =	vst v63  }
0x57: {  	_ =	swait.ge @p0 [sflag:s3], $0x2800  }
0x58: {  	[sflag:s3] =	ssyncset.done @p0 $0x0  }
0x59: {  	[sflag:s3] =	ssyncadd.s32 @p0 $0xFFFFD800  }
0x5a: {  	[spmem:s15] =	stream.linear.scatter @p0 [tilespmem:s0], [sflag:$0x3], $0x2800, $0x38;
	[tilespmem:$0x1F000] =	vst v63  }
0x5b: {  	_ =	swait.ge @p0 [sflag:s3], $0x2800  }
0x5c: {  	[sflag:s3] =	ssyncset.done @p0 $0x0  }
0x5d: {  	[sflag:s3] =	ssyncadd.s32 @p0 $0xFFFFD800  }
0x5e: {  	[spmem:s17] =	stream.linear.scatter @p0 [tilespmem:s0], [sflag:$0x3], $0x2800, $0x38;
	[tilespmem:$0x1F000] =	vst v63  }
0x5f: {  	_ =	swait.ge @p0 [sflag:s3], $0x2800  }
0x60: {  	[sflag:s3] =	ssyncset.done @p0 $0x0  }
0x61: {  	[sflag:s3] =	ssyncadd.s32 @p0 $0xFFFFD800  }
0x62: {  	[spmem:s18] =	stream.linear.scatter @p0 [tilespmem:s0], [sflag:$0x3], $0x2800, $0x38;
	[tilespmem:$0x1F000] =	vst v63  }
0x63: {  	_ =	swait.ge @p0 [sflag:s3], $0x2800  }
0x64: {  	[sflag:s3] =	ssyncset.done @p0 $0x0  }
0x65: {  	[sflag:s3] =	ssyncadd.s32 @p0 $0xFFFFD800  }
0x66: {  	[spmem:s19] =	stream.linear.scatter @p0 [tilespmem:s0], [sflag:$0x3], $0x2800, $0x38;
	[tilespmem:$0x1F000] =	vst v63  }
0x67: {  	_ =	swait.ge @p0 [sflag:s3], $0x2800  }
0x68: {  	[sflag:s3] =	ssyncset.done @p0 $0x0  }
0x69: {  	[sflag:s3] =	ssyncadd.s32 @p0 $0xFFFFD800  }
0x6a: {  	[spmem:s20] =	stream.linear.scatter @p0 [tilespmem:s0], [sflag:$0x3], $0x1400, $0x38;
	[tilespmem:$0x1F000] =	vst v63  }
0x6b: {  	_ =	swait.ge @p0 [sflag:s3], $0x1400  }
0x6c: {  	[sflag:s3] =	ssyncset.done @p0 $0x0  }
0x6d: {  	s0 =	simm.s32 @!p0 $0x6780;
	[sflag:s3] =	ssyncadd.s32 @p0 $0xFFFFEC00;
	s3 =	simm.s32 @!p0 $0x3  }
0x6e: {  	[spmem:s6] =	stream.linear.scatter @!p0 [tilespmem:s0], [sflag:$0x3], $0x2800, $0x38;
	[tilespmem:$0x1F000] =	vst v63  }
0x6f: {  	_ =	swait.ge @!p0 [sflag:s3], $0x2800  }
0x70: {  	[sflag:s3] =	ssyncset.done @!p0 $0x0  }
0x71: {  	s5 =	rddreg [dreg:$0x4];
	[sflag:s3] =	ssyncadd.s32 @!p0 $0xFFFFD800  }
0x72: {  	[spmem:s5] =	stream.linear.scatter @!p0 [tilespmem:s0], [sflag:$0x3], $0x2800, $0x38;
	[tilespmem:$0x1F000] =	vst v63  }
0x73: {  	_ =	swait.ge @!p0 [sflag:s3], $0x2800  }
0x74: {  	[sflag:s3] =	ssyncset.done @!p0 $0x0  }
0x75: {  	[sflag:s3] =	ssyncadd.s32 @!p0 $0xFFFFD800  }
0x76: {  	[spmem:s8] =	stream.linear.scatter @!p0 [tilespmem:s0], [sflag:$0x3], $0x2800, $0x38;
	[tilespmem:$0x1F000] =	vst v63  }
0x77: {  	_ =	swait.ge @!p0 [sflag:s3], $0x2800  }
0x78: {  	[sflag:s3] =	ssyncset.done @!p0 $0x0  }
0x79: {  	[sflag:s3] =	ssyncadd.s32 @!p0 $0xFFFFD800  }
0x7a: {  	[spmem:s9] =	stream.linear.scatter @!p0 [tilespmem:s0], [sflag:$0x3], $0x2800, $0x38;
	[tilespmem:$0x1F000] =	vst v63  }
0x7b: {  	_ =	swait.ge @!p0 [sflag:s3], $0x2800  }
0x7c: {  	[sflag:s3] =	ssyncset.done @!p0 $0x0  }
0x7d: {  	[sflag:s3] =	ssyncadd.s32 @!p0 $0xFFFFD800  }
0x7e: {  	[spmem:s10] =	stream.linear.scatter @!p0 [tilespmem:s0], [sflag:$0x3], $0x2800, $0x38;
	[tilespmem:$0x1F000] =	vst v63  }
0x7f: {  	_ =	swait.ge @!p0 [sflag:s3], $0x2800  }
0x80: {  	[sflag:s3] =	ssyncset.done @!p0 $0x0  }
0x81: {  	[sflag:s3] =	ssyncadd.s32 @!p0 $0xFFFFD800  }
0x82: {  	[spmem:s11] =	stream.linear.scatter @!p0 [tilespmem:s0], [sflag:$0x3], $0x2800, $0x38;
	[tilespmem:$0x1F000] =	vst v63  }
0x83: {  	_ =	swait.ge @!p0 [sflag:s3], $0x2800  }
0x84: {  	[sflag:s3] =	ssyncset.done @!p0 $0x0  }
0x85: {  	[sflag:s3] =	ssyncadd.s32 @!p0 $0xFFFFD800  }
0x86: {  	[spmem:s12] =	stream.linear.scatter @!p0 [tilespmem:s0], [sflag:$0x3], $0x2800, $0x38;
	[tilespmem:$0x1F000] =	vst v63  }
0x87: {  	_ =	swait.ge @!p0 [sflag:s3], $0x2800  }
0x88: {  	[sflag:s3] =	ssyncset.done @!p0 $0x0  }
0x89: {  	[sflag:s3] =	ssyncadd.s32 @!p0 $0xFFFFD800  }
0x8a: {  	[spmem:s16] =	stream.linear.scatter @!p0 [tilespmem:s0], [sflag:$0x3], $0x2400, $0x38;
	[tilespmem:$0x1F000] =	vst v63  }
0x8b: {  	_ =	swait.ge @!p0 [sflag:s3], $0x2400  }
0x8c: {  	[sflag:s3] =	ssyncset.done @!p0 $0x0  }
0x8d: {  	[sflag:s3] =	ssyncadd.s32 @!p0 $0xFFFFDC00  }
0x8e: {  	s31 =	simm.s32 $0x0;
	[bflag:$0x0] =	sbarrier.arrive $0xFFFF  }
0x8f: {  	[tilespmem:s26], [sflag:$0x1] =	stream.indirect.gather [hbm4b:s4+s25], $0x80, s31, s25, $0xb8;
	[tilespmem:$0x1F000] =	vst v63  }
0x90: {  	s3 =	simm.s32 $0x50  }
0x91: {  	[tilespmem:s28], [sflag:$0x2] =	stream.indirect.gather [hbm4b:s4+s25], $0x80, s3, s25, $0xb8;
	[tilespmem:$0x1F000] =	vst v63  }
0x92: {  	_ =	swait.ge [sflag:s29], $0x2800  }
0x93: {  	[sflag:s29] =	ssyncset.done $0x0  }
0x94: {  	s5 =	simm.s32 $0x2780;
	[sflag:s29] =	ssyncadd.s32 $0xFFFFD800  }
0x95: {  	[spmem:s2] =	stream.indirect.scatter.add.f32 [tilespmem:s26], [sflag:$0x3], $0x80, s5, s25, $0xb8;
	[tilespmem:$0x1F000] =	vst v63  }
0x96: {  	_ =	swait.ge [sflag:s24], $0x2800  }
0x97: {  	[sflag:s24] =	ssyncset.done $0x0  }
0x98: {  	s7 =	simm.s32 $0xA0;
	[sflag:s24] =	ssyncadd.s32 $0xFFFFD800  }
0x99: {  	[tilespmem:s26], [sflag:$0x1] =	stream.indirect.gather [hbm4b:s4+s25], $0x80, s7, s25, $0xb8;
	[tilespmem:$0x1F000] =	vst v63  }
0x9a: {  	_ =	swait.ge [sflag:s30], $0x2800  }
0x9b: {  	[sflag:s30] =	ssyncset.done $0x0  }
0x9c: {  	s31 =	simm.s32 $0x2800;
	[sflag:s30] =	ssyncadd.s32 $0xFFFFD800  }
0x9d: {  	[spmem:s2] =	stream.indirect.scatter.add.f32 [tilespmem:s28], [sflag:$0x3], $0x80, s31, s25, $0xb8;
	[tilespmem:$0x1F000] =	vst v63  }
0x9e: {  	s0 =	simm.s32 $0x140;
	_ =	swait.ge [sflag:s24], $0x2800  }
0x9f: {  	s3 =	simm.s32 $0x400;
	s5 =	simm.s32 $0x800;
	[sflag:s24] =	ssyncset.done $0x0  }
.LBB2_6:
0xa0: {  	p1 =	sne.s32 s5, $0xF400;
	s7 =	sadd.s32 $0xFFFFFFB0, s0;
	[sflag:s24] =	ssyncadd.s32 $0xFFFFD800  }
0xa1: {  	[tilespmem:s28], [sflag:$0x2] =	stream.indirect.gather [hbm4b:s4+s25], $0x80, s7, s25, $0xb8;
	[tilespmem:$0x1F000] =	vst v63  }
0xa2: {  	s7 =	smov.u32 s5;
	s5 =	sadd.s32 $0x400, s5;
	_ =	swait.ge [sflag:s29], $0x2800  }
0xa3: {  	s31 =	sshra.s32 s3, $0x2;
	s3 =	smov.u32 s7;
	[sflag:s29] =	ssyncset.done $0x0  }
0xa4: {  	s7 =	sadd.s32 $0x2780, s31;
	[sflag:s29] =	ssyncadd.s32 $0xFFFFD800  }
0xa5: {  	[spmem:s2] =	stream.indirect.scatter.add.f32 [tilespmem:s26], [sflag:$0x3], $0x80, s7, s25, $0xb8;
	[tilespmem:$0x1F000] =	vst v63  }
0xa6: {  	_ =	swait.ge [sflag:s24], $0x2800  }
0xa7: {  	[sflag:s24] =	ssyncset.done $0x0  }
0xa8: {  	[sflag:s24] =	ssyncadd.s32 $0xFFFFD800  }
0xa9: {  	[tilespmem:s26], [sflag:$0x1] =	stream.indirect.gather [hbm4b:s4+s25], $0x80, s0, s25, $0xb8;
	[tilespmem:$0x1F000] =	vst v63  }
0xaa: {  	_ =	swait.ge [sflag:s30], $0x2800  }
.Ltmp2:
0xab: {  	[sflag:s30] =	ssyncset.done $0x0;
	(pc) =	sbr.rel @p1 .LBB2_6-.Ltmp2, $4  }
0xac: {  	s7 =	sadd.s32 $0x2800, s31;
	[sflag:s30] =	ssyncadd.s32 $0xFFFFD800  }
0xad: {  	[spmem:s2] =	stream.indirect.scatter.add.f32 [tilespmem:s28], [sflag:$0x3], $0x80, s7, s25, $0xb8;
	[tilespmem:$0x1F000] =	vst v63  }
0xae: {  	_ =	swait.ge [sflag:s24], $0x2800  }
0xaf: {  	s0 =	sadd.s32 $0xA0, s0;
	[sflag:s24] =	ssyncset.done $0x0  }
0xb0: {  	s5 =	sadd.s32 $0xFFFFFFB0, s0;
	[sflag:s24] =	ssyncadd.s32 $0xFFFFD800  }
0xb1: {  	[tilespmem:s28], [sflag:$0x2] =	stream.indirect.gather [hbm4b:s4+s25], $0x80, s5, s25, $0xb8;
	[tilespmem:$0x1F000] =	vst v63  }
0xb2: {  	_ =	swait.ge [sflag:s29], $0x2800  }
0xb3: {  	s3 =	sshra.s32 s3, $0x2;
	[sflag:s29] =	ssyncset.done $0x0  }
0xb4: {  	s31 =	sadd.s32 $0x2780, s3;
	[sflag:s29] =	ssyncadd.s32 $0xFFFFD800  }
0xb5: {  	[spmem:s2] =	stream.indirect.scatter.add.f32 [tilespmem:s26], [sflag:$0x3], $0x80, s31, s25, $0xb8;
	[tilespmem:$0x1F000] =	vst v63  }
0xb6: {  	_ =	swait.ge [sflag:s24], $0x2800  }
0xb7: {  	[sflag:s24] =	ssyncset.done $0x0  }
0xb8: {  	[sflag:s24] =	ssyncadd.s32 $0xFFFFD800  }
0xb9: {  	[tilespmem:s26], [sflag:$0x1] =	stream.indirect.gather [hbm4b:s4+s25], $0x80, s0, s25, $0xb8;
	[tilespmem:$0x1F000] =	vst v63  }
0xba: {  	_ =	swait.ge [sflag:s30], $0x2800  }
0xbb: {  	[sflag:s30] =	ssyncset.done $0x0  }
0xbc: {  	s7 =	sadd.s32 $0x2800, s3;
	[sflag:s30] =	ssyncadd.s32 $0xFFFFD800  }
0xbd: {  	[spmem:s2] =	stream.indirect.scatter.add.f32 [tilespmem:s28], [sflag:$0x3], $0x80, s7, s25, $0xb8;
	[tilespmem:$0x1F000] =	vst v63  }
0xbe: {  	_ =	swait.ge [sflag:s24], $0x2800  }
0xbf: {  	[sflag:s24] =	ssyncset.done $0x0  }
0xc0: {  	[sflag:s24] =	ssyncadd.s32 $0xFFFFD800  }
0xc1: {  	_ =	swait.ge [sflag:s29], $0x2800  }
0xc2: {  	[sflag:s29] =	ssyncset.done $0x0  }
0xc3: {  	s31 =	simm.s32 $0x6580;
	[sflag:s29] =	ssyncadd.s32 $0xFFFFD800  }
0xc4: {  	[spmem:s2] =	stream.indirect.scatter.add.f32 [tilespmem:s26], [sflag:$0x3], $0x80, s31, s25, $0xb8;
	[tilespmem:$0x1F000] =	vst v63  }
0xc5: {  	_ =	swait.ge [sflag:s24], $0x2800  }
0xc6: {  	[sflag:s24] =	ssyncset.done $0x0  }
0xc7: {  	[sflag:s24] =	ssyncadd.s32 $0xFFFFD800  }
0xc8: {  	s3 =	simm.s32 @p0 $0x1FC3;
	s0 =	sshrl.u32 @p0 s13, $0x3;
	[bflag:$0x0] =	sbarrier.arrive $0xFFFF  }
0xc9: {  	[hbm:s22], [sflag:s3] =	dma.local @p0 [spmem:s0], $0x2080  }
0xca: {  	s0 =	simm.s32 @p0 $0x3  }
0xcb: {  	s1 =	sadd.s32 $0x1, s1;
	s3 =	stileid.u32;
	_ =	swait.ge @p0 [sflag:s0], $0x2080  }
0xcc: {  	p1 =	sne.s32 s1, s23;
	s3 =	sshll.u32 @!p0 s3, $0x6;
	[sflag:s0] =	ssyncset.done @p0 $0x0  }
0xcd: {  	[sflag:s0] =	ssyncadd.s32 @p0 $0xFFFFDF80;
	s0 =	sor.u32 @!p0 $0x1C03, s3;
	s3 =	sshrl.u32 @!p0 s6, $0x3  }
0xce: {  	[hbm:s21], [sflag:s0] =	dma.local @!p0 [spmem:s3], $0x2780  }
.Ltmp3:
0xcf: {  	_ = 	snop;
	(pc) =	sbr.rel @p1 .LBB2_1-.Ltmp3, $4  }
0xd0: {  	s0 =	simm.s32 @!p0 $0x3  }
0xd1: {  	_ =	swait.ge @!p0 [sflag:s0], $0x2780  }
0xd2: {  	[sflag:s0] =	ssyncset.done @!p0 $0x0  }
0xd3: {  	[sflag:s0] =	ssyncadd.s32 @!p0 $0xFFFFD880  }
0xd4: {  	_ =	sfence.sel $0x180000  }
0xd5: {  	[bflag:$0x0] =	sbarrier.arrive $0xFFFF  }
0xd6: {  	_ =	strace $0x9000004D  }
0xd7: {  	s0 =	stileid.u32;
	[bflag:$0x2] =	sbarrier.arrive $0xFFFF  }
0xd8: {  	p0 =	sne.s32 s0, $0x0;
	s0 =	rddreg [dreg:$0x2]  }
0xd9: {  	s0 =	sadd.s32 @!p0 $0x100000, s0  }
0xda: {  	[sflag:s0] =	ssyncadd.tile.s32 @!p0 $0x1;
	_ =	shalt  }
.Lfunc_end2:
_tile_overlayer_lowered:
.L_overlay_start_2:
0xdb: {  	(tag) =	ssettag $0x2  }
0xdc: {  	s0 =	rddreg [dreg:$0x0];
	s2 =	stileid.u32  }
0xdd: {  	s1 =	rddreg [dreg:$0x1];
	p0 =	sne.s32 s2, $0x0  }
0xde: {  	s3 =	rddreg [dreg:$0x2];
	[bflag:$0x3] =	sbarrier.arrive $0xFFFF;
	s2 =	simm.s32 @!p0 $0x1C03  }
0xdf: {  	[timem:s3], [sflag:s2] =	dma.local @!p0 [hbm:s0], s1  }
0xe0: {  	s0 =	simm.s32 @!p0 $0x3  }
0xe1: {  	_ =	swait.ge @!p0 [sflag:s0], s1  }
0xe2: {  	s1 =	ssub.s32 @!p0 $0x0, s1;
	[sflag:s0] =	ssyncset.done @!p0 $0x0  }
0xe3: {  	[sflag:s0] =	ssyncadd.s32 @!p0 s1  }
0xe4: {  	[bflag:$0x3] =	sbarrier.arrive $0xFFFF  }
0xe5: {  	_ =	shalt  }

// kernel: kernel.27.cloned.1.call-start
scs
__scs_entry_jumppad:
0x0: {  	(pc) =	sbr.rel $0x88, $3  }
0x1: {  	(tag) =	ssettag $0x0;
	lr =	simm.s32 $0x1  }
0x2: {  	[smem:$0x3F87] =	sst lr;
	_ =	strace $0xD0000000  }
0x3: {  	_ = 	snop  }
0x4: {  	_ = 	snop  }
0x5: {  	_ = 	snop  }
0x6: {  	_ = 	snop  }
0x7: {  	_ = 	snop  }
__scs_overlays_trampoline_lowered:
0x8: {  	[smem:$0x3F96] =	sst s0  }
0x9: {  	[smem:$0x3F97] =	sst s1  }
0xa: {  	[smem:$0x3F98] =	sst s2  }
0xb: {  	[smem:$0x3F99] =	sst s3  }
0xc: {  	[smem:$0x3F9A] =	sst s4  }
0xd: {  	[smem:$0x3F9B] =	sst s5  }
0xe: {  	[smem:$0x3F9C] =	sst s6  }
0xf: {  	[smem:$0x3F9D] =	sst s7  }
0x10: {  	[smem:$0x3F9E] =	sst s8  }
0x11: {  	[smem:$0x3F9F] =	sst s9;
	s0 =	simm.s32 @!p0 $0x0  }
0x12: {  	s1 =	sld [smem:$0x3F85];
	s0 =	simm.s32 @p0 $0x1  }
0x13: {  	[smem:$0x3FA0] =	sst s0;
	s0 =	simm.s32 @!p1 $0x0  }
0x14: {  	s2 =	sld [smem:$0x3F84];
	s0 =	simm.s32 @p1 $0x1  }
0x15: {  	[smem:$0x3FA1] =	sst s0;
	s0 =	simm.s32 @!p2 $0x0  }
0x16: {  	s3 =	sld [smem:$0x3FDB];
	s0 =	simm.s32 @p2 $0x1  }
0x17: {  	s4 =	simm.s32 $0x1BF5;
	[smem:$0x3FA3] =	sst s0  }
0x18: {  	s0 =	sld [smem:$0x3F86];
	_ =	swait.ge [sflag:s4], $0x0  }
0x19: {  	s7 =	sld [smem:$0x3F87]  }
0x1a: {  	s8 =	sadd.s32 $0xFFFFE003, lr  }
0x1b: {  	s9 =	sadd.s32 $0xFFFFFEF7, lr;
	s5 =	simm.s32 $0xFFFFFFFF;
	p2 =	slt.u32 s8, $0xFFFFF086  }
0x1c: {  	p1 =	slt.u32 s9, $0xF7A;
	s5 =	simm.s32 @!p2 $0x0  }
0x1d: {  	s5 =	simm.s32 @p1 $0x1;
	p0 =	seq.s32 s7, s2  }
0x1e: {  	s7 =	smul.u32 @!p0 $0xF7A, s2;
	p2 =	seq.s32 @!p0 s5, $0x0  }
0x1f: {  	s9 =	smul.u32 $0xF7A, s1;
	s8 =	simm.s32 @!p0 $0x1BF5;
	p2 =	por !p2, p0  }
0x20: {  	[sflag:s8] =	ssyncset.s32 @!p0 $0xFFFFF086;
	s6 =	sadd.s32 @!p0 s3, s7;
	s7 =	simm.s32 @!p0 $0x108  }
0x21: {  	s3 =	sadd.s32 s3, s9;
	s6 =	sadd.s32 @!p0 $0x88, s6;
	s7 =	simm.s32 @p2 $0x1082  }
0x22: {  	[simem:s7], [sflag:s8] =	dma.local @!p0 [hbm:s6], $0xF7A  }
0x23: {  	s9 =	sor.u32 $0xD0000000, s2;
	s6 =	simm.s32 $0x108;
	_ =	swait.ge @!p0 [sflag:s8], $0x0  }
0x24: {  	s3 =	sadd.s32 $0x88, s3;
	s6 =	simm.s32 @!p1 $0x1082;
	[sflag:s4] =	ssyncset.s32 $0xFFFFF086  }
0x25: {  	[simem:s6], [sflag:s4] =	dma.local [hbm:s3], $0xF7A  }
0x26: {  	[smem:$0x3F87] =	sst s1;
	(tag) =	ssettag s2;
	_ =	strace s9  }
0x27: {  	s1 =	sld [smem:$0x3F97]  }
0x28: {  	s2 =	sld [smem:$0x3F98]  }
0x29: {  	s4 =	sld [smem:$0x3F9A]  }
0x2a: {  	p0 =	seq.s32 s5, $0x0;
	s5 =	sld [smem:$0x3F9B]  }
0x2b: {  	s6 =	sld [smem:$0x3F9C]  }
0x2c: {  	s7 =	sld [smem:$0x3F9D]  }
0x2d: {  	s3 =	simm.s32 $0x108;
	s8 =	sld [smem:$0x3F9E]  }
0x2e: {  	s3 =	simm.s32 @!p0 $0x1082;
	s9 =	sld [smem:$0x3F9F]  }
0x2f: {  	lr =	sadd.s32 s0, s3;
	s0 =	sld [smem:$0x3F96]  }
0x30: {  	s3 =	sld [smem:$0x3F99]  }
0x31: {  	[smem:$0x3FA2] =	sst s10  }
0x32: {  	s10 =	sld [smem:$0x3FA0];
	_ =	sdelay $0x3  }
0x33: {  	p0 =	seq.s32 s10, $0x1;
	s10 =	sld [smem:$0x3FA2];
	_ =	sdelay $0x3  }
0x34: {  	[smem:$0x3FA2] =	sst s10  }
0x35: {  	s10 =	sld [smem:$0x3FA1];
	_ =	sdelay $0x3  }
0x36: {  	p1 =	seq.s32 s10, $0x1;
	s10 =	sld [smem:$0x3FA2];
	_ =	sdelay $0x3  }
0x37: {  	[smem:$0x3FA2] =	sst s10  }
0x38: {  	s10 =	sld [smem:$0x3FA3]  }
0x39: {  	_ = 	snop;
	(pc) =	sbr.ind lr, $3  }
0x3a: {  	_ = 	snop  }
0x3b: {  	_ = 	snop  }
0x3c: {  	p2 =	seq.s32 s10, $0x1;
	s10 =	sld [smem:$0x3FA2]  }
0x3d: {  	_ =	shalt  }
0x3e: {  	_ =	shalt  }
0x3f: {  	_ =	shalt  }
0x40: {  	_ =	shalt  }
0x41: {  	_ =	shalt  }
0x42: {  	_ =	shalt  }
0x43: {  	_ =	shalt  }
0x44: {  	_ =	shalt  }
0x45: {  	_ =	shalt  }
0x46: {  	_ =	shalt  }
0x47: {  	_ =	shalt  }
0x48: {  	_ =	shalt  }
0x49: {  	_ =	shalt  }
0x4a: {  	_ =	shalt  }
0x4b: {  	_ =	shalt  }
0x4c: {  	_ =	shalt  }
0x4d: {  	_ =	shalt  }
0x4e: {  	_ =	shalt  }
0x4f: {  	_ =	shalt  }
0x50: {  	_ =	shalt  }
0x51: {  	_ =	shalt  }
0x52: {  	_ =	shalt  }
0x53: {  	_ =	shalt  }
0x54: {  	_ =	shalt  }
0x55: {  	_ =	shalt  }
0x56: {  	_ =	shalt  }
0x57: {  	_ =	shalt  }
0x58: {  	_ =	shalt  }
0x59: {  	_ =	shalt  }
0x5a: {  	_ =	shalt  }
0x5b: {  	_ =	shalt  }
0x5c: {  	_ =	shalt  }
0x5d: {  	_ =	shalt  }
0x5e: {  	_ =	shalt  }
0x5f: {  	_ =	shalt  }
0x60: {  	_ =	shalt  }
0x61: {  	_ =	shalt  }
0x62: {  	_ =	shalt  }
0x63: {  	_ =	shalt  }
0x64: {  	_ =	shalt  }
0x65: {  	_ =	shalt  }
0x66: {  	_ =	shalt  }
0x67: {  	_ =	shalt  }
0x68: {  	_ =	shalt  }
0x69: {  	_ =	shalt  }
0x6a: {  	_ =	shalt  }
0x6b: {  	_ =	shalt  }
0x6c: {  	_ =	shalt  }
0x6d: {  	_ =	shalt  }
0x6e: {  	_ =	shalt  }
0x6f: {  	_ =	shalt  }
0x70: {  	_ =	shalt  }
0x71: {  	_ =	shalt  }
0x72: {  	_ =	shalt  }
0x73: {  	_ =	shalt  }
0x74: {  	_ =	shalt  }
0x75: {  	_ =	shalt  }
0x76: {  	_ =	shalt  }
0x77: {  	_ =	shalt  }
0x78: {  	_ =	shalt  }
0x79: {  	_ =	shalt  }
0x7a: {  	_ =	shalt  }
0x7b: {  	_ =	shalt  }
0x7c: {  	_ =	shalt  }
0x7d: {  	_ =	shalt  }
0x7e: {  	_ =	shalt  }
0x7f: {  	_ =	shalt  }
0x80: {  	_ =	shalt  }
0x81: {  	_ =	shalt  }
0x82: {  	_ =	shalt  }
0x83: {  	_ =	shalt  }
0x84: {  	_ =	shalt  }
0x85: {  	_ =	shalt  }
0x86: {  	_ =	shalt  }
0x87: {  	_ =	shalt  }
.Lfunc_end0:
.L_simem_size_0:
called_computation.3_lowered:
.L_overlay_start_0:
0x88: {  	s2 =	sld [smem:$0x3FD9]  }
0x89: {  	s3 =	sld [smem:$0x3FFE];
	_ =	sdelay $0x1  }
0x8a: {  	s1 =	srdreg.scid  }
0x8b: {  	s0 =	sand.u32 $0x1, s1  }
0x8c: {  	s16 =	sshll.u32 s0, $0xA;
	s2 =	sadd.s32 s3, s2  }
0x8d: {  	s2 =	sadd.s32 s2, s16  }
0x8e: {  	[smem:$0x3FAE] =	sst s2  }
0x8f: {  	_ = 	snop  }
0x90: {  	(tm) =	ssettm $0x1  }
0x91: {  	s17 =	sld [smem:$0x3FFB];
	_ =	sdelay $0x3  }
0x92: {  	_ =	strace s17  }
0x93: {  	s2 =	sld [smem:$0x3FFC];
	_ =	sdelay $0x3  }
0x94: {  	_ =	strace s2  }
0x95: {  	s2 =	sld [smem:$0x3FFD];
	_ =	sdelay $0x3  }
0x96: {  	_ =	strace s2  }
0x97: {  	_ =	strace $0x8FFFFFFF  }
0x98: {  	s18 =	sld [smem:$0x3FDB];
	_ =	sdelay $0x1  }
0x99: {  	s19 =	simm.s32 $_scs_section_size  }
0x9a: {  	s4 =	simm.s32 $_size__tile_overlayer_lowered;
	s5 =	simm.s32 $_tile_overlayer_lowered  }
0x9b: {  	s22 =	simm.s32 $0x1BFF;
	s21 =	sshll.u32 s5, $0x1;
	s2 =	sadd.s32 s19, s18  }
0x9c: {  	s6 =	simm.s32 $0x0;
	s20 =	sshll.u32 s4, $0x1;
	s4 =	sadd.s32 s21, s2  }
0x9d: {  	[timem:s6], [sflag:s22] =	dma.local [hbm:s4], s20  }
0x9e: {  	_ =	swait.ge [sflag:s22], s20  }
0x9f: {  	s3 =	ssub.s32 $0x0, s20;
	[sflag:s22] =	ssyncset.done $0x0  }
0xa0: {  	[sflag:s22] =	ssyncadd.s32 s3;
	_ =	sdelay $0x1  }
0xa1: {  	s23 =	simm.s32 $0x1B8B  }
0xa2: {  	_ =	swait.ge [sflag:s23], $0x1  }
0xa3: {  	[sflag:s23] =	ssyncset.done $0x0  }
0xa4: {  	s25 =	simm.s32 $0x1B8E;
	s24 =	sld [smem:$0x3FFE];
	[sflag:s23] =	ssyncadd.s32 $0xFFFFFFFF  }
0xa5: {  	s26 =	simm.s32 $execute0_lowered;
	[smem:$0x3FD2] =	sst s25  }
0xa6: {  	s4 =	sshll.u32 s26, $0x1;
	_ =	strace $0x8000004F;
	[dreg:$0x1] =	wrdreg $0xFFFFFFFF  }
0xa7: {  	s28 =	simm.s32 $_size_execute0_lowered;
	s2 =	sadd.s32 s2, s4;
	[dreg:$0x0] =	wrdreg $0x0  }
0xa8: {  	s4 =	sshll.u32 s28, $0x1;
	[dreg:$0x2] =	wrdreg s2  }
0xa9: {  	[dreg:$0x3] =	wrdreg s4  }
0xaa: {  	[dreg:$0x4] =	wrdreg $0xC0  }
0xab: {  	_ =	task [dreg:s6], $0x5FFFF  }
0xac: {  	[dreg:$0x1] =	wrdreg $0xFFFFFFFF  }
0xad: {  	[dreg:$0x0] =	wrdreg $0x60  }
0xae: {  	[dreg:$0x2] =	wrdreg s24  }
0xaf: {  	[dreg:$0x3] =	wrdreg $0xB7800  }
0xb0: {  	[dreg:$0x4] =	wrdreg $0x9  }
0xb1: {  	_ =	task.clear_ibuf [dreg:s6], $0x5FFFF;
	_ =	strace $0x9000004F  }
0xb2: {  	s29 =	simm.s32 $0x9;
	_ =	strace $0x80000051  }
0xb3: {  	_ =	swait.ge [sflag:s29], $0x1  }
0xb4: {  	[sflag:s29] =	ssyncadd.s32 $0xFFFFFFFF  }
0xb5: {  	_ =	strace $0x90000051  }
0xb6: {  	_ =	sfence  }
0xb7: {  	s30 =	sld [smem:$0x0];
	_ =	sdelay $0x2  }
0xb8: {  	s31 =	sshll.u32 s1, $0xD;
	s1 =	sshrl.u32 s1, $0x2  }
0xb9: {  	s3 =	sand.u32 $0x4000, s31;
	s1 =	sadd.s32 s1, s30  }
0xba: {  	s0 =	sor.u32 s3, s0;
	s1 =	sshll.u32 s1, $0x11  }
0xbb: {  	s0 =	sor.u32 s1, s0  }
0xbc: {  	s0 =	sadd.s32 $0x8F2B, s0  }
0xbd: {  	[sflag:s0] =	ssyncadd.remote.s32 $0x1  }
0xbe: {  	_ =	sfence.sel $0xFFFF  }
0xbf: {  	[dreg:$0x0] =	wrdreg $0xFFFFFFFF;
	(pc) =	sbr.abs _section_cstart, $3  }
0xc0: {  	[dreg:$0x1] =	wrdreg $0xFFFFFFFF  }
0xc1: {  	_ =	task.clear_ibuf [dreg:s6], $0x2FFFF;
	_ =	strace $0x9FFFFFFF  }
0xc2: {  	(tm) =	ssettm $0x7FFFFFFF  }
0xc3: {  	_ =	shalt  }
tec
execute0_lowered:
.L_overlay_start_1:
0x0: {  	(tag) =	ssettag $0x1  }
0x1: {  	s0 =	srdreg.scid  }
0x2: {  	s1 =	rddreg [dreg:$0x0];
	s7 =	stileid.u32  }
0x3: {  	s2 =	rddreg [dreg:$0x1];
	s4 =	simm.s32 $0x0;
	s24 =	simm.s32 $0x3  }
0x4: {  	s28 =	simm.s32 $0x8F80;
	s29 =	simm.s32 $0x1;
	s5 =	smul.u32 $0x4F000, s7  }
0x5: {  	[smem:$0x7FF] =	sst s4;
	s4 =	sadd.s32 $0x5C00, s1;
	s25 =	smul.u32 $0x2780, s7  }
0x6: {  	s30 =	simm.s32 $0x2;
	s13 =	sadd.s32 $0x128400, s2;
	s14 =	sadd.s32 $0x12AC00, s2  }
0x7: {  	s0 =	sand.u32 $0x1, s0;
	s17 =	sadd.s32 $0x12FC00, s2;
	s18 =	sadd.s32 $0x132400, s2  }
0x8: {  	s19 =	sadd.s32 $0x134C00, s2;
	p0 =	seq.s32 s7, $0xF;
	s3 =	sshll.u32 s0, $0x4  }
0x9: {  	_ =	strace $0x80000050;
	s15 =	ssub.s32 $0x2, s0;
	s20 =	smul.u32 $0x138800, s0  }
0xa: {  	s0 =	smul.u32 $0x27100, s0;
	s3 =	sor.u32 s7, s3;
	s5 =	sshrl.u32 s5, $0x2  }
0xb: {  	s26 =	sshrl.u32 s15, $0x1;
	s3 =	smul.u32 $0x4E2, s3;
	s6 =	sadd.s32 s5, s2  }
0xc: {  	s21 =	sshrl.u32 s20, $0x3;
	s20 =	sadd.s32 $0x137400, s2;
	s0 =	sadd.s32 s25, s0  }
0xd: {  	s25 =	simm.s32 $0x50;
	s5 =	sadd.s32 $0x2800, s6;
	s8 =	sadd.s32 $0x5000, s6  }
0xe: {  	s9 =	sadd.s32 $0x7800, s6;
	s10 =	sadd.s32 $0xA000, s6;
	s11 =	sadd.s32 $0xC800, s6  }
0xf: {  	s12 =	sadd.s32 $0xF000, s6;
	s16 =	sadd.s32 $0x11800, s6;
	s3 =	sadd.s32 s3, s1  }
0x10: {  	s1 =	sadd.s32 $0x60A00, s1;
	[dreg:$0x4] =	wrdreg s5;
	s5 =	ssub.s32 s15, s26  }
0x11: {  	s15 =	sadd.s32 $0x12D400, s2;
	s26 =	simm.s32 $0x6780;
	s3 =	sadd.s32 $0x56C00, s3  }
0x12: {  	s31 =	sadd.s32 s1, s21;
	s21 =	sadd.s32 s1, s0;
	s23 =	smax.u32 s5, $0x1  }
0x13: {  	v0 =	vimm.f32 $0.0e+00;
	s1 =	simm.s32 $0x0;
	[dreg:$0x3] =	wrdreg s3;
	s22 =	sadd.s32 $0x25080, s31  }
.LBB2_1:
0x14: {  	s0 =	simm.s32 $0x0;
	s3 =	rddreg [dreg:$0x3]  }
0x15: {  	[tilespmem:s0], [sflag:$0x3] =	stream.linear.gather [hbm4b:s3+s0], $0x2710, $0x38;
	[tilespmem:$0x1F000] =	vst v63  }
0x16: {  	_ =	swait.ge [sflag:s24], $0x2710  }
0x17: {  	[sflag:s24] =	ssyncset.done $0x0  }
0x18: {  	s3 =	simm.s32 $0x20;
	[sflag:s24] =	ssyncadd.s32 $0xFFFFD8F0  }
0x19: {  	s5 =	simm.s32 $0x200;
	s31 =	simm.s32 $0x0;
	s0 =	simm.s32 $0x20;
	v1 =	vld [tilespmem:s3+$0xFFFFFFE0]  }
.LBB2_2:
0x1a: {  	p1 =	sne.s32 s5, $0xF800;
	_ =	sdelay $0x3  }
0x1b: {  	s7 =	sshra.s32 s31, $0x2;
	s31 =	smov.u32 s5;
	v2 =	vshrl.u32 v1, $0xE  }
0x1c: {  	[tilespmem:s7+$0x2780] =	vst v2  }
0x1d: {  	v2 =	vld [tilespmem:s3+$0xFFFFFFF0];
	_ =	sdelay $0x3  }
0x1e: {  	v1 =	vand.u32 $0x3FFF, v1  }
0x1f: {  	[tilespmem:s3+$0xFFFFFFE0] =	vst v1;
	v1 =	vshrl.u32 v2, $0xE  }
0x20: {  	[tilespmem:s7+$0x2790] =	vst v1  }
0x21: {  	v1 =	vld [tilespmem:s3+$0x0];
	_ =	sdelay $0x3  }
0x22: {  	v2 =	vand.u32 $0x3FFF, v2  }
0x23: {  	[tilespmem:s3+$0xFFFFFFF0] =	vst v2;
	v2 =	vshrl.u32 v1, $0xE;
	v1 =	vand.u32 $0x3FFF, v1  }
0x24: {  	[tilespmem:s7+$0x27A0] =	vst v2  }
0x25: {  	v2 =	vld [tilespmem:s3+$0x10];
	_ =	sdelay $0x4  }
0x26: {  	[tilespmem:s3+$0x0] =	vst v1;
	v1 =	vshrl.u32 v2, $0xE;
	v2 =	vand.u32 $0x3FFF, v2  }
0x27: {  	[tilespmem:s7+$0x27B0] =	vst v1  }
0x28: {  	v1 =	vld [tilespmem:s3+$0x20];
	_ =	sdelay $0x2  }
.Ltmp0:
0x29: {  	(pc) =	sbr.rel @p1 .LBB2_2-.Ltmp0, $4  }
0x2a: {  	_ = 	snop  }
0x2b: {  	[tilespmem:s3+$0x10] =	vst v2;
	v2 =	vshrl.u32 v1, $0xE;
	v3 =	vand.u32 $0x3FFF, v1  }
0x2c: {  	s3 =	sadd.s32 $0x50, s3;
	[tilespmem:s7+$0x27C0] =	vst v2  }
0x2d: {  	s5 =	sadd.s32 $0x200, s5;
	v1 =	vld [tilespmem:s3+$0xFFFFFFE0];
	[tilespmem:s0+$0x20] =	vst v3;
	s0 =	smov.u32 s3  }
0x2e: {  	_ =	sdelay $0x3  }
0x2f: {  	s5 =	sshra.s32 s31, $0x2;
	v2 =	vshrl.u32 v1, $0xE  }
0x30: {  	[tilespmem:s5+$0x2780] =	vst v2  }
0x31: {  	v2 =	vld [tilespmem:s3+$0xFFFFFFF0];
	_ =	sdelay $0x3  }
0x32: {  	v1 =	vand.u32 $0x3FFF, v1  }
0x33: {  	[tilespmem:s3+$0xFFFFFFE0] =	vst v1;
	v1 =	vshrl.u32 v2, $0xE  }
0x34: {  	[tilespmem:s5+$0x2790] =	vst v1  }
0x35: {  	v1 =	vld [tilespmem:s3+$0x0];
	_ =	sdelay $0x3  }
0x36: {  	v2 =	vand.u32 $0x3FFF, v2  }
0x37: {  	[tilespmem:s3+$0xFFFFFFF0] =	vst v2;
	v2 =	vshrl.u32 v1, $0xE  }
0x38: {  	[tilespmem:s5+$0x27A0] =	vst v2  }
0x39: {  	v2 =	vld [tilespmem:s3+$0x10];
	_ =	sdelay $0x3  }
0x3a: {  	v1 =	vand.u32 $0x3FFF, v1  }
0x3b: {  	[tilespmem:s3+$0x0] =	vst v1;
	v1 =	vshrl.u32 v2, $0xE  }
0x3c: {  	[tilespmem:s5+$0x27B0] =	vst v1  }
0x3d: {  	v1 =	vld [tilespmem:s3+$0x20];
	_ =	sdelay $0x3  }
0x3e: {  	v2 =	vand.u32 $0x3FFF, v2  }
0x3f: {  	[tilespmem:s3+$0x10] =	vst v2;
	v2 =	vshrl.u32 v1, $0xE  }
0x40: {  	v1 =	vand.u32 $0x3FFF, v1;
	[tilespmem:s5+$0x27C0] =	vst v2  }
0x41: {  	s3 =	simm.s32 $0x200;
	[tilespmem:s0+$0x20] =	vst v1;
	s0 =	simm.s32 $0x0  }
.LBB2_4:
0x42: {  	p1 =	sne.s32 s3, $0x9E00;
	[tilespmem:s0+$0x67F0] =	vst v0  }
0x43: {  	[tilespmem:s0+$0x6780] =	vst v0  }
0x44: {  	[tilespmem:s0+$0x6790] =	vst v0  }
.Ltmp1:
0x45: {  	[tilespmem:s0+$0x67A0] =	vst v0;
	(pc) =	sbr.rel @p1 .LBB2_4-.Ltmp1, $4  }
0x46: {  	[tilespmem:s0+$0x67B0] =	vst v0  }
0x47: {  	[tilespmem:s0+$0x67C0] =	vst v0  }
0x48: {  	[tilespmem:s0+$0x67D0] =	vst v0  }
0x49: {  	[tilespmem:s0+$0x67E0] =	vst v0;
	s0 =	sshra.s32 s3, $0x2;
	s3 =	sadd.s32 $0x200, s3  }
0x4a: {  	[tilespmem:s0+$0x67F0] =	vst v0  }
0x4b: {  	[tilespmem:s0+$0x6780] =	vst v0  }
0x4c: {  	[tilespmem:s0+$0x6790] =	vst v0  }
0x4d: {  	[tilespmem:s0+$0x67A0] =	vst v0  }
0x4e: {  	[tilespmem:s0+$0x67B0] =	vst v0  }
0x4f: {  	[tilespmem:s0+$0x67C0] =	vst v0  }
0x50: {  	[tilespmem:s0+$0x67D0] =	vst v0  }
0x51: {  	[tilespmem:s0+$0x67E0] =	vst v0;
	s0 =	simm.s32 @p0 $0x6780;
	s3 =	simm.s32 @p0 $0x3  }
0x52: {  	[spmem:s13] =	stream.linear.scatter @p0 [tilespmem:s0], [sflag:$0x3], $0x2800, $0x38;
	[tilespmem:$0x1F000] =	vst v63  }
0x53: {  	_ =	swait.ge @p0 [sflag:s3], $0x2800  }
0x54: {  	[sflag:s3] =	ssyncset.done @p0 $0x0  }
0x55: {  	[sflag:s3] =	ssyncadd.s32 @p0 $0xFFFFD800  }
0x56: {  	[spmem:s14] =	stream.linear.scatter @p0 [tilespmem:s0], [sflag:$0x3], $0x2800, $0x38;
	[tilespmem:$0x1F000] =	vst v63  }
0x57: {  	_ =	swait.ge @p0 [sflag:s3], $0x2800  }
0x58: {  	[sflag:s3] =	ssyncset.done @p0 $0x0  }
0x59: {  	[sflag:s3] =	ssyncadd.s32 @p0 $0xFFFFD800  }
0x5a: {  	[spmem:s15] =	stream.linear.scatter @p0 [tilespmem:s0], [sflag:$0x3], $0x2800, $0x38;
	[tilespmem:$0x1F000] =	vst v63  }
0x5b: {  	_ =	swait.ge @p0 [sflag:s3], $0x2800  }
0x5c: {  	[sflag:s3] =	ssyncset.done @p0 $0x0  }
0x5d: {  	[sflag:s3] =	ssyncadd.s32 @p0 $0xFFFFD800  }
0x5e: {  	[spmem:s17] =	stream.linear.scatter @p0 [tilespmem:s0], [sflag:$0x3], $0x2800, $0x38;
	[tilespmem:$0x1F000] =	vst v63  }
0x5f: {  	_ =	swait.ge @p0 [sflag:s3], $0x2800  }
0x60: {  	[sflag:s3] =	ssyncset.done @p0 $0x0  }
0x61: {  	[sflag:s3] =	ssyncadd.s32 @p0 $0xFFFFD800  }
0x62: {  	[spmem:s18] =	stream.linear.scatter @p0 [tilespmem:s0], [sflag:$0x3], $0x2800, $0x38;
	[tilespmem:$0x1F000] =	vst v63  }
0x63: {  	_ =	swait.ge @p0 [sflag:s3], $0x2800  }
0x64: {  	[sflag:s3] =	ssyncset.done @p0 $0x0  }
0x65: {  	[sflag:s3] =	ssyncadd.s32 @p0 $0xFFFFD800  }
0x66: {  	[spmem:s19] =	stream.linear.scatter @p0 [tilespmem:s0], [sflag:$0x3], $0x2800, $0x38;
	[tilespmem:$0x1F000] =	vst v63  }
0x67: {  	_ =	swait.ge @p0 [sflag:s3], $0x2800  }
0x68: {  	[sflag:s3] =	ssyncset.done @p0 $0x0  }
0x69: {  	[sflag:s3] =	ssyncadd.s32 @p0 $0xFFFFD800  }
0x6a: {  	[spmem:s20] =	stream.linear.scatter @p0 [tilespmem:s0], [sflag:$0x3], $0x1400, $0x38;
	[tilespmem:$0x1F000] =	vst v63  }
0x6b: {  	_ =	swait.ge @p0 [sflag:s3], $0x1400  }
0x6c: {  	[sflag:s3] =	ssyncset.done @p0 $0x0  }
0x6d: {  	s0 =	simm.s32 @!p0 $0x6780;
	[sflag:s3] =	ssyncadd.s32 @p0 $0xFFFFEC00;
	s3 =	simm.s32 @!p0 $0x3  }
0x6e: {  	[spmem:s6] =	stream.linear.scatter @!p0 [tilespmem:s0], [sflag:$0x3], $0x2800, $0x38;
	[tilespmem:$0x1F000] =	vst v63  }
0x6f: {  	_ =	swait.ge @!p0 [sflag:s3], $0x2800  }
0x70: {  	[sflag:s3] =	ssyncset.done @!p0 $0x0  }
0x71: {  	s5 =	rddreg [dreg:$0x4];
	[sflag:s3] =	ssyncadd.s32 @!p0 $0xFFFFD800  }
0x72: {  	[spmem:s5] =	stream.linear.scatter @!p0 [tilespmem:s0], [sflag:$0x3], $0x2800, $0x38;
	[tilespmem:$0x1F000] =	vst v63  }
0x73: {  	_ =	swait.ge @!p0 [sflag:s3], $0x2800  }
0x74: {  	[sflag:s3] =	ssyncset.done @!p0 $0x0  }
0x75: {  	[sflag:s3] =	ssyncadd.s32 @!p0 $0xFFFFD800  }
0x76: {  	[spmem:s8] =	stream.linear.scatter @!p0 [tilespmem:s0], [sflag:$0x3], $0x2800, $0x38;
	[tilespmem:$0x1F000] =	vst v63  }
0x77: {  	_ =	swait.ge @!p0 [sflag:s3], $0x2800  }
0x78: {  	[sflag:s3] =	ssyncset.done @!p0 $0x0  }
0x79: {  	[sflag:s3] =	ssyncadd.s32 @!p0 $0xFFFFD800  }
0x7a: {  	[spmem:s9] =	stream.linear.scatter @!p0 [tilespmem:s0], [sflag:$0x3], $0x2800, $0x38;
	[tilespmem:$0x1F000] =	vst v63  }
0x7b: {  	_ =	swait.ge @!p0 [sflag:s3], $0x2800  }
0x7c: {  	[sflag:s3] =	ssyncset.done @!p0 $0x0  }
0x7d: {  	[sflag:s3] =	ssyncadd.s32 @!p0 $0xFFFFD800  }
0x7e: {  	[spmem:s10] =	stream.linear.scatter @!p0 [tilespmem:s0], [sflag:$0x3], $0x2800, $0x38;
	[tilespmem:$0x1F000] =	vst v63  }
0x7f: {  	_ =	swait.ge @!p0 [sflag:s3], $0x2800  }
0x80: {  	[sflag:s3] =	ssyncset.done @!p0 $0x0  }
0x81: {  	[sflag:s3] =	ssyncadd.s32 @!p0 $0xFFFFD800  }
0x82: {  	[spmem:s11] =	stream.linear.scatter @!p0 [tilespmem:s0], [sflag:$0x3], $0x2800, $0x38;
	[tilespmem:$0x1F000] =	vst v63  }
0x83: {  	_ =	swait.ge @!p0 [sflag:s3], $0x2800  }
0x84: {  	[sflag:s3] =	ssyncset.done @!p0 $0x0  }
0x85: {  	[sflag:s3] =	ssyncadd.s32 @!p0 $0xFFFFD800  }
0x86: {  	[spmem:s12] =	stream.linear.scatter @!p0 [tilespmem:s0], [sflag:$0x3], $0x2800, $0x38;
	[tilespmem:$0x1F000] =	vst v63  }
0x87: {  	_ =	swait.ge @!p0 [sflag:s3], $0x2800  }
0x88: {  	[sflag:s3] =	ssyncset.done @!p0 $0x0  }
0x89: {  	[sflag:s3] =	ssyncadd.s32 @!p0 $0xFFFFD800  }
0x8a: {  	[spmem:s16] =	stream.linear.scatter @!p0 [tilespmem:s0], [sflag:$0x3], $0x2400, $0x38;
	[tilespmem:$0x1F000] =	vst v63  }
0x8b: {  	_ =	swait.ge @!p0 [sflag:s3], $0x2400  }
0x8c: {  	[sflag:s3] =	ssyncset.done @!p0 $0x0  }
0x8d: {  	[sflag:s3] =	ssyncadd.s32 @!p0 $0xFFFFDC00  }
0x8e: {  	s31 =	simm.s32 $0x0;
	[bflag:$0x0] =	sbarrier.arrive $0xFFFF  }
0x8f: {  	[tilespmem:s26], [sflag:$0x1] =	stream.indirect.gather [hbm4b:s4+s25], $0x80, s31, s25, $0xb8;
	[tilespmem:$0x1F000] =	vst v63  }
0x90: {  	s3 =	simm.s32 $0x50  }
0x91: {  	[tilespmem:s28], [sflag:$0x2] =	stream.indirect.gather [hbm4b:s4+s25], $0x80, s3, s25, $0xb8;
	[tilespmem:$0x1F000] =	vst v63  }
0x92: {  	_ =	swait.ge [sflag:s29], $0x2800  }
0x93: {  	[sflag:s29] =	ssyncset.done $0x0  }
0x94: {  	s5 =	simm.s32 $0x2780;
	[sflag:s29] =	ssyncadd.s32 $0xFFFFD800  }
0x95: {  	[spmem:s2] =	stream.indirect.scatter.add.f32 [tilespmem:s26], [sflag:$0x3], $0x80, s5, s25, $0xb8;
	[tilespmem:$0x1F000] =	vst v63  }
0x96: {  	_ =	swait.ge [sflag:s24], $0x2800  }
0x97: {  	[sflag:s24] =	ssyncset.done $0x0  }
0x98: {  	s7 =	simm.s32 $0xA0;
	[sflag:s24] =	ssyncadd.s32 $0xFFFFD800  }
0x99: {  	[tilespmem:s26], [sflag:$0x1] =	stream.indirect.gather [hbm4b:s4+s25], $0x80, s7, s25, $0xb8;
	[tilespmem:$0x1F000] =	vst v63  }
0x9a: {  	_ =	swait.ge [sflag:s30], $0x2800  }
0x9b: {  	[sflag:s30] =	ssyncset.done $0x0  }
0x9c: {  	s31 =	simm.s32 $0x2800;
	[sflag:s30] =	ssyncadd.s32 $0xFFFFD800  }
0x9d: {  	[spmem:s2] =	stream.indirect.scatter.add.f32 [tilespmem:s28], [sflag:$0x3], $0x80, s31, s25, $0xb8;
	[tilespmem:$0x1F000] =	vst v63  }
0x9e: {  	s0 =	simm.s32 $0x140;
	_ =	swait.ge [sflag:s24], $0x2800  }
0x9f: {  	s3 =	simm.s32 $0x400;
	s5 =	simm.s32 $0x800;
	[sflag:s24] =	ssyncset.done $0x0  }
.LBB2_6:
0xa0: {  	p1 =	sne.s32 s5, $0xF400;
	s7 =	sadd.s32 $0xFFFFFFB0, s0;
	[sflag:s24] =	ssyncadd.s32 $0xFFFFD800  }
0xa1: {  	[tilespmem:s28], [sflag:$0x2] =	stream.indirect.gather [hbm4b:s4+s25], $0x80, s7, s25, $0xb8;
	[tilespmem:$0x1F000] =	vst v63  }
0xa2: {  	s7 =	smov.u32 s5;
	s5 =	sadd.s32 $0x400, s5;
	_ =	swait.ge [sflag:s29], $0x2800  }
0xa3: {  	s31 =	sshra.s32 s3, $0x2;
	s3 =	smov.u32 s7;
	[sflag:s29] =	ssyncset.done $0x0  }
0xa4: {  	s7 =	sadd.s32 $0x2780, s31;
	[sflag:s29] =	ssyncadd.s32 $0xFFFFD800  }
0xa5: {  	[spmem:s2] =	stream.indirect.scatter.add.f32 [tilespmem:s26], [sflag:$0x3], $0x80, s7, s25, $0xb8;
	[tilespmem:$0x1F000] =	vst v63  }
0xa6: {  	_ =	swait.ge [sflag:s24], $0x2800  }
0xa7: {  	[sflag:s24] =	ssyncset.done $0x0  }
0xa8: {  	[sflag:s24] =	ssyncadd.s32 $0xFFFFD800  }
0xa9: {  	[tilespmem:s26], [sflag:$0x1] =	stream.indirect.gather [hbm4b:s4+s25], $0x80, s0, s25, $0xb8;
	[tilespmem:$0x1F000] =	vst v63  }
0xaa: {  	_ =	swait.ge [sflag:s30], $0x2800  }
.Ltmp2:
0xab: {  	[sflag:s30] =	ssyncset.done $0x0;
	(pc) =	sbr.rel @p1 .LBB2_6-.Ltmp2, $4  }
0xac: {  	s7 =	sadd.s32 $0x2800, s31;
	[sflag:s30] =	ssyncadd.s32 $0xFFFFD800  }
0xad: {  	[spmem:s2] =	stream.indirect.scatter.add.f32 [tilespmem:s28], [sflag:$0x3], $0x80, s7, s25, $0xb8;
	[tilespmem:$0x1F000] =	vst v63  }
0xae: {  	_ =	swait.ge [sflag:s24], $0x2800  }
0xaf: {  	s0 =	sadd.s32 $0xA0, s0;
	[sflag:s24] =	ssyncset.done $0x0  }
0xb0: {  	s5 =	sadd.s32 $0xFFFFFFB0, s0;
	[sflag:s24] =	ssyncadd.s32 $0xFFFFD800  }
0xb1: {  	[tilespmem:s28], [sflag:$0x2] =	stream.indirect.gather [hbm4b:s4+s25], $0x80, s5, s25, $0xb8;
	[tilespmem:$0x1F000] =	vst v63  }
0xb2: {  	_ =	swait.ge [sflag:s29], $0x2800  }
0xb3: {  	s3 =	sshra.s32 s3, $0x2;
	[sflag:s29] =	ssyncset.done $0x0  }
0xb4: {  	s31 =	sadd.s32 $0x2780, s3;
	[sflag:s29] =	ssyncadd.s32 $0xFFFFD800  }
0xb5: {  	[spmem:s2] =	stream.indirect.scatter.add.f32 [tilespmem:s26], [sflag:$0x3], $0x80, s31, s25, $0xb8;
	[tilespmem:$0x1F000] =	vst v63  }
0xb6: {  	_ =	swait.ge [sflag:s24], $0x2800  }
0xb7: {  	[sflag:s24] =	ssyncset.done $0x0  }
0xb8: {  	[sflag:s24] =	ssyncadd.s32 $0xFFFFD800  }
0xb9: {  	[tilespmem:s26], [sflag:$0x1] =	stream.indirect.gather [hbm4b:s4+s25], $0x80, s0, s25, $0xb8;
	[tilespmem:$0x1F000] =	vst v63  }
0xba: {  	_ =	swait.ge [sflag:s30], $0x2800  }
0xbb: {  	[sflag:s30] =	ssyncset.done $0x0  }
0xbc: {  	s7 =	sadd.s32 $0x2800, s3;
	[sflag:s30] =	ssyncadd.s32 $0xFFFFD800  }
0xbd: {  	[spmem:s2] =	stream.indirect.scatter.add.f32 [tilespmem:s28], [sflag:$0x3], $0x80, s7, s25, $0xb8;
	[tilespmem:$0x1F000] =	vst v63  }
0xbe: {  	_ =	swait.ge [sflag:s24], $0x2800  }
0xbf: {  	[sflag:s24] =	ssyncset.done $0x0  }
0xc0: {  	[sflag:s24] =	ssyncadd.s32 $0xFFFFD800  }
0xc1: {  	_ =	swait.ge [sflag:s29], $0x2800  }
0xc2: {  	[sflag:s29] =	ssyncset.done $0x0  }
0xc3: {  	s31 =	simm.s32 $0x6580;
	[sflag:s29] =	ssyncadd.s32 $0xFFFFD800  }
0xc4: {  	[spmem:s2] =	stream.indirect.scatter.add.f32 [tilespmem:s26], [sflag:$0x3], $0x80, s31, s25, $0xb8;
	[tilespmem:$0x1F000] =	vst v63  }
0xc5: {  	_ =	swait.ge [sflag:s24], $0x2800  }
0xc6: {  	[sflag:s24] =	ssyncset.done $0x0  }
0xc7: {  	[sflag:s24] =	ssyncadd.s32 $0xFFFFD800  }
0xc8: {  	s3 =	simm.s32 @p0 $0x1FC3;
	s0 =	sshrl.u32 @p0 s13, $0x3;
	[bflag:$0x0] =	sbarrier.arrive $0xFFFF  }
0xc9: {  	[hbm:s22], [sflag:s3] =	dma.local @p0 [spmem:s0], $0x2080  }
0xca: {  	s0 =	simm.s32 @p0 $0x3  }
0xcb: {  	s1 =	sadd.s32 $0x1, s1;
	s3 =	stileid.u32;
	_ =	swait.ge @p0 [sflag:s0], $0x2080  }
0xcc: {  	p1 =	sne.s32 s1, s23;
	s3 =	sshll.u32 @!p0 s3, $0x6;
	[sflag:s0] =	ssyncset.done @p0 $0x0  }
0xcd: {  	[sflag:s0] =	ssyncadd.s32 @p0 $0xFFFFDF80;
	s0 =	sor.u32 @!p0 $0x1C03, s3;
	s3 =	sshrl.u32 @!p0 s6, $0x3  }
0xce: {  	[hbm:s21], [sflag:s0] =	dma.local @!p0 [spmem:s3], $0x2780  }
.Ltmp3:
0xcf: {  	_ = 	snop;
	(pc) =	sbr.rel @p1 .LBB2_1-.Ltmp3, $4  }
0xd0: {  	s0 =	simm.s32 @!p0 $0x3  }
0xd1: {  	_ =	swait.ge @!p0 [sflag:s0], $0x2780  }
0xd2: {  	[sflag:s0] =	ssyncset.done @!p0 $0x0  }
0xd3: {  	[sflag:s0] =	ssyncadd.s32 @!p0 $0xFFFFD880  }
0xd4: {  	_ =	sfence.sel $0x180000  }
0xd5: {  	[bflag:$0x0] =	sbarrier.arrive $0xFFFF  }
0xd6: {  	_ =	strace $0x90000050  }
0xd7: {  	s0 =	stileid.u32;
	[bflag:$0x2] =	sbarrier.arrive $0xFFFF  }
0xd8: {  	p0 =	sne.s32 s0, $0x0;
	s0 =	rddreg [dreg:$0x2]  }
0xd9: {  	s0 =	sadd.s32 @!p0 $0x100000, s0  }
0xda: {  	[sflag:s0] =	ssyncadd.tile.s32 @!p0 $0x1;
	_ =	shalt  }
.Lfunc_end2:
_tile_overlayer_lowered:
.L_overlay_start_2:
0xdb: {  	(tag) =	ssettag $0x2  }
0xdc: {  	s0 =	rddreg [dreg:$0x0];
	s2 =	stileid.u32  }
0xdd: {  	s1 =	rddreg [dreg:$0x1];
	p0 =	sne.s32 s2, $0x0  }
0xde: {  	s3 =	rddreg [dreg:$0x2];
	[bflag:$0x3] =	sbarrier.arrive $0xFFFF;
	s2 =	simm.s32 @!p0 $0x1C03  }
0xdf: {  	[timem:s3], [sflag:s2] =	dma.local @!p0 [hbm:s0], s1  }
0xe0: {  	s0 =	simm.s32 @!p0 $0x3  }
0xe1: {  	_ =	swait.ge @!p0 [sflag:s0], s1  }
0xe2: {  	s1 =	ssub.s32 @!p0 $0x0, s1;
	[sflag:s0] =	ssyncset.done @!p0 $0x0  }
0xe3: {  	[sflag:s0] =	ssyncadd.s32 @!p0 s1  }
0xe4: {  	[bflag:$0x3] =	sbarrier.arrive $0xFFFF  }
0xe5: {  	_ =	shalt  }

// kernel: kernel.30.cloned.1.call-start
scs
__scs_entry_jumppad:
0x0: {  	(pc) =	sbr.rel $0x88, $3  }
0x1: {  	(tag) =	ssettag $0x0;
	lr =	simm.s32 $0x1  }
0x2: {  	[smem:$0x3F87] =	sst lr;
	_ =	strace $0xD0000000  }
0x3: {  	_ = 	snop  }
0x4: {  	_ = 	snop  }
0x5: {  	_ = 	snop  }
0x6: {  	_ = 	snop  }
0x7: {  	_ = 	snop  }
__scs_overlays_trampoline_lowered:
0x8: {  	[smem:$0x3F96] =	sst s0  }
0x9: {  	[smem:$0x3F97] =	sst s1  }
0xa: {  	[smem:$0x3F98] =	sst s2  }
0xb: {  	[smem:$0x3F99] =	sst s3  }
0xc: {  	[smem:$0x3F9A] =	sst s4  }
0xd: {  	[smem:$0x3F9B] =	sst s5  }
0xe: {  	[smem:$0x3F9C] =	sst s6  }
0xf: {  	[smem:$0x3F9D] =	sst s7  }
0x10: {  	[smem:$0x3F9E] =	sst s8  }
0x11: {  	[smem:$0x3F9F] =	sst s9;
	s0 =	simm.s32 @!p0 $0x0  }
0x12: {  	s1 =	sld [smem:$0x3F85];
	s0 =	simm.s32 @p0 $0x1  }
0x13: {  	[smem:$0x3FA0] =	sst s0;
	s0 =	simm.s32 @!p1 $0x0  }
0x14: {  	s2 =	sld [smem:$0x3F84];
	s0 =	simm.s32 @p1 $0x1  }
0x15: {  	[smem:$0x3FA1] =	sst s0;
	s0 =	simm.s32 @!p2 $0x0  }
0x16: {  	s3 =	sld [smem:$0x3FDB];
	s0 =	simm.s32 @p2 $0x1  }
0x17: {  	s4 =	simm.s32 $0x1BF5;
	[smem:$0x3FA3] =	sst s0  }
0x18: {  	s0 =	sld [smem:$0x3F86];
	_ =	swait.ge [sflag:s4], $0x0  }
0x19: {  	s7 =	sld [smem:$0x3F87]  }
0x1a: {  	s8 =	sadd.s32 $0xFFFFE003, lr  }
0x1b: {  	s9 =	sadd.s32 $0xFFFFFEF7, lr;
	s5 =	simm.s32 $0xFFFFFFFF;
	p2 =	slt.u32 s8, $0xFFFFF086  }
0x1c: {  	p1 =	slt.u32 s9, $0xF7A;
	s5 =	simm.s32 @!p2 $0x0  }
0x1d: {  	s5 =	simm.s32 @p1 $0x1;
	p0 =	seq.s32 s7, s2  }
0x1e: {  	s7 =	smul.u32 @!p0 $0xF7A, s2;
	p2 =	seq.s32 @!p0 s5, $0x0  }
0x1f: {  	s9 =	smul.u32 $0xF7A, s1;
	s8 =	simm.s32 @!p0 $0x1BF5;
	p2 =	por !p2, p0  }
0x20: {  	[sflag:s8] =	ssyncset.s32 @!p0 $0xFFFFF086;
	s6 =	sadd.s32 @!p0 s3, s7;
	s7 =	simm.s32 @!p0 $0x108  }
0x21: {  	s3 =	sadd.s32 s3, s9;
	s6 =	sadd.s32 @!p0 $0x88, s6;
	s7 =	simm.s32 @p2 $0x1082  }
0x22: {  	[simem:s7], [sflag:s8] =	dma.local @!p0 [hbm:s6], $0xF7A  }
0x23: {  	s9 =	sor.u32 $0xD0000000, s2;
	s6 =	simm.s32 $0x108;
	_ =	swait.ge @!p0 [sflag:s8], $0x0  }
0x24: {  	s3 =	sadd.s32 $0x88, s3;
	s6 =	simm.s32 @!p1 $0x1082;
	[sflag:s4] =	ssyncset.s32 $0xFFFFF086  }
0x25: {  	[simem:s6], [sflag:s4] =	dma.local [hbm:s3], $0xF7A  }
0x26: {  	[smem:$0x3F87] =	sst s1;
	(tag) =	ssettag s2;
	_ =	strace s9  }
0x27: {  	s1 =	sld [smem:$0x3F97]  }
0x28: {  	s2 =	sld [smem:$0x3F98]  }
0x29: {  	s4 =	sld [smem:$0x3F9A]  }
0x2a: {  	p0 =	seq.s32 s5, $0x0;
	s5 =	sld [smem:$0x3F9B]  }
0x2b: {  	s6 =	sld [smem:$0x3F9C]  }
0x2c: {  	s7 =	sld [smem:$0x3F9D]  }
0x2d: {  	s3 =	simm.s32 $0x108;
	s8 =	sld [smem:$0x3F9E]  }
0x2e: {  	s3 =	simm.s32 @!p0 $0x1082;
	s9 =	sld [smem:$0x3F9F]  }
0x2f: {  	lr =	sadd.s32 s0, s3;
	s0 =	sld [smem:$0x3F96]  }
0x30: {  	s3 =	sld [smem:$0x3F99]  }
0x31: {  	[smem:$0x3FA2] =	sst s10  }
0x32: {  	s10 =	sld [smem:$0x3FA0];
	_ =	sdelay $0x3  }
0x33: {  	p0 =	seq.s32 s10, $0x1;
	s10 =	sld [smem:$0x3FA2];
	_ =	sdelay $0x3  }
0x34: {  	[smem:$0x3FA2] =	sst s10  }
0x35: {  	s10 =	sld [smem:$0x3FA1];
	_ =	sdelay $0x3  }
0x36: {  	p1 =	seq.s32 s10, $0x1;
	s10 =	sld [smem:$0x3FA2];
	_ =	sdelay $0x3  }
0x37: {  	[smem:$0x3FA2] =	sst s10  }
0x38: {  	s10 =	sld [smem:$0x3FA3]  }
0x39: {  	_ = 	snop;
	(pc) =	sbr.ind lr, $3  }
0x3a: {  	_ = 	snop  }
0x3b: {  	_ = 	snop  }
0x3c: {  	p2 =	seq.s32 s10, $0x1;
	s10 =	sld [smem:$0x3FA2]  }
0x3d: {  	_ =	shalt  }
0x3e: {  	_ =	shalt  }
0x3f: {  	_ =	shalt  }
0x40: {  	_ =	shalt  }
0x41: {  	_ =	shalt  }
0x42: {  	_ =	shalt  }
0x43: {  	_ =	shalt  }
0x44: {  	_ =	shalt  }
0x45: {  	_ =	shalt  }
0x46: {  	_ =	shalt  }
0x47: {  	_ =	shalt  }
0x48: {  	_ =	shalt  }
0x49: {  	_ =	shalt  }
0x4a: {  	_ =	shalt  }
0x4b: {  	_ =	shalt  }
0x4c: {  	_ =	shalt  }
0x4d: {  	_ =	shalt  }
0x4e: {  	_ =	shalt  }
0x4f: {  	_ =	shalt  }
0x50: {  	_ =	shalt  }
0x51: {  	_ =	shalt  }
0x52: {  	_ =	shalt  }
0x53: {  	_ =	shalt  }
0x54: {  	_ =	shalt  }
0x55: {  	_ =	shalt  }
0x56: {  	_ =	shalt  }
0x57: {  	_ =	shalt  }
0x58: {  	_ =	shalt  }
0x59: {  	_ =	shalt  }
0x5a: {  	_ =	shalt  }
0x5b: {  	_ =	shalt  }
0x5c: {  	_ =	shalt  }
0x5d: {  	_ =	shalt  }
0x5e: {  	_ =	shalt  }
0x5f: {  	_ =	shalt  }
0x60: {  	_ =	shalt  }
0x61: {  	_ =	shalt  }
0x62: {  	_ =	shalt  }
0x63: {  	_ =	shalt  }
0x64: {  	_ =	shalt  }
0x65: {  	_ =	shalt  }
0x66: {  	_ =	shalt  }
0x67: {  	_ =	shalt  }
0x68: {  	_ =	shalt  }
0x69: {  	_ =	shalt  }
0x6a: {  	_ =	shalt  }
0x6b: {  	_ =	shalt  }
0x6c: {  	_ =	shalt  }
0x6d: {  	_ =	shalt  }
0x6e: {  	_ =	shalt  }
0x6f: {  	_ =	shalt  }
0x70: {  	_ =	shalt  }
0x71: {  	_ =	shalt  }
0x72: {  	_ =	shalt  }
0x73: {  	_ =	shalt  }
0x74: {  	_ =	shalt  }
0x75: {  	_ =	shalt  }
0x76: {  	_ =	shalt  }
0x77: {  	_ =	shalt  }
0x78: {  	_ =	shalt  }
0x79: {  	_ =	shalt  }
0x7a: {  	_ =	shalt  }
0x7b: {  	_ =	shalt  }
0x7c: {  	_ =	shalt  }
0x7d: {  	_ =	shalt  }
0x7e: {  	_ =	shalt  }
0x7f: {  	_ =	shalt  }
0x80: {  	_ =	shalt  }
0x81: {  	_ =	shalt  }
0x82: {  	_ =	shalt  }
0x83: {  	_ =	shalt  }
0x84: {  	_ =	shalt  }
0x85: {  	_ =	shalt  }
0x86: {  	_ =	shalt  }
0x87: {  	_ =	shalt  }
.Lfunc_end0:
.L_simem_size_0:
called_computation.4_lowered:
.L_overlay_start_0:
0x88: {  	s2 =	sld [smem:$0x3FD9]  }
0x89: {  	s3 =	sld [smem:$0x3FFE];
	_ =	sdelay $0x1  }
0x8a: {  	s1 =	srdreg.scid  }
0x8b: {  	s0 =	sand.u32 $0x1, s1  }
0x8c: {  	s16 =	sshll.u32 s0, $0xA;
	s2 =	sadd.s32 s3, s2  }
0x8d: {  	s2 =	sadd.s32 s2, s16  }
0x8e: {  	[smem:$0x3FAE] =	sst s2  }
0x8f: {  	_ = 	snop  }
0x90: {  	(tm) =	ssettm $0x1  }
0x91: {  	s17 =	sld [smem:$0x3FFB];
	_ =	sdelay $0x3  }
0x92: {  	_ =	strace s17  }
0x93: {  	s2 =	sld [smem:$0x3FFC];
	_ =	sdelay $0x3  }
0x94: {  	_ =	strace s2  }
0x95: {  	s2 =	sld [smem:$0x3FFD];
	_ =	sdelay $0x3  }
0x96: {  	_ =	strace s2  }
0x97: {  	_ =	strace $0x8FFFFFFF  }
0x98: {  	s18 =	sld [smem:$0x3FDB];
	_ =	sdelay $0x1  }
0x99: {  	s19 =	simm.s32 $_scs_section_size  }
0x9a: {  	s4 =	simm.s32 $_size__tile_overlayer_lowered;
	s5 =	simm.s32 $_tile_overlayer_lowered  }
0x9b: {  	s22 =	simm.s32 $0x1BFF;
	s21 =	sshll.u32 s5, $0x1;
	s2 =	sadd.s32 s19, s18  }
0x9c: {  	s6 =	simm.s32 $0x0;
	s20 =	sshll.u32 s4, $0x1;
	s4 =	sadd.s32 s21, s2  }
0x9d: {  	[timem:s6], [sflag:s22] =	dma.local [hbm:s4], s20  }
0x9e: {  	_ =	swait.ge [sflag:s22], s20  }
0x9f: {  	s3 =	ssub.s32 $0x0, s20;
	[sflag:s22] =	ssyncset.done $0x0  }
0xa0: {  	[sflag:s22] =	ssyncadd.s32 s3;
	_ =	sdelay $0x1  }
0xa1: {  	s23 =	simm.s32 $0x1B8B  }
0xa2: {  	_ =	swait.ge [sflag:s23], $0x1  }
0xa3: {  	[sflag:s23] =	ssyncset.done $0x0  }
0xa4: {  	s25 =	simm.s32 $0x1B8E;
	s24 =	sld [smem:$0x3FFE];
	[sflag:s23] =	ssyncadd.s32 $0xFFFFFFFF  }
0xa5: {  	s26 =	simm.s32 $execute0_lowered;
	[smem:$0x3FD2] =	sst s25  }
0xa6: {  	s4 =	sshll.u32 s26, $0x1;
	_ =	strace $0x80000052;
	[dreg:$0x1] =	wrdreg $0xFFFFFFFF  }
0xa7: {  	s28 =	simm.s32 $_size_execute0_lowered;
	s2 =	sadd.s32 s2, s4;
	[dreg:$0x0] =	wrdreg $0x0  }
0xa8: {  	s4 =	sshll.u32 s28, $0x1;
	[dreg:$0x2] =	wrdreg s2  }
0xa9: {  	[dreg:$0x3] =	wrdreg s4  }
0xaa: {  	[dreg:$0x4] =	wrdreg $0xC0  }
0xab: {  	_ =	task [dreg:s6], $0x5FFFF  }
0xac: {  	[dreg:$0x1] =	wrdreg $0xFFFFFFFF  }
0xad: {  	[dreg:$0x0] =	wrdreg $0x60  }
0xae: {  	[dreg:$0x2] =	wrdreg s24  }
0xaf: {  	[dreg:$0x3] =	wrdreg $0xB7800  }
0xb0: {  	[dreg:$0x4] =	wrdreg $0x9  }
0xb1: {  	_ =	task.clear_ibuf [dreg:s6], $0x5FFFF;
	_ =	strace $0x90000052  }
0xb2: {  	s29 =	simm.s32 $0x9;
	_ =	strace $0x80000054  }
0xb3: {  	_ =	swait.ge [sflag:s29], $0x1  }
0xb4: {  	[sflag:s29] =	ssyncadd.s32 $0xFFFFFFFF  }
0xb5: {  	_ =	strace $0x90000054  }
0xb6: {  	_ =	sfence  }
0xb7: {  	s30 =	sld [smem:$0x0];
	_ =	sdelay $0x2  }
0xb8: {  	s31 =	sshll.u32 s1, $0xD;
	s1 =	sshrl.u32 s1, $0x2  }
0xb9: {  	s3 =	sand.u32 $0x4000, s31;
	s1 =	sadd.s32 s1, s30  }
0xba: {  	s0 =	sor.u32 s3, s0;
	s1 =	sshll.u32 s1, $0x11  }
0xbb: {  	s0 =	sor.u32 s1, s0  }
0xbc: {  	s0 =	sadd.s32 $0x8F2B, s0  }
0xbd: {  	[sflag:s0] =	ssyncadd.remote.s32 $0x1  }
0xbe: {  	_ =	sfence.sel $0xFFFF  }
0xbf: {  	[dreg:$0x0] =	wrdreg $0xFFFFFFFF;
	(pc) =	sbr.abs _section_cstart, $3  }
0xc0: {  	[dreg:$0x1] =	wrdreg $0xFFFFFFFF  }
0xc1: {  	_ =	task.clear_ibuf [dreg:s6], $0x2FFFF;
	_ =	strace $0x9FFFFFFF  }
0xc2: {  	(tm) =	ssettm $0x7FFFFFFF  }
0xc3: {  	_ =	shalt  }
tec
execute0_lowered:
.L_overlay_start_1:
0x0: {  	(tag) =	ssettag $0x1  }
0x1: {  	s0 =	srdreg.scid  }
0x2: {  	s1 =	rddreg [dreg:$0x0];
	s7 =	stileid.u32  }
0x3: {  	s2 =	rddreg [dreg:$0x1];
	s4 =	simm.s32 $0x0;
	s24 =	simm.s32 $0x3  }
0x4: {  	s28 =	simm.s32 $0x8F80;
	s29 =	simm.s32 $0x1;
	s5 =	smul.u32 $0x4F000, s7  }
0x5: {  	[smem:$0x7FF] =	sst s4;
	s4 =	sadd.s32 $0x5C00, s1;
	s25 =	smul.u32 $0x2780, s7  }
0x6: {  	s30 =	simm.s32 $0x2;
	s13 =	sadd.s32 $0x128400, s2;
	s14 =	sadd.s32 $0x12AC00, s2  }
0x7: {  	s0 =	sand.u32 $0x1, s0;
	s17 =	sadd.s32 $0x12FC00, s2;
	s18 =	sadd.s32 $0x132400, s2  }
0x8: {  	s19 =	sadd.s32 $0x134C00, s2;
	p0 =	seq.s32 s7, $0xF;
	s3 =	sshll.u32 s0, $0x4  }
0x9: {  	_ =	strace $0x80000053;
	s15 =	ssub.s32 $0x2, s0;
	s20 =	smul.u32 $0x138800, s0  }
0xa: {  	s0 =	smul.u32 $0x27100, s0;
	s3 =	sor.u32 s7, s3;
	s5 =	sshrl.u32 s5, $0x2  }
0xb: {  	s26 =	sshrl.u32 s15, $0x1;
	s3 =	smul.u32 $0x4E2, s3;
	s6 =	sadd.s32 s5, s2  }
0xc: {  	s21 =	sshrl.u32 s20, $0x3;
	s20 =	sadd.s32 $0x137400, s2;
	s0 =	sadd.s32 s25, s0  }
0xd: {  	s25 =	simm.s32 $0x50;
	s5 =	sadd.s32 $0x2800, s6;
	s8 =	sadd.s32 $0x5000, s6  }
0xe: {  	s9 =	sadd.s32 $0x7800, s6;
	s10 =	sadd.s32 $0xA000, s6;
	s11 =	sadd.s32 $0xC800, s6  }
0xf: {  	s12 =	sadd.s32 $0xF000, s6;
	s16 =	sadd.s32 $0x11800, s6;
	s3 =	sadd.s32 s3, s1  }
0x10: {  	s1 =	sadd.s32 $0x60A00, s1;
	[dreg:$0x4] =	wrdreg s5;
	s5 =	ssub.s32 s15, s26  }
0x11: {  	s15 =	sadd.s32 $0x12D400, s2;
	s26 =	simm.s32 $0x6780;
	s3 =	sadd.s32 $0x56C00, s3  }
0x12: {  	s31 =	sadd.s32 s1, s21;
	s21 =	sadd.s32 s1, s0;
	s23 =	smax.u32 s5, $0x1  }
0x13: {  	v0 =	vimm.f32 $0.0e+00;
	s1 =	simm.s32 $0x0;
	[dreg:$0x3] =	wrdreg s3;
	s22 =	sadd.s32 $0x25080, s31  }
.LBB2_1:
0x14: {  	s0 =	simm.s32 $0x0;
	s3 =	rddreg [dreg:$0x3]  }
0x15: {  	[tilespmem:s0], [sflag:$0x3] =	stream.linear.gather [hbm4b:s3+s0], $0x2710, $0x38;
	[tilespmem:$0x1F000] =	vst v63  }
0x16: {  	_ =	swait.ge [sflag:s24], $0x2710  }
0x17: {  	[sflag:s24] =	ssyncset.done $0x0  }
0x18: {  	s3 =	simm.s32 $0x20;
	[sflag:s24] =	ssyncadd.s32 $0xFFFFD8F0  }
0x19: {  	s5 =	simm.s32 $0x200;
	s31 =	simm.s32 $0x0;
	s0 =	simm.s32 $0x20;
	v1 =	vld [tilespmem:s3+$0xFFFFFFE0]  }
.LBB2_2:
0x1a: {  	p1 =	sne.s32 s5, $0xF800;
	_ =	sdelay $0x3  }
0x1b: {  	s7 =	sshra.s32 s31, $0x2;
	s31 =	smov.u32 s5;
	v2 =	vshrl.u32 v1, $0xE  }
0x1c: {  	[tilespmem:s7+$0x2780] =	vst v2  }
0x1d: {  	v2 =	vld [tilespmem:s3+$0xFFFFFFF0];
	_ =	sdelay $0x3  }
0x1e: {  	v1 =	vand.u32 $0x3FFF, v1  }
0x1f: {  	[tilespmem:s3+$0xFFFFFFE0] =	vst v1;
	v1 =	vshrl.u32 v2, $0xE  }
0x20: {  	[tilespmem:s7+$0x2790] =	vst v1  }
0x21: {  	v1 =	vld [tilespmem:s3+$0x0];
	_ =	sdelay $0x3  }
0x22: {  	v2 =	vand.u32 $0x3FFF, v2  }
0x23: {  	[tilespmem:s3+$0xFFFFFFF0] =	vst v2;
	v2 =	vshrl.u32 v1, $0xE;
	v1 =	vand.u32 $0x3FFF, v1  }
0x24: {  	[tilespmem:s7+$0x27A0] =	vst v2  }
0x25: {  	v2 =	vld [tilespmem:s3+$0x10];
	_ =	sdelay $0x4  }
0x26: {  	[tilespmem:s3+$0x0] =	vst v1;
	v1 =	vshrl.u32 v2, $0xE;
	v2 =	vand.u32 $0x3FFF, v2  }
0x27: {  	[tilespmem:s7+$0x27B0] =	vst v1  }
0x28: {  	v1 =	vld [tilespmem:s3+$0x20];
	_ =	sdelay $0x2  }
.Ltmp0:
0x29: {  	(pc) =	sbr.rel @p1 .LBB2_2-.Ltmp0, $4  }
0x2a: {  	_ = 	snop  }
0x2b: {  	[tilespmem:s3+$0x10] =	vst v2;
	v2 =	vshrl.u32 v1, $0xE;
	v3 =	vand.u32 $0x3FFF, v1  }
0x2c: {  	s3 =	sadd.s32 $0x50, s3;
	[tilespmem:s7+$0x27C0] =	vst v2  }
0x2d: {  	s5 =	sadd.s32 $0x200, s5;
	v1 =	vld [tilespmem:s3+$0xFFFFFFE0];
	[tilespmem:s0+$0x20] =	vst v3;
	s0 =	smov.u32 s3  }
0x2e: {  	_ =	sdelay $0x3  }
0x2f: {  	s5 =	sshra.s32 s31, $0x2;
	v2 =	vshrl.u32 v1, $0xE  }
0x30: {  	[tilespmem:s5+$0x2780] =	vst v2  }
0x31: {  	v2 =	vld [tilespmem:s3+$0xFFFFFFF0];
	_ =	sdelay $0x3  }
0x32: {  	v1 =	vand.u32 $0x3FFF, v1  }
0x33: {  	[tilespmem:s3+$0xFFFFFFE0] =	vst v1;
	v1 =	vshrl.u32 v2, $0xE  }
0x34: {  	[tilespmem:s5+$0x2790] =	vst v1  }
0x35: {  	v1 =	vld [tilespmem:s3+$0x0];
	_ =	sdelay $0x3  }
0x36: {  	v2 =	vand.u32 $0x3FFF, v2  }
0x37: {  	[tilespmem:s3+$0xFFFFFFF0] =	vst v2;
	v2 =	vshrl.u32 v1, $0xE  }
0x38: {  	[tilespmem:s5+$0x27A0] =	vst v2  }
0x39: {  	v2 =	vld [tilespmem:s3+$0x10];
	_ =	sdelay $0x3  }
0x3a: {  	v1 =	vand.u32 $0x3FFF, v1  }
0x3b: {  	[tilespmem:s3+$0x0] =	vst v1;
	v1 =	vshrl.u32 v2, $0xE  }
0x3c: {  	[tilespmem:s5+$0x27B0] =	vst v1  }
0x3d: {  	v1 =	vld [tilespmem:s3+$0x20];
	_ =	sdelay $0x3  }
0x3e: {  	v2 =	vand.u32 $0x3FFF, v2  }
0x3f: {  	[tilespmem:s3+$0x10] =	vst v2;
	v2 =	vshrl.u32 v1, $0xE  }
0x40: {  	v1 =	vand.u32 $0x3FFF, v1;
	[tilespmem:s5+$0x27C0] =	vst v2  }
0x41: {  	s3 =	simm.s32 $0x200;
	[tilespmem:s0+$0x20] =	vst v1;
	s0 =	simm.s32 $0x0  }
.LBB2_4:
0x42: {  	p1 =	sne.s32 s3, $0x9E00;
	[tilespmem:s0+$0x67F0] =	vst v0  }
0x43: {  	[tilespmem:s0+$0x6780] =	vst v0  }
0x44: {  	[tilespmem:s0+$0x6790] =	vst v0  }
.Ltmp1:
0x45: {  	[tilespmem:s0+$0x67A0] =	vst v0;
	(pc) =	sbr.rel @p1 .LBB2_4-.Ltmp1, $4  }
0x46: {  	[tilespmem:s0+$0x67B0] =	vst v0  }
0x47: {  	[tilespmem:s0+$0x67C0] =	vst v0  }
0x48: {  	[tilespmem:s0+$0x67D0] =	vst v0  }
0x49: {  	[tilespmem:s0+$0x67E0] =	vst v0;
	s0 =	sshra.s32 s3, $0x2;
	s3 =	sadd.s32 $0x200, s3  }
0x4a: {  	[tilespmem:s0+$0x67F0] =	vst v0  }
0x4b: {  	[tilespmem:s0+$0x6780] =	vst v0  }
0x4c: {  	[tilespmem:s0+$0x6790] =	vst v0  }
0x4d: {  	[tilespmem:s0+$0x67A0] =	vst v0  }
0x4e: {  	[tilespmem:s0+$0x67B0] =	vst v0  }
0x4f: {  	[tilespmem:s0+$0x67C0] =	vst v0  }
0x50: {  	[tilespmem:s0+$0x67D0] =	vst v0  }
0x51: {  	[tilespmem:s0+$0x67E0] =	vst v0;
	s0 =	simm.s32 @p0 $0x6780;
	s3 =	simm.s32 @p0 $0x3  }
0x52: {  	[spmem:s13] =	stream.linear.scatter @p0 [tilespmem:s0], [sflag:$0x3], $0x2800, $0x38;
	[tilespmem:$0x1F000] =	vst v63  }
0x53: {  	_ =	swait.ge @p0 [sflag:s3], $0x2800  }
0x54: {  	[sflag:s3] =	ssyncset.done @p0 $0x0  }
0x55: {  	[sflag:s3] =	ssyncadd.s32 @p0 $0xFFFFD800  }
0x56: {  	[spmem:s14] =	stream.linear.scatter @p0 [tilespmem:s0], [sflag:$0x3], $0x2800, $0x38;
	[tilespmem:$0x1F000] =	vst v63  }
0x57: {  	_ =	swait.ge @p0 [sflag:s3], $0x2800  }
0x58: {  	[sflag:s3] =	ssyncset.done @p0 $0x0  }
0x59: {  	[sflag:s3] =	ssyncadd.s32 @p0 $0xFFFFD800  }
0x5a: {  	[spmem:s15] =	stream.linear.scatter @p0 [tilespmem:s0], [sflag:$0x3], $0x2800, $0x38;
	[tilespmem:$0x1F000] =	vst v63  }
0x5b: {  	_ =	swait.ge @p0 [sflag:s3], $0x2800  }
0x5c: {  	[sflag:s3] =	ssyncset.done @p0 $0x0  }
0x5d: {  	[sflag:s3] =	ssyncadd.s32 @p0 $0xFFFFD800  }
0x5e: {  	[spmem:s17] =	stream.linear.scatter @p0 [tilespmem:s0], [sflag:$0x3], $0x2800, $0x38;
	[tilespmem:$0x1F000] =	vst v63  }
0x5f: {  	_ =	swait.ge @p0 [sflag:s3], $0x2800  }
0x60: {  	[sflag:s3] =	ssyncset.done @p0 $0x0  }
0x61: {  	[sflag:s3] =	ssyncadd.s32 @p0 $0xFFFFD800  }
0x62: {  	[spmem:s18] =	stream.linear.scatter @p0 [tilespmem:s0], [sflag:$0x3], $0x2800, $0x38;
	[tilespmem:$0x1F000] =	vst v63  }
0x63: {  	_ =	swait.ge @p0 [sflag:s3], $0x2800  }
0x64: {  	[sflag:s3] =	ssyncset.done @p0 $0x0  }
0x65: {  	[sflag:s3] =	ssyncadd.s32 @p0 $0xFFFFD800  }
0x66: {  	[spmem:s19] =	stream.linear.scatter @p0 [tilespmem:s0], [sflag:$0x3], $0x2800, $0x38;
	[tilespmem:$0x1F000] =	vst v63  }
0x67: {  	_ =	swait.ge @p0 [sflag:s3], $0x2800  }
0x68: {  	[sflag:s3] =	ssyncset.done @p0 $0x0  }
0x69: {  	[sflag:s3] =	ssyncadd.s32 @p0 $0xFFFFD800  }
0x6a: {  	[spmem:s20] =	stream.linear.scatter @p0 [tilespmem:s0], [sflag:$0x3], $0x1400, $0x38;
	[tilespmem:$0x1F000] =	vst v63  }
0x6b: {  	_ =	swait.ge @p0 [sflag:s3], $0x1400  }
0x6c: {  	[sflag:s3] =	ssyncset.done @p0 $0x0  }
0x6d: {  	s0 =	simm.s32 @!p0 $0x6780;
	[sflag:s3] =	ssyncadd.s32 @p0 $0xFFFFEC00;
	s3 =	simm.s32 @!p0 $0x3  }
0x6e: {  	[spmem:s6] =	stream.linear.scatter @!p0 [tilespmem:s0], [sflag:$0x3], $0x2800, $0x38;
	[tilespmem:$0x1F000] =	vst v63  }
0x6f: {  	_ =	swait.ge @!p0 [sflag:s3], $0x2800  }
0x70: {  	[sflag:s3] =	ssyncset.done @!p0 $0x0  }
0x71: {  	s5 =	rddreg [dreg:$0x4];
	[sflag:s3] =	ssyncadd.s32 @!p0 $0xFFFFD800  }
0x72: {  	[spmem:s5] =	stream.linear.scatter @!p0 [tilespmem:s0], [sflag:$0x3], $0x2800, $0x38;
	[tilespmem:$0x1F000] =	vst v63  }
0x73: {  	_ =	swait.ge @!p0 [sflag:s3], $0x2800  }
0x74: {  	[sflag:s3] =	ssyncset.done @!p0 $0x0  }
0x75: {  	[sflag:s3] =	ssyncadd.s32 @!p0 $0xFFFFD800  }
0x76: {  	[spmem:s8] =	stream.linear.scatter @!p0 [tilespmem:s0], [sflag:$0x3], $0x2800, $0x38;
	[tilespmem:$0x1F000] =	vst v63  }
0x77: {  	_ =	swait.ge @!p0 [sflag:s3], $0x2800  }
0x78: {  	[sflag:s3] =	ssyncset.done @!p0 $0x0  }
0x79: {  	[sflag:s3] =	ssyncadd.s32 @!p0 $0xFFFFD800  }
0x7a: {  	[spmem:s9] =	stream.linear.scatter @!p0 [tilespmem:s0], [sflag:$0x3], $0x2800, $0x38;
	[tilespmem:$0x1F000] =	vst v63  }
0x7b: {  	_ =	swait.ge @!p0 [sflag:s3], $0x2800  }
0x7c: {  	[sflag:s3] =	ssyncset.done @!p0 $0x0  }
0x7d: {  	[sflag:s3] =	ssyncadd.s32 @!p0 $0xFFFFD800  }
0x7e: {  	[spmem:s10] =	stream.linear.scatter @!p0 [tilespmem:s0], [sflag:$0x3], $0x2800, $0x38;
	[tilespmem:$0x1F000] =	vst v63  }
0x7f: {  	_ =	swait.ge @!p0 [sflag:s3], $0x2800  }
0x80: {  	[sflag:s3] =	ssyncset.done @!p0 $0x0  }
0x81: {  	[sflag:s3] =	ssyncadd.s32 @!p0 $0xFFFFD800  }
0x82: {  	[spmem:s11] =	stream.linear.scatter @!p0 [tilespmem:s0], [sflag:$0x3], $0x2800, $0x38;
	[tilespmem:$0x1F000] =	vst v63  }
0x83: {  	_ =	swait.ge @!p0 [sflag:s3], $0x2800  }
0x84: {  	[sflag:s3] =	ssyncset.done @!p0 $0x0  }
0x85: {  	[sflag:s3] =	ssyncadd.s32 @!p0 $0xFFFFD800  }
0x86: {  	[spmem:s12] =	stream.linear.scatter @!p0 [tilespmem:s0], [sflag:$0x3], $0x2800, $0x38;
	[tilespmem:$0x1F000] =	vst v63  }
0x87: {  	_ =	swait.ge @!p0 [sflag:s3], $0x2800  }
0x88: {  	[sflag:s3] =	ssyncset.done @!p0 $0x0  }
0x89: {  	[sflag:s3] =	ssyncadd.s32 @!p0 $0xFFFFD800  }
0x8a: {  	[spmem:s16] =	stream.linear.scatter @!p0 [tilespmem:s0], [sflag:$0x3], $0x2400, $0x38;
	[tilespmem:$0x1F000] =	vst v63  }
0x8b: {  	_ =	swait.ge @!p0 [sflag:s3], $0x2400  }
0x8c: {  	[sflag:s3] =	ssyncset.done @!p0 $0x0  }
0x8d: {  	[sflag:s3] =	ssyncadd.s32 @!p0 $0xFFFFDC00  }
0x8e: {  	s31 =	simm.s32 $0x0;
	[bflag:$0x0] =	sbarrier.arrive $0xFFFF  }
0x8f: {  	[tilespmem:s26], [sflag:$0x1] =	stream.indirect.gather [hbm4b:s4+s25], $0x80, s31, s25, $0xb8;
	[tilespmem:$0x1F000] =	vst v63  }
0x90: {  	s3 =	simm.s32 $0x50  }
0x91: {  	[tilespmem:s28], [sflag:$0x2] =	stream.indirect.gather [hbm4b:s4+s25], $0x80, s3, s25, $0xb8;
	[tilespmem:$0x1F000] =	vst v63  }
0x92: {  	_ =	swait.ge [sflag:s29], $0x2800  }
0x93: {  	[sflag:s29] =	ssyncset.done $0x0  }
0x94: {  	s5 =	simm.s32 $0x2780;
	[sflag:s29] =	ssyncadd.s32 $0xFFFFD800  }
0x95: {  	[spmem:s2] =	stream.indirect.scatter.add.f32 [tilespmem:s26], [sflag:$0x3], $0x80, s5, s25, $0xb8;
	[tilespmem:$0x1F000] =	vst v63  }
0x96: {  	_ =	swait.ge [sflag:s24], $0x2800  }
0x97: {  	[sflag:s24] =	ssyncset.done $0x0  }
0x98: {  	s7 =	simm.s32 $0xA0;
	[sflag:s24] =	ssyncadd.s32 $0xFFFFD800  }
0x99: {  	[tilespmem:s26], [sflag:$0x1] =	stream.indirect.gather [hbm4b:s4+s25], $0x80, s7, s25, $0xb8;
	[tilespmem:$0x1F000] =	vst v63  }
0x9a: {  	_ =	swait.ge [sflag:s30], $0x2800  }
0x9b: {  	[sflag:s30] =	ssyncset.done $0x0  }
0x9c: {  	s31 =	simm.s32 $0x2800;
	[sflag:s30] =	ssyncadd.s32 $0xFFFFD800  }
0x9d: {  	[spmem:s2] =	stream.indirect.scatter.add.f32 [tilespmem:s28], [sflag:$0x3], $0x80, s31, s25, $0xb8;
	[tilespmem:$0x1F000] =	vst v63  }
0x9e: {  	s0 =	simm.s32 $0x140;
	_ =	swait.ge [sflag:s24], $0x2800  }
0x9f: {  	s3 =	simm.s32 $0x400;
	s5 =	simm.s32 $0x800;
	[sflag:s24] =	ssyncset.done $0x0  }
.LBB2_6:
0xa0: {  	p1 =	sne.s32 s5, $0xF400;
	s7 =	sadd.s32 $0xFFFFFFB0, s0;
	[sflag:s24] =	ssyncadd.s32 $0xFFFFD800  }
0xa1: {  	[tilespmem:s28], [sflag:$0x2] =	stream.indirect.gather [hbm4b:s4+s25], $0x80, s7, s25, $0xb8;
	[tilespmem:$0x1F000] =	vst v63  }
0xa2: {  	s7 =	smov.u32 s5;
	s5 =	sadd.s32 $0x400, s5;
	_ =	swait.ge [sflag:s29], $0x2800  }
0xa3: {  	s31 =	sshra.s32 s3, $0x2;
	s3 =	smov.u32 s7;
	[sflag:s29] =	ssyncset.done $0x0  }
0xa4: {  	s7 =	sadd.s32 $0x2780, s31;
	[sflag:s29] =	ssyncadd.s32 $0xFFFFD800  }
0xa5: {  	[spmem:s2] =	stream.indirect.scatter.add.f32 [tilespmem:s26], [sflag:$0x3], $0x80, s7, s25, $0xb8;
	[tilespmem:$0x1F000] =	vst v63  }
0xa6: {  	_ =	swait.ge [sflag:s24], $0x2800  }
0xa7: {  	[sflag:s24] =	ssyncset.done $0x0  }
0xa8: {  	[sflag:s24] =	ssyncadd.s32 $0xFFFFD800  }
0xa9: {  	[tilespmem:s26], [sflag:$0x1] =	stream.indirect.gather [hbm4b:s4+s25], $0x80, s0, s25, $0xb8;
	[tilespmem:$0x1F000] =	vst v63  }
0xaa: {  	_ =	swait.ge [sflag:s30], $0x2800  }
.Ltmp2:
0xab: {  	[sflag:s30] =	ssyncset.done $0x0;
	(pc) =	sbr.rel @p1 .LBB2_6-.Ltmp2, $4  }
0xac: {  	s7 =	sadd.s32 $0x2800, s31;
	[sflag:s30] =	ssyncadd.s32 $0xFFFFD800  }
0xad: {  	[spmem:s2] =	stream.indirect.scatter.add.f32 [tilespmem:s28], [sflag:$0x3], $0x80, s7, s25, $0xb8;
	[tilespmem:$0x1F000] =	vst v63  }
0xae: {  	_ =	swait.ge [sflag:s24], $0x2800  }
0xaf: {  	s0 =	sadd.s32 $0xA0, s0;
	[sflag:s24] =	ssyncset.done $0x0  }
0xb0: {  	s5 =	sadd.s32 $0xFFFFFFB0, s0;
	[sflag:s24] =	ssyncadd.s32 $0xFFFFD800  }
0xb1: {  	[tilespmem:s28], [sflag:$0x2] =	stream.indirect.gather [hbm4b:s4+s25], $0x80, s5, s25, $0xb8;
	[tilespmem:$0x1F000] =	vst v63  }
0xb2: {  	_ =	swait.ge [sflag:s29], $0x2800  }
0xb3: {  	s3 =	sshra.s32 s3, $0x2;
	[sflag:s29] =	ssyncset.done $0x0  }
0xb4: {  	s31 =	sadd.s32 $0x2780, s3;
	[sflag:s29] =	ssyncadd.s32 $0xFFFFD800  }
0xb5: {  	[spmem:s2] =	stream.indirect.scatter.add.f32 [tilespmem:s26], [sflag:$0x3], $0x80, s31, s25, $0xb8;
	[tilespmem:$0x1F000] =	vst v63  }
0xb6: {  	_ =	swait.ge [sflag:s24], $0x2800  }
0xb7: {  	[sflag:s24] =	ssyncset.done $0x0  }
0xb8: {  	[sflag:s24] =	ssyncadd.s32 $0xFFFFD800  }
0xb9: {  	[tilespmem:s26], [sflag:$0x1] =	stream.indirect.gather [hbm4b:s4+s25], $0x80, s0, s25, $0xb8;
	[tilespmem:$0x1F000] =	vst v63  }
0xba: {  	_ =	swait.ge [sflag:s30], $0x2800  }
0xbb: {  	[sflag:s30] =	ssyncset.done $0x0  }
0xbc: {  	s7 =	sadd.s32 $0x2800, s3;
	[sflag:s30] =	ssyncadd.s32 $0xFFFFD800  }
0xbd: {  	[spmem:s2] =	stream.indirect.scatter.add.f32 [tilespmem:s28], [sflag:$0x3], $0x80, s7, s25, $0xb8;
	[tilespmem:$0x1F000] =	vst v63  }
0xbe: {  	_ =	swait.ge [sflag:s24], $0x2800  }
0xbf: {  	[sflag:s24] =	ssyncset.done $0x0  }
0xc0: {  	[sflag:s24] =	ssyncadd.s32 $0xFFFFD800  }
0xc1: {  	_ =	swait.ge [sflag:s29], $0x2800  }
0xc2: {  	[sflag:s29] =	ssyncset.done $0x0  }
0xc3: {  	s31 =	simm.s32 $0x6580;
	[sflag:s29] =	ssyncadd.s32 $0xFFFFD800  }
0xc4: {  	[spmem:s2] =	stream.indirect.scatter.add.f32 [tilespmem:s26], [sflag:$0x3], $0x80, s31, s25, $0xb8;
	[tilespmem:$0x1F000] =	vst v63  }
0xc5: {  	_ =	swait.ge [sflag:s24], $0x2800  }
0xc6: {  	[sflag:s24] =	ssyncset.done $0x0  }
0xc7: {  	[sflag:s24] =	ssyncadd.s32 $0xFFFFD800  }
0xc8: {  	s3 =	simm.s32 @p0 $0x1FC3;
	s0 =	sshrl.u32 @p0 s13, $0x3;
	[bflag:$0x0] =	sbarrier.arrive $0xFFFF  }
0xc9: {  	[hbm:s22], [sflag:s3] =	dma.local @p0 [spmem:s0], $0x2080  }
0xca: {  	s0 =	simm.s32 @p0 $0x3  }
0xcb: {  	s1 =	sadd.s32 $0x1, s1;
	s3 =	stileid.u32;
	_ =	swait.ge @p0 [sflag:s0], $0x2080  }
0xcc: {  	p1 =	sne.s32 s1, s23;
	s3 =	sshll.u32 @!p0 s3, $0x6;
	[sflag:s0] =	ssyncset.done @p0 $0x0  }
0xcd: {  	[sflag:s0] =	ssyncadd.s32 @p0 $0xFFFFDF80;
	s0 =	sor.u32 @!p0 $0x1C03, s3;
	s3 =	sshrl.u32 @!p0 s6, $0x3  }
0xce: {  	[hbm:s21], [sflag:s0] =	dma.local @!p0 [spmem:s3], $0x2780  }
.Ltmp3:
0xcf: {  	_ = 	snop;
	(pc) =	sbr.rel @p1 .LBB2_1-.Ltmp3, $4  }
0xd0: {  	s0 =	simm.s32 @!p0 $0x3  }
0xd1: {  	_ =	swait.ge @!p0 [sflag:s0], $0x2780  }
0xd2: {  	[sflag:s0] =	ssyncset.done @!p0 $0x0  }
0xd3: {  	[sflag:s0] =	ssyncadd.s32 @!p0 $0xFFFFD880  }
0xd4: {  	_ =	sfence.sel $0x180000  }
0xd5: {  	[bflag:$0x0] =	sbarrier.arrive $0xFFFF  }
0xd6: {  	_ =	strace $0x90000053  }
0xd7: {  	s0 =	stileid.u32;
	[bflag:$0x2] =	sbarrier.arrive $0xFFFF  }
0xd8: {  	p0 =	sne.s32 s0, $0x0;
	s0 =	rddreg [dreg:$0x2]  }
0xd9: {  	s0 =	sadd.s32 @!p0 $0x100000, s0  }
0xda: {  	[sflag:s0] =	ssyncadd.tile.s32 @!p0 $0x1;
	_ =	shalt  }
.Lfunc_end2:
_tile_overlayer_lowered:
.L_overlay_start_2:
0xdb: {  	(tag) =	ssettag $0x2  }
0xdc: {  	s0 =	rddreg [dreg:$0x0];
	s2 =	stileid.u32  }
0xdd: {  	s1 =	rddreg [dreg:$0x1];
	p0 =	sne.s32 s2, $0x0  }
0xde: {  	s3 =	rddreg [dreg:$0x2];
	[bflag:$0x3] =	sbarrier.arrive $0xFFFF;
	s2 =	simm.s32 @!p0 $0x1C03  }
0xdf: {  	[timem:s3], [sflag:s2] =	dma.local @!p0 [hbm:s0], s1  }
0xe0: {  	s0 =	simm.s32 @!p0 $0x3  }
0xe1: {  	_ =	swait.ge @!p0 [sflag:s0], s1  }
0xe2: {  	s1 =	ssub.s32 @!p0 $0x0, s1;
	[sflag:s0] =	ssyncset.done @!p0 $0x0  }
0xe3: {  	[sflag:s0] =	ssyncadd.s32 @!p0 s1  }
0xe4: {  	[bflag:$0x3] =	sbarrier.arrive $0xFFFF  }
0xe5: {  	_ =	shalt  }

// kernel: kernel.33.cloned.1.call-start
scs
__scs_entry_jumppad:
0x0: {  	(pc) =	sbr.rel $0x88, $3  }
0x1: {  	(tag) =	ssettag $0x0;
	lr =	simm.s32 $0x1  }
0x2: {  	[smem:$0x3F87] =	sst lr;
	_ =	strace $0xD0000000  }
0x3: {  	_ = 	snop  }
0x4: {  	_ = 	snop  }
0x5: {  	_ = 	snop  }
0x6: {  	_ = 	snop  }
0x7: {  	_ = 	snop  }
__scs_overlays_trampoline_lowered:
0x8: {  	[smem:$0x3F96] =	sst s0  }
0x9: {  	[smem:$0x3F97] =	sst s1  }
0xa: {  	[smem:$0x3F98] =	sst s2  }
0xb: {  	[smem:$0x3F99] =	sst s3  }
0xc: {  	[smem:$0x3F9A] =	sst s4  }
0xd: {  	[smem:$0x3F9B] =	sst s5  }
0xe: {  	[smem:$0x3F9C] =	sst s6  }
0xf: {  	[smem:$0x3F9D] =	sst s7  }
0x10: {  	[smem:$0x3F9E] =	sst s8  }
0x11: {  	[smem:$0x3F9F] =	sst s9;
	s0 =	simm.s32 @!p0 $0x0  }
0x12: {  	s1 =	sld [smem:$0x3F85];
	s0 =	simm.s32 @p0 $0x1  }
0x13: {  	[smem:$0x3FA0] =	sst s0;
	s0 =	simm.s32 @!p1 $0x0  }
0x14: {  	s2 =	sld [smem:$0x3F84];
	s0 =	simm.s32 @p1 $0x1  }
0x15: {  	[smem:$0x3FA1] =	sst s0;
	s0 =	simm.s32 @!p2 $0x0  }
0x16: {  	s3 =	sld [smem:$0x3FDB];
	s0 =	simm.s32 @p2 $0x1  }
0x17: {  	s4 =	simm.s32 $0x1BF5;
	[smem:$0x3FA3] =	sst s0  }
0x18: {  	s0 =	sld [smem:$0x3F86];
	_ =	swait.ge [sflag:s4], $0x0  }
0x19: {  	s7 =	sld [smem:$0x3F87]  }
0x1a: {  	s8 =	sadd.s32 $0xFFFFE003, lr  }
0x1b: {  	s9 =	sadd.s32 $0xFFFFFEF7, lr;
	s5 =	simm.s32 $0xFFFFFFFF;
	p2 =	slt.u32 s8, $0xFFFFF086  }
0x1c: {  	p1 =	slt.u32 s9, $0xF7A;
	s5 =	simm.s32 @!p2 $0x0  }
0x1d: {  	s5 =	simm.s32 @p1 $0x1;
	p0 =	seq.s32 s7, s2  }
0x1e: {  	s7 =	smul.u32 @!p0 $0xF7A, s2;
	p2 =	seq.s32 @!p0 s5, $0x0  }
0x1f: {  	s9 =	smul.u32 $0xF7A, s1;
	s8 =	simm.s32 @!p0 $0x1BF5;
	p2 =	por !p2, p0  }
0x20: {  	[sflag:s8] =	ssyncset.s32 @!p0 $0xFFFFF086;
	s6 =	sadd.s32 @!p0 s3, s7;
	s7 =	simm.s32 @!p0 $0x108  }
0x21: {  	s3 =	sadd.s32 s3, s9;
	s6 =	sadd.s32 @!p0 $0x88, s6;
	s7 =	simm.s32 @p2 $0x1082  }
0x22: {  	[simem:s7], [sflag:s8] =	dma.local @!p0 [hbm:s6], $0xF7A  }
0x23: {  	s9 =	sor.u32 $0xD0000000, s2;
	s6 =	simm.s32 $0x108;
	_ =	swait.ge @!p0 [sflag:s8], $0x0  }
0x24: {  	s3 =	sadd.s32 $0x88, s3;
	s6 =	simm.s32 @!p1 $0x1082;
	[sflag:s4] =	ssyncset.s32 $0xFFFFF086  }
0x25: {  	[simem:s6], [sflag:s4] =	dma.local [hbm:s3], $0xF7A  }
0x26: {  	[smem:$0x3F87] =	sst s1;
	(tag) =	ssettag s2;
	_ =	strace s9  }
0x27: {  	s1 =	sld [smem:$0x3F97]  }
0x28: {  	s2 =	sld [smem:$0x3F98]  }
0x29: {  	s4 =	sld [smem:$0x3F9A]  }
0x2a: {  	p0 =	seq.s32 s5, $0x0;
	s5 =	sld [smem:$0x3F9B]  }
0x2b: {  	s6 =	sld [smem:$0x3F9C]  }
0x2c: {  	s7 =	sld [smem:$0x3F9D]  }
0x2d: {  	s3 =	simm.s32 $0x108;
	s8 =	sld [smem:$0x3F9E]  }
0x2e: {  	s3 =	simm.s32 @!p0 $0x1082;
	s9 =	sld [smem:$0x3F9F]  }
0x2f: {  	lr =	sadd.s32 s0, s3;
	s0 =	sld [smem:$0x3F96]  }
0x30: {  	s3 =	sld [smem:$0x3F99]  }
0x31: {  	[smem:$0x3FA2] =	sst s10  }
0x32: {  	s10 =	sld [smem:$0x3FA0];
	_ =	sdelay $0x3  }
0x33: {  	p0 =	seq.s32 s10, $0x1;
	s10 =	sld [smem:$0x3FA2];
	_ =	sdelay $0x3  }
0x34: {  	[smem:$0x3FA2] =	sst s10  }
0x35: {  	s10 =	sld [smem:$0x3FA1];
	_ =	sdelay $0x3  }
0x36: {  	p1 =	seq.s32 s10, $0x1;
	s10 =	sld [smem:$0x3FA2];
	_ =	sdelay $0x3  }
0x37: {  	[smem:$0x3FA2] =	sst s10  }
0x38: {  	s10 =	sld [smem:$0x3FA3]  }
0x39: {  	_ = 	snop;
	(pc) =	sbr.ind lr, $3  }
0x3a: {  	_ = 	snop  }
0x3b: {  	_ = 	snop  }
0x3c: {  	p2 =	seq.s32 s10, $0x1;
	s10 =	sld [smem:$0x3FA2]  }
0x3d: {  	_ =	shalt  }
0x3e: {  	_ =	shalt  }
0x3f: {  	_ =	shalt  }
0x40: {  	_ =	shalt  }
0x41: {  	_ =	shalt  }
0x42: {  	_ =	shalt  }
0x43: {  	_ =	shalt  }
0x44: {  	_ =	shalt  }
0x45: {  	_ =	shalt  }
0x46: {  	_ =	shalt  }
0x47: {  	_ =	shalt  }
0x48: {  	_ =	shalt  }
0x49: {  	_ =	shalt  }
0x4a: {  	_ =	shalt  }
0x4b: {  	_ =	shalt  }
0x4c: {  	_ =	shalt  }
0x4d: {  	_ =	shalt  }
0x4e: {  	_ =	shalt  }
0x4f: {  	_ =	shalt  }
0x50: {  	_ =	shalt  }
0x51: {  	_ =	shalt  }
0x52: {  	_ =	shalt  }
0x53: {  	_ =	shalt  }
0x54: {  	_ =	shalt  }
0x55: {  	_ =	shalt  }
0x56: {  	_ =	shalt  }
0x57: {  	_ =	shalt  }
0x58: {  	_ =	shalt  }
0x59: {  	_ =	shalt  }
0x5a: {  	_ =	shalt  }
0x5b: {  	_ =	shalt  }
0x5c: {  	_ =	shalt  }
0x5d: {  	_ =	shalt  }
0x5e: {  	_ =	shalt  }
0x5f: {  	_ =	shalt  }
0x60: {  	_ =	shalt  }
0x61: {  	_ =	shalt  }
0x62: {  	_ =	shalt  }
0x63: {  	_ =	shalt  }
0x64: {  	_ =	shalt  }
0x65: {  	_ =	shalt  }
0x66: {  	_ =	shalt  }
0x67: {  	_ =	shalt  }
0x68: {  	_ =	shalt  }
0x69: {  	_ =	shalt  }
0x6a: {  	_ =	shalt  }
0x6b: {  	_ =	shalt  }
0x6c: {  	_ =	shalt  }
0x6d: {  	_ =	shalt  }
0x6e: {  	_ =	shalt  }
0x6f: {  	_ =	shalt  }
0x70: {  	_ =	shalt  }
0x71: {  	_ =	shalt  }
0x72: {  	_ =	shalt  }
0x73: {  	_ =	shalt  }
0x74: {  	_ =	shalt  }
0x75: {  	_ =	shalt  }
0x76: {  	_ =	shalt  }
0x77: {  	_ =	shalt  }
0x78: {  	_ =	shalt  }
0x79: {  	_ =	shalt  }
0x7a: {  	_ =	shalt  }
0x7b: {  	_ =	shalt  }
0x7c: {  	_ =	shalt  }
0x7d: {  	_ =	shalt  }
0x7e: {  	_ =	shalt  }
0x7f: {  	_ =	shalt  }
0x80: {  	_ =	shalt  }
0x81: {  	_ =	shalt  }
0x82: {  	_ =	shalt  }
0x83: {  	_ =	shalt  }
0x84: {  	_ =	shalt  }
0x85: {  	_ =	shalt  }
0x86: {  	_ =	shalt  }
0x87: {  	_ =	shalt  }
.Lfunc_end0:
.L_simem_size_0:
called_computation.5_lowered:
.L_overlay_start_0:
0x88: {  	s2 =	sld [smem:$0x3FD9]  }
0x89: {  	s3 =	sld [smem:$0x3FFE];
	_ =	sdelay $0x1  }
0x8a: {  	s1 =	srdreg.scid  }
0x8b: {  	s0 =	sand.u32 $0x1, s1  }
0x8c: {  	s16 =	sshll.u32 s0, $0xA;
	s2 =	sadd.s32 s3, s2  }
0x8d: {  	s2 =	sadd.s32 s2, s16  }
0x8e: {  	[smem:$0x3FAE] =	sst s2  }
0x8f: {  	_ = 	snop  }
0x90: {  	(tm) =	ssettm $0x1  }
0x91: {  	s17 =	sld [smem:$0x3FFB];
	_ =	sdelay $0x3  }
0x92: {  	_ =	strace s17  }
0x93: {  	s2 =	sld [smem:$0x3FFC];
	_ =	sdelay $0x3  }
0x94: {  	_ =	strace s2  }
0x95: {  	s2 =	sld [smem:$0x3FFD];
	_ =	sdelay $0x3  }
0x96: {  	_ =	strace s2  }
0x97: {  	_ =	strace $0x8FFFFFFF  }
0x98: {  	s18 =	sld [smem:$0x3FDB];
	_ =	sdelay $0x1  }
0x99: {  	s19 =	simm.s32 $_scs_section_size  }
0x9a: {  	s4 =	simm.s32 $_size__tile_overlayer_lowered;
	s5 =	simm.s32 $_tile_overlayer_lowered  }
0x9b: {  	s22 =	simm.s32 $0x1BFF;
	s21 =	sshll.u32 s5, $0x1;
	s2 =	sadd.s32 s19, s18  }
0x9c: {  	s6 =	simm.s32 $0x0;
	s20 =	sshll.u32 s4, $0x1;
	s4 =	sadd.s32 s21, s2  }
0x9d: {  	[timem:s6], [sflag:s22] =	dma.local [hbm:s4], s20  }
0x9e: {  	_ =	swait.ge [sflag:s22], s20  }
0x9f: {  	s3 =	ssub.s32 $0x0, s20;
	[sflag:s22] =	ssyncset.done $0x0  }
0xa0: {  	[sflag:s22] =	ssyncadd.s32 s3;
	_ =	sdelay $0x1  }
0xa1: {  	s23 =	simm.s32 $0x1B8B  }
0xa2: {  	_ =	swait.ge [sflag:s23], $0x1  }
0xa3: {  	[sflag:s23] =	ssyncset.done $0x0  }
0xa4: {  	s25 =	simm.s32 $0x1B8E;
	s24 =	sld [smem:$0x3FFE];
	[sflag:s23] =	ssyncadd.s32 $0xFFFFFFFF  }
0xa5: {  	s26 =	simm.s32 $execute0_lowered;
	[smem:$0x3FD2] =	sst s25  }
0xa6: {  	s4 =	sshll.u32 s26, $0x1;
	_ =	strace $0x80000055;
	[dreg:$0x1] =	wrdreg $0xFFFFFFFF  }
0xa7: {  	s28 =	simm.s32 $_size_execute0_lowered;
	s2 =	sadd.s32 s2, s4;
	[dreg:$0x0] =	wrdreg $0x0  }
0xa8: {  	s4 =	sshll.u32 s28, $0x1;
	[dreg:$0x2] =	wrdreg s2  }
0xa9: {  	[dreg:$0x3] =	wrdreg s4  }
0xaa: {  	[dreg:$0x4] =	wrdreg $0xC0  }
0xab: {  	_ =	task [dreg:s6], $0x5FFFF  }
0xac: {  	[dreg:$0x1] =	wrdreg $0xFFFFFFFF  }
0xad: {  	[dreg:$0x0] =	wrdreg $0x60  }
0xae: {  	[dreg:$0x2] =	wrdreg s24  }
0xaf: {  	[dreg:$0x3] =	wrdreg $0xB7800  }
0xb0: {  	[dreg:$0x4] =	wrdreg $0x9  }
0xb1: {  	_ =	task.clear_ibuf [dreg:s6], $0x5FFFF;
	_ =	strace $0x90000055  }
0xb2: {  	s29 =	simm.s32 $0x9;
	_ =	strace $0x80000057  }
0xb3: {  	_ =	swait.ge [sflag:s29], $0x1  }
0xb4: {  	[sflag:s29] =	ssyncadd.s32 $0xFFFFFFFF  }
0xb5: {  	_ =	strace $0x90000057  }
0xb6: {  	_ =	sfence  }
0xb7: {  	s30 =	sld [smem:$0x0];
	_ =	sdelay $0x2  }
0xb8: {  	s31 =	sshll.u32 s1, $0xD;
	s1 =	sshrl.u32 s1, $0x2  }
0xb9: {  	s3 =	sand.u32 $0x4000, s31;
	s1 =	sadd.s32 s1, s30  }
0xba: {  	s0 =	sor.u32 s3, s0;
	s1 =	sshll.u32 s1, $0x11  }
0xbb: {  	s0 =	sor.u32 s1, s0  }
0xbc: {  	s0 =	sadd.s32 $0x8F2B, s0  }
0xbd: {  	[sflag:s0] =	ssyncadd.remote.s32 $0x1  }
0xbe: {  	_ =	sfence.sel $0xFFFF  }
0xbf: {  	[dreg:$0x0] =	wrdreg $0xFFFFFFFF;
	(pc) =	sbr.abs _section_cstart, $3  }
0xc0: {  	[dreg:$0x1] =	wrdreg $0xFFFFFFFF  }
0xc1: {  	_ =	task.clear_ibuf [dreg:s6], $0x2FFFF;
	_ =	strace $0x9FFFFFFF  }
0xc2: {  	(tm) =	ssettm $0x7FFFFFFF  }
0xc3: {  	_ =	shalt  }
tec
execute0_lowered:
.L_overlay_start_1:
0x0: {  	(tag) =	ssettag $0x1  }
0x1: {  	s0 =	srdreg.scid  }
0x2: {  	s1 =	rddreg [dreg:$0x0];
	s7 =	stileid.u32  }
0x3: {  	s2 =	rddreg [dreg:$0x1];
	s4 =	simm.s32 $0x0;
	s24 =	simm.s32 $0x3  }
0x4: {  	s28 =	simm.s32 $0x8F80;
	s29 =	simm.s32 $0x1;
	s5 =	smul.u32 $0x4F000, s7  }
0x5: {  	[smem:$0x7FF] =	sst s4;
	s4 =	sadd.s32 $0x5C00, s1;
	s25 =	smul.u32 $0x2780, s7  }
0x6: {  	s30 =	simm.s32 $0x2;
	s13 =	sadd.s32 $0x128400, s2;
	s14 =	sadd.s32 $0x12AC00, s2  }
0x7: {  	s0 =	sand.u32 $0x1, s0;
	s17 =	sadd.s32 $0x12FC00, s2;
	s18 =	sadd.s32 $0x132400, s2  }
0x8: {  	s19 =	sadd.s32 $0x134C00, s2;
	p0 =	seq.s32 s7, $0xF;
	s3 =	sshll.u32 s0, $0x4  }
0x9: {  	_ =	strace $0x80000056;
	s15 =	ssub.s32 $0x2, s0;
	s20 =	smul.u32 $0x138800, s0  }
0xa: {  	s0 =	smul.u32 $0x27100, s0;
	s3 =	sor.u32 s7, s3;
	s5 =	sshrl.u32 s5, $0x2  }
0xb: {  	s26 =	sshrl.u32 s15, $0x1;
	s3 =	smul.u32 $0x4E2, s3;
	s6 =	sadd.s32 s5, s2  }
0xc: {  	s21 =	sshrl.u32 s20, $0x3;
	s20 =	sadd.s32 $0x137400, s2;
	s0 =	sadd.s32 s25, s0  }
0xd: {  	s25 =	simm.s32 $0x50;
	s5 =	sadd.s32 $0x2800, s6;
	s8 =	sadd.s32 $0x5000, s6  }
0xe: {  	s9 =	sadd.s32 $0x7800, s6;
	s10 =	sadd.s32 $0xA000, s6;
	s11 =	sadd.s32 $0xC800, s6  }
0xf: {  	s12 =	sadd.s32 $0xF000, s6;
	s16 =	sadd.s32 $0x11800, s6;
	s3 =	sadd.s32 s3, s1  }
0x10: {  	s1 =	sadd.s32 $0x60A00, s1;
	[dreg:$0x4] =	wrdreg s5;
	s5 =	ssub.s32 s15, s26  }
0x11: {  	s15 =	sadd.s32 $0x12D400, s2;
	s26 =	simm.s32 $0x6780;
	s3 =	sadd.s32 $0x56C00, s3  }
0x12: {  	s31 =	sadd.s32 s1, s21;
	s21 =	sadd.s32 s1, s0;
	s23 =	smax.u32 s5, $0x1  }
0x13: {  	v0 =	vimm.f32 $0.0e+00;
	s1 =	simm.s32 $0x0;
	[dreg:$0x3] =	wrdreg s3;
	s22 =	sadd.s32 $0x25080, s31  }
.LBB2_1:
0x14: {  	s0 =	simm.s32 $0x0;
	s3 =	rddreg [dreg:$0x3]  }
0x15: {  	[tilespmem:s0], [sflag:$0x3] =	stream.linear.gather [hbm4b:s3+s0], $0x2710, $0x38;
	[tilespmem:$0x1F000] =	vst v63  }
0x16: {  	_ =	swait.ge [sflag:s24], $0x2710  }
0x17: {  	[sflag:s24] =	ssyncset.done $0x0  }
0x18: {  	s3 =	simm.s32 $0x20;
	[sflag:s24] =	ssyncadd.s32 $0xFFFFD8F0  }
0x19: {  	s5 =	simm.s32 $0x200;
	s31 =	simm.s32 $0x0;
	s0 =	simm.s32 $0x20;
	v1 =	vld [tilespmem:s3+$0xFFFFFFE0]  }
.LBB2_2:
0x1a: {  	p1 =	sne.s32 s5, $0xF800;
	_ =	sdelay $0x3  }
0x1b: {  	s7 =	sshra.s32 s31, $0x2;
	s31 =	smov.u32 s5;
	v2 =	vshrl.u32 v1, $0xE  }
0x1c: {  	[tilespmem:s7+$0x2780] =	vst v2  }
0x1d: {  	v2 =	vld [tilespmem:s3+$0xFFFFFFF0];
	_ =	sdelay $0x3  }
0x1e: {  	v1 =	vand.u32 $0x3FFF, v1  }
0x1f: {  	[tilespmem:s3+$0xFFFFFFE0] =	vst v1;
	v1 =	vshrl.u32 v2, $0xE  }
0x20: {  	[tilespmem:s7+$0x2790] =	vst v1  }
0x21: {  	v1 =	vld [tilespmem:s3+$0x0];
	_ =	sdelay $0x3  }
0x22: {  	v2 =	vand.u32 $0x3FFF, v2  }
0x23: {  	[tilespmem:s3+$0xFFFFFFF0] =	vst v2;
	v2 =	vshrl.u32 v1, $0xE;
	v1 =	vand.u32 $0x3FFF, v1  }
0x24: {  	[tilespmem:s7+$0x27A0] =	vst v2  }
0x25: {  	v2 =	vld [tilespmem:s3+$0x10];
	_ =	sdelay $0x4  }
0x26: {  	[tilespmem:s3+$0x0] =	vst v1;
	v1 =	vshrl.u32 v2, $0xE;
	v2 =	vand.u32 $0x3FFF, v2  }
0x27: {  	[tilespmem:s7+$0x27B0] =	vst v1  }
0x28: {  	v1 =	vld [tilespmem:s3+$0x20];
	_ =	sdelay $0x2  }
.Ltmp0:
0x29: {  	(pc) =	sbr.rel @p1 .LBB2_2-.Ltmp0, $4  }
0x2a: {  	_ = 	snop  }
0x2b: {  	[tilespmem:s3+$0x10] =	vst v2;
	v2 =	vshrl.u32 v1, $0xE;
	v3 =	vand.u32 $0x3FFF, v1  }
0x2c: {  	s3 =	sadd.s32 $0x50, s3;
	[tilespmem:s7+$0x27C0] =	vst v2  }
0x2d: {  	s5 =	sadd.s32 $0x200, s5;
	v1 =	vld [tilespmem:s3+$0xFFFFFFE0];
	[tilespmem:s0+$0x20] =	vst v3;
	s0 =	smov.u32 s3  }
0x2e: {  	_ =	sdelay $0x3  }
0x2f: {  	s5 =	sshra.s32 s31, $0x2;
	v2 =	vshrl.u32 v1, $0xE  }
0x30: {  	[tilespmem:s5+$0x2780] =	vst v2  }
0x31: {  	v2 =	vld [tilespmem:s3+$0xFFFFFFF0];
	_ =	sdelay $0x3  }
0x32: {  	v1 =	vand.u32 $0x3FFF, v1  }
0x33: {  	[tilespmem:s3+$0xFFFFFFE0] =	vst v1;
	v1 =	vshrl.u32 v2, $0xE  }
0x34: {  	[tilespmem:s5+$0x2790] =	vst v1  }
0x35: {  	v1 =	vld [tilespmem:s3+$0x0];
	_ =	sdelay $0x3  }
0x36: {  	v2 =	vand.u32 $0x3FFF, v2  }
0x37: {  	[tilespmem:s3+$0xFFFFFFF0] =	vst v2;
	v2 =	vshrl.u32 v1, $0xE  }
0x38: {  	[tilespmem:s5+$0x27A0] =	vst v2  }
0x39: {  	v2 =	vld [tilespmem:s3+$0x10];
	_ =	sdelay $0x3  }
0x3a: {  	v1 =	vand.u32 $0x3FFF, v1  }
0x3b: {  	[tilespmem:s3+$0x0] =	vst v1;
	v1 =	vshrl.u32 v2, $0xE  }
0x3c: {  	[tilespmem:s5+$0x27B0] =	vst v1  }
0x3d: {  	v1 =	vld [tilespmem:s3+$0x20];
	_ =	sdelay $0x3  }
0x3e: {  	v2 =	vand.u32 $0x3FFF, v2  }
0x3f: {  	[tilespmem:s3+$0x10] =	vst v2;
	v2 =	vshrl.u32 v1, $0xE  }
0x40: {  	v1 =	vand.u32 $0x3FFF, v1;
	[tilespmem:s5+$0x27C0] =	vst v2  }
0x41: {  	s3 =	simm.s32 $0x200;
	[tilespmem:s0+$0x20] =	vst v1;
	s0 =	simm.s32 $0x0  }
.LBB2_4:
0x42: {  	p1 =	sne.s32 s3, $0x9E00;
	[tilespmem:s0+$0x67F0] =	vst v0  }
0x43: {  	[tilespmem:s0+$0x6780] =	vst v0  }
0x44: {  	[tilespmem:s0+$0x6790] =	vst v0  }
.Ltmp1:
0x45: {  	[tilespmem:s0+$0x67A0] =	vst v0;
	(pc) =	sbr.rel @p1 .LBB2_4-.Ltmp1, $4  }
0x46: {  	[tilespmem:s0+$0x67B0] =	vst v0  }
0x47: {  	[tilespmem:s0+$0x67C0] =	vst v0  }
0x48: {  	[tilespmem:s0+$0x67D0] =	vst v0  }
0x49: {  	[tilespmem:s0+$0x67E0] =	vst v0;
	s0 =	sshra.s32 s3, $0x2;
	s3 =	sadd.s32 $0x200, s3  }
0x4a: {  	[tilespmem:s0+$0x67F0] =	vst v0  }
0x4b: {  	[tilespmem:s0+$0x6780] =	vst v0  }
0x4c: {  	[tilespmem:s0+$0x6790] =	vst v0  }
0x4d: {  	[tilespmem:s0+$0x67A0] =	vst v0  }
0x4e: {  	[tilespmem:s0+$0x67B0] =	vst v0  }
0x4f: {  	[tilespmem:s0+$0x67C0] =	vst v0  }
0x50: {  	[tilespmem:s0+$0x67D0] =	vst v0  }
0x51: {  	[tilespmem:s0+$0x67E0] =	vst v0;
	s0 =	simm.s32 @p0 $0x6780;
	s3 =	simm.s32 @p0 $0x3  }
0x52: {  	[spmem:s13] =	stream.linear.scatter @p0 [tilespmem:s0], [sflag:$0x3], $0x2800, $0x38;
	[tilespmem:$0x1F000] =	vst v63  }
0x53: {  	_ =	swait.ge @p0 [sflag:s3], $0x2800  }
0x54: {  	[sflag:s3] =	ssyncset.done @p0 $0x0  }
0x55: {  	[sflag:s3] =	ssyncadd.s32 @p0 $0xFFFFD800  }
0x56: {  	[spmem:s14] =	stream.linear.scatter @p0 [tilespmem:s0], [sflag:$0x3], $0x2800, $0x38;
	[tilespmem:$0x1F000] =	vst v63  }
0x57: {  	_ =	swait.ge @p0 [sflag:s3], $0x2800  }
0x58: {  	[sflag:s3] =	ssyncset.done @p0 $0x0  }
0x59: {  	[sflag:s3] =	ssyncadd.s32 @p0 $0xFFFFD800  }
0x5a: {  	[spmem:s15] =	stream.linear.scatter @p0 [tilespmem:s0], [sflag:$0x3], $0x2800, $0x38;
	[tilespmem:$0x1F000] =	vst v63  }
0x5b: {  	_ =	swait.ge @p0 [sflag:s3], $0x2800  }
0x5c: {  	[sflag:s3] =	ssyncset.done @p0 $0x0  }
0x5d: {  	[sflag:s3] =	ssyncadd.s32 @p0 $0xFFFFD800  }
0x5e: {  	[spmem:s17] =	stream.linear.scatter @p0 [tilespmem:s0], [sflag:$0x3], $0x2800, $0x38;
	[tilespmem:$0x1F000] =	vst v63  }
0x5f: {  	_ =	swait.ge @p0 [sflag:s3], $0x2800  }
0x60: {  	[sflag:s3] =	ssyncset.done @p0 $0x0  }
0x61: {  	[sflag:s3] =	ssyncadd.s32 @p0 $0xFFFFD800  }
0x62: {  	[spmem:s18] =	stream.linear.scatter @p0 [tilespmem:s0], [sflag:$0x3], $0x2800, $0x38;
	[tilespmem:$0x1F000] =	vst v63  }
0x63: {  	_ =	swait.ge @p0 [sflag:s3], $0x2800  }
0x64: {  	[sflag:s3] =	ssyncset.done @p0 $0x0  }
0x65: {  	[sflag:s3] =	ssyncadd.s32 @p0 $0xFFFFD800  }
0x66: {  	[spmem:s19] =	stream.linear.scatter @p0 [tilespmem:s0], [sflag:$0x3], $0x2800, $0x38;
	[tilespmem:$0x1F000] =	vst v63  }
0x67: {  	_ =	swait.ge @p0 [sflag:s3], $0x2800  }
0x68: {  	[sflag:s3] =	ssyncset.done @p0 $0x0  }
0x69: {  	[sflag:s3] =	ssyncadd.s32 @p0 $0xFFFFD800  }
0x6a: {  	[spmem:s20] =	stream.linear.scatter @p0 [tilespmem:s0], [sflag:$0x3], $0x1400, $0x38;
	[tilespmem:$0x1F000] =	vst v63  }
0x6b: {  	_ =	swait.ge @p0 [sflag:s3], $0x1400  }
0x6c: {  	[sflag:s3] =	ssyncset.done @p0 $0x0  }
0x6d: {  	s0 =	simm.s32 @!p0 $0x6780;
	[sflag:s3] =	ssyncadd.s32 @p0 $0xFFFFEC00;
	s3 =	simm.s32 @!p0 $0x3  }
0x6e: {  	[spmem:s6] =	stream.linear.scatter @!p0 [tilespmem:s0], [sflag:$0x3], $0x2800, $0x38;
	[tilespmem:$0x1F000] =	vst v63  }
0x6f: {  	_ =	swait.ge @!p0 [sflag:s3], $0x2800  }
0x70: {  	[sflag:s3] =	ssyncset.done @!p0 $0x0  }
0x71: {  	s5 =	rddreg [dreg:$0x4];
	[sflag:s3] =	ssyncadd.s32 @!p0 $0xFFFFD800  }
0x72: {  	[spmem:s5] =	stream.linear.scatter @!p0 [tilespmem:s0], [sflag:$0x3], $0x2800, $0x38;
	[tilespmem:$0x1F000] =	vst v63  }
0x73: {  	_ =	swait.ge @!p0 [sflag:s3], $0x2800  }
0x74: {  	[sflag:s3] =	ssyncset.done @!p0 $0x0  }
0x75: {  	[sflag:s3] =	ssyncadd.s32 @!p0 $0xFFFFD800  }
0x76: {  	[spmem:s8] =	stream.linear.scatter @!p0 [tilespmem:s0], [sflag:$0x3], $0x2800, $0x38;
	[tilespmem:$0x1F000] =	vst v63  }
0x77: {  	_ =	swait.ge @!p0 [sflag:s3], $0x2800  }
0x78: {  	[sflag:s3] =	ssyncset.done @!p0 $0x0  }
0x79: {  	[sflag:s3] =	ssyncadd.s32 @!p0 $0xFFFFD800  }
0x7a: {  	[spmem:s9] =	stream.linear.scatter @!p0 [tilespmem:s0], [sflag:$0x3], $0x2800, $0x38;
	[tilespmem:$0x1F000] =	vst v63  }
0x7b: {  	_ =	swait.ge @!p0 [sflag:s3], $0x2800  }
0x7c: {  	[sflag:s3] =	ssyncset.done @!p0 $0x0  }
0x7d: {  	[sflag:s3] =	ssyncadd.s32 @!p0 $0xFFFFD800  }
0x7e: {  	[spmem:s10] =	stream.linear.scatter @!p0 [tilespmem:s0], [sflag:$0x3], $0x2800, $0x38;
	[tilespmem:$0x1F000] =	vst v63  }
0x7f: {  	_ =	swait.ge @!p0 [sflag:s3], $0x2800  }
0x80: {  	[sflag:s3] =	ssyncset.done @!p0 $0x0  }
0x81: {  	[sflag:s3] =	ssyncadd.s32 @!p0 $0xFFFFD800  }
0x82: {  	[spmem:s11] =	stream.linear.scatter @!p0 [tilespmem:s0], [sflag:$0x3], $0x2800, $0x38;
	[tilespmem:$0x1F000] =	vst v63  }
0x83: {  	_ =	swait.ge @!p0 [sflag:s3], $0x2800  }
0x84: {  	[sflag:s3] =	ssyncset.done @!p0 $0x0  }
0x85: {  	[sflag:s3] =	ssyncadd.s32 @!p0 $0xFFFFD800  }
0x86: {  	[spmem:s12] =	stream.linear.scatter @!p0 [tilespmem:s0], [sflag:$0x3], $0x2800, $0x38;
	[tilespmem:$0x1F000] =	vst v63  }
0x87: {  	_ =	swait.ge @!p0 [sflag:s3], $0x2800  }
0x88: {  	[sflag:s3] =	ssyncset.done @!p0 $0x0  }
0x89: {  	[sflag:s3] =	ssyncadd.s32 @!p0 $0xFFFFD800  }
0x8a: {  	[spmem:s16] =	stream.linear.scatter @!p0 [tilespmem:s0], [sflag:$0x3], $0x2400, $0x38;
	[tilespmem:$0x1F000] =	vst v63  }
0x8b: {  	_ =	swait.ge @!p0 [sflag:s3], $0x2400  }
0x8c: {  	[sflag:s3] =	ssyncset.done @!p0 $0x0  }
0x8d: {  	[sflag:s3] =	ssyncadd.s32 @!p0 $0xFFFFDC00  }
0x8e: {  	s31 =	simm.s32 $0x0;
	[bflag:$0x0] =	sbarrier.arrive $0xFFFF  }
0x8f: {  	[tilespmem:s26], [sflag:$0x1] =	stream.indirect.gather [hbm4b:s4+s25], $0x80, s31, s25, $0xb8;
	[tilespmem:$0x1F000] =	vst v63  }
0x90: {  	s3 =	simm.s32 $0x50  }
0x91: {  	[tilespmem:s28], [sflag:$0x2] =	stream.indirect.gather [hbm4b:s4+s25], $0x80, s3, s25, $0xb8;
	[tilespmem:$0x1F000] =	vst v63  }
0x92: {  	_ =	swait.ge [sflag:s29], $0x2800  }
0x93: {  	[sflag:s29] =	ssyncset.done $0x0  }
0x94: {  	s5 =	simm.s32 $0x2780;
	[sflag:s29] =	ssyncadd.s32 $0xFFFFD800  }
0x95: {  	[spmem:s2] =	stream.indirect.scatter.add.f32 [tilespmem:s26], [sflag:$0x3], $0x80, s5, s25, $0xb8;
	[tilespmem:$0x1F000] =	vst v63  }
0x96: {  	_ =	swait.ge [sflag:s24], $0x2800  }
0x97: {  	[sflag:s24] =	ssyncset.done $0x0  }
0x98: {  	s7 =	simm.s32 $0xA0;
	[sflag:s24] =	ssyncadd.s32 $0xFFFFD800  }
0x99: {  	[tilespmem:s26], [sflag:$0x1] =	stream.indirect.gather [hbm4b:s4+s25], $0x80, s7, s25, $0xb8;
	[tilespmem:$0x1F000] =	vst v63  }
0x9a: {  	_ =	swait.ge [sflag:s30], $0x2800  }
0x9b: {  	[sflag:s30] =	ssyncset.done $0x0  }
0x9c: {  	s31 =	simm.s32 $0x2800;
	[sflag:s30] =	ssyncadd.s32 $0xFFFFD800  }
0x9d: {  	[spmem:s2] =	stream.indirect.scatter.add.f32 [tilespmem:s28], [sflag:$0x3], $0x80, s31, s25, $0xb8;
	[tilespmem:$0x1F000] =	vst v63  }
0x9e: {  	s0 =	simm.s32 $0x140;
	_ =	swait.ge [sflag:s24], $0x2800  }
0x9f: {  	s3 =	simm.s32 $0x400;
	s5 =	simm.s32 $0x800;
	[sflag:s24] =	ssyncset.done $0x0  }
.LBB2_6:
0xa0: {  	p1 =	sne.s32 s5, $0xF400;
	s7 =	sadd.s32 $0xFFFFFFB0, s0;
	[sflag:s24] =	ssyncadd.s32 $0xFFFFD800  }
0xa1: {  	[tilespmem:s28], [sflag:$0x2] =	stream.indirect.gather [hbm4b:s4+s25], $0x80, s7, s25, $0xb8;
	[tilespmem:$0x1F000] =	vst v63  }
0xa2: {  	s7 =	smov.u32 s5;
	s5 =	sadd.s32 $0x400, s5;
	_ =	swait.ge [sflag:s29], $0x2800  }
0xa3: {  	s31 =	sshra.s32 s3, $0x2;
	s3 =	smov.u32 s7;
	[sflag:s29] =	ssyncset.done $0x0  }
0xa4: {  	s7 =	sadd.s32 $0x2780, s31;
	[sflag:s29] =	ssyncadd.s32 $0xFFFFD800  }
0xa5: {  	[spmem:s2] =	stream.indirect.scatter.add.f32 [tilespmem:s26], [sflag:$0x3], $0x80, s7, s25, $0xb8;
	[tilespmem:$0x1F000] =	vst v63  }
0xa6: {  	_ =	swait.ge [sflag:s24], $0x2800  }
0xa7: {  	[sflag:s24] =	ssyncset.done $0x0  }
0xa8: {  	[sflag:s24] =	ssyncadd.s32 $0xFFFFD800  }
0xa9: {  	[tilespmem:s26], [sflag:$0x1] =	stream.indirect.gather [hbm4b:s4+s25], $0x80, s0, s25, $0xb8;
	[tilespmem:$0x1F000] =	vst v63  }
0xaa: {  	_ =	swait.ge [sflag:s30], $0x2800  }
.Ltmp2:
0xab: {  	[sflag:s30] =	ssyncset.done $0x0;
	(pc) =	sbr.rel @p1 .LBB2_6-.Ltmp2, $4  }
0xac: {  	s7 =	sadd.s32 $0x2800, s31;
	[sflag:s30] =	ssyncadd.s32 $0xFFFFD800  }
0xad: {  	[spmem:s2] =	stream.indirect.scatter.add.f32 [tilespmem:s28], [sflag:$0x3], $0x80, s7, s25, $0xb8;
	[tilespmem:$0x1F000] =	vst v63  }
0xae: {  	_ =	swait.ge [sflag:s24], $0x2800  }
0xaf: {  	s0 =	sadd.s32 $0xA0, s0;
	[sflag:s24] =	ssyncset.done $0x0  }
0xb0: {  	s5 =	sadd.s32 $0xFFFFFFB0, s0;
	[sflag:s24] =	ssyncadd.s32 $0xFFFFD800  }
0xb1: {  	[tilespmem:s28], [sflag:$0x2] =	stream.indirect.gather [hbm4b:s4+s25], $0x80, s5, s25, $0xb8;
	[tilespmem:$0x1F000] =	vst v63  }
0xb2: {  	_ =	swait.ge [sflag:s29], $0x2800  }
0xb3: {  	s3 =	sshra.s32 s3, $0x2;
	[sflag:s29] =	ssyncset.done $0x0  }
0xb4: {  	s31 =	sadd.s32 $0x2780, s3;
	[sflag:s29] =	ssyncadd.s32 $0xFFFFD800  }
0xb5: {  	[spmem:s2] =	stream.indirect.scatter.add.f32 [tilespmem:s26], [sflag:$0x3], $0x80, s31, s25, $0xb8;
	[tilespmem:$0x1F000] =	vst v63  }
0xb6: {  	_ =	swait.ge [sflag:s24], $0x2800  }
0xb7: {  	[sflag:s24] =	ssyncset.done $0x0  }
0xb8: {  	[sflag:s24] =	ssyncadd.s32 $0xFFFFD800  }
0xb9: {  	[tilespmem:s26], [sflag:$0x1] =	stream.indirect.gather [hbm4b:s4+s25], $0x80, s0, s25, $0xb8;
	[tilespmem:$0x1F000] =	vst v63  }
0xba: {  	_ =	swait.ge [sflag:s30], $0x2800  }
0xbb: {  	[sflag:s30] =	ssyncset.done $0x0  }
0xbc: {  	s7 =	sadd.s32 $0x2800, s3;
	[sflag:s30] =	ssyncadd.s32 $0xFFFFD800  }
0xbd: {  	[spmem:s2] =	stream.indirect.scatter.add.f32 [tilespmem:s28], [sflag:$0x3], $0x80, s7, s25, $0xb8;
	[tilespmem:$0x1F000] =	vst v63  }
0xbe: {  	_ =	swait.ge [sflag:s24], $0x2800  }
0xbf: {  	[sflag:s24] =	ssyncset.done $0x0  }
0xc0: {  	[sflag:s24] =	ssyncadd.s32 $0xFFFFD800  }
0xc1: {  	_ =	swait.ge [sflag:s29], $0x2800  }
0xc2: {  	[sflag:s29] =	ssyncset.done $0x0  }
0xc3: {  	s31 =	simm.s32 $0x6580;
	[sflag:s29] =	ssyncadd.s32 $0xFFFFD800  }
0xc4: {  	[spmem:s2] =	stream.indirect.scatter.add.f32 [tilespmem:s26], [sflag:$0x3], $0x80, s31, s25, $0xb8;
	[tilespmem:$0x1F000] =	vst v63  }
0xc5: {  	_ =	swait.ge [sflag:s24], $0x2800  }
0xc6: {  	[sflag:s24] =	ssyncset.done $0x0  }
0xc7: {  	[sflag:s24] =	ssyncadd.s32 $0xFFFFD800  }
0xc8: {  	s3 =	simm.s32 @p0 $0x1FC3;
	s0 =	sshrl.u32 @p0 s13, $0x3;
	[bflag:$0x0] =	sbarrier.arrive $0xFFFF  }
0xc9: {  	[hbm:s22], [sflag:s3] =	dma.local @p0 [spmem:s0], $0x2080  }
0xca: {  	s0 =	simm.s32 @p0 $0x3  }
0xcb: {  	s1 =	sadd.s32 $0x1, s1;
	s3 =	stileid.u32;
	_ =	swait.ge @p0 [sflag:s0], $0x2080  }
0xcc: {  	p1 =	sne.s32 s1, s23;
	s3 =	sshll.u32 @!p0 s3, $0x6;
	[sflag:s0] =	ssyncset.done @p0 $0x0  }
0xcd: {  	[sflag:s0] =	ssyncadd.s32 @p0 $0xFFFFDF80;
	s0 =	sor.u32 @!p0 $0x1C03, s3;
	s3 =	sshrl.u32 @!p0 s6, $0x3  }
0xce: {  	[hbm:s21], [sflag:s0] =	dma.local @!p0 [spmem:s3], $0x2780  }
.Ltmp3:
0xcf: {  	_ = 	snop;
	(pc) =	sbr.rel @p1 .LBB2_1-.Ltmp3, $4  }
0xd0: {  	s0 =	simm.s32 @!p0 $0x3  }
0xd1: {  	_ =	swait.ge @!p0 [sflag:s0], $0x2780  }
0xd2: {  	[sflag:s0] =	ssyncset.done @!p0 $0x0  }
0xd3: {  	[sflag:s0] =	ssyncadd.s32 @!p0 $0xFFFFD880  }
0xd4: {  	_ =	sfence.sel $0x180000  }
0xd5: {  	[bflag:$0x0] =	sbarrier.arrive $0xFFFF  }
0xd6: {  	_ =	strace $0x90000056  }
0xd7: {  	s0 =	stileid.u32;
	[bflag:$0x2] =	sbarrier.arrive $0xFFFF  }
0xd8: {  	p0 =	sne.s32 s0, $0x0;
	s0 =	rddreg [dreg:$0x2]  }
0xd9: {  	s0 =	sadd.s32 @!p0 $0x100000, s0  }
0xda: {  	[sflag:s0] =	ssyncadd.tile.s32 @!p0 $0x1;
	_ =	shalt  }
.Lfunc_end2:
_tile_overlayer_lowered:
.L_overlay_start_2:
0xdb: {  	(tag) =	ssettag $0x2  }
0xdc: {  	s0 =	rddreg [dreg:$0x0];
	s2 =	stileid.u32  }
0xdd: {  	s1 =	rddreg [dreg:$0x1];
	p0 =	sne.s32 s2, $0x0  }
0xde: {  	s3 =	rddreg [dreg:$0x2];
	[bflag:$0x3] =	sbarrier.arrive $0xFFFF;
	s2 =	simm.s32 @!p0 $0x1C03  }
0xdf: {  	[timem:s3], [sflag:s2] =	dma.local @!p0 [hbm:s0], s1  }
0xe0: {  	s0 =	simm.s32 @!p0 $0x3  }
0xe1: {  	_ =	swait.ge @!p0 [sflag:s0], s1  }
0xe2: {  	s1 =	ssub.s32 @!p0 $0x0, s1;
	[sflag:s0] =	ssyncset.done @!p0 $0x0  }
0xe3: {  	[sflag:s0] =	ssyncadd.s32 @!p0 s1  }
0xe4: {  	[bflag:$0x3] =	sbarrier.arrive $0xFFFF  }
0xe5: {  	_ =	shalt  }

</sc_bundles>
